<compile_context>
chip_gen: v7x
topology: tpu7x:2x2x1
jax: 0.10.2.dev20260603
libtpu: 0.0.44.dev20260713+nightly
codegen_flags: <defaults>
</compile_context>

<pallas_src>
import functools

import jax
import jax.numpy as jnp
from jax import lax
from jax.experimental import pallas as pl
from jax.experimental.pallas import tpu as pltpu
from jax.experimental.pallas import tpu_sc as plsc

N = 10000
E = 320000
C = 128
HC = C // 2
QC = C // 4
NQ = 4

NC = 2
NS = 16
CH = 160
EPT = CH * 128
EPAD = NS * EPT
DN = 10112
DUMMY = N
RPT = DN // NS
ZCH = DN // 128
ZPT = (ZCH + NS - 1) // NS
NBUF = 10

_sc_mesh = plsc.VectorSubcoreMesh(core_axis_name="c", subcore_axis_name="s")
_sc_params = pltpu.CompilerParams(use_tc_tiling_on_sc=False)


@functools.partial(
    pl.kernel,
    out_type=jax.ShapeDtypeStruct((NC, DN, 16), jnp.float32),
    mesh=_sc_mesh,
    scratch_types=[
        pltpu.VMEM((CH, 128), jnp.int32),
        pltpu.VMEM((128, 16), jnp.float32),
        pltpu.VMEM((128, 16), jnp.float32),
        pltpu.VMEM_SHARED((DN, 16), jnp.float32),
        pltpu.SemaphoreType.DMA,
    ],
    compiler_params=_sc_params,
)
def _deg_kernel(dst_hbm, ones_hbm, zeros_hbm, out_hbm, didx, obuf, zbuf,
                deg_sh, sem):
    c = lax.axis_index("c")
    s = lax.axis_index("s")
    pltpu.sync_copy(ones_hbm, obuf)
    pltpu.sync_copy(zeros_hbm, zbuf)
    pltpu.sync_copy(dst_hbm.at[s], didx)

    def zero_body(k, carry):
        chunk = s + k * NS

        @pl.when(chunk < ZCH)
        def _():
            pltpu.sync_copy(zbuf, deg_sh.at[pl.ds(chunk * 128, 128)])

        return carry

    lax.fori_loop(0, ZPT, zero_body, 0)
    plsc.subcore_barrier()

    half = CH // NC

    def body(j, carry):
        pltpu.async_copy(obuf, deg_sh.at[didx.at[c * half + j]], sem,
                         add=True)
        return carry

    lax.fori_loop(0, half, body, 0)

    def drain(j, carry):
        pltpu.make_async_copy(obuf, deg_sh.at[didx.at[c * half + j]],
                              sem).wait()
        return carry

    lax.fori_loop(0, half, drain, 0)
    plsc.subcore_barrier()
    pltpu.sync_copy(deg_sh.at[pl.ds(s * RPT, RPT)],
                    out_hbm.at[c, pl.ds(s * RPT, RPT)])


@functools.partial(
    pl.kernel,
    out_type=jax.ShapeDtypeStruct((DN, C), jnp.float32),
    mesh=_sc_mesh,
    scratch_types=[
        pltpu.VMEM((CH, 128), jnp.int32),
        pltpu.VMEM((CH, 128), jnp.int32),
        pltpu.VMEM((NBUF, 128, QC), jnp.float32),
        pltpu.VMEM_SHARED((DN, QC), jnp.float32),
        pltpu.VMEM_SHARED((DN, QC), jnp.float32),
        [pltpu.SemaphoreType.DMA] * NBUF,
        [pltpu.SemaphoreType.DMA] * NBUF,
    ],
    compiler_params=_sc_params,
)
def _agg_kernel(hp_hbm, src_hbm, dst_hbm, zeros_hbm, out_hbm,
                sidx, didx, rows, tbl_sh, agg_sh, gsems, ssems):
    c = lax.axis_index("c")
    s = lax.axis_index("s")
    pltpu.sync_copy(src_hbm.at[s], sidx)
    pltpu.sync_copy(dst_hbm.at[s], didx)

    for p in range(NQ // NC):
        q = c * (NQ // NC) + p
        pltpu.sync_copy(
            hp_hbm.at[pl.ds(s * RPT, RPT), pl.ds(q * QC, QC)],
            tbl_sh.at[pl.ds(s * RPT, RPT)])
        pltpu.sync_copy(zeros_hbm, rows.at[0])

        def zero_body(k, carry):
            chunk = s + k * NS

            @pl.when(chunk < ZCH)
            def _():
                pltpu.sync_copy(rows.at[0], agg_sh.at[pl.ds(chunk * 128, 128)])

            return carry

        lax.fori_loop(0, ZPT, zero_body, 0)
        plsc.subcore_barrier()

        def body(g, carry):
            base = g * NBUF
            for b in range(NBUF):
                @pl.when(g > 0)
                def _():
                    pltpu.make_async_copy(
                        rows.at[b], agg_sh.at[didx.at[base - NBUF + b]],
                        ssems[b]).wait()
                pltpu.async_copy(tbl_sh.at[sidx.at[base + b]], rows.at[b],
                                 gsems[b])
            for b in range(NBUF):
                pltpu.make_async_copy(
                    tbl_sh.at[sidx.at[base + b]], rows.at[b], gsems[b]).wait()
                pltpu.async_copy(rows.at[b], agg_sh.at[didx.at[base + b]],
                                 ssems[b], add=True)
            return carry

        ngroups = CH // NBUF
        lax.fori_loop(0, ngroups, body, 0)
        last = (ngroups - 1) * NBUF
        for b in range(NBUF):
            pltpu.make_async_copy(rows.at[b], agg_sh.at[didx.at[last + b]],
                                  ssems[b]).wait()
        plsc.subcore_barrier()
        pltpu.sync_copy(
            agg_sh.at[pl.ds(s * RPT, RPT)],
            out_hbm.at[pl.ds(s * RPT, RPT), pl.ds(q * QC, QC)])
        plsc.subcore_barrier()


BLK = 1264
_TC_GRID = (DN // BLK,)


def _dinv_of(degp_ref):
    d = degp_ref[0, :, 0:1] + degp_ref[1, :, 0:1] + 1.0
    return lax.rsqrt(d)


def _mm_scale_body(x_ref, w_ref, degp_ref, out_ref):
    dinv = _dinv_of(degp_ref)
    h = jnp.dot(x_ref[...], w_ref[...], preferred_element_type=jnp.float32)
    out_ref[...] = h * dinv


def _combine(agg_ref, hp_ref):
    return agg_ref[...] + hp_ref[...]


def _mid_body(agg_ref, hp_ref, degp_ref, w_ref, b_ref, out_ref):
    dinv = _dinv_of(degp_ref)
    z = dinv * _combine(agg_ref, hp_ref) + b_ref[...]
    z = jnp.maximum(z, 0.0)
    out_ref[...] = jnp.dot(
        z, w_ref[...], preferred_element_type=jnp.float32) * dinv


def _final_body(agg_ref, hp_ref, degp_ref, b_ref, out_ref):
    dinv = _dinv_of(degp_ref)
    out_ref[...] = dinv * _combine(agg_ref, hp_ref) + b_ref[...]


_DN_OUT = jax.ShapeDtypeStruct((DN, C), jnp.float32)
_spec_rows = pl.BlockSpec((BLK, C), lambda i: (i, 0))
_spec_w = pl.BlockSpec((C, C), lambda i: (0, 0))
_spec_b = pl.BlockSpec((1, C), lambda i: (0, 0))
_spec_degp = pl.BlockSpec((NC, BLK, 16), lambda i: (0, i, 0))

_mm_scale = pl.pallas_call(
    _mm_scale_body, grid=_TC_GRID,
    in_specs=[_spec_rows, _spec_w, _spec_degp],
    out_specs=_spec_rows, out_shape=_DN_OUT)
_mid = pl.pallas_call(
    _mid_body, grid=_TC_GRID,
    in_specs=[_spec_rows, _spec_rows, _spec_degp, _spec_w, _spec_b],
    out_specs=_spec_rows, out_shape=_DN_OUT)
_final = pl.pallas_call(
    _final_body, grid=_TC_GRID,
    in_specs=[_spec_rows, _spec_rows, _spec_degp, _spec_b],
    out_specs=_spec_rows, out_shape=_DN_OUT)


def kernel(x, edge_index, W1, b1, W2, b2):
    pad = EPAD - E
    srcp = jnp.concatenate(
        [edge_index[0], jnp.full((pad,), DUMMY, jnp.int32)]).reshape(NS, CH, 128)
    dstp = jnp.concatenate(
        [edge_index[1], jnp.full((pad,), DUMMY, jnp.int32)]).reshape(NS, CH, 128)
    xp = jnp.pad(x, ((0, DN - N), (0, 0)))
    zeros_h = jnp.zeros((128, QC), jnp.float32)
    zeros16 = jnp.zeros((128, 16), jnp.float32)
    ones16 = jnp.ones((128, 16), jnp.float32)
    b1r = b1.reshape(1, C)
    b2r = b2.reshape(1, C)

    degp = _deg_kernel(dstp, ones16, zeros16)
    h1p = _mm_scale(xp, W1, degp)
    agg1 = _agg_kernel(h1p, srcp, dstp, zeros_h)
    h2p = _mid(agg1, h1p, degp, W2, b1r)
    agg2 = _agg_kernel(h2p, srcp, dstp, zeros_h)
    outp = _final(agg2, h2p, degp, b2r)
    return outp[:N]

# --- scband reference (transcript-rebuilt; emitter-appended) ---
"""Pipeline reference for scband-supernode-43267500540335 (READ-ONLY COPY).

The authoritative reference and input builder live on the scoring server;
editing this copy changes nothing except your own understanding.
"""

import jax, jax.numpy as jnp
import numpy as np

N = 10000
E = 320000
IN_CH = 128
OUT_CH = 128


def _gcn_conv(x, edge_index, W, b):
    # PyG GCNConv: add self-loops, symmetric normalization deg^-1/2 A deg^-1/2,
    # linear transform, scatter-add aggregation at destination nodes, add bias.
    loop = jnp.arange(N, dtype=edge_index.dtype)
    src = jnp.concatenate([edge_index[0], loop])
    dst = jnp.concatenate([edge_index[1], loop])
    deg = jax.ops.segment_sum(jnp.ones(src.shape[0], dtype=x.dtype), dst, num_segments=N)
    dinv = jnp.where(deg > 0, jax.lax.rsqrt(deg), 0.0)
    norm = dinv[src] * dinv[dst]
    h = x @ W
    msg = jnp.take(h, src, axis=0) * norm[:, None]
    out = jax.ops.segment_sum(msg, dst, num_segments=N)
    return out + b


def setup_inputs(seed: int = 0) -> dict:
    key = jax.random.key(seed)
    k0, k1, k2, k3 = jax.random.split(key, 4)
    x = jax.random.normal(k0, (N, IN_CH), dtype=jnp.float32)
    edge_index = jax.random.randint(k1, (2, E), 0, N, dtype=jnp.int32)
    W1 = jax.random.normal(k2, (IN_CH, OUT_CH), dtype=jnp.float32) * (1.0 / np.sqrt(IN_CH))
    b1 = jnp.zeros((OUT_CH,), dtype=jnp.float32)
    W2 = jax.random.normal(k3, (OUT_CH, OUT_CH), dtype=jnp.float32) * (1.0 / np.sqrt(OUT_CH))
    b2 = jnp.zeros((OUT_CH,), dtype=jnp.float32)
    return {"x": x, "edge_index": edge_index, "W1": W1, "b1": b1, "W2": W2, "b2": b2}


def reference(x, edge_index, W1, b1, W2, b2):
    # Supernode.forward with neighbor_features=None, prev_time_features=None,
    # arbitrary_module=None:
    #   x = relu(conv1(x, edge_index)); x = conv2(x, edge_index)
    h = jax.nn.relu(_gcn_conv(x, edge_index, W1, b1))
    out = _gcn_conv(h, edge_index, W2, b2)
    return out

if __name__ == "__main__":
    import jax
    _d = setup_inputs()
    print(jax.jit(kernel)(*tuple(_d.values())))

</pallas_src>

<mosaic_0001>
#map = affine_map<(d0, d1) -> (0, 0)>
#map1 = affine_map<(d0, d1) -> (0, 0, 0)>
module attributes {stable_mosaic.version = 14 : i64} {
  func.func @_agg_kernel(%arg0: i32, %arg1: i32, %arg2: memref<10112x128xf32, #tpu.memory_space<hbm>>, %arg3: memref<16x160x128xi32, #tpu.memory_space<hbm>>, %arg4: memref<16x160x128xi32, #tpu.memory_space<hbm>>, %arg5: memref<128x32xf32, #tpu.memory_space<hbm>>, %arg6: memref<10112x128xf32, #tpu.memory_space<hbm>>, %arg7: memref<160x128xi32, #tpu.memory_space<vmem>>, %arg8: memref<160x128xi32, #tpu.memory_space<vmem>>, %arg9: memref<10x128x32xf32, #tpu.memory_space<vmem>>, %arg10: memref<10112x32xf32, #tpu.memory_space<vmem_shared>>, %arg11: memref<10112x32xf32, #tpu.memory_space<vmem_shared>>, %arg12: memref<!tpu.dma_semaphore, #tpu.memory_space<semaphore_mem>>, %arg13: memref<!tpu.dma_semaphore, #tpu.memory_space<semaphore_mem>>, %arg14: memref<!tpu.dma_semaphore, #tpu.memory_space<semaphore_mem>>, %arg15: memref<!tpu.dma_semaphore, #tpu.memory_space<semaphore_mem>>, %arg16: memref<!tpu.dma_semaphore, #tpu.memory_space<semaphore_mem>>, %arg17: memref<!tpu.dma_semaphore, #tpu.memory_space<semaphore_mem>>, %arg18: memref<!tpu.dma_semaphore, #tpu.memory_space<semaphore_mem>>, %arg19: memref<!tpu.dma_semaphore, #tpu.memory_space<semaphore_mem>>, %arg20: memref<!tpu.dma_semaphore, #tpu.memory_space<semaphore_mem>>, %arg21: memref<!tpu.dma_semaphore, #tpu.memory_space<semaphore_mem>>, %arg22: memref<!tpu.dma_semaphore, #tpu.memory_space<semaphore_mem>>, %arg23: memref<!tpu.dma_semaphore, #tpu.memory_space<semaphore_mem>>, %arg24: memref<!tpu.dma_semaphore, #tpu.memory_space<semaphore_mem>>, %arg25: memref<!tpu.dma_semaphore, #tpu.memory_space<semaphore_mem>>, %arg26: memref<!tpu.dma_semaphore, #tpu.memory_space<semaphore_mem>>, %arg27: memref<!tpu.dma_semaphore, #tpu.memory_space<semaphore_mem>>, %arg28: memref<!tpu.dma_semaphore, #tpu.memory_space<semaphore_mem>>, %arg29: memref<!tpu.dma_semaphore, #tpu.memory_space<semaphore_mem>>, %arg30: memref<!tpu.dma_semaphore, #tpu.memory_space<semaphore_mem>>, %arg31: memref<!tpu.dma_semaphore, #tpu.memory_space<semaphore_mem>>) attributes {dimension_semantics = [#tpu.dimension_semantics<core_parallel>, #tpu.dimension_semantics<subcore_parallel>], iteration_bounds = array<i64: 2, 16>, scalar_prefetch = 0 : i64, scratch_operands = 25 : i64, tpu.core_type = #tpu.core_type<sc_vector_subcore>, window_params = [{transform_indices = #map}, {transform_indices = #map1}, {transform_indices = #map1}, {transform_indices = #map}, {transform_indices = #map}]} {
    "tpu.region"() ({
      %run_scoped3A_298 = tpu.sem_alloc : memref<!tpu.dma_semaphore, #tpu.memory_space<semaphore_mem>>
      %dma_start3A = arith.constant 0 : i32
      %dma_start3A_299 = arith.constant 0 : i32
      %dma_start3A_300 = tpu.memref_slice %arg3[%arg1, %dma_start3A, %dma_start3A_299] : memref<16x160x128xi32, #tpu.memory_space<hbm>> -> memref<1x160x128xi32, #tpu.memory_space<hbm>>
      %dma_start3A_301 = tpu.memref_squeeze %dma_start3A_300 : memref<1x160x128xi32, #tpu.memory_space<hbm>> -> memref<160x128xi32, #tpu.memory_space<hbm>>
      %dma_start3A_302 = arith.constant 0 : i32
      %dma_start3A_303 = arith.constant 0 : i32
      %dma_start3A_304 = tpu.memref_slice %arg3[%arg1, %dma_start3A_302, %dma_start3A_303] : memref<16x160x128xi32, #tpu.memory_space<hbm>> -> memref<1x160x128xi32, #tpu.memory_space<hbm>>
      %dma_start3A_305 = tpu.memref_squeeze %dma_start3A_304 : memref<1x160x128xi32, #tpu.memory_space<hbm>> -> memref<160x128xi32, #tpu.memory_space<hbm>>
      tpu.enqueue_dma source(%dma_start3A_305 : memref<160x128xi32, #tpu.memory_space<hbm>>) target(%arg7 : memref<160x128xi32, #tpu.memory_space<vmem>>) target_semaphore(%run_scoped3A_298 : memref<!tpu.dma_semaphore, #tpu.memory_space<semaphore_mem>>)
      %dma_wait3A_306 = arith.constant 0 : i32
      %dma_wait3A_307 = arith.constant 0 : i32
      %dma_wait3A_308 = tpu.memref_slice %arg3[%arg1, %dma_wait3A_306, %dma_wait3A_307] : memref<16x160x128xi32, #tpu.memory_space<hbm>> -> memref<1x160x128xi32, #tpu.memory_space<hbm>>
      %dma_wait3A_309 = tpu.memref_squeeze %dma_wait3A_308 : memref<1x160x128xi32, #tpu.memory_space<hbm>> -> memref<160x128xi32, #tpu.memory_space<hbm>>
      %dma_wait3A_310 = arith.constant 0 : i32
      %dma_wait3A_311 = arith.constant 0 : i32
      %dma_wait3A_312 = tpu.memref_slice %arg3[%arg1, %dma_wait3A_310, %dma_wait3A_311] : memref<16x160x128xi32, #tpu.memory_space<hbm>> -> memref<1x160x128xi32, #tpu.memory_space<hbm>>
      %dma_wait3A_313 = tpu.memref_squeeze %dma_wait3A_312 : memref<1x160x128xi32, #tpu.memory_space<hbm>> -> memref<160x128xi32, #tpu.memory_space<hbm>>
      tpu.wait_dma2 semaphore(%run_scoped3A_298 : memref<!tpu.dma_semaphore, #tpu.memory_space<semaphore_mem>>) src(%dma_wait3A_313 : memref<160x128xi32, #tpu.memory_space<hbm>>) dst(%arg7 : memref<160x128xi32, #tpu.memory_space<vmem>>)
      tpu.yield
    }) : () -> ()
    "tpu.region"() ({
      %run_scoped3A_298 = tpu.sem_alloc : memref<!tpu.dma_semaphore, #tpu.memory_space<semaphore_mem>>
      %dma_start3A = arith.constant 0 : i32
      %dma_start3A_299 = arith.constant 0 : i32
      %dma_start3A_300 = tpu.memref_slice %arg4[%arg1, %dma_start3A, %dma_start3A_299] : memref<16x160x128xi32, #tpu.memory_space<hbm>> -> memref<1x160x128xi32, #tpu.memory_space<hbm>>
      %dma_start3A_301 = tpu.memref_squeeze %dma_start3A_300 : memref<1x160x128xi32, #tpu.memory_space<hbm>> -> memref<160x128xi32, #tpu.memory_space<hbm>>
      %dma_start3A_302 = arith.constant 0 : i32
      %dma_start3A_303 = arith.constant 0 : i32
      %dma_start3A_304 = tpu.memref_slice %arg4[%arg1, %dma_start3A_302, %dma_start3A_303] : memref<16x160x128xi32, #tpu.memory_space<hbm>> -> memref<1x160x128xi32, #tpu.memory_space<hbm>>
      %dma_start3A_305 = tpu.memref_squeeze %dma_start3A_304 : memref<1x160x128xi32, #tpu.memory_space<hbm>> -> memref<160x128xi32, #tpu.memory_space<hbm>>
      tpu.enqueue_dma source(%dma_start3A_305 : memref<160x128xi32, #tpu.memory_space<hbm>>) target(%arg8 : memref<160x128xi32, #tpu.memory_space<vmem>>) target_semaphore(%run_scoped3A_298 : memref<!tpu.dma_semaphore, #tpu.memory_space<semaphore_mem>>)
      %dma_wait3A_306 = arith.constant 0 : i32
      %dma_wait3A_307 = arith.constant 0 : i32
      %dma_wait3A_308 = tpu.memref_slice %arg4[%arg1, %dma_wait3A_306, %dma_wait3A_307] : memref<16x160x128xi32, #tpu.memory_space<hbm>> -> memref<1x160x128xi32, #tpu.memory_space<hbm>>
      %dma_wait3A_309 = tpu.memref_squeeze %dma_wait3A_308 : memref<1x160x128xi32, #tpu.memory_space<hbm>> -> memref<160x128xi32, #tpu.memory_space<hbm>>
      %dma_wait3A_310 = arith.constant 0 : i32
      %dma_wait3A_311 = arith.constant 0 : i32
      %dma_wait3A_312 = tpu.memref_slice %arg4[%arg1, %dma_wait3A_310, %dma_wait3A_311] : memref<16x160x128xi32, #tpu.memory_space<hbm>> -> memref<1x160x128xi32, #tpu.memory_space<hbm>>
      %dma_wait3A_313 = tpu.memref_squeeze %dma_wait3A_312 : memref<1x160x128xi32, #tpu.memory_space<hbm>> -> memref<160x128xi32, #tpu.memory_space<hbm>>
      tpu.wait_dma2 semaphore(%run_scoped3A_298 : memref<!tpu.dma_semaphore, #tpu.memory_space<semaphore_mem>>) src(%dma_wait3A_313 : memref<160x128xi32, #tpu.memory_space<hbm>>) dst(%arg8 : memref<160x128xi32, #tpu.memory_space<vmem>>)
      tpu.yield
    }) : () -> ()
    %mul3A = arith.constant 2 : i32
    %mul3A_0 = arith.muli %arg0, %mul3A : i32
    %add3A = arith.constant 0 : i32
    %add3A_1 = arith.addi %mul3A_0, %add3A : i32
    %mul3A_2 = arith.constant 632 : i32
    %mul3A_3 = arith.muli %arg1, %mul3A_2 : i32
    %mul3A_4 = arith.constant 32 : i32
    %mul3A_5 = arith.muli %add3A_1, %mul3A_4 : i32
    %mul3A_6 = arith.constant 632 : i32
    %mul3A_7 = arith.muli %arg1, %mul3A_6 : i32
    "tpu.region"() ({
      %run_scoped3A_298 = tpu.sem_alloc : memref<!tpu.dma_semaphore, #tpu.memory_space<semaphore_mem>>
      %dma_start3A = arith.constant 0 : i32
      %dma_start3A_299 = tpu.memref_slice %arg10[%mul3A_7, %dma_start3A] : memref<10112x32xf32, #tpu.memory_space<vmem_shared>> -> memref<632x32xf32, #tpu.memory_space<vmem_shared>>
      %dma_start3A_300 = tpu.memref_slice %arg2[%mul3A_3, %mul3A_5] : memref<10112x128xf32, #tpu.memory_space<hbm>> -> memref<632x32xf32, #tpu.memory_space<hbm>>
      tpu.enqueue_dma source(%dma_start3A_300 : memref<632x32xf32, #tpu.memory_space<hbm>>) target(%dma_start3A_299 : memref<632x32xf32, #tpu.memory_space<vmem_shared>>) target_semaphore(%run_scoped3A_298 : memref<!tpu.dma_semaphore, #tpu.memory_space<semaphore_mem>>)
      %dma_wait3A_301 = arith.constant 0 : i32
      %dma_wait3A_302 = tpu.memref_slice %arg10[%mul3A_7, %dma_wait3A_301] : memref<10112x32xf32, #tpu.memory_space<vmem_shared>> -> memref<632x32xf32, #tpu.memory_space<vmem_shared>>
      %dma_wait3A_303 = tpu.memref_slice %arg2[%mul3A_3, %mul3A_5] : memref<10112x128xf32, #tpu.memory_space<hbm>> -> memref<632x32xf32, #tpu.memory_space<hbm>>
      tpu.wait_dma2 semaphore(%run_scoped3A_298 : memref<!tpu.dma_semaphore, #tpu.memory_space<semaphore_mem>>) src(%dma_wait3A_303 : memref<632x32xf32, #tpu.memory_space<hbm>>) dst(%dma_wait3A_302 : memref<632x32xf32, #tpu.memory_space<vmem_shared>>)
      tpu.yield
    }) : () -> ()
    %run_scoped3A = arith.constant 0 : i32
    "tpu.region"() ({
      %run_scoped3A_298 = tpu.sem_alloc : memref<!tpu.dma_semaphore, #tpu.memory_space<semaphore_mem>>
      %dma_start3A = arith.constant 0 : i32
      %dma_start3A_299 = arith.constant 0 : i32
      %dma_start3A_300 = tpu.memref_slice %arg9[%run_scoped3A, %dma_start3A, %dma_start3A_299] : memref<10x128x32xf32, #tpu.memory_space<vmem>> -> memref<1x128x32xf32, #tpu.memory_space<vmem>>
      %dma_start3A_301 = tpu.memref_squeeze %dma_start3A_300 : memref<1x128x32xf32, #tpu.memory_space<vmem>> -> memref<128x32xf32, #tpu.memory_space<vmem>>
      %dma_start3A_302 = arith.constant 0 : i32
      %dma_start3A_303 = arith.constant 0 : i32
      %dma_start3A_304 = tpu.memref_slice %arg9[%run_scoped3A, %dma_start3A_302, %dma_start3A_303] : memref<10x128x32xf32, #tpu.memory_space<vmem>> -> memref<1x128x32xf32, #tpu.memory_space<vmem>>
      %dma_start3A_305 = tpu.memref_squeeze %dma_start3A_304 : memref<1x128x32xf32, #tpu.memory_space<vmem>> -> memref<128x32xf32, #tpu.memory_space<vmem>>
      tpu.enqueue_dma source(%arg5 : memref<128x32xf32, #tpu.memory_space<hbm>>) target(%dma_start3A_305 : memref<128x32xf32, #tpu.memory_space<vmem>>) target_semaphore(%run_scoped3A_298 : memref<!tpu.dma_semaphore, #tpu.memory_space<semaphore_mem>>)
      %dma_wait3A_306 = arith.constant 0 : i32
      %dma_wait3A_307 = arith.constant 0 : i32
      %dma_wait3A_308 = tpu.memref_slice %arg9[%run_scoped3A, %dma_wait3A_306, %dma_wait3A_307] : memref<10x128x32xf32, #tpu.memory_space<vmem>> -> memref<1x128x32xf32, #tpu.memory_space<vmem>>
      %dma_wait3A_309 = tpu.memref_squeeze %dma_wait3A_308 : memref<1x128x32xf32, #tpu.memory_space<vmem>> -> memref<128x32xf32, #tpu.memory_space<vmem>>
      %dma_wait3A_310 = arith.constant 0 : i32
      %dma_wait3A_311 = arith.constant 0 : i32
      %dma_wait3A_312 = tpu.memref_slice %arg9[%run_scoped3A, %dma_wait3A_310, %dma_wait3A_311] : memref<10x128x32xf32, #tpu.memory_space<vmem>> -> memref<1x128x32xf32, #tpu.memory_space<vmem>>
      %dma_wait3A_313 = tpu.memref_squeeze %dma_wait3A_312 : memref<1x128x32xf32, #tpu.memory_space<vmem>> -> memref<128x32xf32, #tpu.memory_space<vmem>>
      tpu.wait_dma2 semaphore(%run_scoped3A_298 : memref<!tpu.dma_semaphore, #tpu.memory_space<semaphore_mem>>) src(%arg5 : memref<128x32xf32, #tpu.memory_space<hbm>>) dst(%dma_wait3A_313 : memref<128x32xf32, #tpu.memory_space<vmem>>)
      tpu.yield
    }) : () -> ()
    %scan3A = arith.constant 0 : i32
    %scan3A_8 = arith.constant 0 : i32
    %scan3A_9 = arith.constant 5 : i32
    %scan3A_10 = arith.addi %scan3A_8, %scan3A_9 : i32
    %scan3A_11 = arith.constant 1 : i32
    scf.for %scan3A_298 = %scan3A_8 to %scan3A_10 step %scan3A_11  : i32 {
      %mul3A_299 = arith.constant 16 : i32
      %mul3A_300 = arith.muli %scan3A_298, %mul3A_299 : i32
      %add3A_301 = arith.addi %arg1, %mul3A_300 : i32
      %lt3A = arith.constant 79 : i32
      %lt3A_302 = arith.cmpi slt, %add3A_301, %lt3A : i32
      %convert_element_type3A = arith.extui %lt3A_302 : i1 to i32
      %cond3A = arith.constant 0 : i32
      %cond3A_303 = arith.cmpi ne, %convert_element_type3A, %cond3A : i32
      scf.if %cond3A_303 {
        %mul3A_304 = arith.constant 128 : i32
        %mul3A_305 = arith.muli %add3A_301, %mul3A_304 : i32
        %run_scoped3A_306 = arith.constant 0 : i32
        "tpu.region"() ({
          %run_scoped3A_307 = tpu.sem_alloc : memref<!tpu.dma_semaphore, #tpu.memory_space<semaphore_mem>>
          %dma_start3A = arith.constant 0 : i32
          %dma_start3A_308 = arith.constant 0 : i32
          %dma_start3A_309 = tpu.memref_slice %arg9[%run_scoped3A_306, %dma_start3A, %dma_start3A_308] : memref<10x128x32xf32, #tpu.memory_space<vmem>> -> memref<1x128x32xf32, #tpu.memory_space<vmem>>
          %dma_start3A_310 = tpu.memref_squeeze %dma_start3A_309 : memref<1x128x32xf32, #tpu.memory_space<vmem>> -> memref<128x32xf32, #tpu.memory_space<vmem>>
          %dma_start3A_311 = arith.constant 0 : i32
          %dma_start3A_312 = tpu.memref_slice %arg11[%mul3A_305, %dma_start3A_311] : memref<10112x32xf32, #tpu.memory_space<vmem_shared>> -> memref<128x32xf32, #tpu.memory_space<vmem_shared>>
          %dma_start3A_313 = arith.constant 0 : i32
          %dma_start3A_314 = tpu.memref_slice %arg11[%mul3A_305, %dma_start3A_313] : memref<10112x32xf32, #tpu.memory_space<vmem_shared>> -> memref<128x32xf32, #tpu.memory_space<vmem_shared>>
          %dma_start3A_315 = arith.constant 0 : i32
          %dma_start3A_316 = arith.constant 0 : i32
          %dma_start3A_317 = tpu.memref_slice %arg9[%run_scoped3A_306, %dma_start3A_315, %dma_start3A_316] : memref<10x128x32xf32, #tpu.memory_space<vmem>> -> memref<1x128x32xf32, #tpu.memory_space<vmem>>
          %dma_start3A_318 = tpu.memref_squeeze %dma_start3A_317 : memref<1x128x32xf32, #tpu.memory_space<vmem>> -> memref<128x32xf32, #tpu.memory_space<vmem>>
          tpu.enqueue_dma source(%dma_start3A_318 : memref<128x32xf32, #tpu.memory_space<vmem>>) target(%dma_start3A_314 : memref<128x32xf32, #tpu.memory_space<vmem_shared>>) target_semaphore(%run_scoped3A_307 : memref<!tpu.dma_semaphore, #tpu.memory_space<semaphore_mem>>)
          %dma_wait3A_319 = arith.constant 0 : i32
          %dma_wait3A_320 = arith.constant 0 : i32
          %dma_wait3A_321 = tpu.memref_slice %arg9[%run_scoped3A_306, %dma_wait3A_319, %dma_wait3A_320] : memref<10x128x32xf32, #tpu.memory_space<vmem>> -> memref<1x128x32xf32, #tpu.memory_space<vmem>>
          %dma_wait3A_322 = tpu.memref_squeeze %dma_wait3A_321 : memref<1x128x32xf32, #tpu.memory_space<vmem>> -> memref<128x32xf32, #tpu.memory_space<vmem>>
          %dma_wait3A_323 = arith.constant 0 : i32
          %dma_wait3A_324 = tpu.memref_slice %arg11[%mul3A_305, %dma_wait3A_323] : memref<10112x32xf32, #tpu.memory_space<vmem_shared>> -> memref<128x32xf32, #tpu.memory_space<vmem_shared>>
          %dma_wait3A_325 = arith.constant 0 : i32
          %dma_wait3A_326 = tpu.memref_slice %arg11[%mul3A_305, %dma_wait3A_325] : memref<10112x32xf32, #tpu.memory_space<vmem_shared>> -> memref<128x32xf32, #tpu.memory_space<vmem_shared>>
          %dma_wait3A_327 = arith.constant 0 : i32
          %dma_wait3A_328 = arith.constant 0 : i32
          %dma_wait3A_329 = tpu.memref_slice %arg9[%run_scoped3A_306, %dma_wait3A_327, %dma_wait3A_328] : memref<10x128x32xf32, #tpu.memory_space<vmem>> -> memref<1x128x32xf32, #tpu.memory_space<vmem>>
          %dma_wait3A_330 = tpu.memref_squeeze %dma_wait3A_329 : memref<1x128x32xf32, #tpu.memory_space<vmem>> -> memref<128x32xf32, #tpu.memory_space<vmem>>
          tpu.wait_dma2 semaphore(%run_scoped3A_307 : memref<!tpu.dma_semaphore, #tpu.memory_space<semaphore_mem>>) src(%dma_wait3A_330 : memref<128x32xf32, #tpu.memory_space<vmem>>) dst(%dma_wait3A_326 : memref<128x32xf32, #tpu.memory_space<vmem_shared>>)
          tpu.yield
        }) : () -> ()
      } else {
      }
    }
    %scan3A_12 = arith.constant 5 : i32
    %barrier3A = arith.constant 0 : index
    tpu.barrier barrier_id(%barrier3A)
    %scan3A_13 = arith.constant 0 : i32
    %scan3A_14 = arith.constant 0 : i32
    %scan3A_15 = arith.constant 16 : i32
    %scan3A_16 = arith.addi %scan3A_14, %scan3A_15 : i32
    %scan3A_17 = arith.constant 1 : i32
    scf.for %scan3A_298 = %scan3A_14 to %scan3A_16 step %scan3A_17  : i32 {
      %mul3A_299 = arith.constant 10 : i32
      %mul3A_300 = arith.muli %scan3A_298, %mul3A_299 : i32
      %gt3A = arith.constant 0 : i32
      %gt3A_301 = arith.cmpi sgt, %scan3A_298, %gt3A : i32
      %convert_element_type3A = arith.extui %gt3A_301 : i1 to i32
      %cond3A = arith.constant 0 : i32
      %cond3A_302 = arith.cmpi ne, %convert_element_type3A, %cond3A : i32
      scf.if %cond3A_302 {
        %sub3A = arith.constant 10 : i32
        %sub3A_737 = arith.subi %mul3A_300, %sub3A : i32
        %add3A_738 = arith.constant 0 : i32
        %add3A_739 = arith.addi %sub3A_737, %add3A_738 : i32
        %dma_wait3A_740 = arith.constant 0 : i32
        %dma_wait3A_741 = arith.constant 0 : i32
        %dma_wait3A_742 = arith.constant 0 : i32
        %dma_wait3A_743 = tpu.memref_slice %arg9[%dma_wait3A_740, %dma_wait3A_741, %dma_wait3A_742] : memref<10x128x32xf32, #tpu.memory_space<vmem>> -> memref<1x128x32xf32, #tpu.memory_space<vmem>>
        %dma_wait3A_744 = tpu.memref_squeeze %dma_wait3A_743 : memref<1x128x32xf32, #tpu.memory_space<vmem>> -> memref<128x32xf32, #tpu.memory_space<vmem>>
        %dma_wait3A_745 = arith.constant 0 : i32
        %dma_wait3A_746 = tpu.memref_slice %arg8[%add3A_739, %dma_wait3A_745] : memref<160x128xi32, #tpu.memory_space<vmem>> -> memref<1x128xi32, #tpu.memory_space<vmem>>
        %dma_wait3A_747 = tpu.memref_squeeze %dma_wait3A_746 : memref<1x128xi32, #tpu.memory_space<vmem>> -> memref<128xi32, #tpu.memory_space<vmem>>
        %dma_wait3A_748 = arith.constant 0 : i32
        %dma_wait3A_749 = arith.constant 0 : i32
        %dma_wait3A_750 = tpu.memref_slice %arg11[%dma_wait3A_748, %dma_wait3A_749] : memref<10112x32xf32, #tpu.memory_space<vmem_shared>> -> memref<10112x32xf32, #tpu.memory_space<vmem_shared>>
        tpu.wait_indirect_dma semaphore(%arg22 : memref<!tpu.dma_semaphore, #tpu.memory_space<semaphore_mem>>) src(%dma_wait3A_744 : memref<128x32xf32, #tpu.memory_space<vmem>>) dst(%dma_wait3A_750 : memref<10112x32xf32, #tpu.memory_space<vmem_shared>>)
      } else {
      }
      %add3A_303 = arith.constant 0 : i32
      %add3A_304 = arith.addi %mul3A_300, %add3A_303 : i32
      %dma_start3A = arith.constant 0 : i32
      %dma_start3A_305 = arith.constant 0 : i32
      %dma_start3A_306 = arith.constant 0 : i32
      %dma_start3A_307 = tpu.memref_slice %arg9[%dma_start3A, %dma_start3A_305, %dma_start3A_306] : memref<10x128x32xf32, #tpu.memory_space<vmem>> -> memref<1x128x32xf32, #tpu.memory_space<vmem>>
      %dma_start3A_308 = tpu.memref_squeeze %dma_start3A_307 : memref<1x128x32xf32, #tpu.memory_space<vmem>> -> memref<128x32xf32, #tpu.memory_space<vmem>>
      %dma_start3A_309 = arith.constant 0 : i32
      %dma_start3A_310 = tpu.memref_slice %arg7[%add3A_304, %dma_start3A_309] : memref<160x128xi32, #tpu.memory_space<vmem>> -> memref<1x128xi32, #tpu.memory_space<vmem>>
      %dma_start3A_311 = tpu.memref_squeeze %dma_start3A_310 : memref<1x128xi32, #tpu.memory_space<vmem>> -> memref<128xi32, #tpu.memory_space<vmem>>
      %dma_start3A_312 = arith.constant 0 : i32
      %dma_start3A_313 = arith.constant 0 : i32
      %dma_start3A_314 = tpu.memref_slice %arg10[%dma_start3A_312, %dma_start3A_313] : memref<10112x32xf32, #tpu.memory_space<vmem_shared>> -> memref<10112x32xf32, #tpu.memory_space<vmem_shared>>
      tpu.enqueue_indirect_dma source(%dma_start3A_314 : memref<10112x32xf32, #tpu.memory_space<vmem_shared>>) target(%dma_start3A_308 : memref<128x32xf32, #tpu.memory_space<vmem>>) offsets(%dma_start3A_311 : memref<128xi32, #tpu.memory_space<vmem>>) semaphore(%arg12 : memref<!tpu.dma_semaphore, #tpu.memory_space<semaphore_mem>>)
      %gt3A_315 = arith.constant 0 : i32
      %gt3A_316 = arith.cmpi sgt, %scan3A_298, %gt3A_315 : i32
      %convert_element_type3A_317 = arith.extui %gt3A_316 : i1 to i32
      %cond3A_318 = arith.constant 0 : i32
      %cond3A_319 = arith.cmpi ne, %convert_element_type3A_317, %cond3A_318 : i32
      scf.if %cond3A_319 {
        %sub3A = arith.constant 10 : i32
        %sub3A_737 = arith.subi %mul3A_300, %sub3A : i32
        %add3A_738 = arith.constant 1 : i32
        %add3A_739 = arith.addi %sub3A_737, %add3A_738 : i32
        %dma_wait3A_740 = arith.constant 1 : i32
        %dma_wait3A_741 = arith.constant 0 : i32
        %dma_wait3A_742 = arith.constant 0 : i32
        %dma_wait3A_743 = tpu.memref_slice %arg9[%dma_wait3A_740, %dma_wait3A_741, %dma_wait3A_742] : memref<10x128x32xf32, #tpu.memory_space<vmem>> -> memref<1x128x32xf32, #tpu.memory_space<vmem>>
        %dma_wait3A_744 = tpu.memref_squeeze %dma_wait3A_743 : memref<1x128x32xf32, #tpu.memory_space<vmem>> -> memref<128x32xf32, #tpu.memory_space<vmem>>
        %dma_wait3A_745 = arith.constant 0 : i32
        %dma_wait3A_746 = tpu.memref_slice %arg8[%add3A_739, %dma_wait3A_745] : memref<160x128xi32, #tpu.memory_space<vmem>> -> memref<1x128xi32, #tpu.memory_space<vmem>>
        %dma_wait3A_747 = tpu.memref_squeeze %dma_wait3A_746 : memref<1x128xi32, #tpu.memory_space<vmem>> -> memref<128xi32, #tpu.memory_space<vmem>>
        %dma_wait3A_748 = arith.constant 0 : i32
        %dma_wait3A_749 = arith.constant 0 : i32
        %dma_wait3A_750 = tpu.memref_slice %arg11[%dma_wait3A_748, %dma_wait3A_749] : memref<10112x32xf32, #tpu.memory_space<vmem_shared>> -> memref<10112x32xf32, #tpu.memory_space<vmem_shared>>
        tpu.wait_indirect_dma semaphore(%arg23 : memref<!tpu.dma_semaphore, #tpu.memory_space<semaphore_mem>>) src(%dma_wait3A_744 : memref<128x32xf32, #tpu.memory_space<vmem>>) dst(%dma_wait3A_750 : memref<10112x32xf32, #tpu.memory_space<vmem_shared>>)
      } else {
      }
      %add3A_320 = arith.constant 1 : i32
      %add3A_321 = arith.addi %mul3A_300, %add3A_320 : i32
      %dma_start3A_322 = arith.constant 1 : i32
      %dma_start3A_323 = arith.constant 0 : i32
      %dma_start3A_324 = arith.constant 0 : i32
      %dma_start3A_325 = tpu.memref_slice %arg9[%dma_start3A_322, %dma_start3A_323, %dma_start3A_324] : memref<10x128x32xf32, #tpu.memory_space<vmem>> -> memref<1x128x32xf32, #tpu.memory_space<vmem>>
      %dma_start3A_326 = tpu.memref_squeeze %dma_start3A_325 : memref<1x128x32xf32, #tpu.memory_space<vmem>> -> memref<128x32xf32, #tpu.memory_space<vmem>>
      %dma_start3A_327 = arith.constant 0 : i32
      %dma_start3A_328 = tpu.memref_slice %arg7[%add3A_321, %dma_start3A_327] : memref<160x128xi32, #tpu.memory_space<vmem>> -> memref<1x128xi32, #tpu.memory_space<vmem>>
      %dma_start3A_329 = tpu.memref_squeeze %dma_start3A_328 : memref<1x128xi32, #tpu.memory_space<vmem>> -> memref<128xi32, #tpu.memory_space<vmem>>
      %dma_start3A_330 = arith.constant 0 : i32
      %dma_start3A_331 = arith.constant 0 : i32
      %dma_start3A_332 = tpu.memref_slice %arg10[%dma_start3A_330, %dma_start3A_331] : memref<10112x32xf32, #tpu.memory_space<vmem_shared>> -> memref<10112x32xf32, #tpu.memory_space<vmem_shared>>
      tpu.enqueue_indirect_dma source(%dma_start3A_332 : memref<10112x32xf32, #tpu.memory_space<vmem_shared>>) target(%dma_start3A_326 : memref<128x32xf32, #tpu.memory_space<vmem>>) offsets(%dma_start3A_329 : memref<128xi32, #tpu.memory_space<vmem>>) semaphore(%arg13 : memref<!tpu.dma_semaphore, #tpu.memory_space<semaphore_mem>>)
      %gt3A_333 = arith.constant 0 : i32
      %gt3A_334 = arith.cmpi sgt, %scan3A_298, %gt3A_333 : i32
      %convert_element_type3A_335 = arith.extui %gt3A_334 : i1 to i32
      %cond3A_336 = arith.constant 0 : i32
      %cond3A_337 = arith.cmpi ne, %convert_element_type3A_335, %cond3A_336 : i32
      scf.if %cond3A_337 {
        %sub3A = arith.constant 10 : i32
        %sub3A_737 = arith.subi %mul3A_300, %sub3A : i32
        %add3A_738 = arith.constant 2 : i32
        %add3A_739 = arith.addi %sub3A_737, %add3A_738 : i32
        %dma_wait3A_740 = arith.constant 2 : i32
        %dma_wait3A_741 = arith.constant 0 : i32
        %dma_wait3A_742 = arith.constant 0 : i32
        %dma_wait3A_743 = tpu.memref_slice %arg9[%dma_wait3A_740, %dma_wait3A_741, %dma_wait3A_742] : memref<10x128x32xf32, #tpu.memory_space<vmem>> -> memref<1x128x32xf32, #tpu.memory_space<vmem>>
        %dma_wait3A_744 = tpu.memref_squeeze %dma_wait3A_743 : memref<1x128x32xf32, #tpu.memory_space<vmem>> -> memref<128x32xf32, #tpu.memory_space<vmem>>
        %dma_wait3A_745 = arith.constant 0 : i32
        %dma_wait3A_746 = tpu.memref_slice %arg8[%add3A_739, %dma_wait3A_745] : memref<160x128xi32, #tpu.memory_space<vmem>> -> memref<1x128xi32, #tpu.memory_space<vmem>>
        %dma_wait3A_747 = tpu.memref_squeeze %dma_wait3A_746 : memref<1x128xi32, #tpu.memory_space<vmem>> -> memref<128xi32, #tpu.memory_space<vmem>>
        %dma_wait3A_748 = arith.constant 0 : i32
        %dma_wait3A_749 = arith.constant 0 : i32
        %dma_wait3A_750 = tpu.memref_slice %arg11[%dma_wait3A_748, %dma_wait3A_749] : memref<10112x32xf32, #tpu.memory_space<vmem_shared>> -> memref<10112x32xf32, #tpu.memory_space<vmem_shared>>
        tpu.wait_indirect_dma semaphore(%arg24 : memref<!tpu.dma_semaphore, #tpu.memory_space<semaphore_mem>>) src(%dma_wait3A_744 : memref<128x32xf32, #tpu.memory_space<vmem>>) dst(%dma_wait3A_750 : memref<10112x32xf32, #tpu.memory_space<vmem_shared>>)
      } else {
      }
      %add3A_338 = arith.constant 2 : i32
      %add3A_339 = arith.addi %mul3A_300, %add3A_338 : i32
      %dma_start3A_340 = arith.constant 2 : i32
      %dma_start3A_341 = arith.constant 0 : i32
      %dma_start3A_342 = arith.constant 0 : i32
      %dma_start3A_343 = tpu.memref_slice %arg9[%dma_start3A_340, %dma_start3A_341, %dma_start3A_342] : memref<10x128x32xf32, #tpu.memory_space<vmem>> -> memref<1x128x32xf32, #tpu.memory_space<vmem>>
      %dma_start3A_344 = tpu.memref_squeeze %dma_start3A_343 : memref<1x128x32xf32, #tpu.memory_space<vmem>> -> memref<128x32xf32, #tpu.memory_space<vmem>>
      %dma_start3A_345 = arith.constant 0 : i32
      %dma_start3A_346 = tpu.memref_slice %arg7[%add3A_339, %dma_start3A_345] : memref<160x128xi32, #tpu.memory_space<vmem>> -> memref<1x128xi32, #tpu.memory_space<vmem>>
      %dma_start3A_347 = tpu.memref_squeeze %dma_start3A_346 : memref<1x128xi32, #tpu.memory_space<vmem>> -> memref<128xi32, #tpu.memory_space<vmem>>
      %dma_start3A_348 = arith.constant 0 : i32
      %dma_start3A_349 = arith.constant 0 : i32
      %dma_start3A_350 = tpu.memref_slice %arg10[%dma_start3A_348, %dma_start3A_349] : memref<10112x32xf32, #tpu.memory_space<vmem_shared>> -> memref<10112x32xf32, #tpu.memory_space<vmem_shared>>
      tpu.enqueue_indirect_dma source(%dma_start3A_350 : memref<10112x32xf32, #tpu.memory_space<vmem_shared>>) target(%dma_start3A_344 : memref<128x32xf32, #tpu.memory_space<vmem>>) offsets(%dma_start3A_347 : memref<128xi32, #tpu.memory_space<vmem>>) semaphore(%arg14 : memref<!tpu.dma_semaphore, #tpu.memory_space<semaphore_mem>>)
      %gt3A_351 = arith.constant 0 : i32
      %gt3A_352 = arith.cmpi sgt, %scan3A_298, %gt3A_351 : i32
      %convert_element_type3A_353 = arith.extui %gt3A_352 : i1 to i32
      %cond3A_354 = arith.constant 0 : i32
      %cond3A_355 = arith.cmpi ne, %convert_element_type3A_353, %cond3A_354 : i32
      scf.if %cond3A_355 {
        %sub3A = arith.constant 10 : i32
        %sub3A_737 = arith.subi %mul3A_300, %sub3A : i32
        %add3A_738 = arith.constant 3 : i32
        %add3A_739 = arith.addi %sub3A_737, %add3A_738 : i32
        %dma_wait3A_740 = arith.constant 3 : i32
        %dma_wait3A_741 = arith.constant 0 : i32
        %dma_wait3A_742 = arith.constant 0 : i32
        %dma_wait3A_743 = tpu.memref_slice %arg9[%dma_wait3A_740, %dma_wait3A_741, %dma_wait3A_742] : memref<10x128x32xf32, #tpu.memory_space<vmem>> -> memref<1x128x32xf32, #tpu.memory_space<vmem>>
        %dma_wait3A_744 = tpu.memref_squeeze %dma_wait3A_743 : memref<1x128x32xf32, #tpu.memory_space<vmem>> -> memref<128x32xf32, #tpu.memory_space<vmem>>
        %dma_wait3A_745 = arith.constant 0 : i32
        %dma_wait3A_746 = tpu.memref_slice %arg8[%add3A_739, %dma_wait3A_745] : memref<160x128xi32, #tpu.memory_space<vmem>> -> memref<1x128xi32, #tpu.memory_space<vmem>>
        %dma_wait3A_747 = tpu.memref_squeeze %dma_wait3A_746 : memref<1x128xi32, #tpu.memory_space<vmem>> -> memref<128xi32, #tpu.memory_space<vmem>>
        %dma_wait3A_748 = arith.constant 0 : i32
        %dma_wait3A_749 = arith.constant 0 : i32
        %dma_wait3A_750 = tpu.memref_slice %arg11[%dma_wait3A_748, %dma_wait3A_749] : memref<10112x32xf32, #tpu.memory_space<vmem_shared>> -> memref<10112x32xf32, #tpu.memory_space<vmem_shared>>
        tpu.wait_indirect_dma semaphore(%arg25 : memref<!tpu.dma_semaphore, #tpu.memory_space<semaphore_mem>>) src(%dma_wait3A_744 : memref<128x32xf32, #tpu.memory_space<vmem>>) dst(%dma_wait3A_750 : memref<10112x32xf32, #tpu.memory_space<vmem_shared>>)
      } else {
      }
      %add3A_356 = arith.constant 3 : i32
      %add3A_357 = arith.addi %mul3A_300, %add3A_356 : i32
      %dma_start3A_358 = arith.constant 3 : i32
      %dma_start3A_359 = arith.constant 0 : i32
      %dma_start3A_360 = arith.constant 0 : i32
      %dma_start3A_361 = tpu.memref_slice %arg9[%dma_start3A_358, %dma_start3A_359, %dma_start3A_360] : memref<10x128x32xf32, #tpu.memory_space<vmem>> -> memref<1x128x32xf32, #tpu.memory_space<vmem>>
      %dma_start3A_362 = tpu.memref_squeeze %dma_start3A_361 : memref<1x128x32xf32, #tpu.memory_space<vmem>> -> memref<128x32xf32, #tpu.memory_space<vmem>>
      %dma_start3A_363 = arith.constant 0 : i32
      %dma_start3A_364 = tpu.memref_slice %arg7[%add3A_357, %dma_start3A_363] : memref<160x128xi32, #tpu.memory_space<vmem>> -> memref<1x128xi32, #tpu.memory_space<vmem>>
      %dma_start3A_365 = tpu.memref_squeeze %dma_start3A_364 : memref<1x128xi32, #tpu.memory_space<vmem>> -> memref<128xi32, #tpu.memory_space<vmem>>
      %dma_start3A_366 = arith.constant 0 : i32
      %dma_start3A_367 = arith.constant 0 : i32
      %dma_start3A_368 = tpu.memref_slice %arg10[%dma_start3A_366, %dma_start3A_367] : memref<10112x32xf32, #tpu.memory_space<vmem_shared>> -> memref<10112x32xf32, #tpu.memory_space<vmem_shared>>
      tpu.enqueue_indirect_dma source(%dma_start3A_368 : memref<10112x32xf32, #tpu.memory_space<vmem_shared>>) target(%dma_start3A_362 : memref<128x32xf32, #tpu.memory_space<vmem>>) offsets(%dma_start3A_365 : memref<128xi32, #tpu.memory_space<vmem>>) semaphore(%arg15 : memref<!tpu.dma_semaphore, #tpu.memory_space<semaphore_mem>>)
      %gt3A_369 = arith.constant 0 : i32
      %gt3A_370 = arith.cmpi sgt, %scan3A_298, %gt3A_369 : i32
      %convert_element_type3A_371 = arith.extui %gt3A_370 : i1 to i32
      %cond3A_372 = arith.constant 0 : i32
      %cond3A_373 = arith.cmpi ne, %convert_element_type3A_371, %cond3A_372 : i32
      scf.if %cond3A_373 {
        %sub3A = arith.constant 10 : i32
        %sub3A_737 = arith.subi %mul3A_300, %sub3A : i32
        %add3A_738 = arith.constant 4 : i32
        %add3A_739 = arith.addi %sub3A_737, %add3A_738 : i32
        %dma_wait3A_740 = arith.constant 4 : i32
        %dma_wait3A_741 = arith.constant 0 : i32
        %dma_wait3A_742 = arith.constant 0 : i32
        %dma_wait3A_743 = tpu.memref_slice %arg9[%dma_wait3A_740, %dma_wait3A_741, %dma_wait3A_742] : memref<10x128x32xf32, #tpu.memory_space<vmem>> -> memref<1x128x32xf32, #tpu.memory_space<vmem>>
        %dma_wait3A_744 = tpu.memref_squeeze %dma_wait3A_743 : memref<1x128x32xf32, #tpu.memory_space<vmem>> -> memref<128x32xf32, #tpu.memory_space<vmem>>
        %dma_wait3A_745 = arith.constant 0 : i32
        %dma_wait3A_746 = tpu.memref_slice %arg8[%add3A_739, %dma_wait3A_745] : memref<160x128xi32, #tpu.memory_space<vmem>> -> memref<1x128xi32, #tpu.memory_space<vmem>>
        %dma_wait3A_747 = tpu.memref_squeeze %dma_wait3A_746 : memref<1x128xi32, #tpu.memory_space<vmem>> -> memref<128xi32, #tpu.memory_space<vmem>>
        %dma_wait3A_748 = arith.constant 0 : i32
        %dma_wait3A_749 = arith.constant 0 : i32
        %dma_wait3A_750 = tpu.memref_slice %arg11[%dma_wait3A_748, %dma_wait3A_749] : memref<10112x32xf32, #tpu.memory_space<vmem_shared>> -> memref<10112x32xf32, #tpu.memory_space<vmem_shared>>
        tpu.wait_indirect_dma semaphore(%arg26 : memref<!tpu.dma_semaphore, #tpu.memory_space<semaphore_mem>>) src(%dma_wait3A_744 : memref<128x32xf32, #tpu.memory_space<vmem>>) dst(%dma_wait3A_750 : memref<10112x32xf32, #tpu.memory_space<vmem_shared>>)
      } else {
      }
      %add3A_374 = arith.constant 4 : i32
      %add3A_375 = arith.addi %mul3A_300, %add3A_374 : i32
      %dma_start3A_376 = arith.constant 4 : i32
      %dma_start3A_377 = arith.constant 0 : i32
      %dma_start3A_378 = arith.constant 0 : i32
      %dma_start3A_379 = tpu.memref_slice %arg9[%dma_start3A_376, %dma_start3A_377, %dma_start3A_378] : memref<10x128x32xf32, #tpu.memory_space<vmem>> -> memref<1x128x32xf32, #tpu.memory_space<vmem>>
      %dma_start3A_380 = tpu.memref_squeeze %dma_start3A_379 : memref<1x128x32xf32, #tpu.memory_space<vmem>> -> memref<128x32xf32, #tpu.memory_space<vmem>>
      %dma_start3A_381 = arith.constant 0 : i32
      %dma_start3A_382 = tpu.memref_slice %arg7[%add3A_375, %dma_start3A_381] : memref<160x128xi32, #tpu.memory_space<vmem>> -> memref<1x128xi32, #tpu.memory_space<vmem>>
      %dma_start3A_383 = tpu.memref_squeeze %dma_start3A_382 : memref<1x128xi32, #tpu.memory_space<vmem>> -> memref<128xi32, #tpu.memory_space<vmem>>
      %dma_start3A_384 = arith.constant 0 : i32
      %dma_start3A_385 = arith.constant 0 : i32
      %dma_start3A_386 = tpu.memref_slice %arg10[%dma_start3A_384, %dma_start3A_385] : memref<10112x32xf32, #tpu.memory_space<vmem_shared>> -> memref<10112x32xf32, #tpu.memory_space<vmem_shared>>
      tpu.enqueue_indirect_dma source(%dma_start3A_386 : memref<10112x32xf32, #tpu.memory_space<vmem_shared>>) target(%dma_start3A_380 : memref<128x32xf32, #tpu.memory_space<vmem>>) offsets(%dma_start3A_383 : memref<128xi32, #tpu.memory_space<vmem>>) semaphore(%arg16 : memref<!tpu.dma_semaphore, #tpu.memory_space<semaphore_mem>>)
      %gt3A_387 = arith.constant 0 : i32
      %gt3A_388 = arith.cmpi sgt, %scan3A_298, %gt3A_387 : i32
      %convert_element_type3A_389 = arith.extui %gt3A_388 : i1 to i32
      %cond3A_390 = arith.constant 0 : i32
      %cond3A_391 = arith.cmpi ne, %convert_element_type3A_389, %cond3A_390 : i32
      scf.if %cond3A_391 {
        %sub3A = arith.constant 10 : i32
        %sub3A_737 = arith.subi %mul3A_300, %sub3A : i32
        %add3A_738 = arith.constant 5 : i32
        %add3A_739 = arith.addi %sub3A_737, %add3A_738 : i32
        %dma_wait3A_740 = arith.constant 5 : i32
        %dma_wait3A_741 = arith.constant 0 : i32
        %dma_wait3A_742 = arith.constant 0 : i32
        %dma_wait3A_743 = tpu.memref_slice %arg9[%dma_wait3A_740, %dma_wait3A_741, %dma_wait3A_742] : memref<10x128x32xf32, #tpu.memory_space<vmem>> -> memref<1x128x32xf32, #tpu.memory_space<vmem>>
        %dma_wait3A_744 = tpu.memref_squeeze %dma_wait3A_743 : memref<1x128x32xf32, #tpu.memory_space<vmem>> -> memref<128x32xf32, #tpu.memory_space<vmem>>
        %dma_wait3A_745 = arith.constant 0 : i32
        %dma_wait3A_746 = tpu.memref_slice %arg8[%add3A_739, %dma_wait3A_745] : memref<160x128xi32, #tpu.memory_space<vmem>> -> memref<1x128xi32, #tpu.memory_space<vmem>>
        %dma_wait3A_747 = tpu.memref_squeeze %dma_wait3A_746 : memref<1x128xi32, #tpu.memory_space<vmem>> -> memref<128xi32, #tpu.memory_space<vmem>>
        %dma_wait3A_748 = arith.constant 0 : i32
        %dma_wait3A_749 = arith.constant 0 : i32
        %dma_wait3A_750 = tpu.memref_slice %arg11[%dma_wait3A_748, %dma_wait3A_749] : memref<10112x32xf32, #tpu.memory_space<vmem_shared>> -> memref<10112x32xf32, #tpu.memory_space<vmem_shared>>
        tpu.wait_indirect_dma semaphore(%arg27 : memref<!tpu.dma_semaphore, #tpu.memory_space<semaphore_mem>>) src(%dma_wait3A_744 : memref<128x32xf32, #tpu.memory_space<vmem>>) dst(%dma_wait3A_750 : memref<10112x32xf32, #tpu.memory_space<vmem_shared>>)
      } else {
      }
      %add3A_392 = arith.constant 5 : i32
      %add3A_393 = arith.addi %mul3A_300, %add3A_392 : i32
      %dma_start3A_394 = arith.constant 5 : i32
      %dma_start3A_395 = arith.constant 0 : i32
      %dma_start3A_396 = arith.constant 0 : i32
      %dma_start3A_397 = tpu.memref_slice %arg9[%dma_start3A_394, %dma_start3A_395, %dma_start3A_396] : memref<10x128x32xf32, #tpu.memory_space<vmem>> -> memref<1x128x32xf32, #tpu.memory_space<vmem>>
      %dma_start3A_398 = tpu.memref_squeeze %dma_start3A_397 : memref<1x128x32xf32, #tpu.memory_space<vmem>> -> memref<128x32xf32, #tpu.memory_space<vmem>>
      %dma_start3A_399 = arith.constant 0 : i32
      %dma_start3A_400 = tpu.memref_slice %arg7[%add3A_393, %dma_start3A_399] : memref<160x128xi32, #tpu.memory_space<vmem>> -> memref<1x128xi32, #tpu.memory_space<vmem>>
      %dma_start3A_401 = tpu.memref_squeeze %dma_start3A_400 : memref<1x128xi32, #tpu.memory_space<vmem>> -> memref<128xi32, #tpu.memory_space<vmem>>
      %dma_start3A_402 = arith.constant 0 : i32
      %dma_start3A_403 = arith.constant 0 : i32
      %dma_start3A_404 = tpu.memref_slice %arg10[%dma_start3A_402, %dma_start3A_403] : memref<10112x32xf32, #tpu.memory_space<vmem_shared>> -> memref<10112x32xf32, #tpu.memory_space<vmem_shared>>
      tpu.enqueue_indirect_dma source(%dma_start3A_404 : memref<10112x32xf32, #tpu.memory_space<vmem_shared>>) target(%dma_start3A_398 : memref<128x32xf32, #tpu.memory_space<vmem>>) offsets(%dma_start3A_401 : memref<128xi32, #tpu.memory_space<vmem>>) semaphore(%arg17 : memref<!tpu.dma_semaphore, #tpu.memory_space<semaphore_mem>>)
      %gt3A_405 = arith.constant 0 : i32
      %gt3A_406 = arith.cmpi sgt, %scan3A_298, %gt3A_405 : i32
      %convert_element_type3A_407 = arith.extui %gt3A_406 : i1 to i32
      %cond3A_408 = arith.constant 0 : i32
      %cond3A_409 = arith.cmpi ne, %convert_element_type3A_407, %cond3A_408 : i32
      scf.if %cond3A_409 {
        %sub3A = arith.constant 10 : i32
        %sub3A_737 = arith.subi %mul3A_300, %sub3A : i32
        %add3A_738 = arith.constant 6 : i32
        %add3A_739 = arith.addi %sub3A_737, %add3A_738 : i32
        %dma_wait3A_740 = arith.constant 6 : i32
        %dma_wait3A_741 = arith.constant 0 : i32
        %dma_wait3A_742 = arith.constant 0 : i32
        %dma_wait3A_743 = tpu.memref_slice %arg9[%dma_wait3A_740, %dma_wait3A_741, %dma_wait3A_742] : memref<10x128x32xf32, #tpu.memory_space<vmem>> -> memref<1x128x32xf32, #tpu.memory_space<vmem>>
        %dma_wait3A_744 = tpu.memref_squeeze %dma_wait3A_743 : memref<1x128x32xf32, #tpu.memory_space<vmem>> -> memref<128x32xf32, #tpu.memory_space<vmem>>
        %dma_wait3A_745 = arith.constant 0 : i32
        %dma_wait3A_746 = tpu.memref_slice %arg8[%add3A_739, %dma_wait3A_745] : memref<160x128xi32, #tpu.memory_space<vmem>> -> memref<1x128xi32, #tpu.memory_space<vmem>>
        %dma_wait3A_747 = tpu.memref_squeeze %dma_wait3A_746 : memref<1x128xi32, #tpu.memory_space<vmem>> -> memref<128xi32, #tpu.memory_space<vmem>>
        %dma_wait3A_748 = arith.constant 0 : i32
        %dma_wait3A_749 = arith.constant 0 : i32
        %dma_wait3A_750 = tpu.memref_slice %arg11[%dma_wait3A_748, %dma_wait3A_749] : memref<10112x32xf32, #tpu.memory_space<vmem_shared>> -> memref<10112x32xf32, #tpu.memory_space<vmem_shared>>
        tpu.wait_indirect_dma semaphore(%arg28 : memref<!tpu.dma_semaphore, #tpu.memory_space<semaphore_mem>>) src(%dma_wait3A_744 : memref<128x32xf32, #tpu.memory_space<vmem>>) dst(%dma_wait3A_750 : memref<10112x32xf32, #tpu.memory_space<vmem_shared>>)
      } else {
      }
      %add3A_410 = arith.constant 6 : i32
      %add3A_411 = arith.addi %mul3A_300, %add3A_410 : i32
      %dma_start3A_412 = arith.constant 6 : i32
      %dma_start3A_413 = arith.constant 0 : i32
      %dma_start3A_414 = arith.constant 0 : i32
      %dma_start3A_415 = tpu.memref_slice %arg9[%dma_start3A_412, %dma_start3A_413, %dma_start3A_414] : memref<10x128x32xf32, #tpu.memory_space<vmem>> -> memref<1x128x32xf32, #tpu.memory_space<vmem>>
      %dma_start3A_416 = tpu.memref_squeeze %dma_start3A_415 : memref<1x128x32xf32, #tpu.memory_space<vmem>> -> memref<128x32xf32, #tpu.memory_space<vmem>>
      %dma_start3A_417 = arith.constant 0 : i32
      %dma_start3A_418 = tpu.memref_slice %arg7[%add3A_411, %dma_start3A_417] : memref<160x128xi32, #tpu.memory_space<vmem>> -> memref<1x128xi32, #tpu.memory_space<vmem>>
      %dma_start3A_419 = tpu.memref_squeeze %dma_start3A_418 : memref<1x128xi32, #tpu.memory_space<vmem>> -> memref<128xi32, #tpu.memory_space<vmem>>
      %dma_start3A_420 = arith.constant 0 : i32
      %dma_start3A_421 = arith.constant 0 : i32
      %dma_start3A_422 = tpu.memref_slice %arg10[%dma_start3A_420, %dma_start3A_421] : memref<10112x32xf32, #tpu.memory_space<vmem_shared>> -> memref<10112x32xf32, #tpu.memory_space<vmem_shared>>
      tpu.enqueue_indirect_dma source(%dma_start3A_422 : memref<10112x32xf32, #tpu.memory_space<vmem_shared>>) target(%dma_start3A_416 : memref<128x32xf32, #tpu.memory_space<vmem>>) offsets(%dma_start3A_419 : memref<128xi32, #tpu.memory_space<vmem>>) semaphore(%arg18 : memref<!tpu.dma_semaphore, #tpu.memory_space<semaphore_mem>>)
      %gt3A_423 = arith.constant 0 : i32
      %gt3A_424 = arith.cmpi sgt, %scan3A_298, %gt3A_423 : i32
      %convert_element_type3A_425 = arith.extui %gt3A_424 : i1 to i32
      %cond3A_426 = arith.constant 0 : i32
      %cond3A_427 = arith.cmpi ne, %convert_element_type3A_425, %cond3A_426 : i32
      scf.if %cond3A_427 {
        %sub3A = arith.constant 10 : i32
        %sub3A_737 = arith.subi %mul3A_300, %sub3A : i32
        %add3A_738 = arith.constant 7 : i32
        %add3A_739 = arith.addi %sub3A_737, %add3A_738 : i32
        %dma_wait3A_740 = arith.constant 7 : i32
        %dma_wait3A_741 = arith.constant 0 : i32
        %dma_wait3A_742 = arith.constant 0 : i32
        %dma_wait3A_743 = tpu.memref_slice %arg9[%dma_wait3A_740, %dma_wait3A_741, %dma_wait3A_742] : memref<10x128x32xf32, #tpu.memory_space<vmem>> -> memref<1x128x32xf32, #tpu.memory_space<vmem>>
        %dma_wait3A_744 = tpu.memref_squeeze %dma_wait3A_743 : memref<1x128x32xf32, #tpu.memory_space<vmem>> -> memref<128x32xf32, #tpu.memory_space<vmem>>
        %dma_wait3A_745 = arith.constant 0 : i32
        %dma_wait3A_746 = tpu.memref_slice %arg8[%add3A_739, %dma_wait3A_745] : memref<160x128xi32, #tpu.memory_space<vmem>> -> memref<1x128xi32, #tpu.memory_space<vmem>>
        %dma_wait3A_747 = tpu.memref_squeeze %dma_wait3A_746 : memref<1x128xi32, #tpu.memory_space<vmem>> -> memref<128xi32, #tpu.memory_space<vmem>>
        %dma_wait3A_748 = arith.constant 0 : i32
        %dma_wait3A_749 = arith.constant 0 : i32
        %dma_wait3A_750 = tpu.memref_slice %arg11[%dma_wait3A_748, %dma_wait3A_749] : memref<10112x32xf32, #tpu.memory_space<vmem_shared>> -> memref<10112x32xf32, #tpu.memory_space<vmem_shared>>
        tpu.wait_indirect_dma semaphore(%arg29 : memref<!tpu.dma_semaphore, #tpu.memory_space<semaphore_mem>>) src(%dma_wait3A_744 : memref<128x32xf32, #tpu.memory_space<vmem>>) dst(%dma_wait3A_750 : memref<10112x32xf32, #tpu.memory_space<vmem_shared>>)
      } else {
      }
      %add3A_428 = arith.constant 7 : i32
      %add3A_429 = arith.addi %mul3A_300, %add3A_428 : i32
      %dma_start3A_430 = arith.constant 7 : i32
      %dma_start3A_431 = arith.constant 0 : i32
      %dma_start3A_432 = arith.constant 0 : i32
      %dma_start3A_433 = tpu.memref_slice %arg9[%dma_start3A_430, %dma_start3A_431, %dma_start3A_432] : memref<10x128x32xf32, #tpu.memory_space<vmem>> -> memref<1x128x32xf32, #tpu.memory_space<vmem>>
      %dma_start3A_434 = tpu.memref_squeeze %dma_start3A_433 : memref<1x128x32xf32, #tpu.memory_space<vmem>> -> memref<128x32xf32, #tpu.memory_space<vmem>>
      %dma_start3A_435 = arith.constant 0 : i32
      %dma_start3A_436 = tpu.memref_slice %arg7[%add3A_429, %dma_start3A_435] : memref<160x128xi32, #tpu.memory_space<vmem>> -> memref<1x128xi32, #tpu.memory_space<vmem>>
      %dma_start3A_437 = tpu.memref_squeeze %dma_start3A_436 : memref<1x128xi32, #tpu.memory_space<vmem>> -> memref<128xi32, #tpu.memory_space<vmem>>
      %dma_start3A_438 = arith.constant 0 : i32
      %dma_start3A_439 = arith.constant 0 : i32
      %dma_start3A_440 = tpu.memref_slice %arg10[%dma_start3A_438, %dma_start3A_439] : memref<10112x32xf32, #tpu.memory_space<vmem_shared>> -> memref<10112x32xf32, #tpu.memory_space<vmem_shared>>
      tpu.enqueue_indirect_dma source(%dma_start3A_440 : memref<10112x32xf32, #tpu.memory_space<vmem_shared>>) target(%dma_start3A_434 : memref<128x32xf32, #tpu.memory_space<vmem>>) offsets(%dma_start3A_437 : memref<128xi32, #tpu.memory_space<vmem>>) semaphore(%arg19 : memref<!tpu.dma_semaphore, #tpu.memory_space<semaphore_mem>>)
      %gt3A_441 = arith.constant 0 : i32
      %gt3A_442 = arith.cmpi sgt, %scan3A_298, %gt3A_441 : i32
      %convert_element_type3A_443 = arith.extui %gt3A_442 : i1 to i32
      %cond3A_444 = arith.constant 0 : i32
      %cond3A_445 = arith.cmpi ne, %convert_element_type3A_443, %cond3A_444 : i32
      scf.if %cond3A_445 {
        %sub3A = arith.constant 10 : i32
        %sub3A_737 = arith.subi %mul3A_300, %sub3A : i32
        %add3A_738 = arith.constant 8 : i32
        %add3A_739 = arith.addi %sub3A_737, %add3A_738 : i32
        %dma_wait3A_740 = arith.constant 8 : i32
        %dma_wait3A_741 = arith.constant 0 : i32
        %dma_wait3A_742 = arith.constant 0 : i32
        %dma_wait3A_743 = tpu.memref_slice %arg9[%dma_wait3A_740, %dma_wait3A_741, %dma_wait3A_742] : memref<10x128x32xf32, #tpu.memory_space<vmem>> -> memref<1x128x32xf32, #tpu.memory_space<vmem>>
        %dma_wait3A_744 = tpu.memref_squeeze %dma_wait3A_743 : memref<1x128x32xf32, #tpu.memory_space<vmem>> -> memref<128x32xf32, #tpu.memory_space<vmem>>
        %dma_wait3A_745 = arith.constant 0 : i32
        %dma_wait3A_746 = tpu.memref_slice %arg8[%add3A_739, %dma_wait3A_745] : memref<160x128xi32, #tpu.memory_space<vmem>> -> memref<1x128xi32, #tpu.memory_space<vmem>>
        %dma_wait3A_747 = tpu.memref_squeeze %dma_wait3A_746 : memref<1x128xi32, #tpu.memory_space<vmem>> -> memref<128xi32, #tpu.memory_space<vmem>>
        %dma_wait3A_748 = arith.constant 0 : i32
        %dma_wait3A_749 = arith.constant 0 : i32
        %dma_wait3A_750 = tpu.memref_slice %arg11[%dma_wait3A_748, %dma_wait3A_749] : memref<10112x32xf32, #tpu.memory_space<vmem_shared>> -> memref<10112x32xf32, #tpu.memory_space<vmem_shared>>
        tpu.wait_indirect_dma semaphore(%arg30 : memref<!tpu.dma_semaphore, #tpu.memory_space<semaphore_mem>>) src(%dma_wait3A_744 : memref<128x32xf32, #tpu.memory_space<vmem>>) dst(%dma_wait3A_750 : memref<10112x32xf32, #tpu.memory_space<vmem_shared>>)
      } else {
      }
      %add3A_446 = arith.constant 8 : i32
      %add3A_447 = arith.addi %mul3A_300, %add3A_446 : i32
      %dma_start3A_448 = arith.constant 8 : i32
      %dma_start3A_449 = arith.constant 0 : i32
      %dma_start3A_450 = arith.constant 0 : i32
      %dma_start3A_451 = tpu.memref_slice %arg9[%dma_start3A_448, %dma_start3A_449, %dma_start3A_450] : memref<10x128x32xf32, #tpu.memory_space<vmem>> -> memref<1x128x32xf32, #tpu.memory_space<vmem>>
      %dma_start3A_452 = tpu.memref_squeeze %dma_start3A_451 : memref<1x128x32xf32, #tpu.memory_space<vmem>> -> memref<128x32xf32, #tpu.memory_space<vmem>>
      %dma_start3A_453 = arith.constant 0 : i32
      %dma_start3A_454 = tpu.memref_slice %arg7[%add3A_447, %dma_start3A_453] : memref<160x128xi32, #tpu.memory_space<vmem>> -> memref<1x128xi32, #tpu.memory_space<vmem>>
      %dma_start3A_455 = tpu.memref_squeeze %dma_start3A_454 : memref<1x128xi32, #tpu.memory_space<vmem>> -> memref<128xi32, #tpu.memory_space<vmem>>
      %dma_start3A_456 = arith.constant 0 : i32
      %dma_start3A_457 = arith.constant 0 : i32
      %dma_start3A_458 = tpu.memref_slice %arg10[%dma_start3A_456, %dma_start3A_457] : memref<10112x32xf32, #tpu.memory_space<vmem_shared>> -> memref<10112x32xf32, #tpu.memory_space<vmem_shared>>
      tpu.enqueue_indirect_dma source(%dma_start3A_458 : memref<10112x32xf32, #tpu.memory_space<vmem_shared>>) target(%dma_start3A_452 : memref<128x32xf32, #tpu.memory_space<vmem>>) offsets(%dma_start3A_455 : memref<128xi32, #tpu.memory_space<vmem>>) semaphore(%arg20 : memref<!tpu.dma_semaphore, #tpu.memory_space<semaphore_mem>>)
      %gt3A_459 = arith.constant 0 : i32
      %gt3A_460 = arith.cmpi sgt, %scan3A_298, %gt3A_459 : i32
      %convert_element_type3A_461 = arith.extui %gt3A_460 : i1 to i32
      %cond3A_462 = arith.constant 0 : i32
      %cond3A_463 = arith.cmpi ne, %convert_element_type3A_461, %cond3A_462 : i32
      scf.if %cond3A_463 {
        %sub3A = arith.constant 10 : i32
        %sub3A_737 = arith.subi %mul3A_300, %sub3A : i32
        %add3A_738 = arith.constant 9 : i32
        %add3A_739 = arith.addi %sub3A_737, %add3A_738 : i32
        %dma_wait3A_740 = arith.constant 9 : i32
        %dma_wait3A_741 = arith.constant 0 : i32
        %dma_wait3A_742 = arith.constant 0 : i32
        %dma_wait3A_743 = tpu.memref_slice %arg9[%dma_wait3A_740, %dma_wait3A_741, %dma_wait3A_742] : memref<10x128x32xf32, #tpu.memory_space<vmem>> -> memref<1x128x32xf32, #tpu.memory_space<vmem>>
        %dma_wait3A_744 = tpu.memref_squeeze %dma_wait3A_743 : memref<1x128x32xf32, #tpu.memory_space<vmem>> -> memref<128x32xf32, #tpu.memory_space<vmem>>
        %dma_wait3A_745 = arith.constant 0 : i32
        %dma_wait3A_746 = tpu.memref_slice %arg8[%add3A_739, %dma_wait3A_745] : memref<160x128xi32, #tpu.memory_space<vmem>> -> memref<1x128xi32, #tpu.memory_space<vmem>>
        %dma_wait3A_747 = tpu.memref_squeeze %dma_wait3A_746 : memref<1x128xi32, #tpu.memory_space<vmem>> -> memref<128xi32, #tpu.memory_space<vmem>>
        %dma_wait3A_748 = arith.constant 0 : i32
        %dma_wait3A_749 = arith.constant 0 : i32
        %dma_wait3A_750 = tpu.memref_slice %arg11[%dma_wait3A_748, %dma_wait3A_749] : memref<10112x32xf32, #tpu.memory_space<vmem_shared>> -> memref<10112x32xf32, #tpu.memory_space<vmem_shared>>
        tpu.wait_indirect_dma semaphore(%arg31 : memref<!tpu.dma_semaphore, #tpu.memory_space<semaphore_mem>>) src(%dma_wait3A_744 : memref<128x32xf32, #tpu.memory_space<vmem>>) dst(%dma_wait3A_750 : memref<10112x32xf32, #tpu.memory_space<vmem_shared>>)
      } else {
      }
      %add3A_464 = arith.constant 9 : i32
      %add3A_465 = arith.addi %mul3A_300, %add3A_464 : i32
      %dma_start3A_466 = arith.constant 9 : i32
      %dma_start3A_467 = arith.constant 0 : i32
      %dma_start3A_468 = arith.constant 0 : i32
      %dma_start3A_469 = tpu.memref_slice %arg9[%dma_start3A_466, %dma_start3A_467, %dma_start3A_468] : memref<10x128x32xf32, #tpu.memory_space<vmem>> -> memref<1x128x32xf32, #tpu.memory_space<vmem>>
      %dma_start3A_470 = tpu.memref_squeeze %dma_start3A_469 : memref<1x128x32xf32, #tpu.memory_space<vmem>> -> memref<128x32xf32, #tpu.memory_space<vmem>>
      %dma_start3A_471 = arith.constant 0 : i32
      %dma_start3A_472 = tpu.memref_slice %arg7[%add3A_465, %dma_start3A_471] : memref<160x128xi32, #tpu.memory_space<vmem>> -> memref<1x128xi32, #tpu.memory_space<vmem>>
      %dma_start3A_473 = tpu.memref_squeeze %dma_start3A_472 : memref<1x128xi32, #tpu.memory_space<vmem>> -> memref<128xi32, #tpu.memory_space<vmem>>
      %dma_start3A_474 = arith.constant 0 : i32
      %dma_start3A_475 = arith.constant 0 : i32
      %dma_start3A_476 = tpu.memref_slice %arg10[%dma_start3A_474, %dma_start3A_475] : memref<10112x32xf32, #tpu.memory_space<vmem_shared>> -> memref<10112x32xf32, #tpu.memory_space<vmem_shared>>
      tpu.enqueue_indirect_dma source(%dma_start3A_476 : memref<10112x32xf32, #tpu.memory_space<vmem_shared>>) target(%dma_start3A_470 : memref<128x32xf32, #tpu.memory_space<vmem>>) offsets(%dma_start3A_473 : memref<128xi32, #tpu.memory_space<vmem>>) semaphore(%arg21 : memref<!tpu.dma_semaphore, #tpu.memory_space<semaphore_mem>>)
      %add3A_477 = arith.constant 0 : i32
      %add3A_478 = arith.addi %mul3A_300, %add3A_477 : i32
      %dma_wait3A_479 = arith.constant 0 : i32
      %dma_wait3A_480 = arith.constant 0 : i32
      %dma_wait3A_481 = arith.constant 0 : i32
      %dma_wait3A_482 = tpu.memref_slice %arg9[%dma_wait3A_479, %dma_wait3A_480, %dma_wait3A_481] : memref<10x128x32xf32, #tpu.memory_space<vmem>> -> memref<1x128x32xf32, #tpu.memory_space<vmem>>
      %dma_wait3A_483 = tpu.memref_squeeze %dma_wait3A_482 : memref<1x128x32xf32, #tpu.memory_space<vmem>> -> memref<128x32xf32, #tpu.memory_space<vmem>>
      %dma_wait3A_484 = arith.constant 0 : i32
      %dma_wait3A_485 = tpu.memref_slice %arg7[%add3A_478, %dma_wait3A_484] : memref<160x128xi32, #tpu.memory_space<vmem>> -> memref<1x128xi32, #tpu.memory_space<vmem>>
      %dma_wait3A_486 = tpu.memref_squeeze %dma_wait3A_485 : memref<1x128xi32, #tpu.memory_space<vmem>> -> memref<128xi32, #tpu.memory_space<vmem>>
      %dma_wait3A_487 = arith.constant 0 : i32
      %dma_wait3A_488 = arith.constant 0 : i32
      %dma_wait3A_489 = tpu.memref_slice %arg10[%dma_wait3A_487, %dma_wait3A_488] : memref<10112x32xf32, #tpu.memory_space<vmem_shared>> -> memref<10112x32xf32, #tpu.memory_space<vmem_shared>>
      tpu.wait_indirect_dma semaphore(%arg12 : memref<!tpu.dma_semaphore, #tpu.memory_space<semaphore_mem>>) src(%dma_wait3A_489 : memref<10112x32xf32, #tpu.memory_space<vmem_shared>>) dst(%dma_wait3A_483 : memref<128x32xf32, #tpu.memory_space<vmem>>)
      %add3A_490 = arith.constant 0 : i32
      %add3A_491 = arith.addi %mul3A_300, %add3A_490 : i32
      %dma_start3A_492 = arith.constant 0 : i32
      %dma_start3A_493 = arith.constant 0 : i32
      %dma_start3A_494 = arith.constant 0 : i32
      %dma_start3A_495 = tpu.memref_slice %arg9[%dma_start3A_492, %dma_start3A_493, %dma_start3A_494] : memref<10x128x32xf32, #tpu.memory_space<vmem>> -> memref<1x128x32xf32, #tpu.memory_space<vmem>>
      %dma_start3A_496 = tpu.memref_squeeze %dma_start3A_495 : memref<1x128x32xf32, #tpu.memory_space<vmem>> -> memref<128x32xf32, #tpu.memory_space<vmem>>
      %dma_start3A_497 = arith.constant 0 : i32
      %dma_start3A_498 = tpu.memref_slice %arg8[%add3A_491, %dma_start3A_497] : memref<160x128xi32, #tpu.memory_space<vmem>> -> memref<1x128xi32, #tpu.memory_space<vmem>>
      %dma_start3A_499 = tpu.memref_squeeze %dma_start3A_498 : memref<1x128xi32, #tpu.memory_space<vmem>> -> memref<128xi32, #tpu.memory_space<vmem>>
      %dma_start3A_500 = arith.constant 0 : i32
      %dma_start3A_501 = arith.constant 0 : i32
      %dma_start3A_502 = tpu.memref_slice %arg11[%dma_start3A_500, %dma_start3A_501] : memref<10112x32xf32, #tpu.memory_space<vmem_shared>> -> memref<10112x32xf32, #tpu.memory_space<vmem_shared>>
      tpu.enqueue_indirect_dma source(%dma_start3A_496 : memref<128x32xf32, #tpu.memory_space<vmem>>) target(%dma_start3A_502 : memref<10112x32xf32, #tpu.memory_space<vmem_shared>>) offsets(%dma_start3A_499 : memref<128xi32, #tpu.memory_space<vmem>>) semaphore(%arg22 : memref<!tpu.dma_semaphore, #tpu.memory_space<semaphore_mem>>) {add = true}
      %add3A_503 = arith.constant 1 : i32
      %add3A_504 = arith.addi %mul3A_300, %add3A_503 : i32
      %dma_wait3A_505 = arith.constant 1 : i32
      %dma_wait3A_506 = arith.constant 0 : i32
      %dma_wait3A_507 = arith.constant 0 : i32
      %dma_wait3A_508 = tpu.memref_slice %arg9[%dma_wait3A_505, %dma_wait3A_506, %dma_wait3A_507] : memref<10x128x32xf32, #tpu.memory_space<vmem>> -> memref<1x128x32xf32, #tpu.memory_space<vmem>>
      %dma_wait3A_509 = tpu.memref_squeeze %dma_wait3A_508 : memref<1x128x32xf32, #tpu.memory_space<vmem>> -> memref<128x32xf32, #tpu.memory_space<vmem>>
      %dma_wait3A_510 = arith.constant 0 : i32
      %dma_wait3A_511 = tpu.memref_slice %arg7[%add3A_504, %dma_wait3A_510] : memref<160x128xi32, #tpu.memory_space<vmem>> -> memref<1x128xi32, #tpu.memory_space<vmem>>
      %dma_wait3A_512 = tpu.memref_squeeze %dma_wait3A_511 : memref<1x128xi32, #tpu.memory_space<vmem>> -> memref<128xi32, #tpu.memory_space<vmem>>
      %dma_wait3A_513 = arith.constant 0 : i32
      %dma_wait3A_514 = arith.constant 0 : i32
      %dma_wait3A_515 = tpu.memref_slice %arg10[%dma_wait3A_513, %dma_wait3A_514] : memref<10112x32xf32, #tpu.memory_space<vmem_shared>> -> memref<10112x32xf32, #tpu.memory_space<vmem_shared>>
      tpu.wait_indirect_dma semaphore(%arg13 : memref<!tpu.dma_semaphore, #tpu.memory_space<semaphore_mem>>) src(%dma_wait3A_515 : memref<10112x32xf32, #tpu.memory_space<vmem_shared>>) dst(%dma_wait3A_509 : memref<128x32xf32, #tpu.memory_space<vmem>>)
      %add3A_516 = arith.constant 1 : i32
      %add3A_517 = arith.addi %mul3A_300, %add3A_516 : i32
      %dma_start3A_518 = arith.constant 1 : i32
      %dma_start3A_519 = arith.constant 0 : i32
      %dma_start3A_520 = arith.constant 0 : i32
      %dma_start3A_521 = tpu.memref_slice %arg9[%dma_start3A_518, %dma_start3A_519, %dma_start3A_520] : memref<10x128x32xf32, #tpu.memory_space<vmem>> -> memref<1x128x32xf32, #tpu.memory_space<vmem>>
      %dma_start3A_522 = tpu.memref_squeeze %dma_start3A_521 : memref<1x128x32xf32, #tpu.memory_space<vmem>> -> memref<128x32xf32, #tpu.memory_space<vmem>>
      %dma_start3A_523 = arith.constant 0 : i32
      %dma_start3A_524 = tpu.memref_slice %arg8[%add3A_517, %dma_start3A_523] : memref<160x128xi32, #tpu.memory_space<vmem>> -> memref<1x128xi32, #tpu.memory_space<vmem>>
      %dma_start3A_525 = tpu.memref_squeeze %dma_start3A_524 : memref<1x128xi32, #tpu.memory_space<vmem>> -> memref<128xi32, #tpu.memory_space<vmem>>
      %dma_start3A_526 = arith.constant 0 : i32
      %dma_start3A_527 = arith.constant 0 : i32
      %dma_start3A_528 = tpu.memref_slice %arg11[%dma_start3A_526, %dma_start3A_527] : memref<10112x32xf32, #tpu.memory_space<vmem_shared>> -> memref<10112x32xf32, #tpu.memory_space<vmem_shared>>
      tpu.enqueue_indirect_dma source(%dma_start3A_522 : memref<128x32xf32, #tpu.memory_space<vmem>>) target(%dma_start3A_528 : memref<10112x32xf32, #tpu.memory_space<vmem_shared>>) offsets(%dma_start3A_525 : memref<128xi32, #tpu.memory_space<vmem>>) semaphore(%arg23 : memref<!tpu.dma_semaphore, #tpu.memory_space<semaphore_mem>>) {add = true}
      %add3A_529 = arith.constant 2 : i32
      %add3A_530 = arith.addi %mul3A_300, %add3A_529 : i32
      %dma_wait3A_531 = arith.constant 2 : i32
      %dma_wait3A_532 = arith.constant 0 : i32
      %dma_wait3A_533 = arith.constant 0 : i32
      %dma_wait3A_534 = tpu.memref_slice %arg9[%dma_wait3A_531, %dma_wait3A_532, %dma_wait3A_533] : memref<10x128x32xf32, #tpu.memory_space<vmem>> -> memref<1x128x32xf32, #tpu.memory_space<vmem>>
      %dma_wait3A_535 = tpu.memref_squeeze %dma_wait3A_534 : memref<1x128x32xf32, #tpu.memory_space<vmem>> -> memref<128x32xf32, #tpu.memory_space<vmem>>
      %dma_wait3A_536 = arith.constant 0 : i32
      %dma_wait3A_537 = tpu.memref_slice %arg7[%add3A_530, %dma_wait3A_536] : memref<160x128xi32, #tpu.memory_space<vmem>> -> memref<1x128xi32, #tpu.memory_space<vmem>>
      %dma_wait3A_538 = tpu.memref_squeeze %dma_wait3A_537 : memref<1x128xi32, #tpu.memory_space<vmem>> -> memref<128xi32, #tpu.memory_space<vmem>>
      %dma_wait3A_539 = arith.constant 0 : i32
      %dma_wait3A_540 = arith.constant 0 : i32
      %dma_wait3A_541 = tpu.memref_slice %arg10[%dma_wait3A_539, %dma_wait3A_540] : memref<10112x32xf32, #tpu.memory_space<vmem_shared>> -> memref<10112x32xf32, #tpu.memory_space<vmem_shared>>
      tpu.wait_indirect_dma semaphore(%arg14 : memref<!tpu.dma_semaphore, #tpu.memory_space<semaphore_mem>>) src(%dma_wait3A_541 : memref<10112x32xf32, #tpu.memory_space<vmem_shared>>) dst(%dma_wait3A_535 : memref<128x32xf32, #tpu.memory_space<vmem>>)
      %add3A_542 = arith.constant 2 : i32
      %add3A_543 = arith.addi %mul3A_300, %add3A_542 : i32
      %dma_start3A_544 = arith.constant 2 : i32
      %dma_start3A_545 = arith.constant 0 : i32
      %dma_start3A_546 = arith.constant 0 : i32
      %dma_start3A_547 = tpu.memref_slice %arg9[%dma_start3A_544, %dma_start3A_545, %dma_start3A_546] : memref<10x128x32xf32, #tpu.memory_space<vmem>> -> memref<1x128x32xf32, #tpu.memory_space<vmem>>
      %dma_start3A_548 = tpu.memref_squeeze %dma_start3A_547 : memref<1x128x32xf32, #tpu.memory_space<vmem>> -> memref<128x32xf32, #tpu.memory_space<vmem>>
      %dma_start3A_549 = arith.constant 0 : i32
      %dma_start3A_550 = tpu.memref_slice %arg8[%add3A_543, %dma_start3A_549] : memref<160x128xi32, #tpu.memory_space<vmem>> -> memref<1x128xi32, #tpu.memory_space<vmem>>
      %dma_start3A_551 = tpu.memref_squeeze %dma_start3A_550 : memref<1x128xi32, #tpu.memory_space<vmem>> -> memref<128xi32, #tpu.memory_space<vmem>>
      %dma_start3A_552 = arith.constant 0 : i32
      %dma_start3A_553 = arith.constant 0 : i32
      %dma_start3A_554 = tpu.memref_slice %arg11[%dma_start3A_552, %dma_start3A_553] : memref<10112x32xf32, #tpu.memory_space<vmem_shared>> -> memref<10112x32xf32, #tpu.memory_space<vmem_shared>>
      tpu.enqueue_indirect_dma source(%dma_start3A_548 : memref<128x32xf32, #tpu.memory_space<vmem>>) target(%dma_start3A_554 : memref<10112x32xf32, #tpu.memory_space<vmem_shared>>) offsets(%dma_start3A_551 : memref<128xi32, #tpu.memory_space<vmem>>) semaphore(%arg24 : memref<!tpu.dma_semaphore, #tpu.memory_space<semaphore_mem>>) {add = true}
      %add3A_555 = arith.constant 3 : i32
      %add3A_556 = arith.addi %mul3A_300, %add3A_555 : i32
      %dma_wait3A_557 = arith.constant 3 : i32
      %dma_wait3A_558 = arith.constant 0 : i32
      %dma_wait3A_559 = arith.constant 0 : i32
      %dma_wait3A_560 = tpu.memref_slice %arg9[%dma_wait3A_557, %dma_wait3A_558, %dma_wait3A_559] : memref<10x128x32xf32, #tpu.memory_space<vmem>> -> memref<1x128x32xf32, #tpu.memory_space<vmem>>
      %dma_wait3A_561 = tpu.memref_squeeze %dma_wait3A_560 : memref<1x128x32xf32, #tpu.memory_space<vmem>> -> memref<128x32xf32, #tpu.memory_space<vmem>>
      %dma_wait3A_562 = arith.constant 0 : i32
      %dma_wait3A_563 = tpu.memref_slice %arg7[%add3A_556, %dma_wait3A_562] : memref<160x128xi32, #tpu.memory_space<vmem>> -> memref<1x128xi32, #tpu.memory_space<vmem>>
      %dma_wait3A_564 = tpu.memref_squeeze %dma_wait3A_563 : memref<1x128xi32, #tpu.memory_space<vmem>> -> memref<128xi32, #tpu.memory_space<vmem>>
      %dma_wait3A_565 = arith.constant 0 : i32
      %dma_wait3A_566 = arith.constant 0 : i32
      %dma_wait3A_567 = tpu.memref_slice %arg10[%dma_wait3A_565, %dma_wait3A_566] : memref<10112x32xf32, #tpu.memory_space<vmem_shared>> -> memref<10112x32xf32, #tpu.memory_space<vmem_shared>>
      tpu.wait_indirect_dma semaphore(%arg15 : memref<!tpu.dma_semaphore, #tpu.memory_space<semaphore_mem>>) src(%dma_wait3A_567 : memref<10112x32xf32, #tpu.memory_space<vmem_shared>>) dst(%dma_wait3A_561 : memref<128x32xf32, #tpu.memory_space<vmem>>)
      %add3A_568 = arith.constant 3 : i32
      %add3A_569 = arith.addi %mul3A_300, %add3A_568 : i32
      %dma_start3A_570 = arith.constant 3 : i32
      %dma_start3A_571 = arith.constant 0 : i32
      %dma_start3A_572 = arith.constant 0 : i32
      %dma_start3A_573 = tpu.memref_slice %arg9[%dma_start3A_570, %dma_start3A_571, %dma_start3A_572] : memref<10x128x32xf32, #tpu.memory_space<vmem>> -> memref<1x128x32xf32, #tpu.memory_space<vmem>>
      %dma_start3A_574 = tpu.memref_squeeze %dma_start3A_573 : memref<1x128x32xf32, #tpu.memory_space<vmem>> -> memref<128x32xf32, #tpu.memory_space<vmem>>
      %dma_start3A_575 = arith.constant 0 : i32
      %dma_start3A_576 = tpu.memref_slice %arg8[%add3A_569, %dma_start3A_575] : memref<160x128xi32, #tpu.memory_space<vmem>> -> memref<1x128xi32, #tpu.memory_space<vmem>>
      %dma_start3A_577 = tpu.memref_squeeze %dma_start3A_576 : memref<1x128xi32, #tpu.memory_space<vmem>> -> memref<128xi32, #tpu.memory_space<vmem>>
      %dma_start3A_578 = arith.constant 0 : i32
      %dma_start3A_579 = arith.constant 0 : i32
      %dma_start3A_580 = tpu.memref_slice %arg11[%dma_start3A_578, %dma_start3A_579] : memref<10112x32xf32, #tpu.memory_space<vmem_shared>> -> memref<10112x32xf32, #tpu.memory_space<vmem_shared>>
      tpu.enqueue_indirect_dma source(%dma_start3A_574 : memref<128x32xf32, #tpu.memory_space<vmem>>) target(%dma_start3A_580 : memref<10112x32xf32, #tpu.memory_space<vmem_shared>>) offsets(%dma_start3A_577 : memref<128xi32, #tpu.memory_space<vmem>>) semaphore(%arg25 : memref<!tpu.dma_semaphore, #tpu.memory_space<semaphore_mem>>) {add = true}
      %add3A_581 = arith.constant 4 : i32
      %add3A_582 = arith.addi %mul3A_300, %add3A_581 : i32
      %dma_wait3A_583 = arith.constant 4 : i32
      %dma_wait3A_584 = arith.constant 0 : i32
      %dma_wait3A_585 = arith.constant 0 : i32
      %dma_wait3A_586 = tpu.memref_slice %arg9[%dma_wait3A_583, %dma_wait3A_584, %dma_wait3A_585] : memref<10x128x32xf32, #tpu.memory_space<vmem>> -> memref<1x128x32xf32, #tpu.memory_space<vmem>>
      %dma_wait3A_587 = tpu.memref_squeeze %dma_wait3A_586 : memref<1x128x32xf32, #tpu.memory_space<vmem>> -> memref<128x32xf32, #tpu.memory_space<vmem>>
      %dma_wait3A_588 = arith.constant 0 : i32
      %dma_wait3A_589 = tpu.memref_slice %arg7[%add3A_582, %dma_wait3A_588] : memref<160x128xi32, #tpu.memory_space<vmem>> -> memref<1x128xi32, #tpu.memory_space<vmem>>
      %dma_wait3A_590 = tpu.memref_squeeze %dma_wait3A_589 : memref<1x128xi32, #tpu.memory_space<vmem>> -> memref<128xi32, #tpu.memory_space<vmem>>
      %dma_wait3A_591 = arith.constant 0 : i32
      %dma_wait3A_592 = arith.constant 0 : i32
      %dma_wait3A_593 = tpu.memref_slice %arg10[%dma_wait3A_591, %dma_wait3A_592] : memref<10112x32xf32, #tpu.memory_space<vmem_shared>> -> memref<10112x32xf32, #tpu.memory_space<vmem_shared>>
      tpu.wait_indirect_dma semaphore(%arg16 : memref<!tpu.dma_semaphore, #tpu.memory_space<semaphore_mem>>) src(%dma_wait3A_593 : memref<10112x32xf32, #tpu.memory_space<vmem_shared>>) dst(%dma_wait3A_587 : memref<128x32xf32, #tpu.memory_space<vmem>>)
      %add3A_594 = arith.constant 4 : i32
      %add3A_595 = arith.addi %mul3A_300, %add3A_594 : i32
      %dma_start3A_596 = arith.constant 4 : i32
      %dma_start3A_597 = arith.constant 0 : i32
      %dma_start3A_598 = arith.constant 0 : i32
      %dma_start3A_599 = tpu.memref_slice %arg9[%dma_start3A_596, %dma_start3A_597, %dma_start3A_598] : memref<10x128x32xf32, #tpu.memory_space<vmem>> -> memref<1x128x32xf32, #tpu.memory_space<vmem>>
      %dma_start3A_600 = tpu.memref_squeeze %dma_start3A_599 : memref<1x128x32xf32, #tpu.memory_space<vmem>> -> memref<128x32xf32, #tpu.memory_space<vmem>>
      %dma_start3A_601 = arith.constant 0 : i32
      %dma_start3A_602 = tpu.memref_slice %arg8[%add3A_595, %dma_start3A_601] : memref<160x128xi32, #tpu.memory_space<vmem>> -> memref<1x128xi32, #tpu.memory_space<vmem>>
      %dma_start3A_603 = tpu.memref_squeeze %dma_start3A_602 : memref<1x128xi32, #tpu.memory_space<vmem>> -> memref<128xi32, #tpu.memory_space<vmem>>
      %dma_start3A_604 = arith.constant 0 : i32
      %dma_start3A_605 = arith.constant 0 : i32
      %dma_start3A_606 = tpu.memref_slice %arg11[%dma_start3A_604, %dma_start3A_605] : memref<10112x32xf32, #tpu.memory_space<vmem_shared>> -> memref<10112x32xf32, #tpu.memory_space<vmem_shared>>
      tpu.enqueue_indirect_dma source(%dma_start3A_600 : memref<128x32xf32, #tpu.memory_space<vmem>>) target(%dma_start3A_606 : memref<10112x32xf32, #tpu.memory_space<vmem_shared>>) offsets(%dma_start3A_603 : memref<128xi32, #tpu.memory_space<vmem>>) semaphore(%arg26 : memref<!tpu.dma_semaphore, #tpu.memory_space<semaphore_mem>>) {add = true}
      %add3A_607 = arith.constant 5 : i32
      %add3A_608 = arith.addi %mul3A_300, %add3A_607 : i32
      %dma_wait3A_609 = arith.constant 5 : i32
      %dma_wait3A_610 = arith.constant 0 : i32
      %dma_wait3A_611 = arith.constant 0 : i32
      %dma_wait3A_612 = tpu.memref_slice %arg9[%dma_wait3A_609, %dma_wait3A_610, %dma_wait3A_611] : memref<10x128x32xf32, #tpu.memory_space<vmem>> -> memref<1x128x32xf32, #tpu.memory_space<vmem>>
      %dma_wait3A_613 = tpu.memref_squeeze %dma_wait3A_612 : memref<1x128x32xf32, #tpu.memory_space<vmem>> -> memref<128x32xf32, #tpu.memory_space<vmem>>
      %dma_wait3A_614 = arith.constant 0 : i32
      %dma_wait3A_615 = tpu.memref_slice %arg7[%add3A_608, %dma_wait3A_614] : memref<160x128xi32, #tpu.memory_space<vmem>> -> memref<1x128xi32, #tpu.memory_space<vmem>>
      %dma_wait3A_616 = tpu.memref_squeeze %dma_wait3A_615 : memref<1x128xi32, #tpu.memory_space<vmem>> -> memref<128xi32, #tpu.memory_space<vmem>>
      %dma_wait3A_617 = arith.constant 0 : i32
      %dma_wait3A_618 = arith.constant 0 : i32
      %dma_wait3A_619 = tpu.memref_slice %arg10[%dma_wait3A_617, %dma_wait3A_618] : memref<10112x32xf32, #tpu.memory_space<vmem_shared>> -> memref<10112x32xf32, #tpu.memory_space<vmem_shared>>
      tpu.wait_indirect_dma semaphore(%arg17 : memref<!tpu.dma_semaphore, #tpu.memory_space<semaphore_mem>>) src(%dma_wait3A_619 : memref<10112x32xf32, #tpu.memory_space<vmem_shared>>) dst(%dma_wait3A_613 : memref<128x32xf32, #tpu.memory_space<vmem>>)
      %add3A_620 = arith.constant 5 : i32
      %add3A_621 = arith.addi %mul3A_300, %add3A_620 : i32
      %dma_start3A_622 = arith.constant 5 : i32
      %dma_start3A_623 = arith.constant 0 : i32
      %dma_start3A_624 = arith.constant 0 : i32
      %dma_start3A_625 = tpu.memref_slice %arg9[%dma_start3A_622, %dma_start3A_623, %dma_start3A_624] : memref<10x128x32xf32, #tpu.memory_space<vmem>> -> memref<1x128x32xf32, #tpu.memory_space<vmem>>
      %dma_start3A_626 = tpu.memref_squeeze %dma_start3A_625 : memref<1x128x32xf32, #tpu.memory_space<vmem>> -> memref<128x32xf32, #tpu.memory_space<vmem>>
      %dma_start3A_627 = arith.constant 0 : i32
      %dma_start3A_628 = tpu.memref_slice %arg8[%add3A_621, %dma_start3A_627] : memref<160x128xi32, #tpu.memory_space<vmem>> -> memref<1x128xi32, #tpu.memory_space<vmem>>
      %dma_start3A_629 = tpu.memref_squeeze %dma_start3A_628 : memref<1x128xi32, #tpu.memory_space<vmem>> -> memref<128xi32, #tpu.memory_space<vmem>>
      %dma_start3A_630 = arith.constant 0 : i32
      %dma_start3A_631 = arith.constant 0 : i32
      %dma_start3A_632 = tpu.memref_slice %arg11[%dma_start3A_630, %dma_start3A_631] : memref<10112x32xf32, #tpu.memory_space<vmem_shared>> -> memref<10112x32xf32, #tpu.memory_space<vmem_shared>>
      tpu.enqueue_indirect_dma source(%dma_start3A_626 : memref<128x32xf32, #tpu.memory_space<vmem>>) target(%dma_start3A_632 : memref<10112x32xf32, #tpu.memory_space<vmem_shared>>) offsets(%dma_start3A_629 : memref<128xi32, #tpu.memory_space<vmem>>) semaphore(%arg27 : memref<!tpu.dma_semaphore, #tpu.memory_space<semaphore_mem>>) {add = true}
      %add3A_633 = arith.constant 6 : i32
      %add3A_634 = arith.addi %mul3A_300, %add3A_633 : i32
      %dma_wait3A_635 = arith.constant 6 : i32
      %dma_wait3A_636 = arith.constant 0 : i32
      %dma_wait3A_637 = arith.constant 0 : i32
      %dma_wait3A_638 = tpu.memref_slice %arg9[%dma_wait3A_635, %dma_wait3A_636, %dma_wait3A_637] : memref<10x128x32xf32, #tpu.memory_space<vmem>> -> memref<1x128x32xf32, #tpu.memory_space<vmem>>
      %dma_wait3A_639 = tpu.memref_squeeze %dma_wait3A_638 : memref<1x128x32xf32, #tpu.memory_space<vmem>> -> memref<128x32xf32, #tpu.memory_space<vmem>>
      %dma_wait3A_640 = arith.constant 0 : i32
      %dma_wait3A_641 = tpu.memref_slice %arg7[%add3A_634, %dma_wait3A_640] : memref<160x128xi32, #tpu.memory_space<vmem>> -> memref<1x128xi32, #tpu.memory_space<vmem>>
      %dma_wait3A_642 = tpu.memref_squeeze %dma_wait3A_641 : memref<1x128xi32, #tpu.memory_space<vmem>> -> memref<128xi32, #tpu.memory_space<vmem>>
      %dma_wait3A_643 = arith.constant 0 : i32
      %dma_wait3A_644 = arith.constant 0 : i32
      %dma_wait3A_645 = tpu.memref_slice %arg10[%dma_wait3A_643, %dma_wait3A_644] : memref<10112x32xf32, #tpu.memory_space<vmem_shared>> -> memref<10112x32xf32, #tpu.memory_space<vmem_shared>>
      tpu.wait_indirect_dma semaphore(%arg18 : memref<!tpu.dma_semaphore, #tpu.memory_space<semaphore_mem>>) src(%dma_wait3A_645 : memref<10112x32xf32, #tpu.memory_space<vmem_shared>>) dst(%dma_wait3A_639 : memref<128x32xf32, #tpu.memory_space<vmem>>)
      %add3A_646 = arith.constant 6 : i32
      %add3A_647 = arith.addi %mul3A_300, %add3A_646 : i32
      %dma_start3A_648 = arith.constant 6 : i32
      %dma_start3A_649 = arith.constant 0 : i32
      %dma_start3A_650 = arith.constant 0 : i32
      %dma_start3A_651 = tpu.memref_slice %arg9[%dma_start3A_648, %dma_start3A_649, %dma_start3A_650] : memref<10x128x32xf32, #tpu.memory_space<vmem>> -> memref<1x128x32xf32, #tpu.memory_space<vmem>>
      %dma_start3A_652 = tpu.memref_squeeze %dma_start3A_651 : memref<1x128x32xf32, #tpu.memory_space<vmem>> -> memref<128x32xf32, #tpu.memory_space<vmem>>
      %dma_start3A_653 = arith.constant 0 : i32
      %dma_start3A_654 = tpu.memref_slice %arg8[%add3A_647, %dma_start3A_653] : memref<160x128xi32, #tpu.memory_space<vmem>> -> memref<1x128xi32, #tpu.memory_space<vmem>>
      %dma_start3A_655 = tpu.memref_squeeze %dma_start3A_654 : memref<1x128xi32, #tpu.memory_space<vmem>> -> memref<128xi32, #tpu.memory_space<vmem>>
      %dma_start3A_656 = arith.constant 0 : i32
      %dma_start3A_657 = arith.constant 0 : i32
      %dma_start3A_658 = tpu.memref_slice %arg11[%dma_start3A_656, %dma_start3A_657] : memref<10112x32xf32, #tpu.memory_space<vmem_shared>> -> memref<10112x32xf32, #tpu.memory_space<vmem_shared>>
      tpu.enqueue_indirect_dma source(%dma_start3A_652 : memref<128x32xf32, #tpu.memory_space<vmem>>) target(%dma_start3A_658 : memref<10112x32xf32, #tpu.memory_space<vmem_shared>>) offsets(%dma_start3A_655 : memref<128xi32, #tpu.memory_space<vmem>>) semaphore(%arg28 : memref<!tpu.dma_semaphore, #tpu.memory_space<semaphore_mem>>) {add = true}
      %add3A_659 = arith.constant 7 : i32
      %add3A_660 = arith.addi %mul3A_300, %add3A_659 : i32
      %dma_wait3A_661 = arith.constant 7 : i32
      %dma_wait3A_662 = arith.constant 0 : i32
      %dma_wait3A_663 = arith.constant 0 : i32
      %dma_wait3A_664 = tpu.memref_slice %arg9[%dma_wait3A_661, %dma_wait3A_662, %dma_wait3A_663] : memref<10x128x32xf32, #tpu.memory_space<vmem>> -> memref<1x128x32xf32, #tpu.memory_space<vmem>>
      %dma_wait3A_665 = tpu.memref_squeeze %dma_wait3A_664 : memref<1x128x32xf32, #tpu.memory_space<vmem>> -> memref<128x32xf32, #tpu.memory_space<vmem>>
      %dma_wait3A_666 = arith.constant 0 : i32
      %dma_wait3A_667 = tpu.memref_slice %arg7[%add3A_660, %dma_wait3A_666] : memref<160x128xi32, #tpu.memory_space<vmem>> -> memref<1x128xi32, #tpu.memory_space<vmem>>
      %dma_wait3A_668 = tpu.memref_squeeze %dma_wait3A_667 : memref<1x128xi32, #tpu.memory_space<vmem>> -> memref<128xi32, #tpu.memory_space<vmem>>
      %dma_wait3A_669 = arith.constant 0 : i32
      %dma_wait3A_670 = arith.constant 0 : i32
      %dma_wait3A_671 = tpu.memref_slice %arg10[%dma_wait3A_669, %dma_wait3A_670] : memref<10112x32xf32, #tpu.memory_space<vmem_shared>> -> memref<10112x32xf32, #tpu.memory_space<vmem_shared>>
      tpu.wait_indirect_dma semaphore(%arg19 : memref<!tpu.dma_semaphore, #tpu.memory_space<semaphore_mem>>) src(%dma_wait3A_671 : memref<10112x32xf32, #tpu.memory_space<vmem_shared>>) dst(%dma_wait3A_665 : memref<128x32xf32, #tpu.memory_space<vmem>>)
      %add3A_672 = arith.constant 7 : i32
      %add3A_673 = arith.addi %mul3A_300, %add3A_672 : i32
      %dma_start3A_674 = arith.constant 7 : i32
      %dma_start3A_675 = arith.constant 0 : i32
      %dma_start3A_676 = arith.constant 0 : i32
      %dma_start3A_677 = tpu.memref_slice %arg9[%dma_start3A_674, %dma_start3A_675, %dma_start3A_676] : memref<10x128x32xf32, #tpu.memory_space<vmem>> -> memref<1x128x32xf32, #tpu.memory_space<vmem>>
      %dma_start3A_678 = tpu.memref_squeeze %dma_start3A_677 : memref<1x128x32xf32, #tpu.memory_space<vmem>> -> memref<128x32xf32, #tpu.memory_space<vmem>>
      %dma_start3A_679 = arith.constant 0 : i32
      %dma_start3A_680 = tpu.memref_slice %arg8[%add3A_673, %dma_start3A_679] : memref<160x128xi32, #tpu.memory_space<vmem>> -> memref<1x128xi32, #tpu.memory_space<vmem>>
      %dma_start3A_681 = tpu.memref_squeeze %dma_start3A_680 : memref<1x128xi32, #tpu.memory_space<vmem>> -> memref<128xi32, #tpu.memory_space<vmem>>
      %dma_start3A_682 = arith.constant 0 : i32
      %dma_start3A_683 = arith.constant 0 : i32
      %dma_start3A_684 = tpu.memref_slice %arg11[%dma_start3A_682, %dma_start3A_683] : memref<10112x32xf32, #tpu.memory_space<vmem_shared>> -> memref<10112x32xf32, #tpu.memory_space<vmem_shared>>
      tpu.enqueue_indirect_dma source(%dma_start3A_678 : memref<128x32xf32, #tpu.memory_space<vmem>>) target(%dma_start3A_684 : memref<10112x32xf32, #tpu.memory_space<vmem_shared>>) offsets(%dma_start3A_681 : memref<128xi32, #tpu.memory_space<vmem>>) semaphore(%arg29 : memref<!tpu.dma_semaphore, #tpu.memory_space<semaphore_mem>>) {add = true}
      %add3A_685 = arith.constant 8 : i32
      %add3A_686 = arith.addi %mul3A_300, %add3A_685 : i32
      %dma_wait3A_687 = arith.constant 8 : i32
      %dma_wait3A_688 = arith.constant 0 : i32
      %dma_wait3A_689 = arith.constant 0 : i32
      %dma_wait3A_690 = tpu.memref_slice %arg9[%dma_wait3A_687, %dma_wait3A_688, %dma_wait3A_689] : memref<10x128x32xf32, #tpu.memory_space<vmem>> -> memref<1x128x32xf32, #tpu.memory_space<vmem>>
      %dma_wait3A_691 = tpu.memref_squeeze %dma_wait3A_690 : memref<1x128x32xf32, #tpu.memory_space<vmem>> -> memref<128x32xf32, #tpu.memory_space<vmem>>
      %dma_wait3A_692 = arith.constant 0 : i32
      %dma_wait3A_693 = tpu.memref_slice %arg7[%add3A_686, %dma_wait3A_692] : memref<160x128xi32, #tpu.memory_space<vmem>> -> memref<1x128xi32, #tpu.memory_space<vmem>>
      %dma_wait3A_694 = tpu.memref_squeeze %dma_wait3A_693 : memref<1x128xi32, #tpu.memory_space<vmem>> -> memref<128xi32, #tpu.memory_space<vmem>>
      %dma_wait3A_695 = arith.constant 0 : i32
      %dma_wait3A_696 = arith.constant 0 : i32
      %dma_wait3A_697 = tpu.memref_slice %arg10[%dma_wait3A_695, %dma_wait3A_696] : memref<10112x32xf32, #tpu.memory_space<vmem_shared>> -> memref<10112x32xf32, #tpu.memory_space<vmem_shared>>
      tpu.wait_indirect_dma semaphore(%arg20 : memref<!tpu.dma_semaphore, #tpu.memory_space<semaphore_mem>>) src(%dma_wait3A_697 : memref<10112x32xf32, #tpu.memory_space<vmem_shared>>) dst(%dma_wait3A_691 : memref<128x32xf32, #tpu.memory_space<vmem>>)
      %add3A_698 = arith.constant 8 : i32
      %add3A_699 = arith.addi %mul3A_300, %add3A_698 : i32
      %dma_start3A_700 = arith.constant 8 : i32
      %dma_start3A_701 = arith.constant 0 : i32
      %dma_start3A_702 = arith.constant 0 : i32
      %dma_start3A_703 = tpu.memref_slice %arg9[%dma_start3A_700, %dma_start3A_701, %dma_start3A_702] : memref<10x128x32xf32, #tpu.memory_space<vmem>> -> memref<1x128x32xf32, #tpu.memory_space<vmem>>
      %dma_start3A_704 = tpu.memref_squeeze %dma_start3A_703 : memref<1x128x32xf32, #tpu.memory_space<vmem>> -> memref<128x32xf32, #tpu.memory_space<vmem>>
      %dma_start3A_705 = arith.constant 0 : i32
      %dma_start3A_706 = tpu.memref_slice %arg8[%add3A_699, %dma_start3A_705] : memref<160x128xi32, #tpu.memory_space<vmem>> -> memref<1x128xi32, #tpu.memory_space<vmem>>
      %dma_start3A_707 = tpu.memref_squeeze %dma_start3A_706 : memref<1x128xi32, #tpu.memory_space<vmem>> -> memref<128xi32, #tpu.memory_space<vmem>>
      %dma_start3A_708 = arith.constant 0 : i32
      %dma_start3A_709 = arith.constant 0 : i32
      %dma_start3A_710 = tpu.memref_slice %arg11[%dma_start3A_708, %dma_start3A_709] : memref<10112x32xf32, #tpu.memory_space<vmem_shared>> -> memref<10112x32xf32, #tpu.memory_space<vmem_shared>>
      tpu.enqueue_indirect_dma source(%dma_start3A_704 : memref<128x32xf32, #tpu.memory_space<vmem>>) target(%dma_start3A_710 : memref<10112x32xf32, #tpu.memory_space<vmem_shared>>) offsets(%dma_start3A_707 : memref<128xi32, #tpu.memory_space<vmem>>) semaphore(%arg30 : memref<!tpu.dma_semaphore, #tpu.memory_space<semaphore_mem>>) {add = true}
      %add3A_711 = arith.constant 9 : i32
      %add3A_712 = arith.addi %mul3A_300, %add3A_711 : i32
      %dma_wait3A_713 = arith.constant 9 : i32
      %dma_wait3A_714 = arith.constant 0 : i32
      %dma_wait3A_715 = arith.constant 0 : i32
      %dma_wait3A_716 = tpu.memref_slice %arg9[%dma_wait3A_713, %dma_wait3A_714, %dma_wait3A_715] : memref<10x128x32xf32, #tpu.memory_space<vmem>> -> memref<1x128x32xf32, #tpu.memory_space<vmem>>
      %dma_wait3A_717 = tpu.memref_squeeze %dma_wait3A_716 : memref<1x128x32xf32, #tpu.memory_space<vmem>> -> memref<128x32xf32, #tpu.memory_space<vmem>>
      %dma_wait3A_718 = arith.constant 0 : i32
      %dma_wait3A_719 = tpu.memref_slice %arg7[%add3A_712, %dma_wait3A_718] : memref<160x128xi32, #tpu.memory_space<vmem>> -> memref<1x128xi32, #tpu.memory_space<vmem>>
      %dma_wait3A_720 = tpu.memref_squeeze %dma_wait3A_719 : memref<1x128xi32, #tpu.memory_space<vmem>> -> memref<128xi32, #tpu.memory_space<vmem>>
      %dma_wait3A_721 = arith.constant 0 : i32
      %dma_wait3A_722 = arith.constant 0 : i32
      %dma_wait3A_723 = tpu.memref_slice %arg10[%dma_wait3A_721, %dma_wait3A_722] : memref<10112x32xf32, #tpu.memory_space<vmem_shared>> -> memref<10112x32xf32, #tpu.memory_space<vmem_shared>>
      tpu.wait_indirect_dma semaphore(%arg21 : memref<!tpu.dma_semaphore, #tpu.memory_space<semaphore_mem>>) src(%dma_wait3A_723 : memref<10112x32xf32, #tpu.memory_space<vmem_shared>>) dst(%dma_wait3A_717 : memref<128x32xf32, #tpu.memory_space<vmem>>)
      %add3A_724 = arith.constant 9 : i32
      %add3A_725 = arith.addi %mul3A_300, %add3A_724 : i32
      %dma_start3A_726 = arith.constant 9 : i32
      %dma_start3A_727 = arith.constant 0 : i32
      %dma_start3A_728 = arith.constant 0 : i32
      %dma_start3A_729 = tpu.memref_slice %arg9[%dma_start3A_726, %dma_start3A_727, %dma_start3A_728] : memref<10x128x32xf32, #tpu.memory_space<vmem>> -> memref<1x128x32xf32, #tpu.memory_space<vmem>>
      %dma_start3A_730 = tpu.memref_squeeze %dma_start3A_729 : memref<1x128x32xf32, #tpu.memory_space<vmem>> -> memref<128x32xf32, #tpu.memory_space<vmem>>
      %dma_start3A_731 = arith.constant 0 : i32
      %dma_start3A_732 = tpu.memref_slice %arg8[%add3A_725, %dma_start3A_731] : memref<160x128xi32, #tpu.memory_space<vmem>> -> memref<1x128xi32, #tpu.memory_space<vmem>>
      %dma_start3A_733 = tpu.memref_squeeze %dma_start3A_732 : memref<1x128xi32, #tpu.memory_space<vmem>> -> memref<128xi32, #tpu.memory_space<vmem>>
      %dma_start3A_734 = arith.constant 0 : i32
      %dma_start3A_735 = arith.constant 0 : i32
      %dma_start3A_736 = tpu.memref_slice %arg11[%dma_start3A_734, %dma_start3A_735] : memref<10112x32xf32, #tpu.memory_space<vmem_shared>> -> memref<10112x32xf32, #tpu.memory_space<vmem_shared>>
      tpu.enqueue_indirect_dma source(%dma_start3A_730 : memref<128x32xf32, #tpu.memory_space<vmem>>) target(%dma_start3A_736 : memref<10112x32xf32, #tpu.memory_space<vmem_shared>>) offsets(%dma_start3A_733 : memref<128xi32, #tpu.memory_space<vmem>>) semaphore(%arg31 : memref<!tpu.dma_semaphore, #tpu.memory_space<semaphore_mem>>) {add = true}
    }
    %scan3A_18 = arith.constant 16 : i32
    %dma_wait3A = arith.constant 0 : i32
    %dma_wait3A_19 = arith.constant 150 : i32
    %dma_wait3A_20 = arith.constant 0 : i32
    %dma_wait3A_21 = arith.constant 0 : i32
    %dma_wait3A_22 = tpu.memref_slice %arg9[%dma_wait3A, %dma_wait3A_20, %dma_wait3A_21] : memref<10x128x32xf32, #tpu.memory_space<vmem>> -> memref<1x128x32xf32, #tpu.memory_space<vmem>>
    %dma_wait3A_23 = tpu.memref_squeeze %dma_wait3A_22 : memref<1x128x32xf32, #tpu.memory_space<vmem>> -> memref<128x32xf32, #tpu.memory_space<vmem>>
    %dma_wait3A_24 = arith.constant 0 : i32
    %dma_wait3A_25 = tpu.memref_slice %arg8[%dma_wait3A_19, %dma_wait3A_24] : memref<160x128xi32, #tpu.memory_space<vmem>> -> memref<1x128xi32, #tpu.memory_space<vmem>>
    %dma_wait3A_26 = tpu.memref_squeeze %dma_wait3A_25 : memref<1x128xi32, #tpu.memory_space<vmem>> -> memref<128xi32, #tpu.memory_space<vmem>>
    %dma_wait3A_27 = arith.constant 0 : i32
    %dma_wait3A_28 = arith.constant 0 : i32
    %dma_wait3A_29 = tpu.memref_slice %arg11[%dma_wait3A_27, %dma_wait3A_28] : memref<10112x32xf32, #tpu.memory_space<vmem_shared>> -> memref<10112x32xf32, #tpu.memory_space<vmem_shared>>
    tpu.wait_indirect_dma semaphore(%arg22 : memref<!tpu.dma_semaphore, #tpu.memory_space<semaphore_mem>>) src(%dma_wait3A_23 : memref<128x32xf32, #tpu.memory_space<vmem>>) dst(%dma_wait3A_29 : memref<10112x32xf32, #tpu.memory_space<vmem_shared>>)
    %dma_wait3A_30 = arith.constant 1 : i32
    %dma_wait3A_31 = arith.constant 151 : i32
    %dma_wait3A_32 = arith.constant 0 : i32
    %dma_wait3A_33 = arith.constant 0 : i32
    %dma_wait3A_34 = tpu.memref_slice %arg9[%dma_wait3A_30, %dma_wait3A_32, %dma_wait3A_33] : memref<10x128x32xf32, #tpu.memory_space<vmem>> -> memref<1x128x32xf32, #tpu.memory_space<vmem>>
    %dma_wait3A_35 = tpu.memref_squeeze %dma_wait3A_34 : memref<1x128x32xf32, #tpu.memory_space<vmem>> -> memref<128x32xf32, #tpu.memory_space<vmem>>
    %dma_wait3A_36 = arith.constant 0 : i32
    %dma_wait3A_37 = tpu.memref_slice %arg8[%dma_wait3A_31, %dma_wait3A_36] : memref<160x128xi32, #tpu.memory_space<vmem>> -> memref<1x128xi32, #tpu.memory_space<vmem>>
    %dma_wait3A_38 = tpu.memref_squeeze %dma_wait3A_37 : memref<1x128xi32, #tpu.memory_space<vmem>> -> memref<128xi32, #tpu.memory_space<vmem>>
    %dma_wait3A_39 = arith.constant 0 : i32
    %dma_wait3A_40 = arith.constant 0 : i32
    %dma_wait3A_41 = tpu.memref_slice %arg11[%dma_wait3A_39, %dma_wait3A_40] : memref<10112x32xf32, #tpu.memory_space<vmem_shared>> -> memref<10112x32xf32, #tpu.memory_space<vmem_shared>>
    tpu.wait_indirect_dma semaphore(%arg23 : memref<!tpu.dma_semaphore, #tpu.memory_space<semaphore_mem>>) src(%dma_wait3A_35 : memref<128x32xf32, #tpu.memory_space<vmem>>) dst(%dma_wait3A_41 : memref<10112x32xf32, #tpu.memory_space<vmem_shared>>)
    %dma_wait3A_42 = arith.constant 2 : i32
    %dma_wait3A_43 = arith.constant 152 : i32
    %dma_wait3A_44 = arith.constant 0 : i32
    %dma_wait3A_45 = arith.constant 0 : i32
    %dma_wait3A_46 = tpu.memref_slice %arg9[%dma_wait3A_42, %dma_wait3A_44, %dma_wait3A_45] : memref<10x128x32xf32, #tpu.memory_space<vmem>> -> memref<1x128x32xf32, #tpu.memory_space<vmem>>
    %dma_wait3A_47 = tpu.memref_squeeze %dma_wait3A_46 : memref<1x128x32xf32, #tpu.memory_space<vmem>> -> memref<128x32xf32, #tpu.memory_space<vmem>>
    %dma_wait3A_48 = arith.constant 0 : i32
    %dma_wait3A_49 = tpu.memref_slice %arg8[%dma_wait3A_43, %dma_wait3A_48] : memref<160x128xi32, #tpu.memory_space<vmem>> -> memref<1x128xi32, #tpu.memory_space<vmem>>
    %dma_wait3A_50 = tpu.memref_squeeze %dma_wait3A_49 : memref<1x128xi32, #tpu.memory_space<vmem>> -> memref<128xi32, #tpu.memory_space<vmem>>
    %dma_wait3A_51 = arith.constant 0 : i32
    %dma_wait3A_52 = arith.constant 0 : i32
    %dma_wait3A_53 = tpu.memref_slice %arg11[%dma_wait3A_51, %dma_wait3A_52] : memref<10112x32xf32, #tpu.memory_space<vmem_shared>> -> memref<10112x32xf32, #tpu.memory_space<vmem_shared>>
    tpu.wait_indirect_dma semaphore(%arg24 : memref<!tpu.dma_semaphore, #tpu.memory_space<semaphore_mem>>) src(%dma_wait3A_47 : memref<128x32xf32, #tpu.memory_space<vmem>>) dst(%dma_wait3A_53 : memref<10112x32xf32, #tpu.memory_space<vmem_shared>>)
    %dma_wait3A_54 = arith.constant 3 : i32
    %dma_wait3A_55 = arith.constant 153 : i32
    %dma_wait3A_56 = arith.constant 0 : i32
    %dma_wait3A_57 = arith.constant 0 : i32
    %dma_wait3A_58 = tpu.memref_slice %arg9[%dma_wait3A_54, %dma_wait3A_56, %dma_wait3A_57] : memref<10x128x32xf32, #tpu.memory_space<vmem>> -> memref<1x128x32xf32, #tpu.memory_space<vmem>>
    %dma_wait3A_59 = tpu.memref_squeeze %dma_wait3A_58 : memref<1x128x32xf32, #tpu.memory_space<vmem>> -> memref<128x32xf32, #tpu.memory_space<vmem>>
    %dma_wait3A_60 = arith.constant 0 : i32
    %dma_wait3A_61 = tpu.memref_slice %arg8[%dma_wait3A_55, %dma_wait3A_60] : memref<160x128xi32, #tpu.memory_space<vmem>> -> memref<1x128xi32, #tpu.memory_space<vmem>>
    %dma_wait3A_62 = tpu.memref_squeeze %dma_wait3A_61 : memref<1x128xi32, #tpu.memory_space<vmem>> -> memref<128xi32, #tpu.memory_space<vmem>>
    %dma_wait3A_63 = arith.constant 0 : i32
    %dma_wait3A_64 = arith.constant 0 : i32
    %dma_wait3A_65 = tpu.memref_slice %arg11[%dma_wait3A_63, %dma_wait3A_64] : memref<10112x32xf32, #tpu.memory_space<vmem_shared>> -> memref<10112x32xf32, #tpu.memory_space<vmem_shared>>
    tpu.wait_indirect_dma semaphore(%arg25 : memref<!tpu.dma_semaphore, #tpu.memory_space<semaphore_mem>>) src(%dma_wait3A_59 : memref<128x32xf32, #tpu.memory_space<vmem>>) dst(%dma_wait3A_65 : memref<10112x32xf32, #tpu.memory_space<vmem_shared>>)
    %dma_wait3A_66 = arith.constant 4 : i32
    %dma_wait3A_67 = arith.constant 154 : i32
    %dma_wait3A_68 = arith.constant 0 : i32
    %dma_wait3A_69 = arith.constant 0 : i32
    %dma_wait3A_70 = tpu.memref_slice %arg9[%dma_wait3A_66, %dma_wait3A_68, %dma_wait3A_69] : memref<10x128x32xf32, #tpu.memory_space<vmem>> -> memref<1x128x32xf32, #tpu.memory_space<vmem>>
    %dma_wait3A_71 = tpu.memref_squeeze %dma_wait3A_70 : memref<1x128x32xf32, #tpu.memory_space<vmem>> -> memref<128x32xf32, #tpu.memory_space<vmem>>
    %dma_wait3A_72 = arith.constant 0 : i32
    %dma_wait3A_73 = tpu.memref_slice %arg8[%dma_wait3A_67, %dma_wait3A_72] : memref<160x128xi32, #tpu.memory_space<vmem>> -> memref<1x128xi32, #tpu.memory_space<vmem>>
    %dma_wait3A_74 = tpu.memref_squeeze %dma_wait3A_73 : memref<1x128xi32, #tpu.memory_space<vmem>> -> memref<128xi32, #tpu.memory_space<vmem>>
    %dma_wait3A_75 = arith.constant 0 : i32
    %dma_wait3A_76 = arith.constant 0 : i32
    %dma_wait3A_77 = tpu.memref_slice %arg11[%dma_wait3A_75, %dma_wait3A_76] : memref<10112x32xf32, #tpu.memory_space<vmem_shared>> -> memref<10112x32xf32, #tpu.memory_space<vmem_shared>>
    tpu.wait_indirect_dma semaphore(%arg26 : memref<!tpu.dma_semaphore, #tpu.memory_space<semaphore_mem>>) src(%dma_wait3A_71 : memref<128x32xf32, #tpu.memory_space<vmem>>) dst(%dma_wait3A_77 : memref<10112x32xf32, #tpu.memory_space<vmem_shared>>)
    %dma_wait3A_78 = arith.constant 5 : i32
    %dma_wait3A_79 = arith.constant 155 : i32
    %dma_wait3A_80 = arith.constant 0 : i32
    %dma_wait3A_81 = arith.constant 0 : i32
    %dma_wait3A_82 = tpu.memref_slice %arg9[%dma_wait3A_78, %dma_wait3A_80, %dma_wait3A_81] : memref<10x128x32xf32, #tpu.memory_space<vmem>> -> memref<1x128x32xf32, #tpu.memory_space<vmem>>
    %dma_wait3A_83 = tpu.memref_squeeze %dma_wait3A_82 : memref<1x128x32xf32, #tpu.memory_space<vmem>> -> memref<128x32xf32, #tpu.memory_space<vmem>>
    %dma_wait3A_84 = arith.constant 0 : i32
    %dma_wait3A_85 = tpu.memref_slice %arg8[%dma_wait3A_79, %dma_wait3A_84] : memref<160x128xi32, #tpu.memory_space<vmem>> -> memref<1x128xi32, #tpu.memory_space<vmem>>
    %dma_wait3A_86 = tpu.memref_squeeze %dma_wait3A_85 : memref<1x128xi32, #tpu.memory_space<vmem>> -> memref<128xi32, #tpu.memory_space<vmem>>
    %dma_wait3A_87 = arith.constant 0 : i32
    %dma_wait3A_88 = arith.constant 0 : i32
    %dma_wait3A_89 = tpu.memref_slice %arg11[%dma_wait3A_87, %dma_wait3A_88] : memref<10112x32xf32, #tpu.memory_space<vmem_shared>> -> memref<10112x32xf32, #tpu.memory_space<vmem_shared>>
    tpu.wait_indirect_dma semaphore(%arg27 : memref<!tpu.dma_semaphore, #tpu.memory_space<semaphore_mem>>) src(%dma_wait3A_83 : memref<128x32xf32, #tpu.memory_space<vmem>>) dst(%dma_wait3A_89 : memref<10112x32xf32, #tpu.memory_space<vmem_shared>>)
    %dma_wait3A_90 = arith.constant 6 : i32
    %dma_wait3A_91 = arith.constant 156 : i32
    %dma_wait3A_92 = arith.constant 0 : i32
    %dma_wait3A_93 = arith.constant 0 : i32
    %dma_wait3A_94 = tpu.memref_slice %arg9[%dma_wait3A_90, %dma_wait3A_92, %dma_wait3A_93] : memref<10x128x32xf32, #tpu.memory_space<vmem>> -> memref<1x128x32xf32, #tpu.memory_space<vmem>>
    %dma_wait3A_95 = tpu.memref_squeeze %dma_wait3A_94 : memref<1x128x32xf32, #tpu.memory_space<vmem>> -> memref<128x32xf32, #tpu.memory_space<vmem>>
    %dma_wait3A_96 = arith.constant 0 : i32
    %dma_wait3A_97 = tpu.memref_slice %arg8[%dma_wait3A_91, %dma_wait3A_96] : memref<160x128xi32, #tpu.memory_space<vmem>> -> memref<1x128xi32, #tpu.memory_space<vmem>>
    %dma_wait3A_98 = tpu.memref_squeeze %dma_wait3A_97 : memref<1x128xi32, #tpu.memory_space<vmem>> -> memref<128xi32, #tpu.memory_space<vmem>>
    %dma_wait3A_99 = arith.constant 0 : i32
    %dma_wait3A_100 = arith.constant 0 : i32
    %dma_wait3A_101 = tpu.memref_slice %arg11[%dma_wait3A_99, %dma_wait3A_100] : memref<10112x32xf32, #tpu.memory_space<vmem_shared>> -> memref<10112x32xf32, #tpu.memory_space<vmem_shared>>
    tpu.wait_indirect_dma semaphore(%arg28 : memref<!tpu.dma_semaphore, #tpu.memory_space<semaphore_mem>>) src(%dma_wait3A_95 : memref<128x32xf32, #tpu.memory_space<vmem>>) dst(%dma_wait3A_101 : memref<10112x32xf32, #tpu.memory_space<vmem_shared>>)
    %dma_wait3A_102 = arith.constant 7 : i32
    %dma_wait3A_103 = arith.constant 157 : i32
    %dma_wait3A_104 = arith.constant 0 : i32
    %dma_wait3A_105 = arith.constant 0 : i32
    %dma_wait3A_106 = tpu.memref_slice %arg9[%dma_wait3A_102, %dma_wait3A_104, %dma_wait3A_105] : memref<10x128x32xf32, #tpu.memory_space<vmem>> -> memref<1x128x32xf32, #tpu.memory_space<vmem>>
    %dma_wait3A_107 = tpu.memref_squeeze %dma_wait3A_106 : memref<1x128x32xf32, #tpu.memory_space<vmem>> -> memref<128x32xf32, #tpu.memory_space<vmem>>
    %dma_wait3A_108 = arith.constant 0 : i32
    %dma_wait3A_109 = tpu.memref_slice %arg8[%dma_wait3A_103, %dma_wait3A_108] : memref<160x128xi32, #tpu.memory_space<vmem>> -> memref<1x128xi32, #tpu.memory_space<vmem>>
    %dma_wait3A_110 = tpu.memref_squeeze %dma_wait3A_109 : memref<1x128xi32, #tpu.memory_space<vmem>> -> memref<128xi32, #tpu.memory_space<vmem>>
    %dma_wait3A_111 = arith.constant 0 : i32
    %dma_wait3A_112 = arith.constant 0 : i32
    %dma_wait3A_113 = tpu.memref_slice %arg11[%dma_wait3A_111, %dma_wait3A_112] : memref<10112x32xf32, #tpu.memory_space<vmem_shared>> -> memref<10112x32xf32, #tpu.memory_space<vmem_shared>>
    tpu.wait_indirect_dma semaphore(%arg29 : memref<!tpu.dma_semaphore, #tpu.memory_space<semaphore_mem>>) src(%dma_wait3A_107 : memref<128x32xf32, #tpu.memory_space<vmem>>) dst(%dma_wait3A_113 : memref<10112x32xf32, #tpu.memory_space<vmem_shared>>)
    %dma_wait3A_114 = arith.constant 8 : i32
    %dma_wait3A_115 = arith.constant 158 : i32
    %dma_wait3A_116 = arith.constant 0 : i32
    %dma_wait3A_117 = arith.constant 0 : i32
    %dma_wait3A_118 = tpu.memref_slice %arg9[%dma_wait3A_114, %dma_wait3A_116, %dma_wait3A_117] : memref<10x128x32xf32, #tpu.memory_space<vmem>> -> memref<1x128x32xf32, #tpu.memory_space<vmem>>
    %dma_wait3A_119 = tpu.memref_squeeze %dma_wait3A_118 : memref<1x128x32xf32, #tpu.memory_space<vmem>> -> memref<128x32xf32, #tpu.memory_space<vmem>>
    %dma_wait3A_120 = arith.constant 0 : i32
    %dma_wait3A_121 = tpu.memref_slice %arg8[%dma_wait3A_115, %dma_wait3A_120] : memref<160x128xi32, #tpu.memory_space<vmem>> -> memref<1x128xi32, #tpu.memory_space<vmem>>
    %dma_wait3A_122 = tpu.memref_squeeze %dma_wait3A_121 : memref<1x128xi32, #tpu.memory_space<vmem>> -> memref<128xi32, #tpu.memory_space<vmem>>
    %dma_wait3A_123 = arith.constant 0 : i32
    %dma_wait3A_124 = arith.constant 0 : i32
    %dma_wait3A_125 = tpu.memref_slice %arg11[%dma_wait3A_123, %dma_wait3A_124] : memref<10112x32xf32, #tpu.memory_space<vmem_shared>> -> memref<10112x32xf32, #tpu.memory_space<vmem_shared>>
    tpu.wait_indirect_dma semaphore(%arg30 : memref<!tpu.dma_semaphore, #tpu.memory_space<semaphore_mem>>) src(%dma_wait3A_119 : memref<128x32xf32, #tpu.memory_space<vmem>>) dst(%dma_wait3A_125 : memref<10112x32xf32, #tpu.memory_space<vmem_shared>>)
    %dma_wait3A_126 = arith.constant 9 : i32
    %dma_wait3A_127 = arith.constant 159 : i32
    %dma_wait3A_128 = arith.constant 0 : i32
    %dma_wait3A_129 = arith.constant 0 : i32
    %dma_wait3A_130 = tpu.memref_slice %arg9[%dma_wait3A_126, %dma_wait3A_128, %dma_wait3A_129] : memref<10x128x32xf32, #tpu.memory_space<vmem>> -> memref<1x128x32xf32, #tpu.memory_space<vmem>>
    %dma_wait3A_131 = tpu.memref_squeeze %dma_wait3A_130 : memref<1x128x32xf32, #tpu.memory_space<vmem>> -> memref<128x32xf32, #tpu.memory_space<vmem>>
    %dma_wait3A_132 = arith.constant 0 : i32
    %dma_wait3A_133 = tpu.memref_slice %arg8[%dma_wait3A_127, %dma_wait3A_132] : memref<160x128xi32, #tpu.memory_space<vmem>> -> memref<1x128xi32, #tpu.memory_space<vmem>>
    %dma_wait3A_134 = tpu.memref_squeeze %dma_wait3A_133 : memref<1x128xi32, #tpu.memory_space<vmem>> -> memref<128xi32, #tpu.memory_space<vmem>>
    %dma_wait3A_135 = arith.constant 0 : i32
    %dma_wait3A_136 = arith.constant 0 : i32
    %dma_wait3A_137 = tpu.memref_slice %arg11[%dma_wait3A_135, %dma_wait3A_136] : memref<10112x32xf32, #tpu.memory_space<vmem_shared>> -> memref<10112x32xf32, #tpu.memory_space<vmem_shared>>
    tpu.wait_indirect_dma semaphore(%arg31 : memref<!tpu.dma_semaphore, #tpu.memory_space<semaphore_mem>>) src(%dma_wait3A_131 : memref<128x32xf32, #tpu.memory_space<vmem>>) dst(%dma_wait3A_137 : memref<10112x32xf32, #tpu.memory_space<vmem_shared>>)
    %barrier3A_138 = arith.constant 0 : index
    tpu.barrier barrier_id(%barrier3A_138)
    %mul3A_139 = arith.constant 632 : i32
    %mul3A_140 = arith.muli %arg1, %mul3A_139 : i32
    %mul3A_141 = arith.constant 632 : i32
    %mul3A_142 = arith.muli %arg1, %mul3A_141 : i32
    %mul3A_143 = arith.constant 32 : i32
    %mul3A_144 = arith.muli %add3A_1, %mul3A_143 : i32
    "tpu.region"() ({
      %run_scoped3A_298 = tpu.sem_alloc : memref<!tpu.dma_semaphore, #tpu.memory_space<semaphore_mem>>
      %dma_start3A = tpu.memref_slice %arg6[%mul3A_142, %mul3A_144] : memref<10112x128xf32, #tpu.memory_space<hbm>> -> memref<632x32xf32, #tpu.memory_space<hbm>>
      %dma_start3A_299 = arith.constant 0 : i32
      %dma_start3A_300 = tpu.memref_slice %arg11[%mul3A_140, %dma_start3A_299] : memref<10112x32xf32, #tpu.memory_space<vmem_shared>> -> memref<632x32xf32, #tpu.memory_space<vmem_shared>>
      tpu.enqueue_dma source(%dma_start3A_300 : memref<632x32xf32, #tpu.memory_space<vmem_shared>>) target(%dma_start3A : memref<632x32xf32, #tpu.memory_space<hbm>>) target_semaphore(%run_scoped3A_298 : memref<!tpu.dma_semaphore, #tpu.memory_space<semaphore_mem>>)
      %dma_wait3A_301 = tpu.memref_slice %arg6[%mul3A_142, %mul3A_144] : memref<10112x128xf32, #tpu.memory_space<hbm>> -> memref<632x32xf32, #tpu.memory_space<hbm>>
      %dma_wait3A_302 = arith.constant 0 : i32
      %dma_wait3A_303 = tpu.memref_slice %arg11[%mul3A_140, %dma_wait3A_302] : memref<10112x32xf32, #tpu.memory_space<vmem_shared>> -> memref<632x32xf32, #tpu.memory_space<vmem_shared>>
      tpu.wait_dma2 semaphore(%run_scoped3A_298 : memref<!tpu.dma_semaphore, #tpu.memory_space<semaphore_mem>>) src(%dma_wait3A_303 : memref<632x32xf32, #tpu.memory_space<vmem_shared>>) dst(%dma_wait3A_301 : memref<632x32xf32, #tpu.memory_space<hbm>>)
      tpu.yield
    }) : () -> ()
    %barrier3A_145 = arith.constant 0 : index
    tpu.barrier barrier_id(%barrier3A_145)
    %mul3A_146 = arith.constant 2 : i32
    %mul3A_147 = arith.muli %arg0, %mul3A_146 : i32
    %add3A_148 = arith.constant 1 : i32
    %add3A_149 = arith.addi %mul3A_147, %add3A_148 : i32
    %mul3A_150 = arith.constant 632 : i32
    %mul3A_151 = arith.muli %arg1, %mul3A_150 : i32
    %mul3A_152 = arith.constant 32 : i32
    %mul3A_153 = arith.muli %add3A_149, %mul3A_152 : i32
    %mul3A_154 = arith.constant 632 : i32
    %mul3A_155 = arith.muli %arg1, %mul3A_154 : i32
    "tpu.region"() ({
      %run_scoped3A_298 = tpu.sem_alloc : memref<!tpu.dma_semaphore, #tpu.memory_space<semaphore_mem>>
      %dma_start3A = arith.constant 0 : i32
      %dma_start3A_299 = tpu.memref_slice %arg10[%mul3A_155, %dma_start3A] : memref<10112x32xf32, #tpu.memory_space<vmem_shared>> -> memref<632x32xf32, #tpu.memory_space<vmem_shared>>
      %dma_start3A_300 = tpu.memref_slice %arg2[%mul3A_151, %mul3A_153] : memref<10112x128xf32, #tpu.memory_space<hbm>> -> memref<632x32xf32, #tpu.memory_space<hbm>>
      tpu.enqueue_dma source(%dma_start3A_300 : memref<632x32xf32, #tpu.memory_space<hbm>>) target(%dma_start3A_299 : memref<632x32xf32, #tpu.memory_space<vmem_shared>>) target_semaphore(%run_scoped3A_298 : memref<!tpu.dma_semaphore, #tpu.memory_space<semaphore_mem>>)
      %dma_wait3A_301 = arith.constant 0 : i32
      %dma_wait3A_302 = tpu.memref_slice %arg10[%mul3A_155, %dma_wait3A_301] : memref<10112x32xf32, #tpu.memory_space<vmem_shared>> -> memref<632x32xf32, #tpu.memory_space<vmem_shared>>
      %dma_wait3A_303 = tpu.memref_slice %arg2[%mul3A_151, %mul3A_153] : memref<10112x128xf32, #tpu.memory_space<hbm>> -> memref<632x32xf32, #tpu.memory_space<hbm>>
      tpu.wait_dma2 semaphore(%run_scoped3A_298 : memref<!tpu.dma_semaphore, #tpu.memory_space<semaphore_mem>>) src(%dma_wait3A_303 : memref<632x32xf32, #tpu.memory_space<hbm>>) dst(%dma_wait3A_302 : memref<632x32xf32, #tpu.memory_space<vmem_shared>>)
      tpu.yield
    }) : () -> ()
    %run_scoped3A_156 = arith.constant 0 : i32
    "tpu.region"() ({
      %run_scoped3A_298 = tpu.sem_alloc : memref<!tpu.dma_semaphore, #tpu.memory_space<semaphore_mem>>
      %dma_start3A = arith.constant 0 : i32
      %dma_start3A_299 = arith.constant 0 : i32
      %dma_start3A_300 = tpu.memref_slice %arg9[%run_scoped3A_156, %dma_start3A, %dma_start3A_299] : memref<10x128x32xf32, #tpu.memory_space<vmem>> -> memref<1x128x32xf32, #tpu.memory_space<vmem>>
      %dma_start3A_301 = tpu.memref_squeeze %dma_start3A_300 : memref<1x128x32xf32, #tpu.memory_space<vmem>> -> memref<128x32xf32, #tpu.memory_space<vmem>>
      %dma_start3A_302 = arith.constant 0 : i32
      %dma_start3A_303 = arith.constant 0 : i32
      %dma_start3A_304 = tpu.memref_slice %arg9[%run_scoped3A_156, %dma_start3A_302, %dma_start3A_303] : memref<10x128x32xf32, #tpu.memory_space<vmem>> -> memref<1x128x32xf32, #tpu.memory_space<vmem>>
      %dma_start3A_305 = tpu.memref_squeeze %dma_start3A_304 : memref<1x128x32xf32, #tpu.memory_space<vmem>> -> memref<128x32xf32, #tpu.memory_space<vmem>>
      tpu.enqueue_dma source(%arg5 : memref<128x32xf32, #tpu.memory_space<hbm>>) target(%dma_start3A_305 : memref<128x32xf32, #tpu.memory_space<vmem>>) target_semaphore(%run_scoped3A_298 : memref<!tpu.dma_semaphore, #tpu.memory_space<semaphore_mem>>)
      %dma_wait3A_306 = arith.constant 0 : i32
      %dma_wait3A_307 = arith.constant 0 : i32
      %dma_wait3A_308 = tpu.memref_slice %arg9[%run_scoped3A_156, %dma_wait3A_306, %dma_wait3A_307] : memref<10x128x32xf32, #tpu.memory_space<vmem>> -> memref<1x128x32xf32, #tpu.memory_space<vmem>>
      %dma_wait3A_309 = tpu.memref_squeeze %dma_wait3A_308 : memref<1x128x32xf32, #tpu.memory_space<vmem>> -> memref<128x32xf32, #tpu.memory_space<vmem>>
      %dma_wait3A_310 = arith.constant 0 : i32
      %dma_wait3A_311 = arith.constant 0 : i32
      %dma_wait3A_312 = tpu.memref_slice %arg9[%run_scoped3A_156, %dma_wait3A_310, %dma_wait3A_311] : memref<10x128x32xf32, #tpu.memory_space<vmem>> -> memref<1x128x32xf32, #tpu.memory_space<vmem>>
      %dma_wait3A_313 = tpu.memref_squeeze %dma_wait3A_312 : memref<1x128x32xf32, #tpu.memory_space<vmem>> -> memref<128x32xf32, #tpu.memory_space<vmem>>
      tpu.wait_dma2 semaphore(%run_scoped3A_298 : memref<!tpu.dma_semaphore, #tpu.memory_space<semaphore_mem>>) src(%arg5 : memref<128x32xf32, #tpu.memory_space<hbm>>) dst(%dma_wait3A_313 : memref<128x32xf32, #tpu.memory_space<vmem>>)
      tpu.yield
    }) : () -> ()
    %scan3A_157 = arith.constant 0 : i32
    %scan3A_158 = arith.constant 0 : i32
    %scan3A_159 = arith.constant 5 : i32
    %scan3A_160 = arith.addi %scan3A_158, %scan3A_159 : i32
    %scan3A_161 = arith.constant 1 : i32
    scf.for %scan3A_298 = %scan3A_158 to %scan3A_160 step %scan3A_161  : i32 {
      %mul3A_299 = arith.constant 16 : i32
      %mul3A_300 = arith.muli %scan3A_298, %mul3A_299 : i32
      %add3A_301 = arith.addi %arg1, %mul3A_300 : i32
      %lt3A = arith.constant 79 : i32
      %lt3A_302 = arith.cmpi slt, %add3A_301, %lt3A : i32
      %convert_element_type3A = arith.extui %lt3A_302 : i1 to i32
      %cond3A = arith.constant 0 : i32
      %cond3A_303 = arith.cmpi ne, %convert_element_type3A, %cond3A : i32
      scf.if %cond3A_303 {
        %mul3A_304 = arith.constant 128 : i32
        %mul3A_305 = arith.muli %add3A_301, %mul3A_304 : i32
        %run_scoped3A_306 = arith.constant 0 : i32
        "tpu.region"() ({
          %run_scoped3A_307 = tpu.sem_alloc : memref<!tpu.dma_semaphore, #tpu.memory_space<semaphore_mem>>
          %dma_start3A = arith.constant 0 : i32
          %dma_start3A_308 = arith.constant 0 : i32
          %dma_start3A_309 = tpu.memref_slice %arg9[%run_scoped3A_306, %dma_start3A, %dma_start3A_308] : memref<10x128x32xf32, #tpu.memory_space<vmem>> -> memref<1x128x32xf32, #tpu.memory_space<vmem>>
          %dma_start3A_310 = tpu.memref_squeeze %dma_start3A_309 : memref<1x128x32xf32, #tpu.memory_space<vmem>> -> memref<128x32xf32, #tpu.memory_space<vmem>>
          %dma_start3A_311 = arith.constant 0 : i32
          %dma_start3A_312 = tpu.memref_slice %arg11[%mul3A_305, %dma_start3A_311] : memref<10112x32xf32, #tpu.memory_space<vmem_shared>> -> memref<128x32xf32, #tpu.memory_space<vmem_shared>>
          %dma_start3A_313 = arith.constant 0 : i32
          %dma_start3A_314 = tpu.memref_slice %arg11[%mul3A_305, %dma_start3A_313] : memref<10112x32xf32, #tpu.memory_space<vmem_shared>> -> memref<128x32xf32, #tpu.memory_space<vmem_shared>>
          %dma_start3A_315 = arith.constant 0 : i32
          %dma_start3A_316 = arith.constant 0 : i32
          %dma_start3A_317 = tpu.memref_slice %arg9[%run_scoped3A_306, %dma_start3A_315, %dma_start3A_316] : memref<10x128x32xf32, #tpu.memory_space<vmem>> -> memref<1x128x32xf32, #tpu.memory_space<vmem>>
          %dma_start3A_318 = tpu.memref_squeeze %dma_start3A_317 : memref<1x128x32xf32, #tpu.memory_space<vmem>> -> memref<128x32xf32, #tpu.memory_space<vmem>>
          tpu.enqueue_dma source(%dma_start3A_318 : memref<128x32xf32, #tpu.memory_space<vmem>>) target(%dma_start3A_314 : memref<128x32xf32, #tpu.memory_space<vmem_shared>>) target_semaphore(%run_scoped3A_307 : memref<!tpu.dma_semaphore, #tpu.memory_space<semaphore_mem>>)
          %dma_wait3A_319 = arith.constant 0 : i32
          %dma_wait3A_320 = arith.constant 0 : i32
          %dma_wait3A_321 = tpu.memref_slice %arg9[%run_scoped3A_306, %dma_wait3A_319, %dma_wait3A_320] : memref<10x128x32xf32, #tpu.memory_space<vmem>> -> memref<1x128x32xf32, #tpu.memory_space<vmem>>
          %dma_wait3A_322 = tpu.memref_squeeze %dma_wait3A_321 : memref<1x128x32xf32, #tpu.memory_space<vmem>> -> memref<128x32xf32, #tpu.memory_space<vmem>>
          %dma_wait3A_323 = arith.constant 0 : i32
          %dma_wait3A_324 = tpu.memref_slice %arg11[%mul3A_305, %dma_wait3A_323] : memref<10112x32xf32, #tpu.memory_space<vmem_shared>> -> memref<128x32xf32, #tpu.memory_space<vmem_shared>>
          %dma_wait3A_325 = arith.constant 0 : i32
          %dma_wait3A_326 = tpu.memref_slice %arg11[%mul3A_305, %dma_wait3A_325] : memref<10112x32xf32, #tpu.memory_space<vmem_shared>> -> memref<128x32xf32, #tpu.memory_space<vmem_shared>>
          %dma_wait3A_327 = arith.constant 0 : i32
          %dma_wait3A_328 = arith.constant 0 : i32
          %dma_wait3A_329 = tpu.memref_slice %arg9[%run_scoped3A_306, %dma_wait3A_327, %dma_wait3A_328] : memref<10x128x32xf32, #tpu.memory_space<vmem>> -> memref<1x128x32xf32, #tpu.memory_space<vmem>>
          %dma_wait3A_330 = tpu.memref_squeeze %dma_wait3A_329 : memref<1x128x32xf32, #tpu.memory_space<vmem>> -> memref<128x32xf32, #tpu.memory_space<vmem>>
          tpu.wait_dma2 semaphore(%run_scoped3A_307 : memref<!tpu.dma_semaphore, #tpu.memory_space<semaphore_mem>>) src(%dma_wait3A_330 : memref<128x32xf32, #tpu.memory_space<vmem>>) dst(%dma_wait3A_326 : memref<128x32xf32, #tpu.memory_space<vmem_shared>>)
          tpu.yield
        }) : () -> ()
      } else {
      }
    }
    %scan3A_162 = arith.constant 5 : i32
    %barrier3A_163 = arith.constant 0 : index
    tpu.barrier barrier_id(%barrier3A_163)
    %scan3A_164 = arith.constant 0 : i32
    %scan3A_165 = arith.constant 0 : i32
    %scan3A_166 = arith.constant 16 : i32
    %scan3A_167 = arith.addi %scan3A_165, %scan3A_166 : i32
    %scan3A_168 = arith.constant 1 : i32
    scf.for %scan3A_298 = %scan3A_165 to %scan3A_167 step %scan3A_168  : i32 {
      %mul3A_299 = arith.constant 10 : i32
      %mul3A_300 = arith.muli %scan3A_298, %mul3A_299 : i32
      %gt3A = arith.constant 0 : i32
      %gt3A_301 = arith.cmpi sgt, %scan3A_298, %gt3A : i32
      %convert_element_type3A = arith.extui %gt3A_301 : i1 to i32
      %cond3A = arith.constant 0 : i32
      %cond3A_302 = arith.cmpi ne, %convert_element_type3A, %cond3A : i32
      scf.if %cond3A_302 {
        %sub3A = arith.constant 10 : i32
        %sub3A_737 = arith.subi %mul3A_300, %sub3A : i32
        %add3A_738 = arith.constant 0 : i32
        %add3A_739 = arith.addi %sub3A_737, %add3A_738 : i32
        %dma_wait3A_740 = arith.constant 0 : i32
        %dma_wait3A_741 = arith.constant 0 : i32
        %dma_wait3A_742 = arith.constant 0 : i32
        %dma_wait3A_743 = tpu.memref_slice %arg9[%dma_wait3A_740, %dma_wait3A_741, %dma_wait3A_742] : memref<10x128x32xf32, #tpu.memory_space<vmem>> -> memref<1x128x32xf32, #tpu.memory_space<vmem>>
        %dma_wait3A_744 = tpu.memref_squeeze %dma_wait3A_743 : memref<1x128x32xf32, #tpu.memory_space<vmem>> -> memref<128x32xf32, #tpu.memory_space<vmem>>
        %dma_wait3A_745 = arith.constant 0 : i32
        %dma_wait3A_746 = tpu.memref_slice %arg8[%add3A_739, %dma_wait3A_745] : memref<160x128xi32, #tpu.memory_space<vmem>> -> memref<1x128xi32, #tpu.memory_space<vmem>>
        %dma_wait3A_747 = tpu.memref_squeeze %dma_wait3A_746 : memref<1x128xi32, #tpu.memory_space<vmem>> -> memref<128xi32, #tpu.memory_space<vmem>>
        %dma_wait3A_748 = arith.constant 0 : i32
        %dma_wait3A_749 = arith.constant 0 : i32
        %dma_wait3A_750 = tpu.memref_slice %arg11[%dma_wait3A_748, %dma_wait3A_749] : memref<10112x32xf32, #tpu.memory_space<vmem_shared>> -> memref<10112x32xf32, #tpu.memory_space<vmem_shared>>
        tpu.wait_indirect_dma semaphore(%arg22 : memref<!tpu.dma_semaphore, #tpu.memory_space<semaphore_mem>>) src(%dma_wait3A_744 : memref<128x32xf32, #tpu.memory_space<vmem>>) dst(%dma_wait3A_750 : memref<10112x32xf32, #tpu.memory_space<vmem_shared>>)
      } else {
      }
      %add3A_303 = arith.constant 0 : i32
      %add3A_304 = arith.addi %mul3A_300, %add3A_303 : i32
      %dma_start3A = arith.constant 0 : i32
      %dma_start3A_305 = arith.constant 0 : i32
      %dma_start3A_306 = arith.constant 0 : i32
      %dma_start3A_307 = tpu.memref_slice %arg9[%dma_start3A, %dma_start3A_305, %dma_start3A_306] : memref<10x128x32xf32, #tpu.memory_space<vmem>> -> memref<1x128x32xf32, #tpu.memory_space<vmem>>
      %dma_start3A_308 = tpu.memref_squeeze %dma_start3A_307 : memref<1x128x32xf32, #tpu.memory_space<vmem>> -> memref<128x32xf32, #tpu.memory_space<vmem>>
      %dma_start3A_309 = arith.constant 0 : i32
      %dma_start3A_310 = tpu.memref_slice %arg7[%add3A_304, %dma_start3A_309] : memref<160x128xi32, #tpu.memory_space<vmem>> -> memref<1x128xi32, #tpu.memory_space<vmem>>
      %dma_start3A_311 = tpu.memref_squeeze %dma_start3A_310 : memref<1x128xi32, #tpu.memory_space<vmem>> -> memref<128xi32, #tpu.memory_space<vmem>>
      %dma_start3A_312 = arith.constant 0 : i32
      %dma_start3A_313 = arith.constant 0 : i32
      %dma_start3A_314 = tpu.memref_slice %arg10[%dma_start3A_312, %dma_start3A_313] : memref<10112x32xf32, #tpu.memory_space<vmem_shared>> -> memref<10112x32xf32, #tpu.memory_space<vmem_shared>>
      tpu.enqueue_indirect_dma source(%dma_start3A_314 : memref<10112x32xf32, #tpu.memory_space<vmem_shared>>) target(%dma_start3A_308 : memref<128x32xf32, #tpu.memory_space<vmem>>) offsets(%dma_start3A_311 : memref<128xi32, #tpu.memory_space<vmem>>) semaphore(%arg12 : memref<!tpu.dma_semaphore, #tpu.memory_space<semaphore_mem>>)
      %gt3A_315 = arith.constant 0 : i32
      %gt3A_316 = arith.cmpi sgt, %scan3A_298, %gt3A_315 : i32
      %convert_element_type3A_317 = arith.extui %gt3A_316 : i1 to i32
      %cond3A_318 = arith.constant 0 : i32
      %cond3A_319 = arith.cmpi ne, %convert_element_type3A_317, %cond3A_318 : i32
      scf.if %cond3A_319 {
        %sub3A = arith.constant 10 : i32
        %sub3A_737 = arith.subi %mul3A_300, %sub3A : i32
        %add3A_738 = arith.constant 1 : i32
        %add3A_739 = arith.addi %sub3A_737, %add3A_738 : i32
        %dma_wait3A_740 = arith.constant 1 : i32
        %dma_wait3A_741 = arith.constant 0 : i32
        %dma_wait3A_742 = arith.constant 0 : i32
        %dma_wait3A_743 = tpu.memref_slice %arg9[%dma_wait3A_740, %dma_wait3A_741, %dma_wait3A_742] : memref<10x128x32xf32, #tpu.memory_space<vmem>> -> memref<1x128x32xf32, #tpu.memory_space<vmem>>
        %dma_wait3A_744 = tpu.memref_squeeze %dma_wait3A_743 : memref<1x128x32xf32, #tpu.memory_space<vmem>> -> memref<128x32xf32, #tpu.memory_space<vmem>>
        %dma_wait3A_745 = arith.constant 0 : i32
        %dma_wait3A_746 = tpu.memref_slice %arg8[%add3A_739, %dma_wait3A_745] : memref<160x128xi32, #tpu.memory_space<vmem>> -> memref<1x128xi32, #tpu.memory_space<vmem>>
        %dma_wait3A_747 = tpu.memref_squeeze %dma_wait3A_746 : memref<1x128xi32, #tpu.memory_space<vmem>> -> memref<128xi32, #tpu.memory_space<vmem>>
        %dma_wait3A_748 = arith.constant 0 : i32
        %dma_wait3A_749 = arith.constant 0 : i32
        %dma_wait3A_750 = tpu.memref_slice %arg11[%dma_wait3A_748, %dma_wait3A_749] : memref<10112x32xf32, #tpu.memory_space<vmem_shared>> -> memref<10112x32xf32, #tpu.memory_space<vmem_shared>>
        tpu.wait_indirect_dma semaphore(%arg23 : memref<!tpu.dma_semaphore, #tpu.memory_space<semaphore_mem>>) src(%dma_wait3A_744 : memref<128x32xf32, #tpu.memory_space<vmem>>) dst(%dma_wait3A_750 : memref<10112x32xf32, #tpu.memory_space<vmem_shared>>)
      } else {
      }
      %add3A_320 = arith.constant 1 : i32
      %add3A_321 = arith.addi %mul3A_300, %add3A_320 : i32
      %dma_start3A_322 = arith.constant 1 : i32
      %dma_start3A_323 = arith.constant 0 : i32
      %dma_start3A_324 = arith.constant 0 : i32
      %dma_start3A_325 = tpu.memref_slice %arg9[%dma_start3A_322, %dma_start3A_323, %dma_start3A_324] : memref<10x128x32xf32, #tpu.memory_space<vmem>> -> memref<1x128x32xf32, #tpu.memory_space<vmem>>
      %dma_start3A_326 = tpu.memref_squeeze %dma_start3A_325 : memref<1x128x32xf32, #tpu.memory_space<vmem>> -> memref<128x32xf32, #tpu.memory_space<vmem>>
      %dma_start3A_327 = arith.constant 0 : i32
      %dma_start3A_328 = tpu.memref_slice %arg7[%add3A_321, %dma_start3A_327] : memref<160x128xi32, #tpu.memory_space<vmem>> -> memref<1x128xi32, #tpu.memory_space<vmem>>
      %dma_start3A_329 = tpu.memref_squeeze %dma_start3A_328 : memref<1x128xi32, #tpu.memory_space<vmem>> -> memref<128xi32, #tpu.memory_space<vmem>>
      %dma_start3A_330 = arith.constant 0 : i32
      %dma_start3A_331 = arith.constant 0 : i32
      %dma_start3A_332 = tpu.memref_slice %arg10[%dma_start3A_330, %dma_start3A_331] : memref<10112x32xf32, #tpu.memory_space<vmem_shared>> -> memref<10112x32xf32, #tpu.memory_space<vmem_shared>>
      tpu.enqueue_indirect_dma source(%dma_start3A_332 : memref<10112x32xf32, #tpu.memory_space<vmem_shared>>) target(%dma_start3A_326 : memref<128x32xf32, #tpu.memory_space<vmem>>) offsets(%dma_start3A_329 : memref<128xi32, #tpu.memory_space<vmem>>) semaphore(%arg13 : memref<!tpu.dma_semaphore, #tpu.memory_space<semaphore_mem>>)
      %gt3A_333 = arith.constant 0 : i32
      %gt3A_334 = arith.cmpi sgt, %scan3A_298, %gt3A_333 : i32
      %convert_element_type3A_335 = arith.extui %gt3A_334 : i1 to i32
      %cond3A_336 = arith.constant 0 : i32
      %cond3A_337 = arith.cmpi ne, %convert_element_type3A_335, %cond3A_336 : i32
      scf.if %cond3A_337 {
        %sub3A = arith.constant 10 : i32
        %sub3A_737 = arith.subi %mul3A_300, %sub3A : i32
        %add3A_738 = arith.constant 2 : i32
        %add3A_739 = arith.addi %sub3A_737, %add3A_738 : i32
        %dma_wait3A_740 = arith.constant 2 : i32
        %dma_wait3A_741 = arith.constant 0 : i32
        %dma_wait3A_742 = arith.constant 0 : i32
        %dma_wait3A_743 = tpu.memref_slice %arg9[%dma_wait3A_740, %dma_wait3A_741, %dma_wait3A_742] : memref<10x128x32xf32, #tpu.memory_space<vmem>> -> memref<1x128x32xf32, #tpu.memory_space<vmem>>
        %dma_wait3A_744 = tpu.memref_squeeze %dma_wait3A_743 : memref<1x128x32xf32, #tpu.memory_space<vmem>> -> memref<128x32xf32, #tpu.memory_space<vmem>>
        %dma_wait3A_745 = arith.constant 0 : i32
        %dma_wait3A_746 = tpu.memref_slice %arg8[%add3A_739, %dma_wait3A_745] : memref<160x128xi32, #tpu.memory_space<vmem>> -> memref<1x128xi32, #tpu.memory_space<vmem>>
        %dma_wait3A_747 = tpu.memref_squeeze %dma_wait3A_746 : memref<1x128xi32, #tpu.memory_space<vmem>> -> memref<128xi32, #tpu.memory_space<vmem>>
        %dma_wait3A_748 = arith.constant 0 : i32
        %dma_wait3A_749 = arith.constant 0 : i32
        %dma_wait3A_750 = tpu.memref_slice %arg11[%dma_wait3A_748, %dma_wait3A_749] : memref<10112x32xf32, #tpu.memory_space<vmem_shared>> -> memref<10112x32xf32, #tpu.memory_space<vmem_shared>>
        tpu.wait_indirect_dma semaphore(%arg24 : memref<!tpu.dma_semaphore, #tpu.memory_space<semaphore_mem>>) src(%dma_wait3A_744 : memref<128x32xf32, #tpu.memory_space<vmem>>) dst(%dma_wait3A_750 : memref<10112x32xf32, #tpu.memory_space<vmem_shared>>)
      } else {
      }
      %add3A_338 = arith.constant 2 : i32
      %add3A_339 = arith.addi %mul3A_300, %add3A_338 : i32
      %dma_start3A_340 = arith.constant 2 : i32
      %dma_start3A_341 = arith.constant 0 : i32
      %dma_start3A_342 = arith.constant 0 : i32
      %dma_start3A_343 = tpu.memref_slice %arg9[%dma_start3A_340, %dma_start3A_341, %dma_start3A_342] : memref<10x128x32xf32, #tpu.memory_space<vmem>> -> memref<1x128x32xf32, #tpu.memory_space<vmem>>
      %dma_start3A_344 = tpu.memref_squeeze %dma_start3A_343 : memref<1x128x32xf32, #tpu.memory_space<vmem>> -> memref<128x32xf32, #tpu.memory_space<vmem>>
      %dma_start3A_345 = arith.constant 0 : i32
      %dma_start3A_346 = tpu.memref_slice %arg7[%add3A_339, %dma_start3A_345] : memref<160x128xi32, #tpu.memory_space<vmem>> -> memref<1x128xi32, #tpu.memory_space<vmem>>
      %dma_start3A_347 = tpu.memref_squeeze %dma_start3A_346 : memref<1x128xi32, #tpu.memory_space<vmem>> -> memref<128xi32, #tpu.memory_space<vmem>>
      %dma_start3A_348 = arith.constant 0 : i32
      %dma_start3A_349 = arith.constant 0 : i32
      %dma_start3A_350 = tpu.memref_slice %arg10[%dma_start3A_348, %dma_start3A_349] : memref<10112x32xf32, #tpu.memory_space<vmem_shared>> -> memref<10112x32xf32, #tpu.memory_space<vmem_shared>>
      tpu.enqueue_indirect_dma source(%dma_start3A_350 : memref<10112x32xf32, #tpu.memory_space<vmem_shared>>) target(%dma_start3A_344 : memref<128x32xf32, #tpu.memory_space<vmem>>) offsets(%dma_start3A_347 : memref<128xi32, #tpu.memory_space<vmem>>) semaphore(%arg14 : memref<!tpu.dma_semaphore, #tpu.memory_space<semaphore_mem>>)
      %gt3A_351 = arith.constant 0 : i32
      %gt3A_352 = arith.cmpi sgt, %scan3A_298, %gt3A_351 : i32
      %convert_element_type3A_353 = arith.extui %gt3A_352 : i1 to i32
      %cond3A_354 = arith.constant 0 : i32
      %cond3A_355 = arith.cmpi ne, %convert_element_type3A_353, %cond3A_354 : i32
      scf.if %cond3A_355 {
        %sub3A = arith.constant 10 : i32
        %sub3A_737 = arith.subi %mul3A_300, %sub3A : i32
        %add3A_738 = arith.constant 3 : i32
        %add3A_739 = arith.addi %sub3A_737, %add3A_738 : i32
        %dma_wait3A_740 = arith.constant 3 : i32
        %dma_wait3A_741 = arith.constant 0 : i32
        %dma_wait3A_742 = arith.constant 0 : i32
        %dma_wait3A_743 = tpu.memref_slice %arg9[%dma_wait3A_740, %dma_wait3A_741, %dma_wait3A_742] : memref<10x128x32xf32, #tpu.memory_space<vmem>> -> memref<1x128x32xf32, #tpu.memory_space<vmem>>
        %dma_wait3A_744 = tpu.memref_squeeze %dma_wait3A_743 : memref<1x128x32xf32, #tpu.memory_space<vmem>> -> memref<128x32xf32, #tpu.memory_space<vmem>>
        %dma_wait3A_745 = arith.constant 0 : i32
        %dma_wait3A_746 = tpu.memref_slice %arg8[%add3A_739, %dma_wait3A_745] : memref<160x128xi32, #tpu.memory_space<vmem>> -> memref<1x128xi32, #tpu.memory_space<vmem>>
        %dma_wait3A_747 = tpu.memref_squeeze %dma_wait3A_746 : memref<1x128xi32, #tpu.memory_space<vmem>> -> memref<128xi32, #tpu.memory_space<vmem>>
        %dma_wait3A_748 = arith.constant 0 : i32
        %dma_wait3A_749 = arith.constant 0 : i32
        %dma_wait3A_750 = tpu.memref_slice %arg11[%dma_wait3A_748, %dma_wait3A_749] : memref<10112x32xf32, #tpu.memory_space<vmem_shared>> -> memref<10112x32xf32, #tpu.memory_space<vmem_shared>>
        tpu.wait_indirect_dma semaphore(%arg25 : memref<!tpu.dma_semaphore, #tpu.memory_space<semaphore_mem>>) src(%dma_wait3A_744 : memref<128x32xf32, #tpu.memory_space<vmem>>) dst(%dma_wait3A_750 : memref<10112x32xf32, #tpu.memory_space<vmem_shared>>)
      } else {
      }
      %add3A_356 = arith.constant 3 : i32
      %add3A_357 = arith.addi %mul3A_300, %add3A_356 : i32
      %dma_start3A_358 = arith.constant 3 : i32
      %dma_start3A_359 = arith.constant 0 : i32
      %dma_start3A_360 = arith.constant 0 : i32
      %dma_start3A_361 = tpu.memref_slice %arg9[%dma_start3A_358, %dma_start3A_359, %dma_start3A_360] : memref<10x128x32xf32, #tpu.memory_space<vmem>> -> memref<1x128x32xf32, #tpu.memory_space<vmem>>
      %dma_start3A_362 = tpu.memref_squeeze %dma_start3A_361 : memref<1x128x32xf32, #tpu.memory_space<vmem>> -> memref<128x32xf32, #tpu.memory_space<vmem>>
      %dma_start3A_363 = arith.constant 0 : i32
      %dma_start3A_364 = tpu.memref_slice %arg7[%add3A_357, %dma_start3A_363] : memref<160x128xi32, #tpu.memory_space<vmem>> -> memref<1x128xi32, #tpu.memory_space<vmem>>
      %dma_start3A_365 = tpu.memref_squeeze %dma_start3A_364 : memref<1x128xi32, #tpu.memory_space<vmem>> -> memref<128xi32, #tpu.memory_space<vmem>>
      %dma_start3A_366 = arith.constant 0 : i32
      %dma_start3A_367 = arith.constant 0 : i32
      %dma_start3A_368 = tpu.memref_slice %arg10[%dma_start3A_366, %dma_start3A_367] : memref<10112x32xf32, #tpu.memory_space<vmem_shared>> -> memref<10112x32xf32, #tpu.memory_space<vmem_shared>>
      tpu.enqueue_indirect_dma source(%dma_start3A_368 : memref<10112x32xf32, #tpu.memory_space<vmem_shared>>) target(%dma_start3A_362 : memref<128x32xf32, #tpu.memory_space<vmem>>) offsets(%dma_start3A_365 : memref<128xi32, #tpu.memory_space<vmem>>) semaphore(%arg15 : memref<!tpu.dma_semaphore, #tpu.memory_space<semaphore_mem>>)
      %gt3A_369 = arith.constant 0 : i32
      %gt3A_370 = arith.cmpi sgt, %scan3A_298, %gt3A_369 : i32
      %convert_element_type3A_371 = arith.extui %gt3A_370 : i1 to i32
      %cond3A_372 = arith.constant 0 : i32
      %cond3A_373 = arith.cmpi ne, %convert_element_type3A_371, %cond3A_372 : i32
      scf.if %cond3A_373 {
        %sub3A = arith.constant 10 : i32
        %sub3A_737 = arith.subi %mul3A_300, %sub3A : i32
        %add3A_738 = arith.constant 4 : i32
        %add3A_739 = arith.addi %sub3A_737, %add3A_738 : i32
        %dma_wait3A_740 = arith.constant 4 : i32
        %dma_wait3A_741 = arith.constant 0 : i32
        %dma_wait3A_742 = arith.constant 0 : i32
        %dma_wait3A_743 = tpu.memref_slice %arg9[%dma_wait3A_740, %dma_wait3A_741, %dma_wait3A_742] : memref<10x128x32xf32, #tpu.memory_space<vmem>> -> memref<1x128x32xf32, #tpu.memory_space<vmem>>
        %dma_wait3A_744 = tpu.memref_squeeze %dma_wait3A_743 : memref<1x128x32xf32, #tpu.memory_space<vmem>> -> memref<128x32xf32, #tpu.memory_space<vmem>>
        %dma_wait3A_745 = arith.constant 0 : i32
        %dma_wait3A_746 = tpu.memref_slice %arg8[%add3A_739, %dma_wait3A_745] : memref<160x128xi32, #tpu.memory_space<vmem>> -> memref<1x128xi32, #tpu.memory_space<vmem>>
        %dma_wait3A_747 = tpu.memref_squeeze %dma_wait3A_746 : memref<1x128xi32, #tpu.memory_space<vmem>> -> memref<128xi32, #tpu.memory_space<vmem>>
        %dma_wait3A_748 = arith.constant 0 : i32
        %dma_wait3A_749 = arith.constant 0 : i32
        %dma_wait3A_750 = tpu.memref_slice %arg11[%dma_wait3A_748, %dma_wait3A_749] : memref<10112x32xf32, #tpu.memory_space<vmem_shared>> -> memref<10112x32xf32, #tpu.memory_space<vmem_shared>>
        tpu.wait_indirect_dma semaphore(%arg26 : memref<!tpu.dma_semaphore, #tpu.memory_space<semaphore_mem>>) src(%dma_wait3A_744 : memref<128x32xf32, #tpu.memory_space<vmem>>) dst(%dma_wait3A_750 : memref<10112x32xf32, #tpu.memory_space<vmem_shared>>)
      } else {
      }
      %add3A_374 = arith.constant 4 : i32
      %add3A_375 = arith.addi %mul3A_300, %add3A_374 : i32
      %dma_start3A_376 = arith.constant 4 : i32
      %dma_start3A_377 = arith.constant 0 : i32
      %dma_start3A_378 = arith.constant 0 : i32
      %dma_start3A_379 = tpu.memref_slice %arg9[%dma_start3A_376, %dma_start3A_377, %dma_start3A_378] : memref<10x128x32xf32, #tpu.memory_space<vmem>> -> memref<1x128x32xf32, #tpu.memory_space<vmem>>
      %dma_start3A_380 = tpu.memref_squeeze %dma_start3A_379 : memref<1x128x32xf32, #tpu.memory_space<vmem>> -> memref<128x32xf32, #tpu.memory_space<vmem>>
      %dma_start3A_381 = arith.constant 0 : i32
      %dma_start3A_382 = tpu.memref_slice %arg7[%add3A_375, %dma_start3A_381] : memref<160x128xi32, #tpu.memory_space<vmem>> -> memref<1x128xi32, #tpu.memory_space<vmem>>
      %dma_start3A_383 = tpu.memref_squeeze %dma_start3A_382 : memref<1x128xi32, #tpu.memory_space<vmem>> -> memref<128xi32, #tpu.memory_space<vmem>>
      %dma_start3A_384 = arith.constant 0 : i32
      %dma_start3A_385 = arith.constant 0 : i32
      %dma_start3A_386 = tpu.memref_slice %arg10[%dma_start3A_384, %dma_start3A_385] : memref<10112x32xf32, #tpu.memory_space<vmem_shared>> -> memref<10112x32xf32, #tpu.memory_space<vmem_shared>>
      tpu.enqueue_indirect_dma source(%dma_start3A_386 : memref<10112x32xf32, #tpu.memory_space<vmem_shared>>) target(%dma_start3A_380 : memref<128x32xf32, #tpu.memory_space<vmem>>) offsets(%dma_start3A_383 : memref<128xi32, #tpu.memory_space<vmem>>) semaphore(%arg16 : memref<!tpu.dma_semaphore, #tpu.memory_space<semaphore_mem>>)
      %gt3A_387 = arith.constant 0 : i32
      %gt3A_388 = arith.cmpi sgt, %scan3A_298, %gt3A_387 : i32
      %convert_element_type3A_389 = arith.extui %gt3A_388 : i1 to i32
      %cond3A_390 = arith.constant 0 : i32
      %cond3A_391 = arith.cmpi ne, %convert_element_type3A_389, %cond3A_390 : i32
      scf.if %cond3A_391 {
        %sub3A = arith.constant 10 : i32
        %sub3A_737 = arith.subi %mul3A_300, %sub3A : i32
        %add3A_738 = arith.constant 5 : i32
        %add3A_739 = arith.addi %sub3A_737, %add3A_738 : i32
        %dma_wait3A_740 = arith.constant 5 : i32
        %dma_wait3A_741 = arith.constant 0 : i32
        %dma_wait3A_742 = arith.constant 0 : i32
        %dma_wait3A_743 = tpu.memref_slice %arg9[%dma_wait3A_740, %dma_wait3A_741, %dma_wait3A_742] : memref<10x128x32xf32, #tpu.memory_space<vmem>> -> memref<1x128x32xf32, #tpu.memory_space<vmem>>
        %dma_wait3A_744 = tpu.memref_squeeze %dma_wait3A_743 : memref<1x128x32xf32, #tpu.memory_space<vmem>> -> memref<128x32xf32, #tpu.memory_space<vmem>>
        %dma_wait3A_745 = arith.constant 0 : i32
        %dma_wait3A_746 = tpu.memref_slice %arg8[%add3A_739, %dma_wait3A_745] : memref<160x128xi32, #tpu.memory_space<vmem>> -> memref<1x128xi32, #tpu.memory_space<vmem>>
        %dma_wait3A_747 = tpu.memref_squeeze %dma_wait3A_746 : memref<1x128xi32, #tpu.memory_space<vmem>> -> memref<128xi32, #tpu.memory_space<vmem>>
        %dma_wait3A_748 = arith.constant 0 : i32
        %dma_wait3A_749 = arith.constant 0 : i32
        %dma_wait3A_750 = tpu.memref_slice %arg11[%dma_wait3A_748, %dma_wait3A_749] : memref<10112x32xf32, #tpu.memory_space<vmem_shared>> -> memref<10112x32xf32, #tpu.memory_space<vmem_shared>>
        tpu.wait_indirect_dma semaphore(%arg27 : memref<!tpu.dma_semaphore, #tpu.memory_space<semaphore_mem>>) src(%dma_wait3A_744 : memref<128x32xf32, #tpu.memory_space<vmem>>) dst(%dma_wait3A_750 : memref<10112x32xf32, #tpu.memory_space<vmem_shared>>)
      } else {
      }
      %add3A_392 = arith.constant 5 : i32
      %add3A_393 = arith.addi %mul3A_300, %add3A_392 : i32
      %dma_start3A_394 = arith.constant 5 : i32
      %dma_start3A_395 = arith.constant 0 : i32
      %dma_start3A_396 = arith.constant 0 : i32
      %dma_start3A_397 = tpu.memref_slice %arg9[%dma_start3A_394, %dma_start3A_395, %dma_start3A_396] : memref<10x128x32xf32, #tpu.memory_space<vmem>> -> memref<1x128x32xf32, #tpu.memory_space<vmem>>
      %dma_start3A_398 = tpu.memref_squeeze %dma_start3A_397 : memref<1x128x32xf32, #tpu.memory_space<vmem>> -> memref<128x32xf32, #tpu.memory_space<vmem>>
      %dma_start3A_399 = arith.constant 0 : i32
      %dma_start3A_400 = tpu.memref_slice %arg7[%add3A_393, %dma_start3A_399] : memref<160x128xi32, #tpu.memory_space<vmem>> -> memref<1x128xi32, #tpu.memory_space<vmem>>
      %dma_start3A_401 = tpu.memref_squeeze %dma_start3A_400 : memref<1x128xi32, #tpu.memory_space<vmem>> -> memref<128xi32, #tpu.memory_space<vmem>>
      %dma_start3A_402 = arith.constant 0 : i32
      %dma_start3A_403 = arith.constant 0 : i32
      %dma_start3A_404 = tpu.memref_slice %arg10[%dma_start3A_402, %dma_start3A_403] : memref<10112x32xf32, #tpu.memory_space<vmem_shared>> -> memref<10112x32xf32, #tpu.memory_space<vmem_shared>>
      tpu.enqueue_indirect_dma source(%dma_start3A_404 : memref<10112x32xf32, #tpu.memory_space<vmem_shared>>) target(%dma_start3A_398 : memref<128x32xf32, #tpu.memory_space<vmem>>) offsets(%dma_start3A_401 : memref<128xi32, #tpu.memory_space<vmem>>) semaphore(%arg17 : memref<!tpu.dma_semaphore, #tpu.memory_space<semaphore_mem>>)
      %gt3A_405 = arith.constant 0 : i32
      %gt3A_406 = arith.cmpi sgt, %scan3A_298, %gt3A_405 : i32
      %convert_element_type3A_407 = arith.extui %gt3A_406 : i1 to i32
      %cond3A_408 = arith.constant 0 : i32
      %cond3A_409 = arith.cmpi ne, %convert_element_type3A_407, %cond3A_408 : i32
      scf.if %cond3A_409 {
        %sub3A = arith.constant 10 : i32
        %sub3A_737 = arith.subi %mul3A_300, %sub3A : i32
        %add3A_738 = arith.constant 6 : i32
        %add3A_739 = arith.addi %sub3A_737, %add3A_738 : i32
        %dma_wait3A_740 = arith.constant 6 : i32
        %dma_wait3A_741 = arith.constant 0 : i32
        %dma_wait3A_742 = arith.constant 0 : i32
        %dma_wait3A_743 = tpu.memref_slice %arg9[%dma_wait3A_740, %dma_wait3A_741, %dma_wait3A_742] : memref<10x128x32xf32, #tpu.memory_space<vmem>> -> memref<1x128x32xf32, #tpu.memory_space<vmem>>
        %dma_wait3A_744 = tpu.memref_squeeze %dma_wait3A_743 : memref<1x128x32xf32, #tpu.memory_space<vmem>> -> memref<128x32xf32, #tpu.memory_space<vmem>>
        %dma_wait3A_745 = arith.constant 0 : i32
        %dma_wait3A_746 = tpu.memref_slice %arg8[%add3A_739, %dma_wait3A_745] : memref<160x128xi32, #tpu.memory_space<vmem>> -> memref<1x128xi32, #tpu.memory_space<vmem>>
        %dma_wait3A_747 = tpu.memref_squeeze %dma_wait3A_746 : memref<1x128xi32, #tpu.memory_space<vmem>> -> memref<128xi32, #tpu.memory_space<vmem>>
        %dma_wait3A_748 = arith.constant 0 : i32
        %dma_wait3A_749 = arith.constant 0 : i32
        %dma_wait3A_750 = tpu.memref_slice %arg11[%dma_wait3A_748, %dma_wait3A_749] : memref<10112x32xf32, #tpu.memory_space<vmem_shared>> -> memref<10112x32xf32, #tpu.memory_space<vmem_shared>>
        tpu.wait_indirect_dma semaphore(%arg28 : memref<!tpu.dma_semaphore, #tpu.memory_space<semaphore_mem>>) src(%dma_wait3A_744 : memref<128x32xf32, #tpu.memory_space<vmem>>) dst(%dma_wait3A_750 : memref<10112x32xf32, #tpu.memory_space<vmem_shared>>)
      } else {
      }
      %add3A_410 = arith.constant 6 : i32
      %add3A_411 = arith.addi %mul3A_300, %add3A_410 : i32
      %dma_start3A_412 = arith.constant 6 : i32
      %dma_start3A_413 = arith.constant 0 : i32
      %dma_start3A_414 = arith.constant 0 : i32
      %dma_start3A_415 = tpu.memref_slice %arg9[%dma_start3A_412, %dma_start3A_413, %dma_start3A_414] : memref<10x128x32xf32, #tpu.memory_space<vmem>> -> memref<1x128x32xf32, #tpu.memory_space<vmem>>
      %dma_start3A_416 = tpu.memref_squeeze %dma_start3A_415 : memref<1x128x32xf32, #tpu.memory_space<vmem>> -> memref<128x32xf32, #tpu.memory_space<vmem>>
      %dma_start3A_417 = arith.constant 0 : i32
      %dma_start3A_418 = tpu.memref_slice %arg7[%add3A_411, %dma_start3A_417] : memref<160x128xi32, #tpu.memory_space<vmem>> -> memref<1x128xi32, #tpu.memory_space<vmem>>
      %dma_start3A_419 = tpu.memref_squeeze %dma_start3A_418 : memref<1x128xi32, #tpu.memory_space<vmem>> -> memref<128xi32, #tpu.memory_space<vmem>>
      %dma_start3A_420 = arith.constant 0 : i32
      %dma_start3A_421 = arith.constant 0 : i32
      %dma_start3A_422 = tpu.memref_slice %arg10[%dma_start3A_420, %dma_start3A_421] : memref<10112x32xf32, #tpu.memory_space<vmem_shared>> -> memref<10112x32xf32, #tpu.memory_space<vmem_shared>>
      tpu.enqueue_indirect_dma source(%dma_start3A_422 : memref<10112x32xf32, #tpu.memory_space<vmem_shared>>) target(%dma_start3A_416 : memref<128x32xf32, #tpu.memory_space<vmem>>) offsets(%dma_start3A_419 : memref<128xi32, #tpu.memory_space<vmem>>) semaphore(%arg18 : memref<!tpu.dma_semaphore, #tpu.memory_space<semaphore_mem>>)
      %gt3A_423 = arith.constant 0 : i32
      %gt3A_424 = arith.cmpi sgt, %scan3A_298, %gt3A_423 : i32
      %convert_element_type3A_425 = arith.extui %gt3A_424 : i1 to i32
      %cond3A_426 = arith.constant 0 : i32
      %cond3A_427 = arith.cmpi ne, %convert_element_type3A_425, %cond3A_426 : i32
      scf.if %cond3A_427 {
        %sub3A = arith.constant 10 : i32
        %sub3A_737 = arith.subi %mul3A_300, %sub3A : i32
        %add3A_738 = arith.constant 7 : i32
        %add3A_739 = arith.addi %sub3A_737, %add3A_738 : i32
        %dma_wait3A_740 = arith.constant 7 : i32
        %dma_wait3A_741 = arith.constant 0 : i32
        %dma_wait3A_742 = arith.constant 0 : i32
        %dma_wait3A_743 = tpu.memref_slice %arg9[%dma_wait3A_740, %dma_wait3A_741, %dma_wait3A_742] : memref<10x128x32xf32, #tpu.memory_space<vmem>> -> memref<1x128x32xf32, #tpu.memory_space<vmem>>
        %dma_wait3A_744 = tpu.memref_squeeze %dma_wait3A_743 : memref<1x128x32xf32, #tpu.memory_space<vmem>> -> memref<128x32xf32, #tpu.memory_space<vmem>>
        %dma_wait3A_745 = arith.constant 0 : i32
        %dma_wait3A_746 = tpu.memref_slice %arg8[%add3A_739, %dma_wait3A_745] : memref<160x128xi32, #tpu.memory_space<vmem>> -> memref<1x128xi32, #tpu.memory_space<vmem>>
        %dma_wait3A_747 = tpu.memref_squeeze %dma_wait3A_746 : memref<1x128xi32, #tpu.memory_space<vmem>> -> memref<128xi32, #tpu.memory_space<vmem>>
        %dma_wait3A_748 = arith.constant 0 : i32
        %dma_wait3A_749 = arith.constant 0 : i32
        %dma_wait3A_750 = tpu.memref_slice %arg11[%dma_wait3A_748, %dma_wait3A_749] : memref<10112x32xf32, #tpu.memory_space<vmem_shared>> -> memref<10112x32xf32, #tpu.memory_space<vmem_shared>>
        tpu.wait_indirect_dma semaphore(%arg29 : memref<!tpu.dma_semaphore, #tpu.memory_space<semaphore_mem>>) src(%dma_wait3A_744 : memref<128x32xf32, #tpu.memory_space<vmem>>) dst(%dma_wait3A_750 : memref<10112x32xf32, #tpu.memory_space<vmem_shared>>)
      } else {
      }
      %add3A_428 = arith.constant 7 : i32
      %add3A_429 = arith.addi %mul3A_300, %add3A_428 : i32
      %dma_start3A_430 = arith.constant 7 : i32
      %dma_start3A_431 = arith.constant 0 : i32
      %dma_start3A_432 = arith.constant 0 : i32
      %dma_start3A_433 = tpu.memref_slice %arg9[%dma_start3A_430, %dma_start3A_431, %dma_start3A_432] : memref<10x128x32xf32, #tpu.memory_space<vmem>> -> memref<1x128x32xf32, #tpu.memory_space<vmem>>
      %dma_start3A_434 = tpu.memref_squeeze %dma_start3A_433 : memref<1x128x32xf32, #tpu.memory_space<vmem>> -> memref<128x32xf32, #tpu.memory_space<vmem>>
      %dma_start3A_435 = arith.constant 0 : i32
      %dma_start3A_436 = tpu.memref_slice %arg7[%add3A_429, %dma_start3A_435] : memref<160x128xi32, #tpu.memory_space<vmem>> -> memref<1x128xi32, #tpu.memory_space<vmem>>
      %dma_start3A_437 = tpu.memref_squeeze %dma_start3A_436 : memref<1x128xi32, #tpu.memory_space<vmem>> -> memref<128xi32, #tpu.memory_space<vmem>>
      %dma_start3A_438 = arith.constant 0 : i32
      %dma_start3A_439 = arith.constant 0 : i32
      %dma_start3A_440 = tpu.memref_slice %arg10[%dma_start3A_438, %dma_start3A_439] : memref<10112x32xf32, #tpu.memory_space<vmem_shared>> -> memref<10112x32xf32, #tpu.memory_space<vmem_shared>>
      tpu.enqueue_indirect_dma source(%dma_start3A_440 : memref<10112x32xf32, #tpu.memory_space<vmem_shared>>) target(%dma_start3A_434 : memref<128x32xf32, #tpu.memory_space<vmem>>) offsets(%dma_start3A_437 : memref<128xi32, #tpu.memory_space<vmem>>) semaphore(%arg19 : memref<!tpu.dma_semaphore, #tpu.memory_space<semaphore_mem>>)
      %gt3A_441 = arith.constant 0 : i32
      %gt3A_442 = arith.cmpi sgt, %scan3A_298, %gt3A_441 : i32
      %convert_element_type3A_443 = arith.extui %gt3A_442 : i1 to i32
      %cond3A_444 = arith.constant 0 : i32
      %cond3A_445 = arith.cmpi ne, %convert_element_type3A_443, %cond3A_444 : i32
      scf.if %cond3A_445 {
        %sub3A = arith.constant 10 : i32
        %sub3A_737 = arith.subi %mul3A_300, %sub3A : i32
        %add3A_738 = arith.constant 8 : i32
        %add3A_739 = arith.addi %sub3A_737, %add3A_738 : i32
        %dma_wait3A_740 = arith.constant 8 : i32
        %dma_wait3A_741 = arith.constant 0 : i32
        %dma_wait3A_742 = arith.constant 0 : i32
        %dma_wait3A_743 = tpu.memref_slice %arg9[%dma_wait3A_740, %dma_wait3A_741, %dma_wait3A_742] : memref<10x128x32xf32, #tpu.memory_space<vmem>> -> memref<1x128x32xf32, #tpu.memory_space<vmem>>
        %dma_wait3A_744 = tpu.memref_squeeze %dma_wait3A_743 : memref<1x128x32xf32, #tpu.memory_space<vmem>> -> memref<128x32xf32, #tpu.memory_space<vmem>>
        %dma_wait3A_745 = arith.constant 0 : i32
        %dma_wait3A_746 = tpu.memref_slice %arg8[%add3A_739, %dma_wait3A_745] : memref<160x128xi32, #tpu.memory_space<vmem>> -> memref<1x128xi32, #tpu.memory_space<vmem>>
        %dma_wait3A_747 = tpu.memref_squeeze %dma_wait3A_746 : memref<1x128xi32, #tpu.memory_space<vmem>> -> memref<128xi32, #tpu.memory_space<vmem>>
        %dma_wait3A_748 = arith.constant 0 : i32
        %dma_wait3A_749 = arith.constant 0 : i32
        %dma_wait3A_750 = tpu.memref_slice %arg11[%dma_wait3A_748, %dma_wait3A_749] : memref<10112x32xf32, #tpu.memory_space<vmem_shared>> -> memref<10112x32xf32, #tpu.memory_space<vmem_shared>>
        tpu.wait_indirect_dma semaphore(%arg30 : memref<!tpu.dma_semaphore, #tpu.memory_space<semaphore_mem>>) src(%dma_wait3A_744 : memref<128x32xf32, #tpu.memory_space<vmem>>) dst(%dma_wait3A_750 : memref<10112x32xf32, #tpu.memory_space<vmem_shared>>)
      } else {
      }
      %add3A_446 = arith.constant 8 : i32
      %add3A_447 = arith.addi %mul3A_300, %add3A_446 : i32
      %dma_start3A_448 = arith.constant 8 : i32
      %dma_start3A_449 = arith.constant 0 : i32
      %dma_start3A_450 = arith.constant 0 : i32
      %dma_start3A_451 = tpu.memref_slice %arg9[%dma_start3A_448, %dma_start3A_449, %dma_start3A_450] : memref<10x128x32xf32, #tpu.memory_space<vmem>> -> memref<1x128x32xf32, #tpu.memory_space<vmem>>
      %dma_start3A_452 = tpu.memref_squeeze %dma_start3A_451 : memref<1x128x32xf32, #tpu.memory_space<vmem>> -> memref<128x32xf32, #tpu.memory_space<vmem>>
      %dma_start3A_453 = arith.constant 0 : i32
      %dma_start3A_454 = tpu.memref_slice %arg7[%add3A_447, %dma_start3A_453] : memref<160x128xi32, #tpu.memory_space<vmem>> -> memref<1x128xi32, #tpu.memory_space<vmem>>
      %dma_start3A_455 = tpu.memref_squeeze %dma_start3A_454 : memref<1x128xi32, #tpu.memory_space<vmem>> -> memref<128xi32, #tpu.memory_space<vmem>>
      %dma_start3A_456 = arith.constant 0 : i32
      %dma_start3A_457 = arith.constant 0 : i32
      %dma_start3A_458 = tpu.memref_slice %arg10[%dma_start3A_456, %dma_start3A_457] : memref<10112x32xf32, #tpu.memory_space<vmem_shared>> -> memref<10112x32xf32, #tpu.memory_space<vmem_shared>>
      tpu.enqueue_indirect_dma source(%dma_start3A_458 : memref<10112x32xf32, #tpu.memory_space<vmem_shared>>) target(%dma_start3A_452 : memref<128x32xf32, #tpu.memory_space<vmem>>) offsets(%dma_start3A_455 : memref<128xi32, #tpu.memory_space<vmem>>) semaphore(%arg20 : memref<!tpu.dma_semaphore, #tpu.memory_space<semaphore_mem>>)
      %gt3A_459 = arith.constant 0 : i32
      %gt3A_460 = arith.cmpi sgt, %scan3A_298, %gt3A_459 : i32
      %convert_element_type3A_461 = arith.extui %gt3A_460 : i1 to i32
      %cond3A_462 = arith.constant 0 : i32
      %cond3A_463 = arith.cmpi ne, %convert_element_type3A_461, %cond3A_462 : i32
      scf.if %cond3A_463 {
        %sub3A = arith.constant 10 : i32
        %sub3A_737 = arith.subi %mul3A_300, %sub3A : i32
        %add3A_738 = arith.constant 9 : i32
        %add3A_739 = arith.addi %sub3A_737, %add3A_738 : i32
        %dma_wait3A_740 = arith.constant 9 : i32
        %dma_wait3A_741 = arith.constant 0 : i32
        %dma_wait3A_742 = arith.constant 0 : i32
        %dma_wait3A_743 = tpu.memref_slice %arg9[%dma_wait3A_740, %dma_wait3A_741, %dma_wait3A_742] : memref<10x128x32xf32, #tpu.memory_space<vmem>> -> memref<1x128x32xf32, #tpu.memory_space<vmem>>
        %dma_wait3A_744 = tpu.memref_squeeze %dma_wait3A_743 : memref<1x128x32xf32, #tpu.memory_space<vmem>> -> memref<128x32xf32, #tpu.memory_space<vmem>>
        %dma_wait3A_745 = arith.constant 0 : i32
        %dma_wait3A_746 = tpu.memref_slice %arg8[%add3A_739, %dma_wait3A_745] : memref<160x128xi32, #tpu.memory_space<vmem>> -> memref<1x128xi32, #tpu.memory_space<vmem>>
        %dma_wait3A_747 = tpu.memref_squeeze %dma_wait3A_746 : memref<1x128xi32, #tpu.memory_space<vmem>> -> memref<128xi32, #tpu.memory_space<vmem>>
        %dma_wait3A_748 = arith.constant 0 : i32
        %dma_wait3A_749 = arith.constant 0 : i32
        %dma_wait3A_750 = tpu.memref_slice %arg11[%dma_wait3A_748, %dma_wait3A_749] : memref<10112x32xf32, #tpu.memory_space<vmem_shared>> -> memref<10112x32xf32, #tpu.memory_space<vmem_shared>>
        tpu.wait_indirect_dma semaphore(%arg31 : memref<!tpu.dma_semaphore, #tpu.memory_space<semaphore_mem>>) src(%dma_wait3A_744 : memref<128x32xf32, #tpu.memory_space<vmem>>) dst(%dma_wait3A_750 : memref<10112x32xf32, #tpu.memory_space<vmem_shared>>)
      } else {
      }
      %add3A_464 = arith.constant 9 : i32
      %add3A_465 = arith.addi %mul3A_300, %add3A_464 : i32
      %dma_start3A_466 = arith.constant 9 : i32
      %dma_start3A_467 = arith.constant 0 : i32
      %dma_start3A_468 = arith.constant 0 : i32
      %dma_start3A_469 = tpu.memref_slice %arg9[%dma_start3A_466, %dma_start3A_467, %dma_start3A_468] : memref<10x128x32xf32, #tpu.memory_space<vmem>> -> memref<1x128x32xf32, #tpu.memory_space<vmem>>
      %dma_start3A_470 = tpu.memref_squeeze %dma_start3A_469 : memref<1x128x32xf32, #tpu.memory_space<vmem>> -> memref<128x32xf32, #tpu.memory_space<vmem>>
      %dma_start3A_471 = arith.constant 0 : i32
      %dma_start3A_472 = tpu.memref_slice %arg7[%add3A_465, %dma_start3A_471] : memref<160x128xi32, #tpu.memory_space<vmem>> -> memref<1x128xi32, #tpu.memory_space<vmem>>
      %dma_start3A_473 = tpu.memref_squeeze %dma_start3A_472 : memref<1x128xi32, #tpu.memory_space<vmem>> -> memref<128xi32, #tpu.memory_space<vmem>>
      %dma_start3A_474 = arith.constant 0 : i32
      %dma_start3A_475 = arith.constant 0 : i32
      %dma_start3A_476 = tpu.memref_slice %arg10[%dma_start3A_474, %dma_start3A_475] : memref<10112x32xf32, #tpu.memory_space<vmem_shared>> -> memref<10112x32xf32, #tpu.memory_space<vmem_shared>>
      tpu.enqueue_indirect_dma source(%dma_start3A_476 : memref<10112x32xf32, #tpu.memory_space<vmem_shared>>) target(%dma_start3A_470 : memref<128x32xf32, #tpu.memory_space<vmem>>) offsets(%dma_start3A_473 : memref<128xi32, #tpu.memory_space<vmem>>) semaphore(%arg21 : memref<!tpu.dma_semaphore, #tpu.memory_space<semaphore_mem>>)
      %add3A_477 = arith.constant 0 : i32
      %add3A_478 = arith.addi %mul3A_300, %add3A_477 : i32
      %dma_wait3A_479 = arith.constant 0 : i32
      %dma_wait3A_480 = arith.constant 0 : i32
      %dma_wait3A_481 = arith.constant 0 : i32
      %dma_wait3A_482 = tpu.memref_slice %arg9[%dma_wait3A_479, %dma_wait3A_480, %dma_wait3A_481] : memref<10x128x32xf32, #tpu.memory_space<vmem>> -> memref<1x128x32xf32, #tpu.memory_space<vmem>>
      %dma_wait3A_483 = tpu.memref_squeeze %dma_wait3A_482 : memref<1x128x32xf32, #tpu.memory_space<vmem>> -> memref<128x32xf32, #tpu.memory_space<vmem>>
      %dma_wait3A_484 = arith.constant 0 : i32
      %dma_wait3A_485 = tpu.memref_slice %arg7[%add3A_478, %dma_wait3A_484] : memref<160x128xi32, #tpu.memory_space<vmem>> -> memref<1x128xi32, #tpu.memory_space<vmem>>
      %dma_wait3A_486 = tpu.memref_squeeze %dma_wait3A_485 : memref<1x128xi32, #tpu.memory_space<vmem>> -> memref<128xi32, #tpu.memory_space<vmem>>
      %dma_wait3A_487 = arith.constant 0 : i32
      %dma_wait3A_488 = arith.constant 0 : i32
      %dma_wait3A_489 = tpu.memref_slice %arg10[%dma_wait3A_487, %dma_wait3A_488] : memref<10112x32xf32, #tpu.memory_space<vmem_shared>> -> memref<10112x32xf32, #tpu.memory_space<vmem_shared>>
      tpu.wait_indirect_dma semaphore(%arg12 : memref<!tpu.dma_semaphore, #tpu.memory_space<semaphore_mem>>) src(%dma_wait3A_489 : memref<10112x32xf32, #tpu.memory_space<vmem_shared>>) dst(%dma_wait3A_483 : memref<128x32xf32, #tpu.memory_space<vmem>>)
      %add3A_490 = arith.constant 0 : i32
      %add3A_491 = arith.addi %mul3A_300, %add3A_490 : i32
      %dma_start3A_492 = arith.constant 0 : i32
      %dma_start3A_493 = arith.constant 0 : i32
      %dma_start3A_494 = arith.constant 0 : i32
      %dma_start3A_495 = tpu.memref_slice %arg9[%dma_start3A_492, %dma_start3A_493, %dma_start3A_494] : memref<10x128x32xf32, #tpu.memory_space<vmem>> -> memref<1x128x32xf32, #tpu.memory_space<vmem>>
      %dma_start3A_496 = tpu.memref_squeeze %dma_start3A_495 : memref<1x128x32xf32, #tpu.memory_space<vmem>> -> memref<128x32xf32, #tpu.memory_space<vmem>>
      %dma_start3A_497 = arith.constant 0 : i32
      %dma_start3A_498 = tpu.memref_slice %arg8[%add3A_491, %dma_start3A_497] : memref<160x128xi32, #tpu.memory_space<vmem>> -> memref<1x128xi32, #tpu.memory_space<vmem>>
      %dma_start3A_499 = tpu.memref_squeeze %dma_start3A_498 : memref<1x128xi32, #tpu.memory_space<vmem>> -> memref<128xi32, #tpu.memory_space<vmem>>
      %dma_start3A_500 = arith.constant 0 : i32
      %dma_start3A_501 = arith.constant 0 : i32
      %dma_start3A_502 = tpu.memref_slice %arg11[%dma_start3A_500, %dma_start3A_501] : memref<10112x32xf32, #tpu.memory_space<vmem_shared>> -> memref<10112x32xf32, #tpu.memory_space<vmem_shared>>
      tpu.enqueue_indirect_dma source(%dma_start3A_496 : memref<128x32xf32, #tpu.memory_space<vmem>>) target(%dma_start3A_502 : memref<10112x32xf32, #tpu.memory_space<vmem_shared>>) offsets(%dma_start3A_499 : memref<128xi32, #tpu.memory_space<vmem>>) semaphore(%arg22 : memref<!tpu.dma_semaphore, #tpu.memory_space<semaphore_mem>>) {add = true}
      %add3A_503 = arith.constant 1 : i32
      %add3A_504 = arith.addi %mul3A_300, %add3A_503 : i32
      %dma_wait3A_505 = arith.constant 1 : i32
      %dma_wait3A_506 = arith.constant 0 : i32
      %dma_wait3A_507 = arith.constant 0 : i32
      %dma_wait3A_508 = tpu.memref_slice %arg9[%dma_wait3A_505, %dma_wait3A_506, %dma_wait3A_507] : memref<10x128x32xf32, #tpu.memory_space<vmem>> -> memref<1x128x32xf32, #tpu.memory_space<vmem>>
      %dma_wait3A_509 = tpu.memref_squeeze %dma_wait3A_508 : memref<1x128x32xf32, #tpu.memory_space<vmem>> -> memref<128x32xf32, #tpu.memory_space<vmem>>
      %dma_wait3A_510 = arith.constant 0 : i32
      %dma_wait3A_511 = tpu.memref_slice %arg7[%add3A_504, %dma_wait3A_510] : memref<160x128xi32, #tpu.memory_space<vmem>> -> memref<1x128xi32, #tpu.memory_space<vmem>>
      %dma_wait3A_512 = tpu.memref_squeeze %dma_wait3A_511 : memref<1x128xi32, #tpu.memory_space<vmem>> -> memref<128xi32, #tpu.memory_space<vmem>>
      %dma_wait3A_513 = arith.constant 0 : i32
      %dma_wait3A_514 = arith.constant 0 : i32
      %dma_wait3A_515 = tpu.memref_slice %arg10[%dma_wait3A_513, %dma_wait3A_514] : memref<10112x32xf32, #tpu.memory_space<vmem_shared>> -> memref<10112x32xf32, #tpu.memory_space<vmem_shared>>
      tpu.wait_indirect_dma semaphore(%arg13 : memref<!tpu.dma_semaphore, #tpu.memory_space<semaphore_mem>>) src(%dma_wait3A_515 : memref<10112x32xf32, #tpu.memory_space<vmem_shared>>) dst(%dma_wait3A_509 : memref<128x32xf32, #tpu.memory_space<vmem>>)
      %add3A_516 = arith.constant 1 : i32
      %add3A_517 = arith.addi %mul3A_300, %add3A_516 : i32
      %dma_start3A_518 = arith.constant 1 : i32
      %dma_start3A_519 = arith.constant 0 : i32
      %dma_start3A_520 = arith.constant 0 : i32
      %dma_start3A_521 = tpu.memref_slice %arg9[%dma_start3A_518, %dma_start3A_519, %dma_start3A_520] : memref<10x128x32xf32, #tpu.memory_space<vmem>> -> memref<1x128x32xf32, #tpu.memory_space<vmem>>
      %dma_start3A_522 = tpu.memref_squeeze %dma_start3A_521 : memref<1x128x32xf32, #tpu.memory_space<vmem>> -> memref<128x32xf32, #tpu.memory_space<vmem>>
      %dma_start3A_523 = arith.constant 0 : i32
      %dma_start3A_524 = tpu.memref_slice %arg8[%add3A_517, %dma_start3A_523] : memref<160x128xi32, #tpu.memory_space<vmem>> -> memref<1x128xi32, #tpu.memory_space<vmem>>
      %dma_start3A_525 = tpu.memref_squeeze %dma_start3A_524 : memref<1x128xi32, #tpu.memory_space<vmem>> -> memref<128xi32, #tpu.memory_space<vmem>>
      %dma_start3A_526 = arith.constant 0 : i32
      %dma_start3A_527 = arith.constant 0 : i32
      %dma_start3A_528 = tpu.memref_slice %arg11[%dma_start3A_526, %dma_start3A_527] : memref<10112x32xf32, #tpu.memory_space<vmem_shared>> -> memref<10112x32xf32, #tpu.memory_space<vmem_shared>>
      tpu.enqueue_indirect_dma source(%dma_start3A_522 : memref<128x32xf32, #tpu.memory_space<vmem>>) target(%dma_start3A_528 : memref<10112x32xf32, #tpu.memory_space<vmem_shared>>) offsets(%dma_start3A_525 : memref<128xi32, #tpu.memory_space<vmem>>) semaphore(%arg23 : memref<!tpu.dma_semaphore, #tpu.memory_space<semaphore_mem>>) {add = true}
      %add3A_529 = arith.constant 2 : i32
      %add3A_530 = arith.addi %mul3A_300, %add3A_529 : i32
      %dma_wait3A_531 = arith.constant 2 : i32
      %dma_wait3A_532 = arith.constant 0 : i32
      %dma_wait3A_533 = arith.constant 0 : i32
      %dma_wait3A_534 = tpu.memref_slice %arg9[%dma_wait3A_531, %dma_wait3A_532, %dma_wait3A_533] : memref<10x128x32xf32, #tpu.memory_space<vmem>> -> memref<1x128x32xf32, #tpu.memory_space<vmem>>
      %dma_wait3A_535 = tpu.memref_squeeze %dma_wait3A_534 : memref<1x128x32xf32, #tpu.memory_space<vmem>> -> memref<128x32xf32, #tpu.memory_space<vmem>>
      %dma_wait3A_536 = arith.constant 0 : i32
      %dma_wait3A_537 = tpu.memref_slice %arg7[%add3A_530, %dma_wait3A_536] : memref<160x128xi32, #tpu.memory_space<vmem>> -> memref<1x128xi32, #tpu.memory_space<vmem>>
      %dma_wait3A_538 = tpu.memref_squeeze %dma_wait3A_537 : memref<1x128xi32, #tpu.memory_space<vmem>> -> memref<128xi32, #tpu.memory_space<vmem>>
      %dma_wait3A_539 = arith.constant 0 : i32
      %dma_wait3A_540 = arith.constant 0 : i32
      %dma_wait3A_541 = tpu.memref_slice %arg10[%dma_wait3A_539, %dma_wait3A_540] : memref<10112x32xf32, #tpu.memory_space<vmem_shared>> -> memref<10112x32xf32, #tpu.memory_space<vmem_shared>>
      tpu.wait_indirect_dma semaphore(%arg14 : memref<!tpu.dma_semaphore, #tpu.memory_space<semaphore_mem>>) src(%dma_wait3A_541 : memref<10112x32xf32, #tpu.memory_space<vmem_shared>>) dst(%dma_wait3A_535 : memref<128x32xf32, #tpu.memory_space<vmem>>)
      %add3A_542 = arith.constant 2 : i32
      %add3A_543 = arith.addi %mul3A_300, %add3A_542 : i32
      %dma_start3A_544 = arith.constant 2 : i32
      %dma_start3A_545 = arith.constant 0 : i32
      %dma_start3A_546 = arith.constant 0 : i32
      %dma_start3A_547 = tpu.memref_slice %arg9[%dma_start3A_544, %dma_start3A_545, %dma_start3A_546] : memref<10x128x32xf32, #tpu.memory_space<vmem>> -> memref<1x128x32xf32, #tpu.memory_space<vmem>>
      %dma_start3A_548 = tpu.memref_squeeze %dma_start3A_547 : memref<1x128x32xf32, #tpu.memory_space<vmem>> -> memref<128x32xf32, #tpu.memory_space<vmem>>
      %dma_start3A_549 = arith.constant 0 : i32
      %dma_start3A_550 = tpu.memref_slice %arg8[%add3A_543, %dma_start3A_549] : memref<160x128xi32, #tpu.memory_space<vmem>> -> memref<1x128xi32, #tpu.memory_space<vmem>>
      %dma_start3A_551 = tpu.memref_squeeze %dma_start3A_550 : memref<1x128xi32, #tpu.memory_space<vmem>> -> memref<128xi32, #tpu.memory_space<vmem>>
      %dma_start3A_552 = arith.constant 0 : i32
      %dma_start3A_553 = arith.constant 0 : i32
      %dma_start3A_554 = tpu.memref_slice %arg11[%dma_start3A_552, %dma_start3A_553] : memref<10112x32xf32, #tpu.memory_space<vmem_shared>> -> memref<10112x32xf32, #tpu.memory_space<vmem_shared>>
      tpu.enqueue_indirect_dma source(%dma_start3A_548 : memref<128x32xf32, #tpu.memory_space<vmem>>) target(%dma_start3A_554 : memref<10112x32xf32, #tpu.memory_space<vmem_shared>>) offsets(%dma_start3A_551 : memref<128xi32, #tpu.memory_space<vmem>>) semaphore(%arg24 : memref<!tpu.dma_semaphore, #tpu.memory_space<semaphore_mem>>) {add = true}
      %add3A_555 = arith.constant 3 : i32
      %add3A_556 = arith.addi %mul3A_300, %add3A_555 : i32
      %dma_wait3A_557 = arith.constant 3 : i32
      %dma_wait3A_558 = arith.constant 0 : i32
      %dma_wait3A_559 = arith.constant 0 : i32
      %dma_wait3A_560 = tpu.memref_slice %arg9[%dma_wait3A_557, %dma_wait3A_558, %dma_wait3A_559] : memref<10x128x32xf32, #tpu.memory_space<vmem>> -> memref<1x128x32xf32, #tpu.memory_space<vmem>>
      %dma_wait3A_561 = tpu.memref_squeeze %dma_wait3A_560 : memref<1x128x32xf32, #tpu.memory_space<vmem>> -> memref<128x32xf32, #tpu.memory_space<vmem>>
      %dma_wait3A_562 = arith.constant 0 : i32
      %dma_wait3A_563 = tpu.memref_slice %arg7[%add3A_556, %dma_wait3A_562] : memref<160x128xi32, #tpu.memory_space<vmem>> -> memref<1x128xi32, #tpu.memory_space<vmem>>
      %dma_wait3A_564 = tpu.memref_squeeze %dma_wait3A_563 : memref<1x128xi32, #tpu.memory_space<vmem>> -> memref<128xi32, #tpu.memory_space<vmem>>
      %dma_wait3A_565 = arith.constant 0 : i32
      %dma_wait3A_566 = arith.constant 0 : i32
      %dma_wait3A_567 = tpu.memref_slice %arg10[%dma_wait3A_565, %dma_wait3A_566] : memref<10112x32xf32, #tpu.memory_space<vmem_shared>> -> memref<10112x32xf32, #tpu.memory_space<vmem_shared>>
      tpu.wait_indirect_dma semaphore(%arg15 : memref<!tpu.dma_semaphore, #tpu.memory_space<semaphore_mem>>) src(%dma_wait3A_567 : memref<10112x32xf32, #tpu.memory_space<vmem_shared>>) dst(%dma_wait3A_561 : memref<128x32xf32, #tpu.memory_space<vmem>>)
      %add3A_568 = arith.constant 3 : i32
      %add3A_569 = arith.addi %mul3A_300, %add3A_568 : i32
      %dma_start3A_570 = arith.constant 3 : i32
      %dma_start3A_571 = arith.constant 0 : i32
      %dma_start3A_572 = arith.constant 0 : i32
      %dma_start3A_573 = tpu.memref_slice %arg9[%dma_start3A_570, %dma_start3A_571, %dma_start3A_572] : memref<10x128x32xf32, #tpu.memory_space<vmem>> -> memref<1x128x32xf32, #tpu.memory_space<vmem>>
      %dma_start3A_574 = tpu.memref_squeeze %dma_start3A_573 : memref<1x128x32xf32, #tpu.memory_space<vmem>> -> memref<128x32xf32, #tpu.memory_space<vmem>>
      %dma_start3A_575 = arith.constant 0 : i32
      %dma_start3A_576 = tpu.memref_slice %arg8[%add3A_569, %dma_start3A_575] : memref<160x128xi32, #tpu.memory_space<vmem>> -> memref<1x128xi32, #tpu.memory_space<vmem>>
      %dma_start3A_577 = tpu.memref_squeeze %dma_start3A_576 : memref<1x128xi32, #tpu.memory_space<vmem>> -> memref<128xi32, #tpu.memory_space<vmem>>
      %dma_start3A_578 = arith.constant 0 : i32
      %dma_start3A_579 = arith.constant 0 : i32
      %dma_start3A_580 = tpu.memref_slice %arg11[%dma_start3A_578, %dma_start3A_579] : memref<10112x32xf32, #tpu.memory_space<vmem_shared>> -> memref<10112x32xf32, #tpu.memory_space<vmem_shared>>
      tpu.enqueue_indirect_dma source(%dma_start3A_574 : memref<128x32xf32, #tpu.memory_space<vmem>>) target(%dma_start3A_580 : memref<10112x32xf32, #tpu.memory_space<vmem_shared>>) offsets(%dma_start3A_577 : memref<128xi32, #tpu.memory_space<vmem>>) semaphore(%arg25 : memref<!tpu.dma_semaphore, #tpu.memory_space<semaphore_mem>>) {add = true}
      %add3A_581 = arith.constant 4 : i32
      %add3A_582 = arith.addi %mul3A_300, %add3A_581 : i32
      %dma_wait3A_583 = arith.constant 4 : i32
      %dma_wait3A_584 = arith.constant 0 : i32
      %dma_wait3A_585 = arith.constant 0 : i32
      %dma_wait3A_586 = tpu.memref_slice %arg9[%dma_wait3A_583, %dma_wait3A_584, %dma_wait3A_585] : memref<10x128x32xf32, #tpu.memory_space<vmem>> -> memref<1x128x32xf32, #tpu.memory_space<vmem>>
      %dma_wait3A_587 = tpu.memref_squeeze %dma_wait3A_586 : memref<1x128x32xf32, #tpu.memory_space<vmem>> -> memref<128x32xf32, #tpu.memory_space<vmem>>
      %dma_wait3A_588 = arith.constant 0 : i32
      %dma_wait3A_589 = tpu.memref_slice %arg7[%add3A_582, %dma_wait3A_588] : memref<160x128xi32, #tpu.memory_space<vmem>> -> memref<1x128xi32, #tpu.memory_space<vmem>>
      %dma_wait3A_590 = tpu.memref_squeeze %dma_wait3A_589 : memref<1x128xi32, #tpu.memory_space<vmem>> -> memref<128xi32, #tpu.memory_space<vmem>>
      %dma_wait3A_591 = arith.constant 0 : i32
      %dma_wait3A_592 = arith.constant 0 : i32
      %dma_wait3A_593 = tpu.memref_slice %arg10[%dma_wait3A_591, %dma_wait3A_592] : memref<10112x32xf32, #tpu.memory_space<vmem_shared>> -> memref<10112x32xf32, #tpu.memory_space<vmem_shared>>
      tpu.wait_indirect_dma semaphore(%arg16 : memref<!tpu.dma_semaphore, #tpu.memory_space<semaphore_mem>>) src(%dma_wait3A_593 : memref<10112x32xf32, #tpu.memory_space<vmem_shared>>) dst(%dma_wait3A_587 : memref<128x32xf32, #tpu.memory_space<vmem>>)
      %add3A_594 = arith.constant 4 : i32
      %add3A_595 = arith.addi %mul3A_300, %add3A_594 : i32
      %dma_start3A_596 = arith.constant 4 : i32
      %dma_start3A_597 = arith.constant 0 : i32
      %dma_start3A_598 = arith.constant 0 : i32
      %dma_start3A_599 = tpu.memref_slice %arg9[%dma_start3A_596, %dma_start3A_597, %dma_start3A_598] : memref<10x128x32xf32, #tpu.memory_space<vmem>> -> memref<1x128x32xf32, #tpu.memory_space<vmem>>
      %dma_start3A_600 = tpu.memref_squeeze %dma_start3A_599 : memref<1x128x32xf32, #tpu.memory_space<vmem>> -> memref<128x32xf32, #tpu.memory_space<vmem>>
      %dma_start3A_601 = arith.constant 0 : i32
      %dma_start3A_602 = tpu.memref_slice %arg8[%add3A_595, %dma_start3A_601] : memref<160x128xi32, #tpu.memory_space<vmem>> -> memref<1x128xi32, #tpu.memory_space<vmem>>
      %dma_start3A_603 = tpu.memref_squeeze %dma_start3A_602 : memref<1x128xi32, #tpu.memory_space<vmem>> -> memref<128xi32, #tpu.memory_space<vmem>>
      %dma_start3A_604 = arith.constant 0 : i32
      %dma_start3A_605 = arith.constant 0 : i32
      %dma_start3A_606 = tpu.memref_slice %arg11[%dma_start3A_604, %dma_start3A_605] : memref<10112x32xf32, #tpu.memory_space<vmem_shared>> -> memref<10112x32xf32, #tpu.memory_space<vmem_shared>>
      tpu.enqueue_indirect_dma source(%dma_start3A_600 : memref<128x32xf32, #tpu.memory_space<vmem>>) target(%dma_start3A_606 : memref<10112x32xf32, #tpu.memory_space<vmem_shared>>) offsets(%dma_start3A_603 : memref<128xi32, #tpu.memory_space<vmem>>) semaphore(%arg26 : memref<!tpu.dma_semaphore, #tpu.memory_space<semaphore_mem>>) {add = true}
      %add3A_607 = arith.constant 5 : i32
      %add3A_608 = arith.addi %mul3A_300, %add3A_607 : i32
      %dma_wait3A_609 = arith.constant 5 : i32
      %dma_wait3A_610 = arith.constant 0 : i32
      %dma_wait3A_611 = arith.constant 0 : i32
      %dma_wait3A_612 = tpu.memref_slice %arg9[%dma_wait3A_609, %dma_wait3A_610, %dma_wait3A_611] : memref<10x128x32xf32, #tpu.memory_space<vmem>> -> memref<1x128x32xf32, #tpu.memory_space<vmem>>
      %dma_wait3A_613 = tpu.memref_squeeze %dma_wait3A_612 : memref<1x128x32xf32, #tpu.memory_space<vmem>> -> memref<128x32xf32, #tpu.memory_space<vmem>>
      %dma_wait3A_614 = arith.constant 0 : i32
      %dma_wait3A_615 = tpu.memref_slice %arg7[%add3A_608, %dma_wait3A_614] : memref<160x128xi32, #tpu.memory_space<vmem>> -> memref<1x128xi32, #tpu.memory_space<vmem>>
      %dma_wait3A_616 = tpu.memref_squeeze %dma_wait3A_615 : memref<1x128xi32, #tpu.memory_space<vmem>> -> memref<128xi32, #tpu.memory_space<vmem>>
      %dma_wait3A_617 = arith.constant 0 : i32
      %dma_wait3A_618 = arith.constant 0 : i32
      %dma_wait3A_619 = tpu.memref_slice %arg10[%dma_wait3A_617, %dma_wait3A_618] : memref<10112x32xf32, #tpu.memory_space<vmem_shared>> -> memref<10112x32xf32, #tpu.memory_space<vmem_shared>>
      tpu.wait_indirect_dma semaphore(%arg17 : memref<!tpu.dma_semaphore, #tpu.memory_space<semaphore_mem>>) src(%dma_wait3A_619 : memref<10112x32xf32, #tpu.memory_space<vmem_shared>>) dst(%dma_wait3A_613 : memref<128x32xf32, #tpu.memory_space<vmem>>)
      %add3A_620 = arith.constant 5 : i32
      %add3A_621 = arith.addi %mul3A_300, %add3A_620 : i32
      %dma_start3A_622 = arith.constant 5 : i32
      %dma_start3A_623 = arith.constant 0 : i32
      %dma_start3A_624 = arith.constant 0 : i32
      %dma_start3A_625 = tpu.memref_slice %arg9[%dma_start3A_622, %dma_start3A_623, %dma_start3A_624] : memref<10x128x32xf32, #tpu.memory_space<vmem>> -> memref<1x128x32xf32, #tpu.memory_space<vmem>>
      %dma_start3A_626 = tpu.memref_squeeze %dma_start3A_625 : memref<1x128x32xf32, #tpu.memory_space<vmem>> -> memref<128x32xf32, #tpu.memory_space<vmem>>
      %dma_start3A_627 = arith.constant 0 : i32
      %dma_start3A_628 = tpu.memref_slice %arg8[%add3A_621, %dma_start3A_627] : memref<160x128xi32, #tpu.memory_space<vmem>> -> memref<1x128xi32, #tpu.memory_space<vmem>>
      %dma_start3A_629 = tpu.memref_squeeze %dma_start3A_628 : memref<1x128xi32, #tpu.memory_space<vmem>> -> memref<128xi32, #tpu.memory_space<vmem>>
      %dma_start3A_630 = arith.constant 0 : i32
      %dma_start3A_631 = arith.constant 0 : i32
      %dma_start3A_632 = tpu.memref_slice %arg11[%dma_start3A_630, %dma_start3A_631] : memref<10112x32xf32, #tpu.memory_space<vmem_shared>> -> memref<10112x32xf32, #tpu.memory_space<vmem_shared>>
      tpu.enqueue_indirect_dma source(%dma_start3A_626 : memref<128x32xf32, #tpu.memory_space<vmem>>) target(%dma_start3A_632 : memref<10112x32xf32, #tpu.memory_space<vmem_shared>>) offsets(%dma_start3A_629 : memref<128xi32, #tpu.memory_space<vmem>>) semaphore(%arg27 : memref<!tpu.dma_semaphore, #tpu.memory_space<semaphore_mem>>) {add = true}
      %add3A_633 = arith.constant 6 : i32
      %add3A_634 = arith.addi %mul3A_300, %add3A_633 : i32
      %dma_wait3A_635 = arith.constant 6 : i32
      %dma_wait3A_636 = arith.constant 0 : i32
      %dma_wait3A_637 = arith.constant 0 : i32
      %dma_wait3A_638 = tpu.memref_slice %arg9[%dma_wait3A_635, %dma_wait3A_636, %dma_wait3A_637] : memref<10x128x32xf32, #tpu.memory_space<vmem>> -> memref<1x128x32xf32, #tpu.memory_space<vmem>>
      %dma_wait3A_639 = tpu.memref_squeeze %dma_wait3A_638 : memref<1x128x32xf32, #tpu.memory_space<vmem>> -> memref<128x32xf32, #tpu.memory_space<vmem>>
      %dma_wait3A_640 = arith.constant 0 : i32
      %dma_wait3A_641 = tpu.memref_slice %arg7[%add3A_634, %dma_wait3A_640] : memref<160x128xi32, #tpu.memory_space<vmem>> -> memref<1x128xi32, #tpu.memory_space<vmem>>
      %dma_wait3A_642 = tpu.memref_squeeze %dma_wait3A_641 : memref<1x128xi32, #tpu.memory_space<vmem>> -> memref<128xi32, #tpu.memory_space<vmem>>
      %dma_wait3A_643 = arith.constant 0 : i32
      %dma_wait3A_644 = arith.constant 0 : i32
      %dma_wait3A_645 = tpu.memref_slice %arg10[%dma_wait3A_643, %dma_wait3A_644] : memref<10112x32xf32, #tpu.memory_space<vmem_shared>> -> memref<10112x32xf32, #tpu.memory_space<vmem_shared>>
      tpu.wait_indirect_dma semaphore(%arg18 : memref<!tpu.dma_semaphore, #tpu.memory_space<semaphore_mem>>) src(%dma_wait3A_645 : memref<10112x32xf32, #tpu.memory_space<vmem_shared>>) dst(%dma_wait3A_639 : memref<128x32xf32, #tpu.memory_space<vmem>>)
      %add3A_646 = arith.constant 6 : i32
      %add3A_647 = arith.addi %mul3A_300, %add3A_646 : i32
      %dma_start3A_648 = arith.constant 6 : i32
      %dma_start3A_649 = arith.constant 0 : i32
      %dma_start3A_650 = arith.constant 0 : i32
      %dma_start3A_651 = tpu.memref_slice %arg9[%dma_start3A_648, %dma_start3A_649, %dma_start3A_650] : memref<10x128x32xf32, #tpu.memory_space<vmem>> -> memref<1x128x32xf32, #tpu.memory_space<vmem>>
      %dma_start3A_652 = tpu.memref_squeeze %dma_start3A_651 : memref<1x128x32xf32, #tpu.memory_space<vmem>> -> memref<128x32xf32, #tpu.memory_space<vmem>>
      %dma_start3A_653 = arith.constant 0 : i32
      %dma_start3A_654 = tpu.memref_slice %arg8[%add3A_647, %dma_start3A_653] : memref<160x128xi32, #tpu.memory_space<vmem>> -> memref<1x128xi32, #tpu.memory_space<vmem>>
      %dma_start3A_655 = tpu.memref_squeeze %dma_start3A_654 : memref<1x128xi32, #tpu.memory_space<vmem>> -> memref<128xi32, #tpu.memory_space<vmem>>
      %dma_start3A_656 = arith.constant 0 : i32
      %dma_start3A_657 = arith.constant 0 : i32
      %dma_start3A_658 = tpu.memref_slice %arg11[%dma_start3A_656, %dma_start3A_657] : memref<10112x32xf32, #tpu.memory_space<vmem_shared>> -> memref<10112x32xf32, #tpu.memory_space<vmem_shared>>
      tpu.enqueue_indirect_dma source(%dma_start3A_652 : memref<128x32xf32, #tpu.memory_space<vmem>>) target(%dma_start3A_658 : memref<10112x32xf32, #tpu.memory_space<vmem_shared>>) offsets(%dma_start3A_655 : memref<128xi32, #tpu.memory_space<vmem>>) semaphore(%arg28 : memref<!tpu.dma_semaphore, #tpu.memory_space<semaphore_mem>>) {add = true}
      %add3A_659 = arith.constant 7 : i32
      %add3A_660 = arith.addi %mul3A_300, %add3A_659 : i32
      %dma_wait3A_661 = arith.constant 7 : i32
      %dma_wait3A_662 = arith.constant 0 : i32
      %dma_wait3A_663 = arith.constant 0 : i32
      %dma_wait3A_664 = tpu.memref_slice %arg9[%dma_wait3A_661, %dma_wait3A_662, %dma_wait3A_663] : memref<10x128x32xf32, #tpu.memory_space<vmem>> -> memref<1x128x32xf32, #tpu.memory_space<vmem>>
      %dma_wait3A_665 = tpu.memref_squeeze %dma_wait3A_664 : memref<1x128x32xf32, #tpu.memory_space<vmem>> -> memref<128x32xf32, #tpu.memory_space<vmem>>
      %dma_wait3A_666 = arith.constant 0 : i32
      %dma_wait3A_667 = tpu.memref_slice %arg7[%add3A_660, %dma_wait3A_666] : memref<160x128xi32, #tpu.memory_space<vmem>> -> memref<1x128xi32, #tpu.memory_space<vmem>>
      %dma_wait3A_668 = tpu.memref_squeeze %dma_wait3A_667 : memref<1x128xi32, #tpu.memory_space<vmem>> -> memref<128xi32, #tpu.memory_space<vmem>>
      %dma_wait3A_669 = arith.constant 0 : i32
      %dma_wait3A_670 = arith.constant 0 : i32
      %dma_wait3A_671 = tpu.memref_slice %arg10[%dma_wait3A_669, %dma_wait3A_670] : memref<10112x32xf32, #tpu.memory_space<vmem_shared>> -> memref<10112x32xf32, #tpu.memory_space<vmem_shared>>
      tpu.wait_indirect_dma semaphore(%arg19 : memref<!tpu.dma_semaphore, #tpu.memory_space<semaphore_mem>>) src(%dma_wait3A_671 : memref<10112x32xf32, #tpu.memory_space<vmem_shared>>) dst(%dma_wait3A_665 : memref<128x32xf32, #tpu.memory_space<vmem>>)
      %add3A_672 = arith.constant 7 : i32
      %add3A_673 = arith.addi %mul3A_300, %add3A_672 : i32
      %dma_start3A_674 = arith.constant 7 : i32
      %dma_start3A_675 = arith.constant 0 : i32
      %dma_start3A_676 = arith.constant 0 : i32
      %dma_start3A_677 = tpu.memref_slice %arg9[%dma_start3A_674, %dma_start3A_675, %dma_start3A_676] : memref<10x128x32xf32, #tpu.memory_space<vmem>> -> memref<1x128x32xf32, #tpu.memory_space<vmem>>
      %dma_start3A_678 = tpu.memref_squeeze %dma_start3A_677 : memref<1x128x32xf32, #tpu.memory_space<vmem>> -> memref<128x32xf32, #tpu.memory_space<vmem>>
      %dma_start3A_679 = arith.constant 0 : i32
      %dma_start3A_680 = tpu.memref_slice %arg8[%add3A_673, %dma_start3A_679] : memref<160x128xi32, #tpu.memory_space<vmem>> -> memref<1x128xi32, #tpu.memory_space<vmem>>
      %dma_start3A_681 = tpu.memref_squeeze %dma_start3A_680 : memref<1x128xi32, #tpu.memory_space<vmem>> -> memref<128xi32, #tpu.memory_space<vmem>>
      %dma_start3A_682 = arith.constant 0 : i32
      %dma_start3A_683 = arith.constant 0 : i32
      %dma_start3A_684 = tpu.memref_slice %arg11[%dma_start3A_682, %dma_start3A_683] : memref<10112x32xf32, #tpu.memory_space<vmem_shared>> -> memref<10112x32xf32, #tpu.memory_space<vmem_shared>>
      tpu.enqueue_indirect_dma source(%dma_start3A_678 : memref<128x32xf32, #tpu.memory_space<vmem>>) target(%dma_start3A_684 : memref<10112x32xf32, #tpu.memory_space<vmem_shared>>) offsets(%dma_start3A_681 : memref<128xi32, #tpu.memory_space<vmem>>) semaphore(%arg29 : memref<!tpu.dma_semaphore, #tpu.memory_space<semaphore_mem>>) {add = true}
      %add3A_685 = arith.constant 8 : i32
      %add3A_686 = arith.addi %mul3A_300, %add3A_685 : i32
      %dma_wait3A_687 = arith.constant 8 : i32
      %dma_wait3A_688 = arith.constant 0 : i32
      %dma_wait3A_689 = arith.constant 0 : i32
      %dma_wait3A_690 = tpu.memref_slice %arg9[%dma_wait3A_687, %dma_wait3A_688, %dma_wait3A_689] : memref<10x128x32xf32, #tpu.memory_space<vmem>> -> memref<1x128x32xf32, #tpu.memory_space<vmem>>
      %dma_wait3A_691 = tpu.memref_squeeze %dma_wait3A_690 : memref<1x128x32xf32, #tpu.memory_space<vmem>> -> memref<128x32xf32, #tpu.memory_space<vmem>>
      %dma_wait3A_692 = arith.constant 0 : i32
      %dma_wait3A_693 = tpu.memref_slice %arg7[%add3A_686, %dma_wait3A_692] : memref<160x128xi32, #tpu.memory_space<vmem>> -> memref<1x128xi32, #tpu.memory_space<vmem>>
      %dma_wait3A_694 = tpu.memref_squeeze %dma_wait3A_693 : memref<1x128xi32, #tpu.memory_space<vmem>> -> memref<128xi32, #tpu.memory_space<vmem>>
      %dma_wait3A_695 = arith.constant 0 : i32
      %dma_wait3A_696 = arith.constant 0 : i32
      %dma_wait3A_697 = tpu.memref_slice %arg10[%dma_wait3A_695, %dma_wait3A_696] : memref<10112x32xf32, #tpu.memory_space<vmem_shared>> -> memref<10112x32xf32, #tpu.memory_space<vmem_shared>>
      tpu.wait_indirect_dma semaphore(%arg20 : memref<!tpu.dma_semaphore, #tpu.memory_space<semaphore_mem>>) src(%dma_wait3A_697 : memref<10112x32xf32, #tpu.memory_space<vmem_shared>>) dst(%dma_wait3A_691 : memref<128x32xf32, #tpu.memory_space<vmem>>)
      %add3A_698 = arith.constant 8 : i32
      %add3A_699 = arith.addi %mul3A_300, %add3A_698 : i32
      %dma_start3A_700 = arith.constant 8 : i32
      %dma_start3A_701 = arith.constant 0 : i32
      %dma_start3A_702 = arith.constant 0 : i32
      %dma_start3A_703 = tpu.memref_slice %arg9[%dma_start3A_700, %dma_start3A_701, %dma_start3A_702] : memref<10x128x32xf32, #tpu.memory_space<vmem>> -> memref<1x128x32xf32, #tpu.memory_space<vmem>>
      %dma_start3A_704 = tpu.memref_squeeze %dma_start3A_703 : memref<1x128x32xf32, #tpu.memory_space<vmem>> -> memref<128x32xf32, #tpu.memory_space<vmem>>
      %dma_start3A_705 = arith.constant 0 : i32
      %dma_start3A_706 = tpu.memref_slice %arg8[%add3A_699, %dma_start3A_705] : memref<160x128xi32, #tpu.memory_space<vmem>> -> memref<1x128xi32, #tpu.memory_space<vmem>>
      %dma_start3A_707 = tpu.memref_squeeze %dma_start3A_706 : memref<1x128xi32, #tpu.memory_space<vmem>> -> memref<128xi32, #tpu.memory_space<vmem>>
      %dma_start3A_708 = arith.constant 0 : i32
      %dma_start3A_709 = arith.constant 0 : i32
      %dma_start3A_710 = tpu.memref_slice %arg11[%dma_start3A_708, %dma_start3A_709] : memref<10112x32xf32, #tpu.memory_space<vmem_shared>> -> memref<10112x32xf32, #tpu.memory_space<vmem_shared>>
      tpu.enqueue_indirect_dma source(%dma_start3A_704 : memref<128x32xf32, #tpu.memory_space<vmem>>) target(%dma_start3A_710 : memref<10112x32xf32, #tpu.memory_space<vmem_shared>>) offsets(%dma_start3A_707 : memref<128xi32, #tpu.memory_space<vmem>>) semaphore(%arg30 : memref<!tpu.dma_semaphore, #tpu.memory_space<semaphore_mem>>) {add = true}
      %add3A_711 = arith.constant 9 : i32
      %add3A_712 = arith.addi %mul3A_300, %add3A_711 : i32
      %dma_wait3A_713 = arith.constant 9 : i32
      %dma_wait3A_714 = arith.constant 0 : i32
      %dma_wait3A_715 = arith.constant 0 : i32
      %dma_wait3A_716 = tpu.memref_slice %arg9[%dma_wait3A_713, %dma_wait3A_714, %dma_wait3A_715] : memref<10x128x32xf32, #tpu.memory_space<vmem>> -> memref<1x128x32xf32, #tpu.memory_space<vmem>>
      %dma_wait3A_717 = tpu.memref_squeeze %dma_wait3A_716 : memref<1x128x32xf32, #tpu.memory_space<vmem>> -> memref<128x32xf32, #tpu.memory_space<vmem>>
      %dma_wait3A_718 = arith.constant 0 : i32
      %dma_wait3A_719 = tpu.memref_slice %arg7[%add3A_712, %dma_wait3A_718] : memref<160x128xi32, #tpu.memory_space<vmem>> -> memref<1x128xi32, #tpu.memory_space<vmem>>
      %dma_wait3A_720 = tpu.memref_squeeze %dma_wait3A_719 : memref<1x128xi32, #tpu.memory_space<vmem>> -> memref<128xi32, #tpu.memory_space<vmem>>
      %dma_wait3A_721 = arith.constant 0 : i32
      %dma_wait3A_722 = arith.constant 0 : i32
      %dma_wait3A_723 = tpu.memref_slice %arg10[%dma_wait3A_721, %dma_wait3A_722] : memref<10112x32xf32, #tpu.memory_space<vmem_shared>> -> memref<10112x32xf32, #tpu.memory_space<vmem_shared>>
      tpu.wait_indirect_dma semaphore(%arg21 : memref<!tpu.dma_semaphore, #tpu.memory_space<semaphore_mem>>) src(%dma_wait3A_723 : memref<10112x32xf32, #tpu.memory_space<vmem_shared>>) dst(%dma_wait3A_717 : memref<128x32xf32, #tpu.memory_space<vmem>>)
      %add3A_724 = arith.constant 9 : i32
      %add3A_725 = arith.addi %mul3A_300, %add3A_724 : i32
      %dma_start3A_726 = arith.constant 9 : i32
      %dma_start3A_727 = arith.constant 0 : i32
      %dma_start3A_728 = arith.constant 0 : i32
      %dma_start3A_729 = tpu.memref_slice %arg9[%dma_start3A_726, %dma_start3A_727, %dma_start3A_728] : memref<10x128x32xf32, #tpu.memory_space<vmem>> -> memref<1x128x32xf32, #tpu.memory_space<vmem>>
      %dma_start3A_730 = tpu.memref_squeeze %dma_start3A_729 : memref<1x128x32xf32, #tpu.memory_space<vmem>> -> memref<128x32xf32, #tpu.memory_space<vmem>>
      %dma_start3A_731 = arith.constant 0 : i32
      %dma_start3A_732 = tpu.memref_slice %arg8[%add3A_725, %dma_start3A_731] : memref<160x128xi32, #tpu.memory_space<vmem>> -> memref<1x128xi32, #tpu.memory_space<vmem>>
      %dma_start3A_733 = tpu.memref_squeeze %dma_start3A_732 : memref<1x128xi32, #tpu.memory_space<vmem>> -> memref<128xi32, #tpu.memory_space<vmem>>
      %dma_start3A_734 = arith.constant 0 : i32
      %dma_start3A_735 = arith.constant 0 : i32
      %dma_start3A_736 = tpu.memref_slice %arg11[%dma_start3A_734, %dma_start3A_735] : memref<10112x32xf32, #tpu.memory_space<vmem_shared>> -> memref<10112x32xf32, #tpu.memory_space<vmem_shared>>
      tpu.enqueue_indirect_dma source(%dma_start3A_730 : memref<128x32xf32, #tpu.memory_space<vmem>>) target(%dma_start3A_736 : memref<10112x32xf32, #tpu.memory_space<vmem_shared>>) offsets(%dma_start3A_733 : memref<128xi32, #tpu.memory_space<vmem>>) semaphore(%arg31 : memref<!tpu.dma_semaphore, #tpu.memory_space<semaphore_mem>>) {add = true}
    }
    %scan3A_169 = arith.constant 16 : i32
    %dma_wait3A_170 = arith.constant 0 : i32
    %dma_wait3A_171 = arith.constant 150 : i32
    %dma_wait3A_172 = arith.constant 0 : i32
    %dma_wait3A_173 = arith.constant 0 : i32
    %dma_wait3A_174 = tpu.memref_slice %arg9[%dma_wait3A_170, %dma_wait3A_172, %dma_wait3A_173] : memref<10x128x32xf32, #tpu.memory_space<vmem>> -> memref<1x128x32xf32, #tpu.memory_space<vmem>>
    %dma_wait3A_175 = tpu.memref_squeeze %dma_wait3A_174 : memref<1x128x32xf32, #tpu.memory_space<vmem>> -> memref<128x32xf32, #tpu.memory_space<vmem>>
    %dma_wait3A_176 = arith.constant 0 : i32
    %dma_wait3A_177 = tpu.memref_slice %arg8[%dma_wait3A_171, %dma_wait3A_176] : memref<160x128xi32, #tpu.memory_space<vmem>> -> memref<1x128xi32, #tpu.memory_space<vmem>>
    %dma_wait3A_178 = tpu.memref_squeeze %dma_wait3A_177 : memref<1x128xi32, #tpu.memory_space<vmem>> -> memref<128xi32, #tpu.memory_space<vmem>>
    %dma_wait3A_179 = arith.constant 0 : i32
    %dma_wait3A_180 = arith.constant 0 : i32
    %dma_wait3A_181 = tpu.memref_slice %arg11[%dma_wait3A_179, %dma_wait3A_180] : memref<10112x32xf32, #tpu.memory_space<vmem_shared>> -> memref<10112x32xf32, #tpu.memory_space<vmem_shared>>
    tpu.wait_indirect_dma semaphore(%arg22 : memref<!tpu.dma_semaphore, #tpu.memory_space<semaphore_mem>>) src(%dma_wait3A_175 : memref<128x32xf32, #tpu.memory_space<vmem>>) dst(%dma_wait3A_181 : memref<10112x32xf32, #tpu.memory_space<vmem_shared>>)
    %dma_wait3A_182 = arith.constant 1 : i32
    %dma_wait3A_183 = arith.constant 151 : i32
    %dma_wait3A_184 = arith.constant 0 : i32
    %dma_wait3A_185 = arith.constant 0 : i32
    %dma_wait3A_186 = tpu.memref_slice %arg9[%dma_wait3A_182, %dma_wait3A_184, %dma_wait3A_185] : memref<10x128x32xf32, #tpu.memory_space<vmem>> -> memref<1x128x32xf32, #tpu.memory_space<vmem>>
    %dma_wait3A_187 = tpu.memref_squeeze %dma_wait3A_186 : memref<1x128x32xf32, #tpu.memory_space<vmem>> -> memref<128x32xf32, #tpu.memory_space<vmem>>
    %dma_wait3A_188 = arith.constant 0 : i32
    %dma_wait3A_189 = tpu.memref_slice %arg8[%dma_wait3A_183, %dma_wait3A_188] : memref<160x128xi32, #tpu.memory_space<vmem>> -> memref<1x128xi32, #tpu.memory_space<vmem>>
    %dma_wait3A_190 = tpu.memref_squeeze %dma_wait3A_189 : memref<1x128xi32, #tpu.memory_space<vmem>> -> memref<128xi32, #tpu.memory_space<vmem>>
    %dma_wait3A_191 = arith.constant 0 : i32
    %dma_wait3A_192 = arith.constant 0 : i32
    %dma_wait3A_193 = tpu.memref_slice %arg11[%dma_wait3A_191, %dma_wait3A_192] : memref<10112x32xf32, #tpu.memory_space<vmem_shared>> -> memref<10112x32xf32, #tpu.memory_space<vmem_shared>>
    tpu.wait_indirect_dma semaphore(%arg23 : memref<!tpu.dma_semaphore, #tpu.memory_space<semaphore_mem>>) src(%dma_wait3A_187 : memref<128x32xf32, #tpu.memory_space<vmem>>) dst(%dma_wait3A_193 : memref<10112x32xf32, #tpu.memory_space<vmem_shared>>)
    %dma_wait3A_194 = arith.constant 2 : i32
    %dma_wait3A_195 = arith.constant 152 : i32
    %dma_wait3A_196 = arith.constant 0 : i32
    %dma_wait3A_197 = arith.constant 0 : i32
    %dma_wait3A_198 = tpu.memref_slice %arg9[%dma_wait3A_194, %dma_wait3A_196, %dma_wait3A_197] : memref<10x128x32xf32, #tpu.memory_space<vmem>> -> memref<1x128x32xf32, #tpu.memory_space<vmem>>
    %dma_wait3A_199 = tpu.memref_squeeze %dma_wait3A_198 : memref<1x128x32xf32, #tpu.memory_space<vmem>> -> memref<128x32xf32, #tpu.memory_space<vmem>>
    %dma_wait3A_200 = arith.constant 0 : i32
    %dma_wait3A_201 = tpu.memref_slice %arg8[%dma_wait3A_195, %dma_wait3A_200] : memref<160x128xi32, #tpu.memory_space<vmem>> -> memref<1x128xi32, #tpu.memory_space<vmem>>
    %dma_wait3A_202 = tpu.memref_squeeze %dma_wait3A_201 : memref<1x128xi32, #tpu.memory_space<vmem>> -> memref<128xi32, #tpu.memory_space<vmem>>
    %dma_wait3A_203 = arith.constant 0 : i32
    %dma_wait3A_204 = arith.constant 0 : i32
    %dma_wait3A_205 = tpu.memref_slice %arg11[%dma_wait3A_203, %dma_wait3A_204] : memref<10112x32xf32, #tpu.memory_space<vmem_shared>> -> memref<10112x32xf32, #tpu.memory_space<vmem_shared>>
    tpu.wait_indirect_dma semaphore(%arg24 : memref<!tpu.dma_semaphore, #tpu.memory_space<semaphore_mem>>) src(%dma_wait3A_199 : memref<128x32xf32, #tpu.memory_space<vmem>>) dst(%dma_wait3A_205 : memref<10112x32xf32, #tpu.memory_space<vmem_shared>>)
    %dma_wait3A_206 = arith.constant 3 : i32
    %dma_wait3A_207 = arith.constant 153 : i32
    %dma_wait3A_208 = arith.constant 0 : i32
    %dma_wait3A_209 = arith.constant 0 : i32
    %dma_wait3A_210 = tpu.memref_slice %arg9[%dma_wait3A_206, %dma_wait3A_208, %dma_wait3A_209] : memref<10x128x32xf32, #tpu.memory_space<vmem>> -> memref<1x128x32xf32, #tpu.memory_space<vmem>>
    %dma_wait3A_211 = tpu.memref_squeeze %dma_wait3A_210 : memref<1x128x32xf32, #tpu.memory_space<vmem>> -> memref<128x32xf32, #tpu.memory_space<vmem>>
    %dma_wait3A_212 = arith.constant 0 : i32
    %dma_wait3A_213 = tpu.memref_slice %arg8[%dma_wait3A_207, %dma_wait3A_212] : memref<160x128xi32, #tpu.memory_space<vmem>> -> memref<1x128xi32, #tpu.memory_space<vmem>>
    %dma_wait3A_214 = tpu.memref_squeeze %dma_wait3A_213 : memref<1x128xi32, #tpu.memory_space<vmem>> -> memref<128xi32, #tpu.memory_space<vmem>>
    %dma_wait3A_215 = arith.constant 0 : i32
    %dma_wait3A_216 = arith.constant 0 : i32
    %dma_wait3A_217 = tpu.memref_slice %arg11[%dma_wait3A_215, %dma_wait3A_216] : memref<10112x32xf32, #tpu.memory_space<vmem_shared>> -> memref<10112x32xf32, #tpu.memory_space<vmem_shared>>
    tpu.wait_indirect_dma semaphore(%arg25 : memref<!tpu.dma_semaphore, #tpu.memory_space<semaphore_mem>>) src(%dma_wait3A_211 : memref<128x32xf32, #tpu.memory_space<vmem>>) dst(%dma_wait3A_217 : memref<10112x32xf32, #tpu.memory_space<vmem_shared>>)
    %dma_wait3A_218 = arith.constant 4 : i32
    %dma_wait3A_219 = arith.constant 154 : i32
    %dma_wait3A_220 = arith.constant 0 : i32
    %dma_wait3A_221 = arith.constant 0 : i32
    %dma_wait3A_222 = tpu.memref_slice %arg9[%dma_wait3A_218, %dma_wait3A_220, %dma_wait3A_221] : memref<10x128x32xf32, #tpu.memory_space<vmem>> -> memref<1x128x32xf32, #tpu.memory_space<vmem>>
    %dma_wait3A_223 = tpu.memref_squeeze %dma_wait3A_222 : memref<1x128x32xf32, #tpu.memory_space<vmem>> -> memref<128x32xf32, #tpu.memory_space<vmem>>
    %dma_wait3A_224 = arith.constant 0 : i32
    %dma_wait3A_225 = tpu.memref_slice %arg8[%dma_wait3A_219, %dma_wait3A_224] : memref<160x128xi32, #tpu.memory_space<vmem>> -> memref<1x128xi32, #tpu.memory_space<vmem>>
    %dma_wait3A_226 = tpu.memref_squeeze %dma_wait3A_225 : memref<1x128xi32, #tpu.memory_space<vmem>> -> memref<128xi32, #tpu.memory_space<vmem>>
    %dma_wait3A_227 = arith.constant 0 : i32
    %dma_wait3A_228 = arith.constant 0 : i32
    %dma_wait3A_229 = tpu.memref_slice %arg11[%dma_wait3A_227, %dma_wait3A_228] : memref<10112x32xf32, #tpu.memory_space<vmem_shared>> -> memref<10112x32xf32, #tpu.memory_space<vmem_shared>>
    tpu.wait_indirect_dma semaphore(%arg26 : memref<!tpu.dma_semaphore, #tpu.memory_space<semaphore_mem>>) src(%dma_wait3A_223 : memref<128x32xf32, #tpu.memory_space<vmem>>) dst(%dma_wait3A_229 : memref<10112x32xf32, #tpu.memory_space<vmem_shared>>)
    %dma_wait3A_230 = arith.constant 5 : i32
    %dma_wait3A_231 = arith.constant 155 : i32
    %dma_wait3A_232 = arith.constant 0 : i32
    %dma_wait3A_233 = arith.constant 0 : i32
    %dma_wait3A_234 = tpu.memref_slice %arg9[%dma_wait3A_230, %dma_wait3A_232, %dma_wait3A_233] : memref<10x128x32xf32, #tpu.memory_space<vmem>> -> memref<1x128x32xf32, #tpu.memory_space<vmem>>
    %dma_wait3A_235 = tpu.memref_squeeze %dma_wait3A_234 : memref<1x128x32xf32, #tpu.memory_space<vmem>> -> memref<128x32xf32, #tpu.memory_space<vmem>>
    %dma_wait3A_236 = arith.constant 0 : i32
    %dma_wait3A_237 = tpu.memref_slice %arg8[%dma_wait3A_231, %dma_wait3A_236] : memref<160x128xi32, #tpu.memory_space<vmem>> -> memref<1x128xi32, #tpu.memory_space<vmem>>
    %dma_wait3A_238 = tpu.memref_squeeze %dma_wait3A_237 : memref<1x128xi32, #tpu.memory_space<vmem>> -> memref<128xi32, #tpu.memory_space<vmem>>
    %dma_wait3A_239 = arith.constant 0 : i32
    %dma_wait3A_240 = arith.constant 0 : i32
    %dma_wait3A_241 = tpu.memref_slice %arg11[%dma_wait3A_239, %dma_wait3A_240] : memref<10112x32xf32, #tpu.memory_space<vmem_shared>> -> memref<10112x32xf32, #tpu.memory_space<vmem_shared>>
    tpu.wait_indirect_dma semaphore(%arg27 : memref<!tpu.dma_semaphore, #tpu.memory_space<semaphore_mem>>) src(%dma_wait3A_235 : memref<128x32xf32, #tpu.memory_space<vmem>>) dst(%dma_wait3A_241 : memref<10112x32xf32, #tpu.memory_space<vmem_shared>>)
    %dma_wait3A_242 = arith.constant 6 : i32
    %dma_wait3A_243 = arith.constant 156 : i32
    %dma_wait3A_244 = arith.constant 0 : i32
    %dma_wait3A_245 = arith.constant 0 : i32
    %dma_wait3A_246 = tpu.memref_slice %arg9[%dma_wait3A_242, %dma_wait3A_244, %dma_wait3A_245] : memref<10x128x32xf32, #tpu.memory_space<vmem>> -> memref<1x128x32xf32, #tpu.memory_space<vmem>>
    %dma_wait3A_247 = tpu.memref_squeeze %dma_wait3A_246 : memref<1x128x32xf32, #tpu.memory_space<vmem>> -> memref<128x32xf32, #tpu.memory_space<vmem>>
    %dma_wait3A_248 = arith.constant 0 : i32
    %dma_wait3A_249 = tpu.memref_slice %arg8[%dma_wait3A_243, %dma_wait3A_248] : memref<160x128xi32, #tpu.memory_space<vmem>> -> memref<1x128xi32, #tpu.memory_space<vmem>>
    %dma_wait3A_250 = tpu.memref_squeeze %dma_wait3A_249 : memref<1x128xi32, #tpu.memory_space<vmem>> -> memref<128xi32, #tpu.memory_space<vmem>>
    %dma_wait3A_251 = arith.constant 0 : i32
    %dma_wait3A_252 = arith.constant 0 : i32
    %dma_wait3A_253 = tpu.memref_slice %arg11[%dma_wait3A_251, %dma_wait3A_252] : memref<10112x32xf32, #tpu.memory_space<vmem_shared>> -> memref<10112x32xf32, #tpu.memory_space<vmem_shared>>
    tpu.wait_indirect_dma semaphore(%arg28 : memref<!tpu.dma_semaphore, #tpu.memory_space<semaphore_mem>>) src(%dma_wait3A_247 : memref<128x32xf32, #tpu.memory_space<vmem>>) dst(%dma_wait3A_253 : memref<10112x32xf32, #tpu.memory_space<vmem_shared>>)
    %dma_wait3A_254 = arith.constant 7 : i32
    %dma_wait3A_255 = arith.constant 157 : i32
    %dma_wait3A_256 = arith.constant 0 : i32
    %dma_wait3A_257 = arith.constant 0 : i32
    %dma_wait3A_258 = tpu.memref_slice %arg9[%dma_wait3A_254, %dma_wait3A_256, %dma_wait3A_257] : memref<10x128x32xf32, #tpu.memory_space<vmem>> -> memref<1x128x32xf32, #tpu.memory_space<vmem>>
    %dma_wait3A_259 = tpu.memref_squeeze %dma_wait3A_258 : memref<1x128x32xf32, #tpu.memory_space<vmem>> -> memref<128x32xf32, #tpu.memory_space<vmem>>
    %dma_wait3A_260 = arith.constant 0 : i32
    %dma_wait3A_261 = tpu.memref_slice %arg8[%dma_wait3A_255, %dma_wait3A_260] : memref<160x128xi32, #tpu.memory_space<vmem>> -> memref<1x128xi32, #tpu.memory_space<vmem>>
    %dma_wait3A_262 = tpu.memref_squeeze %dma_wait3A_261 : memref<1x128xi32, #tpu.memory_space<vmem>> -> memref<128xi32, #tpu.memory_space<vmem>>
    %dma_wait3A_263 = arith.constant 0 : i32
    %dma_wait3A_264 = arith.constant 0 : i32
    %dma_wait3A_265 = tpu.memref_slice %arg11[%dma_wait3A_263, %dma_wait3A_264] : memref<10112x32xf32, #tpu.memory_space<vmem_shared>> -> memref<10112x32xf32, #tpu.memory_space<vmem_shared>>
    tpu.wait_indirect_dma semaphore(%arg29 : memref<!tpu.dma_semaphore, #tpu.memory_space<semaphore_mem>>) src(%dma_wait3A_259 : memref<128x32xf32, #tpu.memory_space<vmem>>) dst(%dma_wait3A_265 : memref<10112x32xf32, #tpu.memory_space<vmem_shared>>)
    %dma_wait3A_266 = arith.constant 8 : i32
    %dma_wait3A_267 = arith.constant 158 : i32
    %dma_wait3A_268 = arith.constant 0 : i32
    %dma_wait3A_269 = arith.constant 0 : i32
    %dma_wait3A_270 = tpu.memref_slice %arg9[%dma_wait3A_266, %dma_wait3A_268, %dma_wait3A_269] : memref<10x128x32xf32, #tpu.memory_space<vmem>> -> memref<1x128x32xf32, #tpu.memory_space<vmem>>
    %dma_wait3A_271 = tpu.memref_squeeze %dma_wait3A_270 : memref<1x128x32xf32, #tpu.memory_space<vmem>> -> memref<128x32xf32, #tpu.memory_space<vmem>>
    %dma_wait3A_272 = arith.constant 0 : i32
    %dma_wait3A_273 = tpu.memref_slice %arg8[%dma_wait3A_267, %dma_wait3A_272] : memref<160x128xi32, #tpu.memory_space<vmem>> -> memref<1x128xi32, #tpu.memory_space<vmem>>
    %dma_wait3A_274 = tpu.memref_squeeze %dma_wait3A_273 : memref<1x128xi32, #tpu.memory_space<vmem>> -> memref<128xi32, #tpu.memory_space<vmem>>
    %dma_wait3A_275 = arith.constant 0 : i32
    %dma_wait3A_276 = arith.constant 0 : i32
    %dma_wait3A_277 = tpu.memref_slice %arg11[%dma_wait3A_275, %dma_wait3A_276] : memref<10112x32xf32, #tpu.memory_space<vmem_shared>> -> memref<10112x32xf32, #tpu.memory_space<vmem_shared>>
    tpu.wait_indirect_dma semaphore(%arg30 : memref<!tpu.dma_semaphore, #tpu.memory_space<semaphore_mem>>) src(%dma_wait3A_271 : memref<128x32xf32, #tpu.memory_space<vmem>>) dst(%dma_wait3A_277 : memref<10112x32xf32, #tpu.memory_space<vmem_shared>>)
    %dma_wait3A_278 = arith.constant 9 : i32
    %dma_wait3A_279 = arith.constant 159 : i32
    %dma_wait3A_280 = arith.constant 0 : i32
    %dma_wait3A_281 = arith.constant 0 : i32
    %dma_wait3A_282 = tpu.memref_slice %arg9[%dma_wait3A_278, %dma_wait3A_280, %dma_wait3A_281] : memref<10x128x32xf32, #tpu.memory_space<vmem>> -> memref<1x128x32xf32, #tpu.memory_space<vmem>>
    %dma_wait3A_283 = tpu.memref_squeeze %dma_wait3A_282 : memref<1x128x32xf32, #tpu.memory_space<vmem>> -> memref<128x32xf32, #tpu.memory_space<vmem>>
    %dma_wait3A_284 = arith.constant 0 : i32
    %dma_wait3A_285 = tpu.memref_slice %arg8[%dma_wait3A_279, %dma_wait3A_284] : memref<160x128xi32, #tpu.memory_space<vmem>> -> memref<1x128xi32, #tpu.memory_space<vmem>>
    %dma_wait3A_286 = tpu.memref_squeeze %dma_wait3A_285 : memref<1x128xi32, #tpu.memory_space<vmem>> -> memref<128xi32, #tpu.memory_space<vmem>>
    %dma_wait3A_287 = arith.constant 0 : i32
    %dma_wait3A_288 = arith.constant 0 : i32
    %dma_wait3A_289 = tpu.memref_slice %arg11[%dma_wait3A_287, %dma_wait3A_288] : memref<10112x32xf32, #tpu.memory_space<vmem_shared>> -> memref<10112x32xf32, #tpu.memory_space<vmem_shared>>
    tpu.wait_indirect_dma semaphore(%arg31 : memref<!tpu.dma_semaphore, #tpu.memory_space<semaphore_mem>>) src(%dma_wait3A_283 : memref<128x32xf32, #tpu.memory_space<vmem>>) dst(%dma_wait3A_289 : memref<10112x32xf32, #tpu.memory_space<vmem_shared>>)
    %barrier3A_290 = arith.constant 0 : index
    tpu.barrier barrier_id(%barrier3A_290)
    %mul3A_291 = arith.constant 632 : i32
    %mul3A_292 = arith.muli %arg1, %mul3A_291 : i32
    %mul3A_293 = arith.constant 632 : i32
    %mul3A_294 = arith.muli %arg1, %mul3A_293 : i32
    %mul3A_295 = arith.constant 32 : i32
    %mul3A_296 = arith.muli %add3A_149, %mul3A_295 : i32
    "tpu.region"() ({
      %run_scoped3A_298 = tpu.sem_alloc : memref<!tpu.dma_semaphore, #tpu.memory_space<semaphore_mem>>
      %dma_start3A = tpu.memref_slice %arg6[%mul3A_294, %mul3A_296] : memref<10112x128xf32, #tpu.memory_space<hbm>> -> memref<632x32xf32, #tpu.memory_space<hbm>>
      %dma_start3A_299 = arith.constant 0 : i32
      %dma_start3A_300 = tpu.memref_slice %arg11[%mul3A_292, %dma_start3A_299] : memref<10112x32xf32, #tpu.memory_space<vmem_shared>> -> memref<632x32xf32, #tpu.memory_space<vmem_shared>>
      tpu.enqueue_dma source(%dma_start3A_300 : memref<632x32xf32, #tpu.memory_space<vmem_shared>>) target(%dma_start3A : memref<632x32xf32, #tpu.memory_space<hbm>>) target_semaphore(%run_scoped3A_298 : memref<!tpu.dma_semaphore, #tpu.memory_space<semaphore_mem>>)
      %dma_wait3A_301 = tpu.memref_slice %arg6[%mul3A_294, %mul3A_296] : memref<10112x128xf32, #tpu.memory_space<hbm>> -> memref<632x32xf32, #tpu.memory_space<hbm>>
      %dma_wait3A_302 = arith.constant 0 : i32
      %dma_wait3A_303 = tpu.memref_slice %arg11[%mul3A_292, %dma_wait3A_302] : memref<10112x32xf32, #tpu.memory_space<vmem_shared>> -> memref<632x32xf32, #tpu.memory_space<vmem_shared>>
      tpu.wait_dma2 semaphore(%run_scoped3A_298 : memref<!tpu.dma_semaphore, #tpu.memory_space<semaphore_mem>>) src(%dma_wait3A_303 : memref<632x32xf32, #tpu.memory_space<vmem_shared>>) dst(%dma_wait3A_301 : memref<632x32xf32, #tpu.memory_space<hbm>>)
      tpu.yield
    }) : () -> ()
    %barrier3A_297 = arith.constant 0 : index
    tpu.barrier barrier_id(%barrier3A_297)
    return
  }
}

#map = affine_map<(d0, d1) -> (0, 0, 0)>
#map1 = affine_map<(d0, d1) -> (0, 0)>
module attributes {stable_mosaic.version = 14 : i64} {
  func.func @_deg_kernel(%arg0: i32, %arg1: i32, %arg2: memref<16x160x128xi32, #tpu.memory_space<hbm>>, %arg3: memref<128x16xf32, #tpu.memory_space<hbm>>, %arg4: memref<128x16xf32, #tpu.memory_space<hbm>>, %arg5: memref<2x10112x16xf32, #tpu.memory_space<hbm>>, %arg6: memref<160x128xi32, #tpu.memory_space<vmem>>, %arg7: memref<128x16xf32, #tpu.memory_space<vmem>>, %arg8: memref<128x16xf32, #tpu.memory_space<vmem>>, %arg9: memref<10112x16xf32, #tpu.memory_space<vmem_shared>>, %arg10: memref<!tpu.dma_semaphore, #tpu.memory_space<semaphore_mem>>) attributes {dimension_semantics = [#tpu.dimension_semantics<core_parallel>, #tpu.dimension_semantics<subcore_parallel>], iteration_bounds = array<i64: 2, 16>, scalar_prefetch = 0 : i64, scratch_operands = 5 : i64, tpu.core_type = #tpu.core_type<sc_vector_subcore>, window_params = [{transform_indices = #map}, {transform_indices = #map1}, {transform_indices = #map1}, {transform_indices = #map}]} {
    "tpu.region"() ({
      %run_scoped3A = tpu.sem_alloc : memref<!tpu.dma_semaphore, #tpu.memory_space<semaphore_mem>>
      tpu.enqueue_dma source(%arg3 : memref<128x16xf32, #tpu.memory_space<hbm>>) target(%arg7 : memref<128x16xf32, #tpu.memory_space<vmem>>) target_semaphore(%run_scoped3A : memref<!tpu.dma_semaphore, #tpu.memory_space<semaphore_mem>>)
      tpu.wait_dma2 semaphore(%run_scoped3A : memref<!tpu.dma_semaphore, #tpu.memory_space<semaphore_mem>>) src(%arg3 : memref<128x16xf32, #tpu.memory_space<hbm>>) dst(%arg7 : memref<128x16xf32, #tpu.memory_space<vmem>>)
      tpu.yield
    }) : () -> ()
    "tpu.region"() ({
      %run_scoped3A = tpu.sem_alloc : memref<!tpu.dma_semaphore, #tpu.memory_space<semaphore_mem>>
      tpu.enqueue_dma source(%arg4 : memref<128x16xf32, #tpu.memory_space<hbm>>) target(%arg8 : memref<128x16xf32, #tpu.memory_space<vmem>>) target_semaphore(%run_scoped3A : memref<!tpu.dma_semaphore, #tpu.memory_space<semaphore_mem>>)
      tpu.wait_dma2 semaphore(%run_scoped3A : memref<!tpu.dma_semaphore, #tpu.memory_space<semaphore_mem>>) src(%arg4 : memref<128x16xf32, #tpu.memory_space<hbm>>) dst(%arg8 : memref<128x16xf32, #tpu.memory_space<vmem>>)
      tpu.yield
    }) : () -> ()
    "tpu.region"() ({
      %run_scoped3A = tpu.sem_alloc : memref<!tpu.dma_semaphore, #tpu.memory_space<semaphore_mem>>
      %dma_start3A = arith.constant 0 : i32
      %dma_start3A_21 = arith.constant 0 : i32
      %dma_start3A_22 = tpu.memref_slice %arg2[%arg1, %dma_start3A, %dma_start3A_21] : memref<16x160x128xi32, #tpu.memory_space<hbm>> -> memref<1x160x128xi32, #tpu.memory_space<hbm>>
      %dma_start3A_23 = tpu.memref_squeeze %dma_start3A_22 : memref<1x160x128xi32, #tpu.memory_space<hbm>> -> memref<160x128xi32, #tpu.memory_space<hbm>>
      %dma_start3A_24 = arith.constant 0 : i32
      %dma_start3A_25 = arith.constant 0 : i32
      %dma_start3A_26 = tpu.memref_slice %arg2[%arg1, %dma_start3A_24, %dma_start3A_25] : memref<16x160x128xi32, #tpu.memory_space<hbm>> -> memref<1x160x128xi32, #tpu.memory_space<hbm>>
      %dma_start3A_27 = tpu.memref_squeeze %dma_start3A_26 : memref<1x160x128xi32, #tpu.memory_space<hbm>> -> memref<160x128xi32, #tpu.memory_space<hbm>>
      tpu.enqueue_dma source(%dma_start3A_27 : memref<160x128xi32, #tpu.memory_space<hbm>>) target(%arg6 : memref<160x128xi32, #tpu.memory_space<vmem>>) target_semaphore(%run_scoped3A : memref<!tpu.dma_semaphore, #tpu.memory_space<semaphore_mem>>)
      %dma_wait3A = arith.constant 0 : i32
      %dma_wait3A_28 = arith.constant 0 : i32
      %dma_wait3A_29 = tpu.memref_slice %arg2[%arg1, %dma_wait3A, %dma_wait3A_28] : memref<16x160x128xi32, #tpu.memory_space<hbm>> -> memref<1x160x128xi32, #tpu.memory_space<hbm>>
      %dma_wait3A_30 = tpu.memref_squeeze %dma_wait3A_29 : memref<1x160x128xi32, #tpu.memory_space<hbm>> -> memref<160x128xi32, #tpu.memory_space<hbm>>
      %dma_wait3A_31 = arith.constant 0 : i32
      %dma_wait3A_32 = arith.constant 0 : i32
      %dma_wait3A_33 = tpu.memref_slice %arg2[%arg1, %dma_wait3A_31, %dma_wait3A_32] : memref<16x160x128xi32, #tpu.memory_space<hbm>> -> memref<1x160x128xi32, #tpu.memory_space<hbm>>
      %dma_wait3A_34 = tpu.memref_squeeze %dma_wait3A_33 : memref<1x160x128xi32, #tpu.memory_space<hbm>> -> memref<160x128xi32, #tpu.memory_space<hbm>>
      tpu.wait_dma2 semaphore(%run_scoped3A : memref<!tpu.dma_semaphore, #tpu.memory_space<semaphore_mem>>) src(%dma_wait3A_34 : memref<160x128xi32, #tpu.memory_space<hbm>>) dst(%arg6 : memref<160x128xi32, #tpu.memory_space<vmem>>)
      tpu.yield
    }) : () -> ()
    %scan3A = arith.constant 0 : i32
    %scan3A_0 = arith.constant 0 : i32
    %scan3A_1 = arith.constant 5 : i32
    %scan3A_2 = arith.addi %scan3A_0, %scan3A_1 : i32
    %scan3A_3 = arith.constant 1 : i32
    scf.for %scan3A_21 = %scan3A_0 to %scan3A_2 step %scan3A_3  : i32 {
      %mul3A_22 = arith.constant 16 : i32
      %mul3A_23 = arith.muli %scan3A_21, %mul3A_22 : i32
      %add3A = arith.addi %arg1, %mul3A_23 : i32
      %lt3A = arith.constant 79 : i32
      %lt3A_24 = arith.cmpi slt, %add3A, %lt3A : i32
      %convert_element_type3A = arith.extui %lt3A_24 : i1 to i32
      %cond3A = arith.constant 0 : i32
      %cond3A_25 = arith.cmpi ne, %convert_element_type3A, %cond3A : i32
      scf.if %cond3A_25 {
        %mul3A_26 = arith.constant 128 : i32
        %mul3A_27 = arith.muli %add3A, %mul3A_26 : i32
        "tpu.region"() ({
          %run_scoped3A = tpu.sem_alloc : memref<!tpu.dma_semaphore, #tpu.memory_space<semaphore_mem>>
          %dma_start3A = arith.constant 0 : i32
          %dma_start3A_28 = tpu.memref_slice %arg9[%mul3A_27, %dma_start3A] : memref<10112x16xf32, #tpu.memory_space<vmem_shared>> -> memref<128x16xf32, #tpu.memory_space<vmem_shared>>
          %dma_start3A_29 = arith.constant 0 : i32
          %dma_start3A_30 = tpu.memref_slice %arg9[%mul3A_27, %dma_start3A_29] : memref<10112x16xf32, #tpu.memory_space<vmem_shared>> -> memref<128x16xf32, #tpu.memory_space<vmem_shared>>
          tpu.enqueue_dma source(%arg8 : memref<128x16xf32, #tpu.memory_space<vmem>>) target(%dma_start3A_30 : memref<128x16xf32, #tpu.memory_space<vmem_shared>>) target_semaphore(%run_scoped3A : memref<!tpu.dma_semaphore, #tpu.memory_space<semaphore_mem>>)
          %dma_wait3A = arith.constant 0 : i32
          %dma_wait3A_31 = tpu.memref_slice %arg9[%mul3A_27, %dma_wait3A] : memref<10112x16xf32, #tpu.memory_space<vmem_shared>> -> memref<128x16xf32, #tpu.memory_space<vmem_shared>>
          %dma_wait3A_32 = arith.constant 0 : i32
          %dma_wait3A_33 = tpu.memref_slice %arg9[%mul3A_27, %dma_wait3A_32] : memref<10112x16xf32, #tpu.memory_space<vmem_shared>> -> memref<128x16xf32, #tpu.memory_space<vmem_shared>>
          tpu.wait_dma2 semaphore(%run_scoped3A : memref<!tpu.dma_semaphore, #tpu.memory_space<semaphore_mem>>) src(%arg8 : memref<128x16xf32, #tpu.memory_space<vmem>>) dst(%dma_wait3A_33 : memref<128x16xf32, #tpu.memory_space<vmem_shared>>)
          tpu.yield
        }) : () -> ()
      } else {
      }
    }
    %scan3A_4 = arith.constant 5 : i32
    %barrier3A = arith.constant 0 : index
    tpu.barrier barrier_id(%barrier3A)
    %scan3A_5 = arith.constant 0 : i32
    %scan3A_6 = arith.constant 0 : i32
    %scan3A_7 = arith.constant 80 : i32
    %scan3A_8 = arith.addi %scan3A_6, %scan3A_7 : i32
    %scan3A_9 = arith.constant 1 : i32
    scf.for %scan3A_21 = %scan3A_6 to %scan3A_8 step %scan3A_9  : i32 {
      %mul3A_22 = arith.constant 80 : i32
      %mul3A_23 = arith.muli %arg0, %mul3A_22 : i32
      %add3A = arith.addi %mul3A_23, %scan3A_21 : i32
      %dma_start3A = arith.constant 0 : i32
      %dma_start3A_24 = tpu.memref_slice %arg6[%add3A, %dma_start3A] : memref<160x128xi32, #tpu.memory_space<vmem>> -> memref<1x128xi32, #tpu.memory_space<vmem>>
      %dma_start3A_25 = tpu.memref_squeeze %dma_start3A_24 : memref<1x128xi32, #tpu.memory_space<vmem>> -> memref<128xi32, #tpu.memory_space<vmem>>
      %dma_start3A_26 = arith.constant 0 : i32
      %dma_start3A_27 = arith.constant 0 : i32
      %dma_start3A_28 = tpu.memref_slice %arg9[%dma_start3A_26, %dma_start3A_27] : memref<10112x16xf32, #tpu.memory_space<vmem_shared>> -> memref<10112x16xf32, #tpu.memory_space<vmem_shared>>
      tpu.enqueue_indirect_dma source(%arg7 : memref<128x16xf32, #tpu.memory_space<vmem>>) target(%dma_start3A_28 : memref<10112x16xf32, #tpu.memory_space<vmem_shared>>) offsets(%dma_start3A_25 : memref<128xi32, #tpu.memory_space<vmem>>) semaphore(%arg10 : memref<!tpu.dma_semaphore, #tpu.memory_space<semaphore_mem>>) {add = true}
    }
    %scan3A_10 = arith.constant 80 : i32
    %scan3A_11 = arith.constant 0 : i32
    %scan3A_12 = arith.constant 0 : i32
    %scan3A_13 = arith.constant 80 : i32
    %scan3A_14 = arith.addi %scan3A_12, %scan3A_13 : i32
    %scan3A_15 = arith.constant 1 : i32
    scf.for %scan3A_21 = %scan3A_12 to %scan3A_14 step %scan3A_15  : i32 {
      %mul3A_22 = arith.constant 80 : i32
      %mul3A_23 = arith.muli %arg0, %mul3A_22 : i32
      %add3A = arith.addi %mul3A_23, %scan3A_21 : i32
      %dma_wait3A = arith.constant 0 : i32
      %dma_wait3A_24 = tpu.memref_slice %arg6[%add3A, %dma_wait3A] : memref<160x128xi32, #tpu.memory_space<vmem>> -> memref<1x128xi32, #tpu.memory_space<vmem>>
      %dma_wait3A_25 = tpu.memref_squeeze %dma_wait3A_24 : memref<1x128xi32, #tpu.memory_space<vmem>> -> memref<128xi32, #tpu.memory_space<vmem>>
      %dma_wait3A_26 = arith.constant 0 : i32
      %dma_wait3A_27 = arith.constant 0 : i32
      %dma_wait3A_28 = tpu.memref_slice %arg9[%dma_wait3A_26, %dma_wait3A_27] : memref<10112x16xf32, #tpu.memory_space<vmem_shared>> -> memref<10112x16xf32, #tpu.memory_space<vmem_shared>>
      tpu.wait_indirect_dma semaphore(%arg10 : memref<!tpu.dma_semaphore, #tpu.memory_space<semaphore_mem>>) src(%arg7 : memref<128x16xf32, #tpu.memory_space<vmem>>) dst(%dma_wait3A_28 : memref<10112x16xf32, #tpu.memory_space<vmem_shared>>)
    }
    %scan3A_16 = arith.constant 80 : i32
    %barrier3A_17 = arith.constant 0 : index
    tpu.barrier barrier_id(%barrier3A_17)
    %mul3A = arith.constant 632 : i32
    %mul3A_18 = arith.muli %arg1, %mul3A : i32
    %mul3A_19 = arith.constant 632 : i32
    %mul3A_20 = arith.muli %arg1, %mul3A_19 : i32
    "tpu.region"() ({
      %run_scoped3A = tpu.sem_alloc : memref<!tpu.dma_semaphore, #tpu.memory_space<semaphore_mem>>
      %dma_start3A = arith.constant 0 : i32
      %dma_start3A_21 = tpu.memref_slice %arg5[%arg0, %mul3A_20, %dma_start3A] : memref<2x10112x16xf32, #tpu.memory_space<hbm>> -> memref<1x632x16xf32, #tpu.memory_space<hbm>>
      %dma_start3A_22 = tpu.memref_squeeze %dma_start3A_21 : memref<1x632x16xf32, #tpu.memory_space<hbm>> -> memref<632x16xf32, #tpu.memory_space<hbm>>
      %dma_start3A_23 = arith.constant 0 : i32
      %dma_start3A_24 = tpu.memref_slice %arg9[%mul3A_18, %dma_start3A_23] : memref<10112x16xf32, #tpu.memory_space<vmem_shared>> -> memref<632x16xf32, #tpu.memory_space<vmem_shared>>
      tpu.enqueue_dma source(%dma_start3A_24 : memref<632x16xf32, #tpu.memory_space<vmem_shared>>) target(%dma_start3A_22 : memref<632x16xf32, #tpu.memory_space<hbm>>) target_semaphore(%run_scoped3A : memref<!tpu.dma_semaphore, #tpu.memory_space<semaphore_mem>>)
      %dma_wait3A = arith.constant 0 : i32
      %dma_wait3A_25 = tpu.memref_slice %arg5[%arg0, %mul3A_20, %dma_wait3A] : memref<2x10112x16xf32, #tpu.memory_space<hbm>> -> memref<1x632x16xf32, #tpu.memory_space<hbm>>
      %dma_wait3A_26 = tpu.memref_squeeze %dma_wait3A_25 : memref<1x632x16xf32, #tpu.memory_space<hbm>> -> memref<632x16xf32, #tpu.memory_space<hbm>>
      %dma_wait3A_27 = arith.constant 0 : i32
      %dma_wait3A_28 = tpu.memref_slice %arg9[%mul3A_18, %dma_wait3A_27] : memref<10112x16xf32, #tpu.memory_space<vmem_shared>> -> memref<632x16xf32, #tpu.memory_space<vmem_shared>>
      tpu.wait_dma2 semaphore(%run_scoped3A : memref<!tpu.dma_semaphore, #tpu.memory_space<semaphore_mem>>) src(%dma_wait3A_28 : memref<632x16xf32, #tpu.memory_space<vmem_shared>>) dst(%dma_wait3A_26 : memref<632x16xf32, #tpu.memory_space<hbm>>)
      tpu.yield
    }) : () -> ()
    return
  }
}

#map = affine_map<(d0, d1) -> (0, 0)>
#map1 = affine_map<(d0, d1) -> (0, 0, 0)>
module attributes {stable_mosaic.version = 14 : i64} {
  func.func @_agg_kernel(%arg0: i32, %arg1: i32, %arg2: memref<10112x128xf32, #tpu.memory_space<hbm>>, %arg3: memref<16x160x128xi32, #tpu.memory_space<hbm>>, %arg4: memref<16x160x128xi32, #tpu.memory_space<hbm>>, %arg5: memref<128x32xf32, #tpu.memory_space<hbm>>, %arg6: memref<10112x128xf32, #tpu.memory_space<hbm>>, %arg7: memref<160x128xi32, #tpu.memory_space<vmem>>, %arg8: memref<160x128xi32, #tpu.memory_space<vmem>>, %arg9: memref<10x128x32xf32, #tpu.memory_space<vmem>>, %arg10: memref<10112x32xf32, #tpu.memory_space<vmem_shared>>, %arg11: memref<10112x32xf32, #tpu.memory_space<vmem_shared>>, %arg12: memref<!tpu.dma_semaphore, #tpu.memory_space<semaphore_mem>>, %arg13: memref<!tpu.dma_semaphore, #tpu.memory_space<semaphore_mem>>, %arg14: memref<!tpu.dma_semaphore, #tpu.memory_space<semaphore_mem>>, %arg15: memref<!tpu.dma_semaphore, #tpu.memory_space<semaphore_mem>>, %arg16: memref<!tpu.dma_semaphore, #tpu.memory_space<semaphore_mem>>, %arg17: memref<!tpu.dma_semaphore, #tpu.memory_space<semaphore_mem>>, %arg18: memref<!tpu.dma_semaphore, #tpu.memory_space<semaphore_mem>>, %arg19: memref<!tpu.dma_semaphore, #tpu.memory_space<semaphore_mem>>, %arg20: memref<!tpu.dma_semaphore, #tpu.memory_space<semaphore_mem>>, %arg21: memref<!tpu.dma_semaphore, #tpu.memory_space<semaphore_mem>>, %arg22: memref<!tpu.dma_semaphore, #tpu.memory_space<semaphore_mem>>, %arg23: memref<!tpu.dma_semaphore, #tpu.memory_space<semaphore_mem>>, %arg24: memref<!tpu.dma_semaphore, #tpu.memory_space<semaphore_mem>>, %arg25: memref<!tpu.dma_semaphore, #tpu.memory_space<semaphore_mem>>, %arg26: memref<!tpu.dma_semaphore, #tpu.memory_space<semaphore_mem>>, %arg27: memref<!tpu.dma_semaphore, #tpu.memory_space<semaphore_mem>>, %arg28: memref<!tpu.dma_semaphore, #tpu.memory_space<semaphore_mem>>, %arg29: memref<!tpu.dma_semaphore, #tpu.memory_space<semaphore_mem>>, %arg30: memref<!tpu.dma_semaphore, #tpu.memory_space<semaphore_mem>>, %arg31: memref<!tpu.dma_semaphore, #tpu.memory_space<semaphore_mem>>) attributes {dimension_semantics = [#tpu.dimension_semantics<core_parallel>, #tpu.dimension_semantics<subcore_parallel>], iteration_bounds = array<i64: 2, 16>, scalar_prefetch = 0 : i64, scratch_operands = 25 : i64, tpu.core_type = #tpu.core_type<sc_vector_subcore>, window_params = [{transform_indices = #map}, {transform_indices = #map1}, {transform_indices = #map1}, {transform_indices = #map}, {transform_indices = #map}]} {
    "tpu.region"() ({
      %run_scoped3A_298 = tpu.sem_alloc : memref<!tpu.dma_semaphore, #tpu.memory_space<semaphore_mem>>
      %dma_start3A = arith.constant 0 : i32
      %dma_start3A_299 = arith.constant 0 : i32
      %dma_start3A_300 = tpu.memref_slice %arg3[%arg1, %dma_start3A, %dma_start3A_299] : memref<16x160x128xi32, #tpu.memory_space<hbm>> -> memref<1x160x128xi32, #tpu.memory_space<hbm>>
      %dma_start3A_301 = tpu.memref_squeeze %dma_start3A_300 : memref<1x160x128xi32, #tpu.memory_space<hbm>> -> memref<160x128xi32, #tpu.memory_space<hbm>>
      %dma_start3A_302 = arith.constant 0 : i32
      %dma_start3A_303 = arith.constant 0 : i32
      %dma_start3A_304 = tpu.memref_slice %arg3[%arg1, %dma_start3A_302, %dma_start3A_303] : memref<16x160x128xi32, #tpu.memory_space<hbm>> -> memref<1x160x128xi32, #tpu.memory_space<hbm>>
      %dma_start3A_305 = tpu.memref_squeeze %dma_start3A_304 : memref<1x160x128xi32, #tpu.memory_space<hbm>> -> memref<160x128xi32, #tpu.memory_space<hbm>>
      tpu.enqueue_dma source(%dma_start3A_305 : memref<160x128xi32, #tpu.memory_space<hbm>>) target(%arg7 : memref<160x128xi32, #tpu.memory_space<vmem>>) target_semaphore(%run_scoped3A_298 : memref<!tpu.dma_semaphore, #tpu.memory_space<semaphore_mem>>)
      %dma_wait3A_306 = arith.constant 0 : i32
      %dma_wait3A_307 = arith.constant 0 : i32
      %dma_wait3A_308 = tpu.memref_slice %arg3[%arg1, %dma_wait3A_306, %dma_wait3A_307] : memref<16x160x128xi32, #tpu.memory_space<hbm>> -> memref<1x160x128xi32, #tpu.memory_space<hbm>>
      %dma_wait3A_309 = tpu.memref_squeeze %dma_wait3A_308 : memref<1x160x128xi32, #tpu.memory_space<hbm>> -> memref<160x128xi32, #tpu.memory_space<hbm>>
      %dma_wait3A_310 = arith.constant 0 : i32
      %dma_wait3A_311 = arith.constant 0 : i32
      %dma_wait3A_312 = tpu.memref_slice %arg3[%arg1, %dma_wait3A_310, %dma_wait3A_311] : memref<16x160x128xi32, #tpu.memory_space<hbm>> -> memref<1x160x128xi32, #tpu.memory_space<hbm>>
      %dma_wait3A_313 = tpu.memref_squeeze %dma_wait3A_312 : memref<1x160x128xi32, #tpu.memory_space<hbm>> -> memref<160x128xi32, #tpu.memory_space<hbm>>
      tpu.wait_dma2 semaphore(%run_scoped3A_298 : memref<!tpu.dma_semaphore, #tpu.memory_space<semaphore_mem>>) src(%dma_wait3A_313 : memref<160x128xi32, #tpu.memory_space<hbm>>) dst(%arg7 : memref<160x128xi32, #tpu.memory_space<vmem>>)
      tpu.yield
    }) : () -> ()
    "tpu.region"() ({
      %run_scoped3A_298 = tpu.sem_alloc : memref<!tpu.dma_semaphore, #tpu.memory_space<semaphore_mem>>
      %dma_start3A = arith.constant 0 : i32
      %dma_start3A_299 = arith.constant 0 : i32
      %dma_start3A_300 = tpu.memref_slice %arg4[%arg1, %dma_start3A, %dma_start3A_299] : memref<16x160x128xi32, #tpu.memory_space<hbm>> -> memref<1x160x128xi32, #tpu.memory_space<hbm>>
      %dma_start3A_301 = tpu.memref_squeeze %dma_start3A_300 : memref<1x160x128xi32, #tpu.memory_space<hbm>> -> memref<160x128xi32, #tpu.memory_space<hbm>>
      %dma_start3A_302 = arith.constant 0 : i32
      %dma_start3A_303 = arith.constant 0 : i32
      %dma_start3A_304 = tpu.memref_slice %arg4[%arg1, %dma_start3A_302, %dma_start3A_303] : memref<16x160x128xi32, #tpu.memory_space<hbm>> -> memref<1x160x128xi32, #tpu.memory_space<hbm>>
      %dma_start3A_305 = tpu.memref_squeeze %dma_start3A_304 : memref<1x160x128xi32, #tpu.memory_space<hbm>> -> memref<160x128xi32, #tpu.memory_space<hbm>>
      tpu.enqueue_dma source(%dma_start3A_305 : memref<160x128xi32, #tpu.memory_space<hbm>>) target(%arg8 : memref<160x128xi32, #tpu.memory_space<vmem>>) target_semaphore(%run_scoped3A_298 : memref<!tpu.dma_semaphore, #tpu.memory_space<semaphore_mem>>)
      %dma_wait3A_306 = arith.constant 0 : i32
      %dma_wait3A_307 = arith.constant 0 : i32
      %dma_wait3A_308 = tpu.memref_slice %arg4[%arg1, %dma_wait3A_306, %dma_wait3A_307] : memref<16x160x128xi32, #tpu.memory_space<hbm>> -> memref<1x160x128xi32, #tpu.memory_space<hbm>>
      %dma_wait3A_309 = tpu.memref_squeeze %dma_wait3A_308 : memref<1x160x128xi32, #tpu.memory_space<hbm>> -> memref<160x128xi32, #tpu.memory_space<hbm>>
      %dma_wait3A_310 = arith.constant 0 : i32
      %dma_wait3A_311 = arith.constant 0 : i32
      %dma_wait3A_312 = tpu.memref_slice %arg4[%arg1, %dma_wait3A_310, %dma_wait3A_311] : memref<16x160x128xi32, #tpu.memory_space<hbm>> -> memref<1x160x128xi32, #tpu.memory_space<hbm>>
      %dma_wait3A_313 = tpu.memref_squeeze %dma_wait3A_312 : memref<1x160x128xi32, #tpu.memory_space<hbm>> -> memref<160x128xi32, #tpu.memory_space<hbm>>
      tpu.wait_dma2 semaphore(%run_scoped3A_298 : memref<!tpu.dma_semaphore, #tpu.memory_space<semaphore_mem>>) src(%dma_wait3A_313 : memref<160x128xi32, #tpu.memory_space<hbm>>) dst(%arg8 : memref<160x128xi32, #tpu.memory_space<vmem>>)
      tpu.yield
    }) : () -> ()
    %mul3A = arith.constant 2 : i32
    %mul3A_0 = arith.muli %arg0, %mul3A : i32
    %add3A = arith.constant 0 : i32
    %add3A_1 = arith.addi %mul3A_0, %add3A : i32
    %mul3A_2 = arith.constant 632 : i32
    %mul3A_3 = arith.muli %arg1, %mul3A_2 : i32
    %mul3A_4 = arith.constant 32 : i32
    %mul3A_5 = arith.muli %add3A_1, %mul3A_4 : i32
    %mul3A_6 = arith.constant 632 : i32
    %mul3A_7 = arith.muli %arg1, %mul3A_6 : i32
    "tpu.region"() ({
      %run_scoped3A_298 = tpu.sem_alloc : memref<!tpu.dma_semaphore, #tpu.memory_space<semaphore_mem>>
      %dma_start3A = arith.constant 0 : i32
      %dma_start3A_299 = tpu.memref_slice %arg10[%mul3A_7, %dma_start3A] : memref<10112x32xf32, #tpu.memory_space<vmem_shared>> -> memref<632x32xf32, #tpu.memory_space<vmem_shared>>
      %dma_start3A_300 = tpu.memref_slice %arg2[%mul3A_3, %mul3A_5] : memref<10112x128xf32, #tpu.memory_space<hbm>> -> memref<632x32xf32, #tpu.memory_space<hbm>>
      tpu.enqueue_dma source(%dma_start3A_300 : memref<632x32xf32, #tpu.memory_space<hbm>>) target(%dma_start3A_299 : memref<632x32xf32, #tpu.memory_space<vmem_shared>>) target_semaphore(%run_scoped3A_298 : memref<!tpu.dma_semaphore, #tpu.memory_space<semaphore_mem>>)
      %dma_wait3A_301 = arith.constant 0 : i32
      %dma_wait3A_302 = tpu.memref_slice %arg10[%mul3A_7, %dma_wait3A_301] : memref<10112x32xf32, #tpu.memory_space<vmem_shared>> -> memref<632x32xf32, #tpu.memory_space<vmem_shared>>
      %dma_wait3A_303 = tpu.memref_slice %arg2[%mul3A_3, %mul3A_5] : memref<10112x128xf32, #tpu.memory_space<hbm>> -> memref<632x32xf32, #tpu.memory_space<hbm>>
      tpu.wait_dma2 semaphore(%run_scoped3A_298 : memref<!tpu.dma_semaphore, #tpu.memory_space<semaphore_mem>>) src(%dma_wait3A_303 : memref<632x32xf32, #tpu.memory_space<hbm>>) dst(%dma_wait3A_302 : memref<632x32xf32, #tpu.memory_space<vmem_shared>>)
      tpu.yield
    }) : () -> ()
    %run_scoped3A = arith.constant 0 : i32
    "tpu.region"() ({
      %run_scoped3A_298 = tpu.sem_alloc : memref<!tpu.dma_semaphore, #tpu.memory_space<semaphore_mem>>
      %dma_start3A = arith.constant 0 : i32
      %dma_start3A_299 = arith.constant 0 : i32
      %dma_start3A_300 = tpu.memref_slice %arg9[%run_scoped3A, %dma_start3A, %dma_start3A_299] : memref<10x128x32xf32, #tpu.memory_space<vmem>> -> memref<1x128x32xf32, #tpu.memory_space<vmem>>
      %dma_start3A_301 = tpu.memref_squeeze %dma_start3A_300 : memref<1x128x32xf32, #tpu.memory_space<vmem>> -> memref<128x32xf32, #tpu.memory_space<vmem>>
      %dma_start3A_302 = arith.constant 0 : i32
      %dma_start3A_303 = arith.constant 0 : i32
      %dma_start3A_304 = tpu.memref_slice %arg9[%run_scoped3A, %dma_start3A_302, %dma_start3A_303] : memref<10x128x32xf32, #tpu.memory_space<vmem>> -> memref<1x128x32xf32, #tpu.memory_space<vmem>>
      %dma_start3A_305 = tpu.memref_squeeze %dma_start3A_304 : memref<1x128x32xf32, #tpu.memory_space<vmem>> -> memref<128x32xf32, #tpu.memory_space<vmem>>
      tpu.enqueue_dma source(%arg5 : memref<128x32xf32, #tpu.memory_space<hbm>>) target(%dma_start3A_305 : memref<128x32xf32, #tpu.memory_space<vmem>>) target_semaphore(%run_scoped3A_298 : memref<!tpu.dma_semaphore, #tpu.memory_space<semaphore_mem>>)
      %dma_wait3A_306 = arith.constant 0 : i32
      %dma_wait3A_307 = arith.constant 0 : i32
      %dma_wait3A_308 = tpu.memref_slice %arg9[%run_scoped3A, %dma_wait3A_306, %dma_wait3A_307] : memref<10x128x32xf32, #tpu.memory_space<vmem>> -> memref<1x128x32xf32, #tpu.memory_space<vmem>>
      %dma_wait3A_309 = tpu.memref_squeeze %dma_wait3A_308 : memref<1x128x32xf32, #tpu.memory_space<vmem>> -> memref<128x32xf32, #tpu.memory_space<vmem>>
      %dma_wait3A_310 = arith.constant 0 : i32
      %dma_wait3A_311 = arith.constant 0 : i32
      %dma_wait3A_312 = tpu.memref_slice %arg9[%run_scoped3A, %dma_wait3A_310, %dma_wait3A_311] : memref<10x128x32xf32, #tpu.memory_space<vmem>> -> memref<1x128x32xf32, #tpu.memory_space<vmem>>
      %dma_wait3A_313 = tpu.memref_squeeze %dma_wait3A_312 : memref<1x128x32xf32, #tpu.memory_space<vmem>> -> memref<128x32xf32, #tpu.memory_space<vmem>>
      tpu.wait_dma2 semaphore(%run_scoped3A_298 : memref<!tpu.dma_semaphore, #tpu.memory_space<semaphore_mem>>) src(%arg5 : memref<128x32xf32, #tpu.memory_space<hbm>>) dst(%dma_wait3A_313 : memref<128x32xf32, #tpu.memory_space<vmem>>)
      tpu.yield
    }) : () -> ()
    %scan3A = arith.constant 0 : i32
    %scan3A_8 = arith.constant 0 : i32
    %scan3A_9 = arith.constant 5 : i32
    %scan3A_10 = arith.addi %scan3A_8, %scan3A_9 : i32
    %scan3A_11 = arith.constant 1 : i32
    scf.for %scan3A_298 = %scan3A_8 to %scan3A_10 step %scan3A_11  : i32 {
      %mul3A_299 = arith.constant 16 : i32
      %mul3A_300 = arith.muli %scan3A_298, %mul3A_299 : i32
      %add3A_301 = arith.addi %arg1, %mul3A_300 : i32
      %lt3A = arith.constant 79 : i32
      %lt3A_302 = arith.cmpi slt, %add3A_301, %lt3A : i32
      %convert_element_type3A = arith.extui %lt3A_302 : i1 to i32
      %cond3A = arith.constant 0 : i32
      %cond3A_303 = arith.cmpi ne, %convert_element_type3A, %cond3A : i32
      scf.if %cond3A_303 {
        %mul3A_304 = arith.constant 128 : i32
        %mul3A_305 = arith.muli %add3A_301, %mul3A_304 : i32
        %run_scoped3A_306 = arith.constant 0 : i32
        "tpu.region"() ({
          %run_scoped3A_307 = tpu.sem_alloc : memref<!tpu.dma_semaphore, #tpu.memory_space<semaphore_mem>>
          %dma_start3A = arith.constant 0 : i32
          %dma_start3A_308 = arith.constant 0 : i32
          %dma_start3A_309 = tpu.memref_slice %arg9[%run_scoped3A_306, %dma_start3A, %dma_start3A_308] : memref<10x128x32xf32, #tpu.memory_space<vmem>> -> memref<1x128x32xf32, #tpu.memory_space<vmem>>
          %dma_start3A_310 = tpu.memref_squeeze %dma_start3A_309 : memref<1x128x32xf32, #tpu.memory_space<vmem>> -> memref<128x32xf32, #tpu.memory_space<vmem>>
          %dma_start3A_311 = arith.constant 0 : i32
          %dma_start3A_312 = tpu.memref_slice %arg11[%mul3A_305, %dma_start3A_311] : memref<10112x32xf32, #tpu.memory_space<vmem_shared>> -> memref<128x32xf32, #tpu.memory_space<vmem_shared>>
          %dma_start3A_313 = arith.constant 0 : i32
          %dma_start3A_314 = tpu.memref_slice %arg11[%mul3A_305, %dma_start3A_313] : memref<10112x32xf32, #tpu.memory_space<vmem_shared>> -> memref<128x32xf32, #tpu.memory_space<vmem_shared>>
          %dma_start3A_315 = arith.constant 0 : i32
          %dma_start3A_316 = arith.constant 0 : i32
          %dma_start3A_317 = tpu.memref_slice %arg9[%run_scoped3A_306, %dma_start3A_315, %dma_start3A_316] : memref<10x128x32xf32, #tpu.memory_space<vmem>> -> memref<1x128x32xf32, #tpu.memory_space<vmem>>
          %dma_start3A_318 = tpu.memref_squeeze %dma_start3A_317 : memref<1x128x32xf32, #tpu.memory_space<vmem>> -> memref<128x32xf32, #tpu.memory_space<vmem>>
          tpu.enqueue_dma source(%dma_start3A_318 : memref<128x32xf32, #tpu.memory_space<vmem>>) target(%dma_start3A_314 : memref<128x32xf32, #tpu.memory_space<vmem_shared>>) target_semaphore(%run_scoped3A_307 : memref<!tpu.dma_semaphore, #tpu.memory_space<semaphore_mem>>)
          %dma_wait3A_319 = arith.constant 0 : i32
          %dma_wait3A_320 = arith.constant 0 : i32
          %dma_wait3A_321 = tpu.memref_slice %arg9[%run_scoped3A_306, %dma_wait3A_319, %dma_wait3A_320] : memref<10x128x32xf32, #tpu.memory_space<vmem>> -> memref<1x128x32xf32, #tpu.memory_space<vmem>>
          %dma_wait3A_322 = tpu.memref_squeeze %dma_wait3A_321 : memref<1x128x32xf32, #tpu.memory_space<vmem>> -> memref<128x32xf32, #tpu.memory_space<vmem>>
          %dma_wait3A_323 = arith.constant 0 : i32
          %dma_wait3A_324 = tpu.memref_slice %arg11[%mul3A_305, %dma_wait3A_323] : memref<10112x32xf32, #tpu.memory_space<vmem_shared>> -> memref<128x32xf32, #tpu.memory_space<vmem_shared>>
          %dma_wait3A_325 = arith.constant 0 : i32
          %dma_wait3A_326 = tpu.memref_slice %arg11[%mul3A_305, %dma_wait3A_325] : memref<10112x32xf32, #tpu.memory_space<vmem_shared>> -> memref<128x32xf32, #tpu.memory_space<vmem_shared>>
          %dma_wait3A_327 = arith.constant 0 : i32
          %dma_wait3A_328 = arith.constant 0 : i32
          %dma_wait3A_329 = tpu.memref_slice %arg9[%run_scoped3A_306, %dma_wait3A_327, %dma_wait3A_328] : memref<10x128x32xf32, #tpu.memory_space<vmem>> -> memref<1x128x32xf32, #tpu.memory_space<vmem>>
          %dma_wait3A_330 = tpu.memref_squeeze %dma_wait3A_329 : memref<1x128x32xf32, #tpu.memory_space<vmem>> -> memref<128x32xf32, #tpu.memory_space<vmem>>
          tpu.wait_dma2 semaphore(%run_scoped3A_307 : memref<!tpu.dma_semaphore, #tpu.memory_space<semaphore_mem>>) src(%dma_wait3A_330 : memref<128x32xf32, #tpu.memory_space<vmem>>) dst(%dma_wait3A_326 : memref<128x32xf32, #tpu.memory_space<vmem_shared>>)
          tpu.yield
        }) : () -> ()
      } else {
      }
    }
    %scan3A_12 = arith.constant 5 : i32
    %barrier3A = arith.constant 0 : index
    tpu.barrier barrier_id(%barrier3A)
    %scan3A_13 = arith.constant 0 : i32
    %scan3A_14 = arith.constant 0 : i32
    %scan3A_15 = arith.constant 16 : i32
    %scan3A_16 = arith.addi %scan3A_14, %scan3A_15 : i32
    %scan3A_17 = arith.constant 1 : i32
    scf.for %scan3A_298 = %scan3A_14 to %scan3A_16 step %scan3A_17  : i32 {
      %mul3A_299 = arith.constant 10 : i32
      %mul3A_300 = arith.muli %scan3A_298, %mul3A_299 : i32
      %gt3A = arith.constant 0 : i32
      %gt3A_301 = arith.cmpi sgt, %scan3A_298, %gt3A : i32
      %convert_element_type3A = arith.extui %gt3A_301 : i1 to i32
      %cond3A = arith.constant 0 : i32
      %cond3A_302 = arith.cmpi ne, %convert_element_type3A, %cond3A : i32
      scf.if %cond3A_302 {
        %sub3A = arith.constant 10 : i32
        %sub3A_737 = arith.subi %mul3A_300, %sub3A : i32
        %add3A_738 = arith.constant 0 : i32
        %add3A_739 = arith.addi %sub3A_737, %add3A_738 : i32
        %dma_wait3A_740 = arith.constant 0 : i32
        %dma_wait3A_741 = arith.constant 0 : i32
        %dma_wait3A_742 = arith.constant 0 : i32
        %dma_wait3A_743 = tpu.memref_slice %arg9[%dma_wait3A_740, %dma_wait3A_741, %dma_wait3A_742] : memref<10x128x32xf32, #tpu.memory_space<vmem>> -> memref<1x128x32xf32, #tpu.memory_space<vmem>>
        %dma_wait3A_744 = tpu.memref_squeeze %dma_wait3A_743 : memref<1x128x32xf32, #tpu.memory_space<vmem>> -> memref<128x32xf32, #tpu.memory_space<vmem>>
        %dma_wait3A_745 = arith.constant 0 : i32
        %dma_wait3A_746 = tpu.memref_slice %arg8[%add3A_739, %dma_wait3A_745] : memref<160x128xi32, #tpu.memory_space<vmem>> -> memref<1x128xi32, #tpu.memory_space<vmem>>
        %dma_wait3A_747 = tpu.memref_squeeze %dma_wait3A_746 : memref<1x128xi32, #tpu.memory_space<vmem>> -> memref<128xi32, #tpu.memory_space<vmem>>
        %dma_wait3A_748 = arith.constant 0 : i32
        %dma_wait3A_749 = arith.constant 0 : i32
        %dma_wait3A_750 = tpu.memref_slice %arg11[%dma_wait3A_748, %dma_wait3A_749] : memref<10112x32xf32, #tpu.memory_space<vmem_shared>> -> memref<10112x32xf32, #tpu.memory_space<vmem_shared>>
        tpu.wait_indirect_dma semaphore(%arg22 : memref<!tpu.dma_semaphore, #tpu.memory_space<semaphore_mem>>) src(%dma_wait3A_744 : memref<128x32xf32, #tpu.memory_space<vmem>>) dst(%dma_wait3A_750 : memref<10112x32xf32, #tpu.memory_space<vmem_shared>>)
      } else {
      }
      %add3A_303 = arith.constant 0 : i32
      %add3A_304 = arith.addi %mul3A_300, %add3A_303 : i32
      %dma_start3A = arith.constant 0 : i32
      %dma_start3A_305 = arith.constant 0 : i32
      %dma_start3A_306 = arith.constant 0 : i32
      %dma_start3A_307 = tpu.memref_slice %arg9[%dma_start3A, %dma_start3A_305, %dma_start3A_306] : memref<10x128x32xf32, #tpu.memory_space<vmem>> -> memref<1x128x32xf32, #tpu.memory_space<vmem>>
      %dma_start3A_308 = tpu.memref_squeeze %dma_start3A_307 : memref<1x128x32xf32, #tpu.memory_space<vmem>> -> memref<128x32xf32, #tpu.memory_space<vmem>>
      %dma_start3A_309 = arith.constant 0 : i32
      %dma_start3A_310 = tpu.memref_slice %arg7[%add3A_304, %dma_start3A_309] : memref<160x128xi32, #tpu.memory_space<vmem>> -> memref<1x128xi32, #tpu.memory_space<vmem>>
      %dma_start3A_311 = tpu.memref_squeeze %dma_start3A_310 : memref<1x128xi32, #tpu.memory_space<vmem>> -> memref<128xi32, #tpu.memory_space<vmem>>
      %dma_start3A_312 = arith.constant 0 : i32
      %dma_start3A_313 = arith.constant 0 : i32
      %dma_start3A_314 = tpu.memref_slice %arg10[%dma_start3A_312, %dma_start3A_313] : memref<10112x32xf32, #tpu.memory_space<vmem_shared>> -> memref<10112x32xf32, #tpu.memory_space<vmem_shared>>
      tpu.enqueue_indirect_dma source(%dma_start3A_314 : memref<10112x32xf32, #tpu.memory_space<vmem_shared>>) target(%dma_start3A_308 : memref<128x32xf32, #tpu.memory_space<vmem>>) offsets(%dma_start3A_311 : memref<128xi32, #tpu.memory_space<vmem>>) semaphore(%arg12 : memref<!tpu.dma_semaphore, #tpu.memory_space<semaphore_mem>>)
      %gt3A_315 = arith.constant 0 : i32
      %gt3A_316 = arith.cmpi sgt, %scan3A_298, %gt3A_315 : i32
      %convert_element_type3A_317 = arith.extui %gt3A_316 : i1 to i32
      %cond3A_318 = arith.constant 0 : i32
      %cond3A_319 = arith.cmpi ne, %convert_element_type3A_317, %cond3A_318 : i32
      scf.if %cond3A_319 {
        %sub3A = arith.constant 10 : i32
        %sub3A_737 = arith.subi %mul3A_300, %sub3A : i32
        %add3A_738 = arith.constant 1 : i32
        %add3A_739 = arith.addi %sub3A_737, %add3A_738 : i32
        %dma_wait3A_740 = arith.constant 1 : i32
        %dma_wait3A_741 = arith.constant 0 : i32
        %dma_wait3A_742 = arith.constant 0 : i32
        %dma_wait3A_743 = tpu.memref_slice %arg9[%dma_wait3A_740, %dma_wait3A_741, %dma_wait3A_742] : memref<10x128x32xf32, #tpu.memory_space<vmem>> -> memref<1x128x32xf32, #tpu.memory_space<vmem>>
        %dma_wait3A_744 = tpu.memref_squeeze %dma_wait3A_743 : memref<1x128x32xf32, #tpu.memory_space<vmem>> -> memref<128x32xf32, #tpu.memory_space<vmem>>
        %dma_wait3A_745 = arith.constant 0 : i32
        %dma_wait3A_746 = tpu.memref_slice %arg8[%add3A_739, %dma_wait3A_745] : memref<160x128xi32, #tpu.memory_space<vmem>> -> memref<1x128xi32, #tpu.memory_space<vmem>>
        %dma_wait3A_747 = tpu.memref_squeeze %dma_wait3A_746 : memref<1x128xi32, #tpu.memory_space<vmem>> -> memref<128xi32, #tpu.memory_space<vmem>>
        %dma_wait3A_748 = arith.constant 0 : i32
        %dma_wait3A_749 = arith.constant 0 : i32
        %dma_wait3A_750 = tpu.memref_slice %arg11[%dma_wait3A_748, %dma_wait3A_749] : memref<10112x32xf32, #tpu.memory_space<vmem_shared>> -> memref<10112x32xf32, #tpu.memory_space<vmem_shared>>
        tpu.wait_indirect_dma semaphore(%arg23 : memref<!tpu.dma_semaphore, #tpu.memory_space<semaphore_mem>>) src(%dma_wait3A_744 : memref<128x32xf32, #tpu.memory_space<vmem>>) dst(%dma_wait3A_750 : memref<10112x32xf32, #tpu.memory_space<vmem_shared>>)
      } else {
      }
      %add3A_320 = arith.constant 1 : i32
      %add3A_321 = arith.addi %mul3A_300, %add3A_320 : i32
      %dma_start3A_322 = arith.constant 1 : i32
      %dma_start3A_323 = arith.constant 0 : i32
      %dma_start3A_324 = arith.constant 0 : i32
      %dma_start3A_325 = tpu.memref_slice %arg9[%dma_start3A_322, %dma_start3A_323, %dma_start3A_324] : memref<10x128x32xf32, #tpu.memory_space<vmem>> -> memref<1x128x32xf32, #tpu.memory_space<vmem>>
      %dma_start3A_326 = tpu.memref_squeeze %dma_start3A_325 : memref<1x128x32xf32, #tpu.memory_space<vmem>> -> memref<128x32xf32, #tpu.memory_space<vmem>>
      %dma_start3A_327 = arith.constant 0 : i32
      %dma_start3A_328 = tpu.memref_slice %arg7[%add3A_321, %dma_start3A_327] : memref<160x128xi32, #tpu.memory_space<vmem>> -> memref<1x128xi32, #tpu.memory_space<vmem>>
      %dma_start3A_329 = tpu.memref_squeeze %dma_start3A_328 : memref<1x128xi32, #tpu.memory_space<vmem>> -> memref<128xi32, #tpu.memory_space<vmem>>
      %dma_start3A_330 = arith.constant 0 : i32
      %dma_start3A_331 = arith.constant 0 : i32
      %dma_start3A_332 = tpu.memref_slice %arg10[%dma_start3A_330, %dma_start3A_331] : memref<10112x32xf32, #tpu.memory_space<vmem_shared>> -> memref<10112x32xf32, #tpu.memory_space<vmem_shared>>
      tpu.enqueue_indirect_dma source(%dma_start3A_332 : memref<10112x32xf32, #tpu.memory_space<vmem_shared>>) target(%dma_start3A_326 : memref<128x32xf32, #tpu.memory_space<vmem>>) offsets(%dma_start3A_329 : memref<128xi32, #tpu.memory_space<vmem>>) semaphore(%arg13 : memref<!tpu.dma_semaphore, #tpu.memory_space<semaphore_mem>>)
      %gt3A_333 = arith.constant 0 : i32
      %gt3A_334 = arith.cmpi sgt, %scan3A_298, %gt3A_333 : i32
      %convert_element_type3A_335 = arith.extui %gt3A_334 : i1 to i32
      %cond3A_336 = arith.constant 0 : i32
      %cond3A_337 = arith.cmpi ne, %convert_element_type3A_335, %cond3A_336 : i32
      scf.if %cond3A_337 {
        %sub3A = arith.constant 10 : i32
        %sub3A_737 = arith.subi %mul3A_300, %sub3A : i32
        %add3A_738 = arith.constant 2 : i32
        %add3A_739 = arith.addi %sub3A_737, %add3A_738 : i32
        %dma_wait3A_740 = arith.constant 2 : i32
        %dma_wait3A_741 = arith.constant 0 : i32
        %dma_wait3A_742 = arith.constant 0 : i32
        %dma_wait3A_743 = tpu.memref_slice %arg9[%dma_wait3A_740, %dma_wait3A_741, %dma_wait3A_742] : memref<10x128x32xf32, #tpu.memory_space<vmem>> -> memref<1x128x32xf32, #tpu.memory_space<vmem>>
        %dma_wait3A_744 = tpu.memref_squeeze %dma_wait3A_743 : memref<1x128x32xf32, #tpu.memory_space<vmem>> -> memref<128x32xf32, #tpu.memory_space<vmem>>
        %dma_wait3A_745 = arith.constant 0 : i32
        %dma_wait3A_746 = tpu.memref_slice %arg8[%add3A_739, %dma_wait3A_745] : memref<160x128xi32, #tpu.memory_space<vmem>> -> memref<1x128xi32, #tpu.memory_space<vmem>>
        %dma_wait3A_747 = tpu.memref_squeeze %dma_wait3A_746 : memref<1x128xi32, #tpu.memory_space<vmem>> -> memref<128xi32, #tpu.memory_space<vmem>>
        %dma_wait3A_748 = arith.constant 0 : i32
        %dma_wait3A_749 = arith.constant 0 : i32
        %dma_wait3A_750 = tpu.memref_slice %arg11[%dma_wait3A_748, %dma_wait3A_749] : memref<10112x32xf32, #tpu.memory_space<vmem_shared>> -> memref<10112x32xf32, #tpu.memory_space<vmem_shared>>
        tpu.wait_indirect_dma semaphore(%arg24 : memref<!tpu.dma_semaphore, #tpu.memory_space<semaphore_mem>>) src(%dma_wait3A_744 : memref<128x32xf32, #tpu.memory_space<vmem>>) dst(%dma_wait3A_750 : memref<10112x32xf32, #tpu.memory_space<vmem_shared>>)
      } else {
      }
      %add3A_338 = arith.constant 2 : i32
      %add3A_339 = arith.addi %mul3A_300, %add3A_338 : i32
      %dma_start3A_340 = arith.constant 2 : i32
      %dma_start3A_341 = arith.constant 0 : i32
      %dma_start3A_342 = arith.constant 0 : i32
      %dma_start3A_343 = tpu.memref_slice %arg9[%dma_start3A_340, %dma_start3A_341, %dma_start3A_342] : memref<10x128x32xf32, #tpu.memory_space<vmem>> -> memref<1x128x32xf32, #tpu.memory_space<vmem>>
      %dma_start3A_344 = tpu.memref_squeeze %dma_start3A_343 : memref<1x128x32xf32, #tpu.memory_space<vmem>> -> memref<128x32xf32, #tpu.memory_space<vmem>>
      %dma_start3A_345 = arith.constant 0 : i32
      %dma_start3A_346 = tpu.memref_slice %arg7[%add3A_339, %dma_start3A_345] : memref<160x128xi32, #tpu.memory_space<vmem>> -> memref<1x128xi32, #tpu.memory_space<vmem>>
      %dma_start3A_347 = tpu.memref_squeeze %dma_start3A_346 : memref<1x128xi32, #tpu.memory_space<vmem>> -> memref<128xi32, #tpu.memory_space<vmem>>
      %dma_start3A_348 = arith.constant 0 : i32
      %dma_start3A_349 = arith.constant 0 : i32
      %dma_start3A_350 = tpu.memref_slice %arg10[%dma_start3A_348, %dma_start3A_349] : memref<10112x32xf32, #tpu.memory_space<vmem_shared>> -> memref<10112x32xf32, #tpu.memory_space<vmem_shared>>
      tpu.enqueue_indirect_dma source(%dma_start3A_350 : memref<10112x32xf32, #tpu.memory_space<vmem_shared>>) target(%dma_start3A_344 : memref<128x32xf32, #tpu.memory_space<vmem>>) offsets(%dma_start3A_347 : memref<128xi32, #tpu.memory_space<vmem>>) semaphore(%arg14 : memref<!tpu.dma_semaphore, #tpu.memory_space<semaphore_mem>>)
      %gt3A_351 = arith.constant 0 : i32
      %gt3A_352 = arith.cmpi sgt, %scan3A_298, %gt3A_351 : i32
      %convert_element_type3A_353 = arith.extui %gt3A_352 : i1 to i32
      %cond3A_354 = arith.constant 0 : i32
      %cond3A_355 = arith.cmpi ne, %convert_element_type3A_353, %cond3A_354 : i32
      scf.if %cond3A_355 {
        %sub3A = arith.constant 10 : i32
        %sub3A_737 = arith.subi %mul3A_300, %sub3A : i32
        %add3A_738 = arith.constant 3 : i32
        %add3A_739 = arith.addi %sub3A_737, %add3A_738 : i32
        %dma_wait3A_740 = arith.constant 3 : i32
        %dma_wait3A_741 = arith.constant 0 : i32
        %dma_wait3A_742 = arith.constant 0 : i32
        %dma_wait3A_743 = tpu.memref_slice %arg9[%dma_wait3A_740, %dma_wait3A_741, %dma_wait3A_742] : memref<10x128x32xf32, #tpu.memory_space<vmem>> -> memref<1x128x32xf32, #tpu.memory_space<vmem>>
        %dma_wait3A_744 = tpu.memref_squeeze %dma_wait3A_743 : memref<1x128x32xf32, #tpu.memory_space<vmem>> -> memref<128x32xf32, #tpu.memory_space<vmem>>
        %dma_wait3A_745 = arith.constant 0 : i32
        %dma_wait3A_746 = tpu.memref_slice %arg8[%add3A_739, %dma_wait3A_745] : memref<160x128xi32, #tpu.memory_space<vmem>> -> memref<1x128xi32, #tpu.memory_space<vmem>>
        %dma_wait3A_747 = tpu.memref_squeeze %dma_wait3A_746 : memref<1x128xi32, #tpu.memory_space<vmem>> -> memref<128xi32, #tpu.memory_space<vmem>>
        %dma_wait3A_748 = arith.constant 0 : i32
        %dma_wait3A_749 = arith.constant 0 : i32
        %dma_wait3A_750 = tpu.memref_slice %arg11[%dma_wait3A_748, %dma_wait3A_749] : memref<10112x32xf32, #tpu.memory_space<vmem_shared>> -> memref<10112x32xf32, #tpu.memory_space<vmem_shared>>
        tpu.wait_indirect_dma semaphore(%arg25 : memref<!tpu.dma_semaphore, #tpu.memory_space<semaphore_mem>>) src(%dma_wait3A_744 : memref<128x32xf32, #tpu.memory_space<vmem>>) dst(%dma_wait3A_750 : memref<10112x32xf32, #tpu.memory_space<vmem_shared>>)
      } else {
      }
      %add3A_356 = arith.constant 3 : i32
      %add3A_357 = arith.addi %mul3A_300, %add3A_356 : i32
      %dma_start3A_358 = arith.constant 3 : i32
      %dma_start3A_359 = arith.constant 0 : i32
      %dma_start3A_360 = arith.constant 0 : i32
      %dma_start3A_361 = tpu.memref_slice %arg9[%dma_start3A_358, %dma_start3A_359, %dma_start3A_360] : memref<10x128x32xf32, #tpu.memory_space<vmem>> -> memref<1x128x32xf32, #tpu.memory_space<vmem>>
      %dma_start3A_362 = tpu.memref_squeeze %dma_start3A_361 : memref<1x128x32xf32, #tpu.memory_space<vmem>> -> memref<128x32xf32, #tpu.memory_space<vmem>>
      %dma_start3A_363 = arith.constant 0 : i32
      %dma_start3A_364 = tpu.memref_slice %arg7[%add3A_357, %dma_start3A_363] : memref<160x128xi32, #tpu.memory_space<vmem>> -> memref<1x128xi32, #tpu.memory_space<vmem>>
      %dma_start3A_365 = tpu.memref_squeeze %dma_start3A_364 : memref<1x128xi32, #tpu.memory_space<vmem>> -> memref<128xi32, #tpu.memory_space<vmem>>
      %dma_start3A_366 = arith.constant 0 : i32
      %dma_start3A_367 = arith.constant 0 : i32
      %dma_start3A_368 = tpu.memref_slice %arg10[%dma_start3A_366, %dma_start3A_367] : memref<10112x32xf32, #tpu.memory_space<vmem_shared>> -> memref<10112x32xf32, #tpu.memory_space<vmem_shared>>
      tpu.enqueue_indirect_dma source(%dma_start3A_368 : memref<10112x32xf32, #tpu.memory_space<vmem_shared>>) target(%dma_start3A_362 : memref<128x32xf32, #tpu.memory_space<vmem>>) offsets(%dma_start3A_365 : memref<128xi32, #tpu.memory_space<vmem>>) semaphore(%arg15 : memref<!tpu.dma_semaphore, #tpu.memory_space<semaphore_mem>>)
      %gt3A_369 = arith.constant 0 : i32
      %gt3A_370 = arith.cmpi sgt, %scan3A_298, %gt3A_369 : i32
      %convert_element_type3A_371 = arith.extui %gt3A_370 : i1 to i32
      %cond3A_372 = arith.constant 0 : i32
      %cond3A_373 = arith.cmpi ne, %convert_element_type3A_371, %cond3A_372 : i32
      scf.if %cond3A_373 {
        %sub3A = arith.constant 10 : i32
        %sub3A_737 = arith.subi %mul3A_300, %sub3A : i32
        %add3A_738 = arith.constant 4 : i32
        %add3A_739 = arith.addi %sub3A_737, %add3A_738 : i32
        %dma_wait3A_740 = arith.constant 4 : i32
        %dma_wait3A_741 = arith.constant 0 : i32
        %dma_wait3A_742 = arith.constant 0 : i32
        %dma_wait3A_743 = tpu.memref_slice %arg9[%dma_wait3A_740, %dma_wait3A_741, %dma_wait3A_742] : memref<10x128x32xf32, #tpu.memory_space<vmem>> -> memref<1x128x32xf32, #tpu.memory_space<vmem>>
        %dma_wait3A_744 = tpu.memref_squeeze %dma_wait3A_743 : memref<1x128x32xf32, #tpu.memory_space<vmem>> -> memref<128x32xf32, #tpu.memory_space<vmem>>
        %dma_wait3A_745 = arith.constant 0 : i32
        %dma_wait3A_746 = tpu.memref_slice %arg8[%add3A_739, %dma_wait3A_745] : memref<160x128xi32, #tpu.memory_space<vmem>> -> memref<1x128xi32, #tpu.memory_space<vmem>>
        %dma_wait3A_747 = tpu.memref_squeeze %dma_wait3A_746 : memref<1x128xi32, #tpu.memory_space<vmem>> -> memref<128xi32, #tpu.memory_space<vmem>>
        %dma_wait3A_748 = arith.constant 0 : i32
        %dma_wait3A_749 = arith.constant 0 : i32
        %dma_wait3A_750 = tpu.memref_slice %arg11[%dma_wait3A_748, %dma_wait3A_749] : memref<10112x32xf32, #tpu.memory_space<vmem_shared>> -> memref<10112x32xf32, #tpu.memory_space<vmem_shared>>
        tpu.wait_indirect_dma semaphore(%arg26 : memref<!tpu.dma_semaphore, #tpu.memory_space<semaphore_mem>>) src(%dma_wait3A_744 : memref<128x32xf32, #tpu.memory_space<vmem>>) dst(%dma_wait3A_750 : memref<10112x32xf32, #tpu.memory_space<vmem_shared>>)
      } else {
      }
      %add3A_374 = arith.constant 4 : i32
      %add3A_375 = arith.addi %mul3A_300, %add3A_374 : i32
      %dma_start3A_376 = arith.constant 4 : i32
      %dma_start3A_377 = arith.constant 0 : i32
      %dma_start3A_378 = arith.constant 0 : i32
      %dma_start3A_379 = tpu.memref_slice %arg9[%dma_start3A_376, %dma_start3A_377, %dma_start3A_378] : memref<10x128x32xf32, #tpu.memory_space<vmem>> -> memref<1x128x32xf32, #tpu.memory_space<vmem>>
      %dma_start3A_380 = tpu.memref_squeeze %dma_start3A_379 : memref<1x128x32xf32, #tpu.memory_space<vmem>> -> memref<128x32xf32, #tpu.memory_space<vmem>>
      %dma_start3A_381 = arith.constant 0 : i32
      %dma_start3A_382 = tpu.memref_slice %arg7[%add3A_375, %dma_start3A_381] : memref<160x128xi32, #tpu.memory_space<vmem>> -> memref<1x128xi32, #tpu.memory_space<vmem>>
      %dma_start3A_383 = tpu.memref_squeeze %dma_start3A_382 : memref<1x128xi32, #tpu.memory_space<vmem>> -> memref<128xi32, #tpu.memory_space<vmem>>
      %dma_start3A_384 = arith.constant 0 : i32
      %dma_start3A_385 = arith.constant 0 : i32
      %dma_start3A_386 = tpu.memref_slice %arg10[%dma_start3A_384, %dma_start3A_385] : memref<10112x32xf32, #tpu.memory_space<vmem_shared>> -> memref<10112x32xf32, #tpu.memory_space<vmem_shared>>
      tpu.enqueue_indirect_dma source(%dma_start3A_386 : memref<10112x32xf32, #tpu.memory_space<vmem_shared>>) target(%dma_start3A_380 : memref<128x32xf32, #tpu.memory_space<vmem>>) offsets(%dma_start3A_383 : memref<128xi32, #tpu.memory_space<vmem>>) semaphore(%arg16 : memref<!tpu.dma_semaphore, #tpu.memory_space<semaphore_mem>>)
      %gt3A_387 = arith.constant 0 : i32
      %gt3A_388 = arith.cmpi sgt, %scan3A_298, %gt3A_387 : i32
      %convert_element_type3A_389 = arith.extui %gt3A_388 : i1 to i32
      %cond3A_390 = arith.constant 0 : i32
      %cond3A_391 = arith.cmpi ne, %convert_element_type3A_389, %cond3A_390 : i32
      scf.if %cond3A_391 {
        %sub3A = arith.constant 10 : i32
        %sub3A_737 = arith.subi %mul3A_300, %sub3A : i32
        %add3A_738 = arith.constant 5 : i32
        %add3A_739 = arith.addi %sub3A_737, %add3A_738 : i32
        %dma_wait3A_740 = arith.constant 5 : i32
        %dma_wait3A_741 = arith.constant 0 : i32
        %dma_wait3A_742 = arith.constant 0 : i32
        %dma_wait3A_743 = tpu.memref_slice %arg9[%dma_wait3A_740, %dma_wait3A_741, %dma_wait3A_742] : memref<10x128x32xf32, #tpu.memory_space<vmem>> -> memref<1x128x32xf32, #tpu.memory_space<vmem>>
        %dma_wait3A_744 = tpu.memref_squeeze %dma_wait3A_743 : memref<1x128x32xf32, #tpu.memory_space<vmem>> -> memref<128x32xf32, #tpu.memory_space<vmem>>
        %dma_wait3A_745 = arith.constant 0 : i32
        %dma_wait3A_746 = tpu.memref_slice %arg8[%add3A_739, %dma_wait3A_745] : memref<160x128xi32, #tpu.memory_space<vmem>> -> memref<1x128xi32, #tpu.memory_space<vmem>>
        %dma_wait3A_747 = tpu.memref_squeeze %dma_wait3A_746 : memref<1x128xi32, #tpu.memory_space<vmem>> -> memref<128xi32, #tpu.memory_space<vmem>>
        %dma_wait3A_748 = arith.constant 0 : i32
        %dma_wait3A_749 = arith.constant 0 : i32
        %dma_wait3A_750 = tpu.memref_slice %arg11[%dma_wait3A_748, %dma_wait3A_749] : memref<10112x32xf32, #tpu.memory_space<vmem_shared>> -> memref<10112x32xf32, #tpu.memory_space<vmem_shared>>
        tpu.wait_indirect_dma semaphore(%arg27 : memref<!tpu.dma_semaphore, #tpu.memory_space<semaphore_mem>>) src(%dma_wait3A_744 : memref<128x32xf32, #tpu.memory_space<vmem>>) dst(%dma_wait3A_750 : memref<10112x32xf32, #tpu.memory_space<vmem_shared>>)
      } else {
      }
      %add3A_392 = arith.constant 5 : i32
      %add3A_393 = arith.addi %mul3A_300, %add3A_392 : i32
      %dma_start3A_394 = arith.constant 5 : i32
      %dma_start3A_395 = arith.constant 0 : i32
      %dma_start3A_396 = arith.constant 0 : i32
      %dma_start3A_397 = tpu.memref_slice %arg9[%dma_start3A_394, %dma_start3A_395, %dma_start3A_396] : memref<10x128x32xf32, #tpu.memory_space<vmem>> -> memref<1x128x32xf32, #tpu.memory_space<vmem>>
      %dma_start3A_398 = tpu.memref_squeeze %dma_start3A_397 : memref<1x128x32xf32, #tpu.memory_space<vmem>> -> memref<128x32xf32, #tpu.memory_space<vmem>>
      %dma_start3A_399 = arith.constant 0 : i32
      %dma_start3A_400 = tpu.memref_slice %arg7[%add3A_393, %dma_start3A_399] : memref<160x128xi32, #tpu.memory_space<vmem>> -> memref<1x128xi32, #tpu.memory_space<vmem>>
      %dma_start3A_401 = tpu.memref_squeeze %dma_start3A_400 : memref<1x128xi32, #tpu.memory_space<vmem>> -> memref<128xi32, #tpu.memory_space<vmem>>
      %dma_start3A_402 = arith.constant 0 : i32
      %dma_start3A_403 = arith.constant 0 : i32
      %dma_start3A_404 = tpu.memref_slice %arg10[%dma_start3A_402, %dma_start3A_403] : memref<10112x32xf32, #tpu.memory_space<vmem_shared>> -> memref<10112x32xf32, #tpu.memory_space<vmem_shared>>
      tpu.enqueue_indirect_dma source(%dma_start3A_404 : memref<10112x32xf32, #tpu.memory_space<vmem_shared>>) target(%dma_start3A_398 : memref<128x32xf32, #tpu.memory_space<vmem>>) offsets(%dma_start3A_401 : memref<128xi32, #tpu.memory_space<vmem>>) semaphore(%arg17 : memref<!tpu.dma_semaphore, #tpu.memory_space<semaphore_mem>>)
      %gt3A_405 = arith.constant 0 : i32
      %gt3A_406 = arith.cmpi sgt, %scan3A_298, %gt3A_405 : i32
      %convert_element_type3A_407 = arith.extui %gt3A_406 : i1 to i32
      %cond3A_408 = arith.constant 0 : i32
      %cond3A_409 = arith.cmpi ne, %convert_element_type3A_407, %cond3A_408 : i32
      scf.if %cond3A_409 {
        %sub3A = arith.constant 10 : i32
        %sub3A_737 = arith.subi %mul3A_300, %sub3A : i32
        %add3A_738 = arith.constant 6 : i32
        %add3A_739 = arith.addi %sub3A_737, %add3A_738 : i32
        %dma_wait3A_740 = arith.constant 6 : i32
        %dma_wait3A_741 = arith.constant 0 : i32
        %dma_wait3A_742 = arith.constant 0 : i32
        %dma_wait3A_743 = tpu.memref_slice %arg9[%dma_wait3A_740, %dma_wait3A_741, %dma_wait3A_742] : memref<10x128x32xf32, #tpu.memory_space<vmem>> -> memref<1x128x32xf32, #tpu.memory_space<vmem>>
        %dma_wait3A_744 = tpu.memref_squeeze %dma_wait3A_743 : memref<1x128x32xf32, #tpu.memory_space<vmem>> -> memref<128x32xf32, #tpu.memory_space<vmem>>
        %dma_wait3A_745 = arith.constant 0 : i32
        %dma_wait3A_746 = tpu.memref_slice %arg8[%add3A_739, %dma_wait3A_745] : memref<160x128xi32, #tpu.memory_space<vmem>> -> memref<1x128xi32, #tpu.memory_space<vmem>>
        %dma_wait3A_747 = tpu.memref_squeeze %dma_wait3A_746 : memref<1x128xi32, #tpu.memory_space<vmem>> -> memref<128xi32, #tpu.memory_space<vmem>>
        %dma_wait3A_748 = arith.constant 0 : i32
        %dma_wait3A_749 = arith.constant 0 : i32
        %dma_wait3A_750 = tpu.memref_slice %arg11[%dma_wait3A_748, %dma_wait3A_749] : memref<10112x32xf32, #tpu.memory_space<vmem_shared>> -> memref<10112x32xf32, #tpu.memory_space<vmem_shared>>
        tpu.wait_indirect_dma semaphore(%arg28 : memref<!tpu.dma_semaphore, #tpu.memory_space<semaphore_mem>>) src(%dma_wait3A_744 : memref<128x32xf32, #tpu.memory_space<vmem>>) dst(%dma_wait3A_750 : memref<10112x32xf32, #tpu.memory_space<vmem_shared>>)
      } else {
      }
      %add3A_410 = arith.constant 6 : i32
      %add3A_411 = arith.addi %mul3A_300, %add3A_410 : i32
      %dma_start3A_412 = arith.constant 6 : i32
      %dma_start3A_413 = arith.constant 0 : i32
      %dma_start3A_414 = arith.constant 0 : i32
      %dma_start3A_415 = tpu.memref_slice %arg9[%dma_start3A_412, %dma_start3A_413, %dma_start3A_414] : memref<10x128x32xf32, #tpu.memory_space<vmem>> -> memref<1x128x32xf32, #tpu.memory_space<vmem>>
      %dma_start3A_416 = tpu.memref_squeeze %dma_start3A_415 : memref<1x128x32xf32, #tpu.memory_space<vmem>> -> memref<128x32xf32, #tpu.memory_space<vmem>>
      %dma_start3A_417 = arith.constant 0 : i32
      %dma_start3A_418 = tpu.memref_slice %arg7[%add3A_411, %dma_start3A_417] : memref<160x128xi32, #tpu.memory_space<vmem>> -> memref<1x128xi32, #tpu.memory_space<vmem>>
      %dma_start3A_419 = tpu.memref_squeeze %dma_start3A_418 : memref<1x128xi32, #tpu.memory_space<vmem>> -> memref<128xi32, #tpu.memory_space<vmem>>
      %dma_start3A_420 = arith.constant 0 : i32
      %dma_start3A_421 = arith.constant 0 : i32
      %dma_start3A_422 = tpu.memref_slice %arg10[%dma_start3A_420, %dma_start3A_421] : memref<10112x32xf32, #tpu.memory_space<vmem_shared>> -> memref<10112x32xf32, #tpu.memory_space<vmem_shared>>
      tpu.enqueue_indirect_dma source(%dma_start3A_422 : memref<10112x32xf32, #tpu.memory_space<vmem_shared>>) target(%dma_start3A_416 : memref<128x32xf32, #tpu.memory_space<vmem>>) offsets(%dma_start3A_419 : memref<128xi32, #tpu.memory_space<vmem>>) semaphore(%arg18 : memref<!tpu.dma_semaphore, #tpu.memory_space<semaphore_mem>>)
      %gt3A_423 = arith.constant 0 : i32
      %gt3A_424 = arith.cmpi sgt, %scan3A_298, %gt3A_423 : i32
      %convert_element_type3A_425 = arith.extui %gt3A_424 : i1 to i32
      %cond3A_426 = arith.constant 0 : i32
      %cond3A_427 = arith.cmpi ne, %convert_element_type3A_425, %cond3A_426 : i32
      scf.if %cond3A_427 {
        %sub3A = arith.constant 10 : i32
        %sub3A_737 = arith.subi %mul3A_300, %sub3A : i32
        %add3A_738 = arith.constant 7 : i32
        %add3A_739 = arith.addi %sub3A_737, %add3A_738 : i32
        %dma_wait3A_740 = arith.constant 7 : i32
        %dma_wait3A_741 = arith.constant 0 : i32
        %dma_wait3A_742 = arith.constant 0 : i32
        %dma_wait3A_743 = tpu.memref_slice %arg9[%dma_wait3A_740, %dma_wait3A_741, %dma_wait3A_742] : memref<10x128x32xf32, #tpu.memory_space<vmem>> -> memref<1x128x32xf32, #tpu.memory_space<vmem>>
        %dma_wait3A_744 = tpu.memref_squeeze %dma_wait3A_743 : memref<1x128x32xf32, #tpu.memory_space<vmem>> -> memref<128x32xf32, #tpu.memory_space<vmem>>
        %dma_wait3A_745 = arith.constant 0 : i32
        %dma_wait3A_746 = tpu.memref_slice %arg8[%add3A_739, %dma_wait3A_745] : memref<160x128xi32, #tpu.memory_space<vmem>> -> memref<1x128xi32, #tpu.memory_space<vmem>>
        %dma_wait3A_747 = tpu.memref_squeeze %dma_wait3A_746 : memref<1x128xi32, #tpu.memory_space<vmem>> -> memref<128xi32, #tpu.memory_space<vmem>>
        %dma_wait3A_748 = arith.constant 0 : i32
        %dma_wait3A_749 = arith.constant 0 : i32
        %dma_wait3A_750 = tpu.memref_slice %arg11[%dma_wait3A_748, %dma_wait3A_749] : memref<10112x32xf32, #tpu.memory_space<vmem_shared>> -> memref<10112x32xf32, #tpu.memory_space<vmem_shared>>
        tpu.wait_indirect_dma semaphore(%arg29 : memref<!tpu.dma_semaphore, #tpu.memory_space<semaphore_mem>>) src(%dma_wait3A_744 : memref<128x32xf32, #tpu.memory_space<vmem>>) dst(%dma_wait3A_750 : memref<10112x32xf32, #tpu.memory_space<vmem_shared>>)
      } else {
      }
      %add3A_428 = arith.constant 7 : i32
      %add3A_429 = arith.addi %mul3A_300, %add3A_428 : i32
      %dma_start3A_430 = arith.constant 7 : i32
      %dma_start3A_431 = arith.constant 0 : i32
      %dma_start3A_432 = arith.constant 0 : i32
      %dma_start3A_433 = tpu.memref_slice %arg9[%dma_start3A_430, %dma_start3A_431, %dma_start3A_432] : memref<10x128x32xf32, #tpu.memory_space<vmem>> -> memref<1x128x32xf32, #tpu.memory_space<vmem>>
      %dma_start3A_434 = tpu.memref_squeeze %dma_start3A_433 : memref<1x128x32xf32, #tpu.memory_space<vmem>> -> memref<128x32xf32, #tpu.memory_space<vmem>>
      %dma_start3A_435 = arith.constant 0 : i32
      %dma_start3A_436 = tpu.memref_slice %arg7[%add3A_429, %dma_start3A_435] : memref<160x128xi32, #tpu.memory_space<vmem>> -> memref<1x128xi32, #tpu.memory_space<vmem>>
      %dma_start3A_437 = tpu.memref_squeeze %dma_start3A_436 : memref<1x128xi32, #tpu.memory_space<vmem>> -> memref<128xi32, #tpu.memory_space<vmem>>
      %dma_start3A_438 = arith.constant 0 : i32
      %dma_start3A_439 = arith.constant 0 : i32
      %dma_start3A_440 = tpu.memref_slice %arg10[%dma_start3A_438, %dma_start3A_439] : memref<10112x32xf32, #tpu.memory_space<vmem_shared>> -> memref<10112x32xf32, #tpu.memory_space<vmem_shared>>
      tpu.enqueue_indirect_dma source(%dma_start3A_440 : memref<10112x32xf32, #tpu.memory_space<vmem_shared>>) target(%dma_start3A_434 : memref<128x32xf32, #tpu.memory_space<vmem>>) offsets(%dma_start3A_437 : memref<128xi32, #tpu.memory_space<vmem>>) semaphore(%arg19 : memref<!tpu.dma_semaphore, #tpu.memory_space<semaphore_mem>>)
      %gt3A_441 = arith.constant 0 : i32
      %gt3A_442 = arith.cmpi sgt, %scan3A_298, %gt3A_441 : i32
      %convert_element_type3A_443 = arith.extui %gt3A_442 : i1 to i32
      %cond3A_444 = arith.constant 0 : i32
      %cond3A_445 = arith.cmpi ne, %convert_element_type3A_443, %cond3A_444 : i32
      scf.if %cond3A_445 {
        %sub3A = arith.constant 10 : i32
        %sub3A_737 = arith.subi %mul3A_300, %sub3A : i32
        %add3A_738 = arith.constant 8 : i32
        %add3A_739 = arith.addi %sub3A_737, %add3A_738 : i32
        %dma_wait3A_740 = arith.constant 8 : i32
        %dma_wait3A_741 = arith.constant 0 : i32
        %dma_wait3A_742 = arith.constant 0 : i32
        %dma_wait3A_743 = tpu.memref_slice %arg9[%dma_wait3A_740, %dma_wait3A_741, %dma_wait3A_742] : memref<10x128x32xf32, #tpu.memory_space<vmem>> -> memref<1x128x32xf32, #tpu.memory_space<vmem>>
        %dma_wait3A_744 = tpu.memref_squeeze %dma_wait3A_743 : memref<1x128x32xf32, #tpu.memory_space<vmem>> -> memref<128x32xf32, #tpu.memory_space<vmem>>
        %dma_wait3A_745 = arith.constant 0 : i32
        %dma_wait3A_746 = tpu.memref_slice %arg8[%add3A_739, %dma_wait3A_745] : memref<160x128xi32, #tpu.memory_space<vmem>> -> memref<1x128xi32, #tpu.memory_space<vmem>>
        %dma_wait3A_747 = tpu.memref_squeeze %dma_wait3A_746 : memref<1x128xi32, #tpu.memory_space<vmem>> -> memref<128xi32, #tpu.memory_space<vmem>>
        %dma_wait3A_748 = arith.constant 0 : i32
        %dma_wait3A_749 = arith.constant 0 : i32
        %dma_wait3A_750 = tpu.memref_slice %arg11[%dma_wait3A_748, %dma_wait3A_749] : memref<10112x32xf32, #tpu.memory_space<vmem_shared>> -> memref<10112x32xf32, #tpu.memory_space<vmem_shared>>
        tpu.wait_indirect_dma semaphore(%arg30 : memref<!tpu.dma_semaphore, #tpu.memory_space<semaphore_mem>>) src(%dma_wait3A_744 : memref<128x32xf32, #tpu.memory_space<vmem>>) dst(%dma_wait3A_750 : memref<10112x32xf32, #tpu.memory_space<vmem_shared>>)
      } else {
      }
      %add3A_446 = arith.constant 8 : i32
      %add3A_447 = arith.addi %mul3A_300, %add3A_446 : i32
      %dma_start3A_448 = arith.constant 8 : i32
      %dma_start3A_449 = arith.constant 0 : i32
      %dma_start3A_450 = arith.constant 0 : i32
      %dma_start3A_451 = tpu.memref_slice %arg9[%dma_start3A_448, %dma_start3A_449, %dma_start3A_450] : memref<10x128x32xf32, #tpu.memory_space<vmem>> -> memref<1x128x32xf32, #tpu.memory_space<vmem>>
      %dma_start3A_452 = tpu.memref_squeeze %dma_start3A_451 : memref<1x128x32xf32, #tpu.memory_space<vmem>> -> memref<128x32xf32, #tpu.memory_space<vmem>>
      %dma_start3A_453 = arith.constant 0 : i32
      %dma_start3A_454 = tpu.memref_slice %arg7[%add3A_447, %dma_start3A_453] : memref<160x128xi32, #tpu.memory_space<vmem>> -> memref<1x128xi32, #tpu.memory_space<vmem>>
      %dma_start3A_455 = tpu.memref_squeeze %dma_start3A_454 : memref<1x128xi32, #tpu.memory_space<vmem>> -> memref<128xi32, #tpu.memory_space<vmem>>
      %dma_start3A_456 = arith.constant 0 : i32
      %dma_start3A_457 = arith.constant 0 : i32
      %dma_start3A_458 = tpu.memref_slice %arg10[%dma_start3A_456, %dma_start3A_457] : memref<10112x32xf32, #tpu.memory_space<vmem_shared>> -> memref<10112x32xf32, #tpu.memory_space<vmem_shared>>
      tpu.enqueue_indirect_dma source(%dma_start3A_458 : memref<10112x32xf32, #tpu.memory_space<vmem_shared>>) target(%dma_start3A_452 : memref<128x32xf32, #tpu.memory_space<vmem>>) offsets(%dma_start3A_455 : memref<128xi32, #tpu.memory_space<vmem>>) semaphore(%arg20 : memref<!tpu.dma_semaphore, #tpu.memory_space<semaphore_mem>>)
      %gt3A_459 = arith.constant 0 : i32
      %gt3A_460 = arith.cmpi sgt, %scan3A_298, %gt3A_459 : i32
      %convert_element_type3A_461 = arith.extui %gt3A_460 : i1 to i32
      %cond3A_462 = arith.constant 0 : i32
      %cond3A_463 = arith.cmpi ne, %convert_element_type3A_461, %cond3A_462 : i32
      scf.if %cond3A_463 {
        %sub3A = arith.constant 10 : i32
        %sub3A_737 = arith.subi %mul3A_300, %sub3A : i32
        %add3A_738 = arith.constant 9 : i32
        %add3A_739 = arith.addi %sub3A_737, %add3A_738 : i32
        %dma_wait3A_740 = arith.constant 9 : i32
        %dma_wait3A_741 = arith.constant 0 : i32
        %dma_wait3A_742 = arith.constant 0 : i32
        %dma_wait3A_743 = tpu.memref_slice %arg9[%dma_wait3A_740, %dma_wait3A_741, %dma_wait3A_742] : memref<10x128x32xf32, #tpu.memory_space<vmem>> -> memref<1x128x32xf32, #tpu.memory_space<vmem>>
        %dma_wait3A_744 = tpu.memref_squeeze %dma_wait3A_743 : memref<1x128x32xf32, #tpu.memory_space<vmem>> -> memref<128x32xf32, #tpu.memory_space<vmem>>
        %dma_wait3A_745 = arith.constant 0 : i32
        %dma_wait3A_746 = tpu.memref_slice %arg8[%add3A_739, %dma_wait3A_745] : memref<160x128xi32, #tpu.memory_space<vmem>> -> memref<1x128xi32, #tpu.memory_space<vmem>>
        %dma_wait3A_747 = tpu.memref_squeeze %dma_wait3A_746 : memref<1x128xi32, #tpu.memory_space<vmem>> -> memref<128xi32, #tpu.memory_space<vmem>>
        %dma_wait3A_748 = arith.constant 0 : i32
        %dma_wait3A_749 = arith.constant 0 : i32
        %dma_wait3A_750 = tpu.memref_slice %arg11[%dma_wait3A_748, %dma_wait3A_749] : memref<10112x32xf32, #tpu.memory_space<vmem_shared>> -> memref<10112x32xf32, #tpu.memory_space<vmem_shared>>
        tpu.wait_indirect_dma semaphore(%arg31 : memref<!tpu.dma_semaphore, #tpu.memory_space<semaphore_mem>>) src(%dma_wait3A_744 : memref<128x32xf32, #tpu.memory_space<vmem>>) dst(%dma_wait3A_750 : memref<10112x32xf32, #tpu.memory_space<vmem_shared>>)
      } else {
      }
      %add3A_464 = arith.constant 9 : i32
      %add3A_465 = arith.addi %mul3A_300, %add3A_464 : i32
      %dma_start3A_466 = arith.constant 9 : i32
      %dma_start3A_467 = arith.constant 0 : i32
      %dma_start3A_468 = arith.constant 0 : i32
      %dma_start3A_469 = tpu.memref_slice %arg9[%dma_start3A_466, %dma_start3A_467, %dma_start3A_468] : memref<10x128x32xf32, #tpu.memory_space<vmem>> -> memref<1x128x32xf32, #tpu.memory_space<vmem>>
      %dma_start3A_470 = tpu.memref_squeeze %dma_start3A_469 : memref<1x128x32xf32, #tpu.memory_space<vmem>> -> memref<128x32xf32, #tpu.memory_space<vmem>>
      %dma_start3A_471 = arith.constant 0 : i32
      %dma_start3A_472 = tpu.memref_slice %arg7[%add3A_465, %dma_start3A_471] : memref<160x128xi32, #tpu.memory_space<vmem>> -> memref<1x128xi32, #tpu.memory_space<vmem>>
      %dma_start3A_473 = tpu.memref_squeeze %dma_start3A_472 : memref<1x128xi32, #tpu.memory_space<vmem>> -> memref<128xi32, #tpu.memory_space<vmem>>
      %dma_start3A_474 = arith.constant 0 : i32
      %dma_start3A_475 = arith.constant 0 : i32
      %dma_start3A_476 = tpu.memref_slice %arg10[%dma_start3A_474, %dma_start3A_475] : memref<10112x32xf32, #tpu.memory_space<vmem_shared>> -> memref<10112x32xf32, #tpu.memory_space<vmem_shared>>
      tpu.enqueue_indirect_dma source(%dma_start3A_476 : memref<10112x32xf32, #tpu.memory_space<vmem_shared>>) target(%dma_start3A_470 : memref<128x32xf32, #tpu.memory_space<vmem>>) offsets(%dma_start3A_473 : memref<128xi32, #tpu.memory_space<vmem>>) semaphore(%arg21 : memref<!tpu.dma_semaphore, #tpu.memory_space<semaphore_mem>>)
      %add3A_477 = arith.constant 0 : i32
      %add3A_478 = arith.addi %mul3A_300, %add3A_477 : i32
      %dma_wait3A_479 = arith.constant 0 : i32
      %dma_wait3A_480 = arith.constant 0 : i32
      %dma_wait3A_481 = arith.constant 0 : i32
      %dma_wait3A_482 = tpu.memref_slice %arg9[%dma_wait3A_479, %dma_wait3A_480, %dma_wait3A_481] : memref<10x128x32xf32, #tpu.memory_space<vmem>> -> memref<1x128x32xf32, #tpu.memory_space<vmem>>
      %dma_wait3A_483 = tpu.memref_squeeze %dma_wait3A_482 : memref<1x128x32xf32, #tpu.memory_space<vmem>> -> memref<128x32xf32, #tpu.memory_space<vmem>>
      %dma_wait3A_484 = arith.constant 0 : i32
      %dma_wait3A_485 = tpu.memref_slice %arg7[%add3A_478, %dma_wait3A_484] : memref<160x128xi32, #tpu.memory_space<vmem>> -> memref<1x128xi32, #tpu.memory_space<vmem>>
      %dma_wait3A_486 = tpu.memref_squeeze %dma_wait3A_485 : memref<1x128xi32, #tpu.memory_space<vmem>> -> memref<128xi32, #tpu.memory_space<vmem>>
      %dma_wait3A_487 = arith.constant 0 : i32
      %dma_wait3A_488 = arith.constant 0 : i32
      %dma_wait3A_489 = tpu.memref_slice %arg10[%dma_wait3A_487, %dma_wait3A_488] : memref<10112x32xf32, #tpu.memory_space<vmem_shared>> -> memref<10112x32xf32, #tpu.memory_space<vmem_shared>>
      tpu.wait_indirect_dma semaphore(%arg12 : memref<!tpu.dma_semaphore, #tpu.memory_space<semaphore_mem>>) src(%dma_wait3A_489 : memref<10112x32xf32, #tpu.memory_space<vmem_shared>>) dst(%dma_wait3A_483 : memref<128x32xf32, #tpu.memory_space<vmem>>)
      %add3A_490 = arith.constant 0 : i32
      %add3A_491 = arith.addi %mul3A_300, %add3A_490 : i32
      %dma_start3A_492 = arith.constant 0 : i32
      %dma_start3A_493 = arith.constant 0 : i32
      %dma_start3A_494 = arith.constant 0 : i32
      %dma_start3A_495 = tpu.memref_slice %arg9[%dma_start3A_492, %dma_start3A_493, %dma_start3A_494] : memref<10x128x32xf32, #tpu.memory_space<vmem>> -> memref<1x128x32xf32, #tpu.memory_space<vmem>>
      %dma_start3A_496 = tpu.memref_squeeze %dma_start3A_495 : memref<1x128x32xf32, #tpu.memory_space<vmem>> -> memref<128x32xf32, #tpu.memory_space<vmem>>
      %dma_start3A_497 = arith.constant 0 : i32
      %dma_start3A_498 = tpu.memref_slice %arg8[%add3A_491, %dma_start3A_497] : memref<160x128xi32, #tpu.memory_space<vmem>> -> memref<1x128xi32, #tpu.memory_space<vmem>>
      %dma_start3A_499 = tpu.memref_squeeze %dma_start3A_498 : memref<1x128xi32, #tpu.memory_space<vmem>> -> memref<128xi32, #tpu.memory_space<vmem>>
      %dma_start3A_500 = arith.constant 0 : i32
      %dma_start3A_501 = arith.constant 0 : i32
      %dma_start3A_502 = tpu.memref_slice %arg11[%dma_start3A_500, %dma_start3A_501] : memref<10112x32xf32, #tpu.memory_space<vmem_shared>> -> memref<10112x32xf32, #tpu.memory_space<vmem_shared>>
      tpu.enqueue_indirect_dma source(%dma_start3A_496 : memref<128x32xf32, #tpu.memory_space<vmem>>) target(%dma_start3A_502 : memref<10112x32xf32, #tpu.memory_space<vmem_shared>>) offsets(%dma_start3A_499 : memref<128xi32, #tpu.memory_space<vmem>>) semaphore(%arg22 : memref<!tpu.dma_semaphore, #tpu.memory_space<semaphore_mem>>) {add = true}
      %add3A_503 = arith.constant 1 : i32
      %add3A_504 = arith.addi %mul3A_300, %add3A_503 : i32
      %dma_wait3A_505 = arith.constant 1 : i32
      %dma_wait3A_506 = arith.constant 0 : i32
      %dma_wait3A_507 = arith.constant 0 : i32
      %dma_wait3A_508 = tpu.memref_slice %arg9[%dma_wait3A_505, %dma_wait3A_506, %dma_wait3A_507] : memref<10x128x32xf32, #tpu.memory_space<vmem>> -> memref<1x128x32xf32, #tpu.memory_space<vmem>>
      %dma_wait3A_509 = tpu.memref_squeeze %dma_wait3A_508 : memref<1x128x32xf32, #tpu.memory_space<vmem>> -> memref<128x32xf32, #tpu.memory_space<vmem>>
      %dma_wait3A_510 = arith.constant 0 : i32
      %dma_wait3A_511 = tpu.memref_slice %arg7[%add3A_504, %dma_wait3A_510] : memref<160x128xi32, #tpu.memory_space<vmem>> -> memref<1x128xi32, #tpu.memory_space<vmem>>
      %dma_wait3A_512 = tpu.memref_squeeze %dma_wait3A_511 : memref<1x128xi32, #tpu.memory_space<vmem>> -> memref<128xi32, #tpu.memory_space<vmem>>
      %dma_wait3A_513 = arith.constant 0 : i32
      %dma_wait3A_514 = arith.constant 0 : i32
      %dma_wait3A_515 = tpu.memref_slice %arg10[%dma_wait3A_513, %dma_wait3A_514] : memref<10112x32xf32, #tpu.memory_space<vmem_shared>> -> memref<10112x32xf32, #tpu.memory_space<vmem_shared>>
      tpu.wait_indirect_dma semaphore(%arg13 : memref<!tpu.dma_semaphore, #tpu.memory_space<semaphore_mem>>) src(%dma_wait3A_515 : memref<10112x32xf32, #tpu.memory_space<vmem_shared>>) dst(%dma_wait3A_509 : memref<128x32xf32, #tpu.memory_space<vmem>>)
      %add3A_516 = arith.constant 1 : i32
      %add3A_517 = arith.addi %mul3A_300, %add3A_516 : i32
      %dma_start3A_518 = arith.constant 1 : i32
      %dma_start3A_519 = arith.constant 0 : i32
      %dma_start3A_520 = arith.constant 0 : i32
      %dma_start3A_521 = tpu.memref_slice %arg9[%dma_start3A_518, %dma_start3A_519, %dma_start3A_520] : memref<10x128x32xf32, #tpu.memory_space<vmem>> -> memref<1x128x32xf32, #tpu.memory_space<vmem>>
      %dma_start3A_522 = tpu.memref_squeeze %dma_start3A_521 : memref<1x128x32xf32, #tpu.memory_space<vmem>> -> memref<128x32xf32, #tpu.memory_space<vmem>>
      %dma_start3A_523 = arith.constant 0 : i32
      %dma_start3A_524 = tpu.memref_slice %arg8[%add3A_517, %dma_start3A_523] : memref<160x128xi32, #tpu.memory_space<vmem>> -> memref<1x128xi32, #tpu.memory_space<vmem>>
      %dma_start3A_525 = tpu.memref_squeeze %dma_start3A_524 : memref<1x128xi32, #tpu.memory_space<vmem>> -> memref<128xi32, #tpu.memory_space<vmem>>
      %dma_start3A_526 = arith.constant 0 : i32
      %dma_start3A_527 = arith.constant 0 : i32
      %dma_start3A_528 = tpu.memref_slice %arg11[%dma_start3A_526, %dma_start3A_527] : memref<10112x32xf32, #tpu.memory_space<vmem_shared>> -> memref<10112x32xf32, #tpu.memory_space<vmem_shared>>
      tpu.enqueue_indirect_dma source(%dma_start3A_522 : memref<128x32xf32, #tpu.memory_space<vmem>>) target(%dma_start3A_528 : memref<10112x32xf32, #tpu.memory_space<vmem_shared>>) offsets(%dma_start3A_525 : memref<128xi32, #tpu.memory_space<vmem>>) semaphore(%arg23 : memref<!tpu.dma_semaphore, #tpu.memory_space<semaphore_mem>>) {add = true}
      %add3A_529 = arith.constant 2 : i32
      %add3A_530 = arith.addi %mul3A_300, %add3A_529 : i32
      %dma_wait3A_531 = arith.constant 2 : i32
      %dma_wait3A_532 = arith.constant 0 : i32
      %dma_wait3A_533 = arith.constant 0 : i32
      %dma_wait3A_534 = tpu.memref_slice %arg9[%dma_wait3A_531, %dma_wait3A_532, %dma_wait3A_533] : memref<10x128x32xf32, #tpu.memory_space<vmem>> -> memref<1x128x32xf32, #tpu.memory_space<vmem>>
      %dma_wait3A_535 = tpu.memref_squeeze %dma_wait3A_534 : memref<1x128x32xf32, #tpu.memory_space<vmem>> -> memref<128x32xf32, #tpu.memory_space<vmem>>
      %dma_wait3A_536 = arith.constant 0 : i32
      %dma_wait3A_537 = tpu.memref_slice %arg7[%add3A_530, %dma_wait3A_536] : memref<160x128xi32, #tpu.memory_space<vmem>> -> memref<1x128xi32, #tpu.memory_space<vmem>>
      %dma_wait3A_538 = tpu.memref_squeeze %dma_wait3A_537 : memref<1x128xi32, #tpu.memory_space<vmem>> -> memref<128xi32, #tpu.memory_space<vmem>>
      %dma_wait3A_539 = arith.constant 0 : i32
      %dma_wait3A_540 = arith.constant 0 : i32
      %dma_wait3A_541 = tpu.memref_slice %arg10[%dma_wait3A_539, %dma_wait3A_540] : memref<10112x32xf32, #tpu.memory_space<vmem_shared>> -> memref<10112x32xf32, #tpu.memory_space<vmem_shared>>
      tpu.wait_indirect_dma semaphore(%arg14 : memref<!tpu.dma_semaphore, #tpu.memory_space<semaphore_mem>>) src(%dma_wait3A_541 : memref<10112x32xf32, #tpu.memory_space<vmem_shared>>) dst(%dma_wait3A_535 : memref<128x32xf32, #tpu.memory_space<vmem>>)
      %add3A_542 = arith.constant 2 : i32
      %add3A_543 = arith.addi %mul3A_300, %add3A_542 : i32
      %dma_start3A_544 = arith.constant 2 : i32
      %dma_start3A_545 = arith.constant 0 : i32
      %dma_start3A_546 = arith.constant 0 : i32
      %dma_start3A_547 = tpu.memref_slice %arg9[%dma_start3A_544, %dma_start3A_545, %dma_start3A_546] : memref<10x128x32xf32, #tpu.memory_space<vmem>> -> memref<1x128x32xf32, #tpu.memory_space<vmem>>
      %dma_start3A_548 = tpu.memref_squeeze %dma_start3A_547 : memref<1x128x32xf32, #tpu.memory_space<vmem>> -> memref<128x32xf32, #tpu.memory_space<vmem>>
      %dma_start3A_549 = arith.constant 0 : i32
      %dma_start3A_550 = tpu.memref_slice %arg8[%add3A_543, %dma_start3A_549] : memref<160x128xi32, #tpu.memory_space<vmem>> -> memref<1x128xi32, #tpu.memory_space<vmem>>
      %dma_start3A_551 = tpu.memref_squeeze %dma_start3A_550 : memref<1x128xi32, #tpu.memory_space<vmem>> -> memref<128xi32, #tpu.memory_space<vmem>>
      %dma_start3A_552 = arith.constant 0 : i32
      %dma_start3A_553 = arith.constant 0 : i32
      %dma_start3A_554 = tpu.memref_slice %arg11[%dma_start3A_552, %dma_start3A_553] : memref<10112x32xf32, #tpu.memory_space<vmem_shared>> -> memref<10112x32xf32, #tpu.memory_space<vmem_shared>>
      tpu.enqueue_indirect_dma source(%dma_start3A_548 : memref<128x32xf32, #tpu.memory_space<vmem>>) target(%dma_start3A_554 : memref<10112x32xf32, #tpu.memory_space<vmem_shared>>) offsets(%dma_start3A_551 : memref<128xi32, #tpu.memory_space<vmem>>) semaphore(%arg24 : memref<!tpu.dma_semaphore, #tpu.memory_space<semaphore_mem>>) {add = true}
      %add3A_555 = arith.constant 3 : i32
      %add3A_556 = arith.addi %mul3A_300, %add3A_555 : i32
      %dma_wait3A_557 = arith.constant 3 : i32
      %dma_wait3A_558 = arith.constant 0 : i32
      %dma_wait3A_559 = arith.constant 0 : i32
      %dma_wait3A_560 = tpu.memref_slice %arg9[%dma_wait3A_557, %dma_wait3A_558, %dma_wait3A_559] : memref<10x128x32xf32, #tpu.memory_space<vmem>> -> memref<1x128x32xf32, #tpu.memory_space<vmem>>
      %dma_wait3A_561 = tpu.memref_squeeze %dma_wait3A_560 : memref<1x128x32xf32, #tpu.memory_space<vmem>> -> memref<128x32xf32, #tpu.memory_space<vmem>>
      %dma_wait3A_562 = arith.constant 0 : i32
      %dma_wait3A_563 = tpu.memref_slice %arg7[%add3A_556, %dma_wait3A_562] : memref<160x128xi32, #tpu.memory_space<vmem>> -> memref<1x128xi32, #tpu.memory_space<vmem>>
      %dma_wait3A_564 = tpu.memref_squeeze %dma_wait3A_563 : memref<1x128xi32, #tpu.memory_space<vmem>> -> memref<128xi32, #tpu.memory_space<vmem>>
      %dma_wait3A_565 = arith.constant 0 : i32
      %dma_wait3A_566 = arith.constant 0 : i32
      %dma_wait3A_567 = tpu.memref_slice %arg10[%dma_wait3A_565, %dma_wait3A_566] : memref<10112x32xf32, #tpu.memory_space<vmem_shared>> -> memref<10112x32xf32, #tpu.memory_space<vmem_shared>>
      tpu.wait_indirect_dma semaphore(%arg15 : memref<!tpu.dma_semaphore, #tpu.memory_space<semaphore_mem>>) src(%dma_wait3A_567 : memref<10112x32xf32, #tpu.memory_space<vmem_shared>>) dst(%dma_wait3A_561 : memref<128x32xf32, #tpu.memory_space<vmem>>)
      %add3A_568 = arith.constant 3 : i32
      %add3A_569 = arith.addi %mul3A_300, %add3A_568 : i32
      %dma_start3A_570 = arith.constant 3 : i32
      %dma_start3A_571 = arith.constant 0 : i32
      %dma_start3A_572 = arith.constant 0 : i32
      %dma_start3A_573 = tpu.memref_slice %arg9[%dma_start3A_570, %dma_start3A_571, %dma_start3A_572] : memref<10x128x32xf32, #tpu.memory_space<vmem>> -> memref<1x128x32xf32, #tpu.memory_space<vmem>>
      %dma_start3A_574 = tpu.memref_squeeze %dma_start3A_573 : memref<1x128x32xf32, #tpu.memory_space<vmem>> -> memref<128x32xf32, #tpu.memory_space<vmem>>
      %dma_start3A_575 = arith.constant 0 : i32
      %dma_start3A_576 = tpu.memref_slice %arg8[%add3A_569, %dma_start3A_575] : memref<160x128xi32, #tpu.memory_space<vmem>> -> memref<1x128xi32, #tpu.memory_space<vmem>>
      %dma_start3A_577 = tpu.memref_squeeze %dma_start3A_576 : memref<1x128xi32, #tpu.memory_space<vmem>> -> memref<128xi32, #tpu.memory_space<vmem>>
      %dma_start3A_578 = arith.constant 0 : i32
      %dma_start3A_579 = arith.constant 0 : i32
      %dma_start3A_580 = tpu.memref_slice %arg11[%dma_start3A_578, %dma_start3A_579] : memref<10112x32xf32, #tpu.memory_space<vmem_shared>> -> memref<10112x32xf32, #tpu.memory_space<vmem_shared>>
      tpu.enqueue_indirect_dma source(%dma_start3A_574 : memref<128x32xf32, #tpu.memory_space<vmem>>) target(%dma_start3A_580 : memref<10112x32xf32, #tpu.memory_space<vmem_shared>>) offsets(%dma_start3A_577 : memref<128xi32, #tpu.memory_space<vmem>>) semaphore(%arg25 : memref<!tpu.dma_semaphore, #tpu.memory_space<semaphore_mem>>) {add = true}
      %add3A_581 = arith.constant 4 : i32
      %add3A_582 = arith.addi %mul3A_300, %add3A_581 : i32
      %dma_wait3A_583 = arith.constant 4 : i32
      %dma_wait3A_584 = arith.constant 0 : i32
      %dma_wait3A_585 = arith.constant 0 : i32
      %dma_wait3A_586 = tpu.memref_slice %arg9[%dma_wait3A_583, %dma_wait3A_584, %dma_wait3A_585] : memref<10x128x32xf32, #tpu.memory_space<vmem>> -> memref<1x128x32xf32, #tpu.memory_space<vmem>>
      %dma_wait3A_587 = tpu.memref_squeeze %dma_wait3A_586 : memref<1x128x32xf32, #tpu.memory_space<vmem>> -> memref<128x32xf32, #tpu.memory_space<vmem>>
      %dma_wait3A_588 = arith.constant 0 : i32
      %dma_wait3A_589 = tpu.memref_slice %arg7[%add3A_582, %dma_wait3A_588] : memref<160x128xi32, #tpu.memory_space<vmem>> -> memref<1x128xi32, #tpu.memory_space<vmem>>
      %dma_wait3A_590 = tpu.memref_squeeze %dma_wait3A_589 : memref<1x128xi32, #tpu.memory_space<vmem>> -> memref<128xi32, #tpu.memory_space<vmem>>
      %dma_wait3A_591 = arith.constant 0 : i32
      %dma_wait3A_592 = arith.constant 0 : i32
      %dma_wait3A_593 = tpu.memref_slice %arg10[%dma_wait3A_591, %dma_wait3A_592] : memref<10112x32xf32, #tpu.memory_space<vmem_shared>> -> memref<10112x32xf32, #tpu.memory_space<vmem_shared>>
      tpu.wait_indirect_dma semaphore(%arg16 : memref<!tpu.dma_semaphore, #tpu.memory_space<semaphore_mem>>) src(%dma_wait3A_593 : memref<10112x32xf32, #tpu.memory_space<vmem_shared>>) dst(%dma_wait3A_587 : memref<128x32xf32, #tpu.memory_space<vmem>>)
      %add3A_594 = arith.constant 4 : i32
      %add3A_595 = arith.addi %mul3A_300, %add3A_594 : i32
      %dma_start3A_596 = arith.constant 4 : i32
      %dma_start3A_597 = arith.constant 0 : i32
      %dma_start3A_598 = arith.constant 0 : i32
      %dma_start3A_599 = tpu.memref_slice %arg9[%dma_start3A_596, %dma_start3A_597, %dma_start3A_598] : memref<10x128x32xf32, #tpu.memory_space<vmem>> -> memref<1x128x32xf32, #tpu.memory_space<vmem>>
      %dma_start3A_600 = tpu.memref_squeeze %dma_start3A_599 : memref<1x128x32xf32, #tpu.memory_space<vmem>> -> memref<128x32xf32, #tpu.memory_space<vmem>>
      %dma_start3A_601 = arith.constant 0 : i32
      %dma_start3A_602 = tpu.memref_slice %arg8[%add3A_595, %dma_start3A_601] : memref<160x128xi32, #tpu.memory_space<vmem>> -> memref<1x128xi32, #tpu.memory_space<vmem>>
      %dma_start3A_603 = tpu.memref_squeeze %dma_start3A_602 : memref<1x128xi32, #tpu.memory_space<vmem>> -> memref<128xi32, #tpu.memory_space<vmem>>
      %dma_start3A_604 = arith.constant 0 : i32
      %dma_start3A_605 = arith.constant 0 : i32
      %dma_start3A_606 = tpu.memref_slice %arg11[%dma_start3A_604, %dma_start3A_605] : memref<10112x32xf32, #tpu.memory_space<vmem_shared>> -> memref<10112x32xf32, #tpu.memory_space<vmem_shared>>
      tpu.enqueue_indirect_dma source(%dma_start3A_600 : memref<128x32xf32, #tpu.memory_space<vmem>>) target(%dma_start3A_606 : memref<10112x32xf32, #tpu.memory_space<vmem_shared>>) offsets(%dma_start3A_603 : memref<128xi32, #tpu.memory_space<vmem>>) semaphore(%arg26 : memref<!tpu.dma_semaphore, #tpu.memory_space<semaphore_mem>>) {add = true}
      %add3A_607 = arith.constant 5 : i32
      %add3A_608 = arith.addi %mul3A_300, %add3A_607 : i32
      %dma_wait3A_609 = arith.constant 5 : i32
      %dma_wait3A_610 = arith.constant 0 : i32
      %dma_wait3A_611 = arith.constant 0 : i32
      %dma_wait3A_612 = tpu.memref_slice %arg9[%dma_wait3A_609, %dma_wait3A_610, %dma_wait3A_611] : memref<10x128x32xf32, #tpu.memory_space<vmem>> -> memref<1x128x32xf32, #tpu.memory_space<vmem>>
      %dma_wait3A_613 = tpu.memref_squeeze %dma_wait3A_612 : memref<1x128x32xf32, #tpu.memory_space<vmem>> -> memref<128x32xf32, #tpu.memory_space<vmem>>
      %dma_wait3A_614 = arith.constant 0 : i32
      %dma_wait3A_615 = tpu.memref_slice %arg7[%add3A_608, %dma_wait3A_614] : memref<160x128xi32, #tpu.memory_space<vmem>> -> memref<1x128xi32, #tpu.memory_space<vmem>>
      %dma_wait3A_616 = tpu.memref_squeeze %dma_wait3A_615 : memref<1x128xi32, #tpu.memory_space<vmem>> -> memref<128xi32, #tpu.memory_space<vmem>>
      %dma_wait3A_617 = arith.constant 0 : i32
      %dma_wait3A_618 = arith.constant 0 : i32
      %dma_wait3A_619 = tpu.memref_slice %arg10[%dma_wait3A_617, %dma_wait3A_618] : memref<10112x32xf32, #tpu.memory_space<vmem_shared>> -> memref<10112x32xf32, #tpu.memory_space<vmem_shared>>
      tpu.wait_indirect_dma semaphore(%arg17 : memref<!tpu.dma_semaphore, #tpu.memory_space<semaphore_mem>>) src(%dma_wait3A_619 : memref<10112x32xf32, #tpu.memory_space<vmem_shared>>) dst(%dma_wait3A_613 : memref<128x32xf32, #tpu.memory_space<vmem>>)
      %add3A_620 = arith.constant 5 : i32
      %add3A_621 = arith.addi %mul3A_300, %add3A_620 : i32
      %dma_start3A_622 = arith.constant 5 : i32
      %dma_start3A_623 = arith.constant 0 : i32
      %dma_start3A_624 = arith.constant 0 : i32
      %dma_start3A_625 = tpu.memref_slice %arg9[%dma_start3A_622, %dma_start3A_623, %dma_start3A_624] : memref<10x128x32xf32, #tpu.memory_space<vmem>> -> memref<1x128x32xf32, #tpu.memory_space<vmem>>
      %dma_start3A_626 = tpu.memref_squeeze %dma_start3A_625 : memref<1x128x32xf32, #tpu.memory_space<vmem>> -> memref<128x32xf32, #tpu.memory_space<vmem>>
      %dma_start3A_627 = arith.constant 0 : i32
      %dma_start3A_628 = tpu.memref_slice %arg8[%add3A_621, %dma_start3A_627] : memref<160x128xi32, #tpu.memory_space<vmem>> -> memref<1x128xi32, #tpu.memory_space<vmem>>
      %dma_start3A_629 = tpu.memref_squeeze %dma_start3A_628 : memref<1x128xi32, #tpu.memory_space<vmem>> -> memref<128xi32, #tpu.memory_space<vmem>>
      %dma_start3A_630 = arith.constant 0 : i32
      %dma_start3A_631 = arith.constant 0 : i32
      %dma_start3A_632 = tpu.memref_slice %arg11[%dma_start3A_630, %dma_start3A_631] : memref<10112x32xf32, #tpu.memory_space<vmem_shared>> -> memref<10112x32xf32, #tpu.memory_space<vmem_shared>>
      tpu.enqueue_indirect_dma source(%dma_start3A_626 : memref<128x32xf32, #tpu.memory_space<vmem>>) target(%dma_start3A_632 : memref<10112x32xf32, #tpu.memory_space<vmem_shared>>) offsets(%dma_start3A_629 : memref<128xi32, #tpu.memory_space<vmem>>) semaphore(%arg27 : memref<!tpu.dma_semaphore, #tpu.memory_space<semaphore_mem>>) {add = true}
      %add3A_633 = arith.constant 6 : i32
      %add3A_634 = arith.addi %mul3A_300, %add3A_633 : i32
      %dma_wait3A_635 = arith.constant 6 : i32
      %dma_wait3A_636 = arith.constant 0 : i32
      %dma_wait3A_637 = arith.constant 0 : i32
      %dma_wait3A_638 = tpu.memref_slice %arg9[%dma_wait3A_635, %dma_wait3A_636, %dma_wait3A_637] : memref<10x128x32xf32, #tpu.memory_space<vmem>> -> memref<1x128x32xf32, #tpu.memory_space<vmem>>
      %dma_wait3A_639 = tpu.memref_squeeze %dma_wait3A_638 : memref<1x128x32xf32, #tpu.memory_space<vmem>> -> memref<128x32xf32, #tpu.memory_space<vmem>>
      %dma_wait3A_640 = arith.constant 0 : i32
      %dma_wait3A_641 = tpu.memref_slice %arg7[%add3A_634, %dma_wait3A_640] : memref<160x128xi32, #tpu.memory_space<vmem>> -> memref<1x128xi32, #tpu.memory_space<vmem>>
      %dma_wait3A_642 = tpu.memref_squeeze %dma_wait3A_641 : memref<1x128xi32, #tpu.memory_space<vmem>> -> memref<128xi32, #tpu.memory_space<vmem>>
      %dma_wait3A_643 = arith.constant 0 : i32
      %dma_wait3A_644 = arith.constant 0 : i32
      %dma_wait3A_645 = tpu.memref_slice %arg10[%dma_wait3A_643, %dma_wait3A_644] : memref<10112x32xf32, #tpu.memory_space<vmem_shared>> -> memref<10112x32xf32, #tpu.memory_space<vmem_shared>>
      tpu.wait_indirect_dma semaphore(%arg18 : memref<!tpu.dma_semaphore, #tpu.memory_space<semaphore_mem>>) src(%dma_wait3A_645 : memref<10112x32xf32, #tpu.memory_space<vmem_shared>>) dst(%dma_wait3A_639 : memref<128x32xf32, #tpu.memory_space<vmem>>)
      %add3A_646 = arith.constant 6 : i32
      %add3A_647 = arith.addi %mul3A_300, %add3A_646 : i32
      %dma_start3A_648 = arith.constant 6 : i32
      %dma_start3A_649 = arith.constant 0 : i32
      %dma_start3A_650 = arith.constant 0 : i32
      %dma_start3A_651 = tpu.memref_slice %arg9[%dma_start3A_648, %dma_start3A_649, %dma_start3A_650] : memref<10x128x32xf32, #tpu.memory_space<vmem>> -> memref<1x128x32xf32, #tpu.memory_space<vmem>>
      %dma_start3A_652 = tpu.memref_squeeze %dma_start3A_651 : memref<1x128x32xf32, #tpu.memory_space<vmem>> -> memref<128x32xf32, #tpu.memory_space<vmem>>
      %dma_start3A_653 = arith.constant 0 : i32
      %dma_start3A_654 = tpu.memref_slice %arg8[%add3A_647, %dma_start3A_653] : memref<160x128xi32, #tpu.memory_space<vmem>> -> memref<1x128xi32, #tpu.memory_space<vmem>>
      %dma_start3A_655 = tpu.memref_squeeze %dma_start3A_654 : memref<1x128xi32, #tpu.memory_space<vmem>> -> memref<128xi32, #tpu.memory_space<vmem>>
      %dma_start3A_656 = arith.constant 0 : i32
      %dma_start3A_657 = arith.constant 0 : i32
      %dma_start3A_658 = tpu.memref_slice %arg11[%dma_start3A_656, %dma_start3A_657] : memref<10112x32xf32, #tpu.memory_space<vmem_shared>> -> memref<10112x32xf32, #tpu.memory_space<vmem_shared>>
      tpu.enqueue_indirect_dma source(%dma_start3A_652 : memref<128x32xf32, #tpu.memory_space<vmem>>) target(%dma_start3A_658 : memref<10112x32xf32, #tpu.memory_space<vmem_shared>>) offsets(%dma_start3A_655 : memref<128xi32, #tpu.memory_space<vmem>>) semaphore(%arg28 : memref<!tpu.dma_semaphore, #tpu.memory_space<semaphore_mem>>) {add = true}
      %add3A_659 = arith.constant 7 : i32
      %add3A_660 = arith.addi %mul3A_300, %add3A_659 : i32
      %dma_wait3A_661 = arith.constant 7 : i32
      %dma_wait3A_662 = arith.constant 0 : i32
      %dma_wait3A_663 = arith.constant 0 : i32
      %dma_wait3A_664 = tpu.memref_slice %arg9[%dma_wait3A_661, %dma_wait3A_662, %dma_wait3A_663] : memref<10x128x32xf32, #tpu.memory_space<vmem>> -> memref<1x128x32xf32, #tpu.memory_space<vmem>>
      %dma_wait3A_665 = tpu.memref_squeeze %dma_wait3A_664 : memref<1x128x32xf32, #tpu.memory_space<vmem>> -> memref<128x32xf32, #tpu.memory_space<vmem>>
      %dma_wait3A_666 = arith.constant 0 : i32
      %dma_wait3A_667 = tpu.memref_slice %arg7[%add3A_660, %dma_wait3A_666] : memref<160x128xi32, #tpu.memory_space<vmem>> -> memref<1x128xi32, #tpu.memory_space<vmem>>
      %dma_wait3A_668 = tpu.memref_squeeze %dma_wait3A_667 : memref<1x128xi32, #tpu.memory_space<vmem>> -> memref<128xi32, #tpu.memory_space<vmem>>
      %dma_wait3A_669 = arith.constant 0 : i32
      %dma_wait3A_670 = arith.constant 0 : i32
      %dma_wait3A_671 = tpu.memref_slice %arg10[%dma_wait3A_669, %dma_wait3A_670] : memref<10112x32xf32, #tpu.memory_space<vmem_shared>> -> memref<10112x32xf32, #tpu.memory_space<vmem_shared>>
      tpu.wait_indirect_dma semaphore(%arg19 : memref<!tpu.dma_semaphore, #tpu.memory_space<semaphore_mem>>) src(%dma_wait3A_671 : memref<10112x32xf32, #tpu.memory_space<vmem_shared>>) dst(%dma_wait3A_665 : memref<128x32xf32, #tpu.memory_space<vmem>>)
      %add3A_672 = arith.constant 7 : i32
      %add3A_673 = arith.addi %mul3A_300, %add3A_672 : i32
      %dma_start3A_674 = arith.constant 7 : i32
      %dma_start3A_675 = arith.constant 0 : i32
      %dma_start3A_676 = arith.constant 0 : i32
      %dma_start3A_677 = tpu.memref_slice %arg9[%dma_start3A_674, %dma_start3A_675, %dma_start3A_676] : memref<10x128x32xf32, #tpu.memory_space<vmem>> -> memref<1x128x32xf32, #tpu.memory_space<vmem>>
      %dma_start3A_678 = tpu.memref_squeeze %dma_start3A_677 : memref<1x128x32xf32, #tpu.memory_space<vmem>> -> memref<128x32xf32, #tpu.memory_space<vmem>>
      %dma_start3A_679 = arith.constant 0 : i32
      %dma_start3A_680 = tpu.memref_slice %arg8[%add3A_673, %dma_start3A_679] : memref<160x128xi32, #tpu.memory_space<vmem>> -> memref<1x128xi32, #tpu.memory_space<vmem>>
      %dma_start3A_681 = tpu.memref_squeeze %dma_start3A_680 : memref<1x128xi32, #tpu.memory_space<vmem>> -> memref<128xi32, #tpu.memory_space<vmem>>
      %dma_start3A_682 = arith.constant 0 : i32
      %dma_start3A_683 = arith.constant 0 : i32
      %dma_start3A_684 = tpu.memref_slice %arg11[%dma_start3A_682, %dma_start3A_683] : memref<10112x32xf32, #tpu.memory_space<vmem_shared>> -> memref<10112x32xf32, #tpu.memory_space<vmem_shared>>
      tpu.enqueue_indirect_dma source(%dma_start3A_678 : memref<128x32xf32, #tpu.memory_space<vmem>>) target(%dma_start3A_684 : memref<10112x32xf32, #tpu.memory_space<vmem_shared>>) offsets(%dma_start3A_681 : memref<128xi32, #tpu.memory_space<vmem>>) semaphore(%arg29 : memref<!tpu.dma_semaphore, #tpu.memory_space<semaphore_mem>>) {add = true}
      %add3A_685 = arith.constant 8 : i32
      %add3A_686 = arith.addi %mul3A_300, %add3A_685 : i32
      %dma_wait3A_687 = arith.constant 8 : i32
      %dma_wait3A_688 = arith.constant 0 : i32
      %dma_wait3A_689 = arith.constant 0 : i32
      %dma_wait3A_690 = tpu.memref_slice %arg9[%dma_wait3A_687, %dma_wait3A_688, %dma_wait3A_689] : memref<10x128x32xf32, #tpu.memory_space<vmem>> -> memref<1x128x32xf32, #tpu.memory_space<vmem>>
      %dma_wait3A_691 = tpu.memref_squeeze %dma_wait3A_690 : memref<1x128x32xf32, #tpu.memory_space<vmem>> -> memref<128x32xf32, #tpu.memory_space<vmem>>
      %dma_wait3A_692 = arith.constant 0 : i32
      %dma_wait3A_693 = tpu.memref_slice %arg7[%add3A_686, %dma_wait3A_692] : memref<160x128xi32, #tpu.memory_space<vmem>> -> memref<1x128xi32, #tpu.memory_space<vmem>>
      %dma_wait3A_694 = tpu.memref_squeeze %dma_wait3A_693 : memref<1x128xi32, #tpu.memory_space<vmem>> -> memref<128xi32, #tpu.memory_space<vmem>>
      %dma_wait3A_695 = arith.constant 0 : i32
      %dma_wait3A_696 = arith.constant 0 : i32
      %dma_wait3A_697 = tpu.memref_slice %arg10[%dma_wait3A_695, %dma_wait3A_696] : memref<10112x32xf32, #tpu.memory_space<vmem_shared>> -> memref<10112x32xf32, #tpu.memory_space<vmem_shared>>
      tpu.wait_indirect_dma semaphore(%arg20 : memref<!tpu.dma_semaphore, #tpu.memory_space<semaphore_mem>>) src(%dma_wait3A_697 : memref<10112x32xf32, #tpu.memory_space<vmem_shared>>) dst(%dma_wait3A_691 : memref<128x32xf32, #tpu.memory_space<vmem>>)
      %add3A_698 = arith.constant 8 : i32
      %add3A_699 = arith.addi %mul3A_300, %add3A_698 : i32
      %dma_start3A_700 = arith.constant 8 : i32
      %dma_start3A_701 = arith.constant 0 : i32
      %dma_start3A_702 = arith.constant 0 : i32
      %dma_start3A_703 = tpu.memref_slice %arg9[%dma_start3A_700, %dma_start3A_701, %dma_start3A_702] : memref<10x128x32xf32, #tpu.memory_space<vmem>> -> memref<1x128x32xf32, #tpu.memory_space<vmem>>
      %dma_start3A_704 = tpu.memref_squeeze %dma_start3A_703 : memref<1x128x32xf32, #tpu.memory_space<vmem>> -> memref<128x32xf32, #tpu.memory_space<vmem>>
      %dma_start3A_705 = arith.constant 0 : i32
      %dma_start3A_706 = tpu.memref_slice %arg8[%add3A_699, %dma_start3A_705] : memref<160x128xi32, #tpu.memory_space<vmem>> -> memref<1x128xi32, #tpu.memory_space<vmem>>
      %dma_start3A_707 = tpu.memref_squeeze %dma_start3A_706 : memref<1x128xi32, #tpu.memory_space<vmem>> -> memref<128xi32, #tpu.memory_space<vmem>>
      %dma_start3A_708 = arith.constant 0 : i32
      %dma_start3A_709 = arith.constant 0 : i32
      %dma_start3A_710 = tpu.memref_slice %arg11[%dma_start3A_708, %dma_start3A_709] : memref<10112x32xf32, #tpu.memory_space<vmem_shared>> -> memref<10112x32xf32, #tpu.memory_space<vmem_shared>>
      tpu.enqueue_indirect_dma source(%dma_start3A_704 : memref<128x32xf32, #tpu.memory_space<vmem>>) target(%dma_start3A_710 : memref<10112x32xf32, #tpu.memory_space<vmem_shared>>) offsets(%dma_start3A_707 : memref<128xi32, #tpu.memory_space<vmem>>) semaphore(%arg30 : memref<!tpu.dma_semaphore, #tpu.memory_space<semaphore_mem>>) {add = true}
      %add3A_711 = arith.constant 9 : i32
      %add3A_712 = arith.addi %mul3A_300, %add3A_711 : i32
      %dma_wait3A_713 = arith.constant 9 : i32
      %dma_wait3A_714 = arith.constant 0 : i32
      %dma_wait3A_715 = arith.constant 0 : i32
      %dma_wait3A_716 = tpu.memref_slice %arg9[%dma_wait3A_713, %dma_wait3A_714, %dma_wait3A_715] : memref<10x128x32xf32, #tpu.memory_space<vmem>> -> memref<1x128x32xf32, #tpu.memory_space<vmem>>
      %dma_wait3A_717 = tpu.memref_squeeze %dma_wait3A_716 : memref<1x128x32xf32, #tpu.memory_space<vmem>> -> memref<128x32xf32, #tpu.memory_space<vmem>>
      %dma_wait3A_718 = arith.constant 0 : i32
      %dma_wait3A_719 = tpu.memref_slice %arg7[%add3A_712, %dma_wait3A_718] : memref<160x128xi32, #tpu.memory_space<vmem>> -> memref<1x128xi32, #tpu.memory_space<vmem>>
      %dma_wait3A_720 = tpu.memref_squeeze %dma_wait3A_719 : memref<1x128xi32, #tpu.memory_space<vmem>> -> memref<128xi32, #tpu.memory_space<vmem>>
      %dma_wait3A_721 = arith.constant 0 : i32
      %dma_wait3A_722 = arith.constant 0 : i32
      %dma_wait3A_723 = tpu.memref_slice %arg10[%dma_wait3A_721, %dma_wait3A_722] : memref<10112x32xf32, #tpu.memory_space<vmem_shared>> -> memref<10112x32xf32, #tpu.memory_space<vmem_shared>>
      tpu.wait_indirect_dma semaphore(%arg21 : memref<!tpu.dma_semaphore, #tpu.memory_space<semaphore_mem>>) src(%dma_wait3A_723 : memref<10112x32xf32, #tpu.memory_space<vmem_shared>>) dst(%dma_wait3A_717 : memref<128x32xf32, #tpu.memory_space<vmem>>)
      %add3A_724 = arith.constant 9 : i32
      %add3A_725 = arith.addi %mul3A_300, %add3A_724 : i32
      %dma_start3A_726 = arith.constant 9 : i32
      %dma_start3A_727 = arith.constant 0 : i32
      %dma_start3A_728 = arith.constant 0 : i32
      %dma_start3A_729 = tpu.memref_slice %arg9[%dma_start3A_726, %dma_start3A_727, %dma_start3A_728] : memref<10x128x32xf32, #tpu.memory_space<vmem>> -> memref<1x128x32xf32, #tpu.memory_space<vmem>>
      %dma_start3A_730 = tpu.memref_squeeze %dma_start3A_729 : memref<1x128x32xf32, #tpu.memory_space<vmem>> -> memref<128x32xf32, #tpu.memory_space<vmem>>
      %dma_start3A_731 = arith.constant 0 : i32
      %dma_start3A_732 = tpu.memref_slice %arg8[%add3A_725, %dma_start3A_731] : memref<160x128xi32, #tpu.memory_space<vmem>> -> memref<1x128xi32, #tpu.memory_space<vmem>>
      %dma_start3A_733 = tpu.memref_squeeze %dma_start3A_732 : memref<1x128xi32, #tpu.memory_space<vmem>> -> memref<128xi32, #tpu.memory_space<vmem>>
      %dma_start3A_734 = arith.constant 0 : i32
      %dma_start3A_735 = arith.constant 0 : i32
      %dma_start3A_736 = tpu.memref_slice %arg11[%dma_start3A_734, %dma_start3A_735] : memref<10112x32xf32, #tpu.memory_space<vmem_shared>> -> memref<10112x32xf32, #tpu.memory_space<vmem_shared>>
      tpu.enqueue_indirect_dma source(%dma_start3A_730 : memref<128x32xf32, #tpu.memory_space<vmem>>) target(%dma_start3A_736 : memref<10112x32xf32, #tpu.memory_space<vmem_shared>>) offsets(%dma_start3A_733 : memref<128xi32, #tpu.memory_space<vmem>>) semaphore(%arg31 : memref<!tpu.dma_semaphore, #tpu.memory_space<semaphore_mem>>) {add = true}
    }
    %scan3A_18 = arith.constant 16 : i32
    %dma_wait3A = arith.constant 0 : i32
    %dma_wait3A_19 = arith.constant 150 : i32
    %dma_wait3A_20 = arith.constant 0 : i32
    %dma_wait3A_21 = arith.constant 0 : i32
    %dma_wait3A_22 = tpu.memref_slice %arg9[%dma_wait3A, %dma_wait3A_20, %dma_wait3A_21] : memref<10x128x32xf32, #tpu.memory_space<vmem>> -> memref<1x128x32xf32, #tpu.memory_space<vmem>>
    %dma_wait3A_23 = tpu.memref_squeeze %dma_wait3A_22 : memref<1x128x32xf32, #tpu.memory_space<vmem>> -> memref<128x32xf32, #tpu.memory_space<vmem>>
    %dma_wait3A_24 = arith.constant 0 : i32
    %dma_wait3A_25 = tpu.memref_slice %arg8[%dma_wait3A_19, %dma_wait3A_24] : memref<160x128xi32, #tpu.memory_space<vmem>> -> memref<1x128xi32, #tpu.memory_space<vmem>>
    %dma_wait3A_26 = tpu.memref_squeeze %dma_wait3A_25 : memref<1x128xi32, #tpu.memory_space<vmem>> -> memref<128xi32, #tpu.memory_space<vmem>>
    %dma_wait3A_27 = arith.constant 0 : i32
    %dma_wait3A_28 = arith.constant 0 : i32
    %dma_wait3A_29 = tpu.memref_slice %arg11[%dma_wait3A_27, %dma_wait3A_28] : memref<10112x32xf32, #tpu.memory_space<vmem_shared>> -> memref<10112x32xf32, #tpu.memory_space<vmem_shared>>
    tpu.wait_indirect_dma semaphore(%arg22 : memref<!tpu.dma_semaphore, #tpu.memory_space<semaphore_mem>>) src(%dma_wait3A_23 : memref<128x32xf32, #tpu.memory_space<vmem>>) dst(%dma_wait3A_29 : memref<10112x32xf32, #tpu.memory_space<vmem_shared>>)
    %dma_wait3A_30 = arith.constant 1 : i32
    %dma_wait3A_31 = arith.constant 151 : i32
    %dma_wait3A_32 = arith.constant 0 : i32
    %dma_wait3A_33 = arith.constant 0 : i32
    %dma_wait3A_34 = tpu.memref_slice %arg9[%dma_wait3A_30, %dma_wait3A_32, %dma_wait3A_33] : memref<10x128x32xf32, #tpu.memory_space<vmem>> -> memref<1x128x32xf32, #tpu.memory_space<vmem>>
    %dma_wait3A_35 = tpu.memref_squeeze %dma_wait3A_34 : memref<1x128x32xf32, #tpu.memory_space<vmem>> -> memref<128x32xf32, #tpu.memory_space<vmem>>
    %dma_wait3A_36 = arith.constant 0 : i32
    %dma_wait3A_37 = tpu.memref_slice %arg8[%dma_wait3A_31, %dma_wait3A_36] : memref<160x128xi32, #tpu.memory_space<vmem>> -> memref<1x128xi32, #tpu.memory_space<vmem>>
    %dma_wait3A_38 = tpu.memref_squeeze %dma_wait3A_37 : memref<1x128xi32, #tpu.memory_space<vmem>> -> memref<128xi32, #tpu.memory_space<vmem>>
    %dma_wait3A_39 = arith.constant 0 : i32
    %dma_wait3A_40 = arith.constant 0 : i32
    %dma_wait3A_41 = tpu.memref_slice %arg11[%dma_wait3A_39, %dma_wait3A_40] : memref<10112x32xf32, #tpu.memory_space<vmem_shared>> -> memref<10112x32xf32, #tpu.memory_space<vmem_shared>>
    tpu.wait_indirect_dma semaphore(%arg23 : memref<!tpu.dma_semaphore, #tpu.memory_space<semaphore_mem>>) src(%dma_wait3A_35 : memref<128x32xf32, #tpu.memory_space<vmem>>) dst(%dma_wait3A_41 : memref<10112x32xf32, #tpu.memory_space<vmem_shared>>)
    %dma_wait3A_42 = arith.constant 2 : i32
    %dma_wait3A_43 = arith.constant 152 : i32
    %dma_wait3A_44 = arith.constant 0 : i32
    %dma_wait3A_45 = arith.constant 0 : i32
    %dma_wait3A_46 = tpu.memref_slice %arg9[%dma_wait3A_42, %dma_wait3A_44, %dma_wait3A_45] : memref<10x128x32xf32, #tpu.memory_space<vmem>> -> memref<1x128x32xf32, #tpu.memory_space<vmem>>
    %dma_wait3A_47 = tpu.memref_squeeze %dma_wait3A_46 : memref<1x128x32xf32, #tpu.memory_space<vmem>> -> memref<128x32xf32, #tpu.memory_space<vmem>>
    %dma_wait3A_48 = arith.constant 0 : i32
    %dma_wait3A_49 = tpu.memref_slice %arg8[%dma_wait3A_43, %dma_wait3A_48] : memref<160x128xi32, #tpu.memory_space<vmem>> -> memref<1x128xi32, #tpu.memory_space<vmem>>
    %dma_wait3A_50 = tpu.memref_squeeze %dma_wait3A_49 : memref<1x128xi32, #tpu.memory_space<vmem>> -> memref<128xi32, #tpu.memory_space<vmem>>
    %dma_wait3A_51 = arith.constant 0 : i32
    %dma_wait3A_52 = arith.constant 0 : i32
    %dma_wait3A_53 = tpu.memref_slice %arg11[%dma_wait3A_51, %dma_wait3A_52] : memref<10112x32xf32, #tpu.memory_space<vmem_shared>> -> memref<10112x32xf32, #tpu.memory_space<vmem_shared>>
    tpu.wait_indirect_dma semaphore(%arg24 : memref<!tpu.dma_semaphore, #tpu.memory_space<semaphore_mem>>) src(%dma_wait3A_47 : memref<128x32xf32, #tpu.memory_space<vmem>>) dst(%dma_wait3A_53 : memref<10112x32xf32, #tpu.memory_space<vmem_shared>>)
    %dma_wait3A_54 = arith.constant 3 : i32
    %dma_wait3A_55 = arith.constant 153 : i32
    %dma_wait3A_56 = arith.constant 0 : i32
    %dma_wait3A_57 = arith.constant 0 : i32
    %dma_wait3A_58 = tpu.memref_slice %arg9[%dma_wait3A_54, %dma_wait3A_56, %dma_wait3A_57] : memref<10x128x32xf32, #tpu.memory_space<vmem>> -> memref<1x128x32xf32, #tpu.memory_space<vmem>>
    %dma_wait3A_59 = tpu.memref_squeeze %dma_wait3A_58 : memref<1x128x32xf32, #tpu.memory_space<vmem>> -> memref<128x32xf32, #tpu.memory_space<vmem>>
    %dma_wait3A_60 = arith.constant 0 : i32
    %dma_wait3A_61 = tpu.memref_slice %arg8[%dma_wait3A_55, %dma_wait3A_60] : memref<160x128xi32, #tpu.memory_space<vmem>> -> memref<1x128xi32, #tpu.memory_space<vmem>>
    %dma_wait3A_62 = tpu.memref_squeeze %dma_wait3A_61 : memref<1x128xi32, #tpu.memory_space<vmem>> -> memref<128xi32, #tpu.memory_space<vmem>>
    %dma_wait3A_63 = arith.constant 0 : i32
    %dma_wait3A_64 = arith.constant 0 : i32
    %dma_wait3A_65 = tpu.memref_slice %arg11[%dma_wait3A_63, %dma_wait3A_64] : memref<10112x32xf32, #tpu.memory_space<vmem_shared>> -> memref<10112x32xf32, #tpu.memory_space<vmem_shared>>
    tpu.wait_indirect_dma semaphore(%arg25 : memref<!tpu.dma_semaphore, #tpu.memory_space<semaphore_mem>>) src(%dma_wait3A_59 : memref<128x32xf32, #tpu.memory_space<vmem>>) dst(%dma_wait3A_65 : memref<10112x32xf32, #tpu.memory_space<vmem_shared>>)
    %dma_wait3A_66 = arith.constant 4 : i32
    %dma_wait3A_67 = arith.constant 154 : i32
    %dma_wait3A_68 = arith.constant 0 : i32
    %dma_wait3A_69 = arith.constant 0 : i32
    %dma_wait3A_70 = tpu.memref_slice %arg9[%dma_wait3A_66, %dma_wait3A_68, %dma_wait3A_69] : memref<10x128x32xf32, #tpu.memory_space<vmem>> -> memref<1x128x32xf32, #tpu.memory_space<vmem>>
    %dma_wait3A_71 = tpu.memref_squeeze %dma_wait3A_70 : memref<1x128x32xf32, #tpu.memory_space<vmem>> -> memref<128x32xf32, #tpu.memory_space<vmem>>
    %dma_wait3A_72 = arith.constant 0 : i32
    %dma_wait3A_73 = tpu.memref_slice %arg8[%dma_wait3A_67, %dma_wait3A_72] : memref<160x128xi32, #tpu.memory_space<vmem>> -> memref<1x128xi32, #tpu.memory_space<vmem>>
    %dma_wait3A_74 = tpu.memref_squeeze %dma_wait3A_73 : memref<1x128xi32, #tpu.memory_space<vmem>> -> memref<128xi32, #tpu.memory_space<vmem>>
    %dma_wait3A_75 = arith.constant 0 : i32
    %dma_wait3A_76 = arith.constant 0 : i32
    %dma_wait3A_77 = tpu.memref_slice %arg11[%dma_wait3A_75, %dma_wait3A_76] : memref<10112x32xf32, #tpu.memory_space<vmem_shared>> -> memref<10112x32xf32, #tpu.memory_space<vmem_shared>>
    tpu.wait_indirect_dma semaphore(%arg26 : memref<!tpu.dma_semaphore, #tpu.memory_space<semaphore_mem>>) src(%dma_wait3A_71 : memref<128x32xf32, #tpu.memory_space<vmem>>) dst(%dma_wait3A_77 : memref<10112x32xf32, #tpu.memory_space<vmem_shared>>)
    %dma_wait3A_78 = arith.constant 5 : i32
    %dma_wait3A_79 = arith.constant 155 : i32
    %dma_wait3A_80 = arith.constant 0 : i32
    %dma_wait3A_81 = arith.constant 0 : i32
    %dma_wait3A_82 = tpu.memref_slice %arg9[%dma_wait3A_78, %dma_wait3A_80, %dma_wait3A_81] : memref<10x128x32xf32, #tpu.memory_space<vmem>> -> memref<1x128x32xf32, #tpu.memory_space<vmem>>
    %dma_wait3A_83 = tpu.memref_squeeze %dma_wait3A_82 : memref<1x128x32xf32, #tpu.memory_space<vmem>> -> memref<128x32xf32, #tpu.memory_space<vmem>>
    %dma_wait3A_84 = arith.constant 0 : i32
    %dma_wait3A_85 = tpu.memref_slice %arg8[%dma_wait3A_79, %dma_wait3A_84] : memref<160x128xi32, #tpu.memory_space<vmem>> -> memref<1x128xi32, #tpu.memory_space<vmem>>
    %dma_wait3A_86 = tpu.memref_squeeze %dma_wait3A_85 : memref<1x128xi32, #tpu.memory_space<vmem>> -> memref<128xi32, #tpu.memory_space<vmem>>
    %dma_wait3A_87 = arith.constant 0 : i32
    %dma_wait3A_88 = arith.constant 0 : i32
    %dma_wait3A_89 = tpu.memref_slice %arg11[%dma_wait3A_87, %dma_wait3A_88] : memref<10112x32xf32, #tpu.memory_space<vmem_shared>> -> memref<10112x32xf32, #tpu.memory_space<vmem_shared>>
    tpu.wait_indirect_dma semaphore(%arg27 : memref<!tpu.dma_semaphore, #tpu.memory_space<semaphore_mem>>) src(%dma_wait3A_83 : memref<128x32xf32, #tpu.memory_space<vmem>>) dst(%dma_wait3A_89 : memref<10112x32xf32, #tpu.memory_space<vmem_shared>>)
    %dma_wait3A_90 = arith.constant 6 : i32
    %dma_wait3A_91 = arith.constant 156 : i32
    %dma_wait3A_92 = arith.constant 0 : i32
    %dma_wait3A_93 = arith.constant 0 : i32
    %dma_wait3A_94 = tpu.memref_slice %arg9[%dma_wait3A_90, %dma_wait3A_92, %dma_wait3A_93] : memref<10x128x32xf32, #tpu.memory_space<vmem>> -> memref<1x128x32xf32, #tpu.memory_space<vmem>>
    %dma_wait3A_95 = tpu.memref_squeeze %dma_wait3A_94 : memref<1x128x32xf32, #tpu.memory_space<vmem>> -> memref<128x32xf32, #tpu.memory_space<vmem>>
    %dma_wait3A_96 = arith.constant 0 : i32
    %dma_wait3A_97 = tpu.memref_slice %arg8[%dma_wait3A_91, %dma_wait3A_96] : memref<160x128xi32, #tpu.memory_space<vmem>> -> memref<1x128xi32, #tpu.memory_space<vmem>>
    %dma_wait3A_98 = tpu.memref_squeeze %dma_wait3A_97 : memref<1x128xi32, #tpu.memory_space<vmem>> -> memref<128xi32, #tpu.memory_space<vmem>>
    %dma_wait3A_99 = arith.constant 0 : i32
    %dma_wait3A_100 = arith.constant 0 : i32
    %dma_wait3A_101 = tpu.memref_slice %arg11[%dma_wait3A_99, %dma_wait3A_100] : memref<10112x32xf32, #tpu.memory_space<vmem_shared>> -> memref<10112x32xf32, #tpu.memory_space<vmem_shared>>
    tpu.wait_indirect_dma semaphore(%arg28 : memref<!tpu.dma_semaphore, #tpu.memory_space<semaphore_mem>>) src(%dma_wait3A_95 : memref<128x32xf32, #tpu.memory_space<vmem>>) dst(%dma_wait3A_101 : memref<10112x32xf32, #tpu.memory_space<vmem_shared>>)
    %dma_wait3A_102 = arith.constant 7 : i32
    %dma_wait3A_103 = arith.constant 157 : i32
    %dma_wait3A_104 = arith.constant 0 : i32
    %dma_wait3A_105 = arith.constant 0 : i32
    %dma_wait3A_106 = tpu.memref_slice %arg9[%dma_wait3A_102, %dma_wait3A_104, %dma_wait3A_105] : memref<10x128x32xf32, #tpu.memory_space<vmem>> -> memref<1x128x32xf32, #tpu.memory_space<vmem>>
    %dma_wait3A_107 = tpu.memref_squeeze %dma_wait3A_106 : memref<1x128x32xf32, #tpu.memory_space<vmem>> -> memref<128x32xf32, #tpu.memory_space<vmem>>
    %dma_wait3A_108 = arith.constant 0 : i32
    %dma_wait3A_109 = tpu.memref_slice %arg8[%dma_wait3A_103, %dma_wait3A_108] : memref<160x128xi32, #tpu.memory_space<vmem>> -> memref<1x128xi32, #tpu.memory_space<vmem>>
    %dma_wait3A_110 = tpu.memref_squeeze %dma_wait3A_109 : memref<1x128xi32, #tpu.memory_space<vmem>> -> memref<128xi32, #tpu.memory_space<vmem>>
    %dma_wait3A_111 = arith.constant 0 : i32
    %dma_wait3A_112 = arith.constant 0 : i32
    %dma_wait3A_113 = tpu.memref_slice %arg11[%dma_wait3A_111, %dma_wait3A_112] : memref<10112x32xf32, #tpu.memory_space<vmem_shared>> -> memref<10112x32xf32, #tpu.memory_space<vmem_shared>>
    tpu.wait_indirect_dma semaphore(%arg29 : memref<!tpu.dma_semaphore, #tpu.memory_space<semaphore_mem>>) src(%dma_wait3A_107 : memref<128x32xf32, #tpu.memory_space<vmem>>) dst(%dma_wait3A_113 : memref<10112x32xf32, #tpu.memory_space<vmem_shared>>)
    %dma_wait3A_114 = arith.constant 8 : i32
    %dma_wait3A_115 = arith.constant 158 : i32
    %dma_wait3A_116 = arith.constant 0 : i32
    %dma_wait3A_117 = arith.constant 0 : i32
    %dma_wait3A_118 = tpu.memref_slice %arg9[%dma_wait3A_114, %dma_wait3A_116, %dma_wait3A_117] : memref<10x128x32xf32, #tpu.memory_space<vmem>> -> memref<1x128x32xf32, #tpu.memory_space<vmem>>
    %dma_wait3A_119 = tpu.memref_squeeze %dma_wait3A_118 : memref<1x128x32xf32, #tpu.memory_space<vmem>> -> memref<128x32xf32, #tpu.memory_space<vmem>>
    %dma_wait3A_120 = arith.constant 0 : i32
    %dma_wait3A_121 = tpu.memref_slice %arg8[%dma_wait3A_115, %dma_wait3A_120] : memref<160x128xi32, #tpu.memory_space<vmem>> -> memref<1x128xi32, #tpu.memory_space<vmem>>
    %dma_wait3A_122 = tpu.memref_squeeze %dma_wait3A_121 : memref<1x128xi32, #tpu.memory_space<vmem>> -> memref<128xi32, #tpu.memory_space<vmem>>
    %dma_wait3A_123 = arith.constant 0 : i32
    %dma_wait3A_124 = arith.constant 0 : i32
    %dma_wait3A_125 = tpu.memref_slice %arg11[%dma_wait3A_123, %dma_wait3A_124] : memref<10112x32xf32, #tpu.memory_space<vmem_shared>> -> memref<10112x32xf32, #tpu.memory_space<vmem_shared>>
    tpu.wait_indirect_dma semaphore(%arg30 : memref<!tpu.dma_semaphore, #tpu.memory_space<semaphore_mem>>) src(%dma_wait3A_119 : memref<128x32xf32, #tpu.memory_space<vmem>>) dst(%dma_wait3A_125 : memref<10112x32xf32, #tpu.memory_space<vmem_shared>>)
    %dma_wait3A_126 = arith.constant 9 : i32
    %dma_wait3A_127 = arith.constant 159 : i32
    %dma_wait3A_128 = arith.constant 0 : i32
    %dma_wait3A_129 = arith.constant 0 : i32
    %dma_wait3A_130 = tpu.memref_slice %arg9[%dma_wait3A_126, %dma_wait3A_128, %dma_wait3A_129] : memref<10x128x32xf32, #tpu.memory_space<vmem>> -> memref<1x128x32xf32, #tpu.memory_space<vmem>>
    %dma_wait3A_131 = tpu.memref_squeeze %dma_wait3A_130 : memref<1x128x32xf32, #tpu.memory_space<vmem>> -> memref<128x32xf32, #tpu.memory_space<vmem>>
    %dma_wait3A_132 = arith.constant 0 : i32
    %dma_wait3A_133 = tpu.memref_slice %arg8[%dma_wait3A_127, %dma_wait3A_132] : memref<160x128xi32, #tpu.memory_space<vmem>> -> memref<1x128xi32, #tpu.memory_space<vmem>>
    %dma_wait3A_134 = tpu.memref_squeeze %dma_wait3A_133 : memref<1x128xi32, #tpu.memory_space<vmem>> -> memref<128xi32, #tpu.memory_space<vmem>>
    %dma_wait3A_135 = arith.constant 0 : i32
    %dma_wait3A_136 = arith.constant 0 : i32
    %dma_wait3A_137 = tpu.memref_slice %arg11[%dma_wait3A_135, %dma_wait3A_136] : memref<10112x32xf32, #tpu.memory_space<vmem_shared>> -> memref<10112x32xf32, #tpu.memory_space<vmem_shared>>
    tpu.wait_indirect_dma semaphore(%arg31 : memref<!tpu.dma_semaphore, #tpu.memory_space<semaphore_mem>>) src(%dma_wait3A_131 : memref<128x32xf32, #tpu.memory_space<vmem>>) dst(%dma_wait3A_137 : memref<10112x32xf32, #tpu.memory_space<vmem_shared>>)
    %barrier3A_138 = arith.constant 0 : index
    tpu.barrier barrier_id(%barrier3A_138)
    %mul3A_139 = arith.constant 632 : i32
    %mul3A_140 = arith.muli %arg1, %mul3A_139 : i32
    %mul3A_141 = arith.constant 632 : i32
    %mul3A_142 = arith.muli %arg1, %mul3A_141 : i32
    %mul3A_143 = arith.constant 32 : i32
    %mul3A_144 = arith.muli %add3A_1, %mul3A_143 : i32
    "tpu.region"() ({
      %run_scoped3A_298 = tpu.sem_alloc : memref<!tpu.dma_semaphore, #tpu.memory_space<semaphore_mem>>
      %dma_start3A = tpu.memref_slice %arg6[%mul3A_142, %mul3A_144] : memref<10112x128xf32, #tpu.memory_space<hbm>> -> memref<632x32xf32, #tpu.memory_space<hbm>>
      %dma_start3A_299 = arith.constant 0 : i32
      %dma_start3A_300 = tpu.memref_slice %arg11[%mul3A_140, %dma_start3A_299] : memref<10112x32xf32, #tpu.memory_space<vmem_shared>> -> memref<632x32xf32, #tpu.memory_space<vmem_shared>>
      tpu.enqueue_dma source(%dma_start3A_300 : memref<632x32xf32, #tpu.memory_space<vmem_shared>>) target(%dma_start3A : memref<632x32xf32, #tpu.memory_space<hbm>>) target_semaphore(%run_scoped3A_298 : memref<!tpu.dma_semaphore, #tpu.memory_space<semaphore_mem>>)
      %dma_wait3A_301 = tpu.memref_slice %arg6[%mul3A_142, %mul3A_144] : memref<10112x128xf32, #tpu.memory_space<hbm>> -> memref<632x32xf32, #tpu.memory_space<hbm>>
      %dma_wait3A_302 = arith.constant 0 : i32
      %dma_wait3A_303 = tpu.memref_slice %arg11[%mul3A_140, %dma_wait3A_302] : memref<10112x32xf32, #tpu.memory_space<vmem_shared>> -> memref<632x32xf32, #tpu.memory_space<vmem_shared>>
      tpu.wait_dma2 semaphore(%run_scoped3A_298 : memref<!tpu.dma_semaphore, #tpu.memory_space<semaphore_mem>>) src(%dma_wait3A_303 : memref<632x32xf32, #tpu.memory_space<vmem_shared>>) dst(%dma_wait3A_301 : memref<632x32xf32, #tpu.memory_space<hbm>>)
      tpu.yield
    }) : () -> ()
    %barrier3A_145 = arith.constant 0 : index
    tpu.barrier barrier_id(%barrier3A_145)
    %mul3A_146 = arith.constant 2 : i32
    %mul3A_147 = arith.muli %arg0, %mul3A_146 : i32
    %add3A_148 = arith.constant 1 : i32
    %add3A_149 = arith.addi %mul3A_147, %add3A_148 : i32
    %mul3A_150 = arith.constant 632 : i32
    %mul3A_151 = arith.muli %arg1, %mul3A_150 : i32
    %mul3A_152 = arith.constant 32 : i32
    %mul3A_153 = arith.muli %add3A_149, %mul3A_152 : i32
    %mul3A_154 = arith.constant 632 : i32
    %mul3A_155 = arith.muli %arg1, %mul3A_154 : i32
    "tpu.region"() ({
      %run_scoped3A_298 = tpu.sem_alloc : memref<!tpu.dma_semaphore, #tpu.memory_space<semaphore_mem>>
      %dma_start3A = arith.constant 0 : i32
      %dma_start3A_299 = tpu.memref_slice %arg10[%mul3A_155, %dma_start3A] : memref<10112x32xf32, #tpu.memory_space<vmem_shared>> -> memref<632x32xf32, #tpu.memory_space<vmem_shared>>
      %dma_start3A_300 = tpu.memref_slice %arg2[%mul3A_151, %mul3A_153] : memref<10112x128xf32, #tpu.memory_space<hbm>> -> memref<632x32xf32, #tpu.memory_space<hbm>>
      tpu.enqueue_dma source(%dma_start3A_300 : memref<632x32xf32, #tpu.memory_space<hbm>>) target(%dma_start3A_299 : memref<632x32xf32, #tpu.memory_space<vmem_shared>>) target_semaphore(%run_scoped3A_298 : memref<!tpu.dma_semaphore, #tpu.memory_space<semaphore_mem>>)
      %dma_wait3A_301 = arith.constant 0 : i32
      %dma_wait3A_302 = tpu.memref_slice %arg10[%mul3A_155, %dma_wait3A_301] : memref<10112x32xf32, #tpu.memory_space<vmem_shared>> -> memref<632x32xf32, #tpu.memory_space<vmem_shared>>
      %dma_wait3A_303 = tpu.memref_slice %arg2[%mul3A_151, %mul3A_153] : memref<10112x128xf32, #tpu.memory_space<hbm>> -> memref<632x32xf32, #tpu.memory_space<hbm>>
      tpu.wait_dma2 semaphore(%run_scoped3A_298 : memref<!tpu.dma_semaphore, #tpu.memory_space<semaphore_mem>>) src(%dma_wait3A_303 : memref<632x32xf32, #tpu.memory_space<hbm>>) dst(%dma_wait3A_302 : memref<632x32xf32, #tpu.memory_space<vmem_shared>>)
      tpu.yield
    }) : () -> ()
    %run_scoped3A_156 = arith.constant 0 : i32
    "tpu.region"() ({
      %run_scoped3A_298 = tpu.sem_alloc : memref<!tpu.dma_semaphore, #tpu.memory_space<semaphore_mem>>
      %dma_start3A = arith.constant 0 : i32
      %dma_start3A_299 = arith.constant 0 : i32
      %dma_start3A_300 = tpu.memref_slice %arg9[%run_scoped3A_156, %dma_start3A, %dma_start3A_299] : memref<10x128x32xf32, #tpu.memory_space<vmem>> -> memref<1x128x32xf32, #tpu.memory_space<vmem>>
      %dma_start3A_301 = tpu.memref_squeeze %dma_start3A_300 : memref<1x128x32xf32, #tpu.memory_space<vmem>> -> memref<128x32xf32, #tpu.memory_space<vmem>>
      %dma_start3A_302 = arith.constant 0 : i32
      %dma_start3A_303 = arith.constant 0 : i32
      %dma_start3A_304 = tpu.memref_slice %arg9[%run_scoped3A_156, %dma_start3A_302, %dma_start3A_303] : memref<10x128x32xf32, #tpu.memory_space<vmem>> -> memref<1x128x32xf32, #tpu.memory_space<vmem>>
      %dma_start3A_305 = tpu.memref_squeeze %dma_start3A_304 : memref<1x128x32xf32, #tpu.memory_space<vmem>> -> memref<128x32xf32, #tpu.memory_space<vmem>>
      tpu.enqueue_dma source(%arg5 : memref<128x32xf32, #tpu.memory_space<hbm>>) target(%dma_start3A_305 : memref<128x32xf32, #tpu.memory_space<vmem>>) target_semaphore(%run_scoped3A_298 : memref<!tpu.dma_semaphore, #tpu.memory_space<semaphore_mem>>)
      %dma_wait3A_306 = arith.constant 0 : i32
      %dma_wait3A_307 = arith.constant 0 : i32
      %dma_wait3A_308 = tpu.memref_slice %arg9[%run_scoped3A_156, %dma_wait3A_306, %dma_wait3A_307] : memref<10x128x32xf32, #tpu.memory_space<vmem>> -> memref<1x128x32xf32, #tpu.memory_space<vmem>>
      %dma_wait3A_309 = tpu.memref_squeeze %dma_wait3A_308 : memref<1x128x32xf32, #tpu.memory_space<vmem>> -> memref<128x32xf32, #tpu.memory_space<vmem>>
      %dma_wait3A_310 = arith.constant 0 : i32
      %dma_wait3A_311 = arith.constant 0 : i32
      %dma_wait3A_312 = tpu.memref_slice %arg9[%run_scoped3A_156, %dma_wait3A_310, %dma_wait3A_311] : memref<10x128x32xf32, #tpu.memory_space<vmem>> -> memref<1x128x32xf32, #tpu.memory_space<vmem>>
      %dma_wait3A_313 = tpu.memref_squeeze %dma_wait3A_312 : memref<1x128x32xf32, #tpu.memory_space<vmem>> -> memref<128x32xf32, #tpu.memory_space<vmem>>
      tpu.wait_dma2 semaphore(%run_scoped3A_298 : memref<!tpu.dma_semaphore, #tpu.memory_space<semaphore_mem>>) src(%arg5 : memref<128x32xf32, #tpu.memory_space<hbm>>) dst(%dma_wait3A_313 : memref<128x32xf32, #tpu.memory_space<vmem>>)
      tpu.yield
    }) : () -> ()
    %scan3A_157 = arith.constant 0 : i32
    %scan3A_158 = arith.constant 0 : i32
    %scan3A_159 = arith.constant 5 : i32
    %scan3A_160 = arith.addi %scan3A_158, %scan3A_159 : i32
    %scan3A_161 = arith.constant 1 : i32
    scf.for %scan3A_298 = %scan3A_158 to %scan3A_160 step %scan3A_161  : i32 {
      %mul3A_299 = arith.constant 16 : i32
      %mul3A_300 = arith.muli %scan3A_298, %mul3A_299 : i32
      %add3A_301 = arith.addi %arg1, %mul3A_300 : i32
      %lt3A = arith.constant 79 : i32
      %lt3A_302 = arith.cmpi slt, %add3A_301, %lt3A : i32
      %convert_element_type3A = arith.extui %lt3A_302 : i1 to i32
      %cond3A = arith.constant 0 : i32
      %cond3A_303 = arith.cmpi ne, %convert_element_type3A, %cond3A : i32
      scf.if %cond3A_303 {
        %mul3A_304 = arith.constant 128 : i32
        %mul3A_305 = arith.muli %add3A_301, %mul3A_304 : i32
        %run_scoped3A_306 = arith.constant 0 : i32
        "tpu.region"() ({
          %run_scoped3A_307 = tpu.sem_alloc : memref<!tpu.dma_semaphore, #tpu.memory_space<semaphore_mem>>
          %dma_start3A = arith.constant 0 : i32
          %dma_start3A_308 = arith.constant 0 : i32
          %dma_start3A_309 = tpu.memref_slice %arg9[%run_scoped3A_306, %dma_start3A, %dma_start3A_308] : memref<10x128x32xf32, #tpu.memory_space<vmem>> -> memref<1x128x32xf32, #tpu.memory_space<vmem>>
          %dma_start3A_310 = tpu.memref_squeeze %dma_start3A_309 : memref<1x128x32xf32, #tpu.memory_space<vmem>> -> memref<128x32xf32, #tpu.memory_space<vmem>>
          %dma_start3A_311 = arith.constant 0 : i32
          %dma_start3A_312 = tpu.memref_slice %arg11[%mul3A_305, %dma_start3A_311] : memref<10112x32xf32, #tpu.memory_space<vmem_shared>> -> memref<128x32xf32, #tpu.memory_space<vmem_shared>>
          %dma_start3A_313 = arith.constant 0 : i32
          %dma_start3A_314 = tpu.memref_slice %arg11[%mul3A_305, %dma_start3A_313] : memref<10112x32xf32, #tpu.memory_space<vmem_shared>> -> memref<128x32xf32, #tpu.memory_space<vmem_shared>>
          %dma_start3A_315 = arith.constant 0 : i32
          %dma_start3A_316 = arith.constant 0 : i32
          %dma_start3A_317 = tpu.memref_slice %arg9[%run_scoped3A_306, %dma_start3A_315, %dma_start3A_316] : memref<10x128x32xf32, #tpu.memory_space<vmem>> -> memref<1x128x32xf32, #tpu.memory_space<vmem>>
          %dma_start3A_318 = tpu.memref_squeeze %dma_start3A_317 : memref<1x128x32xf32, #tpu.memory_space<vmem>> -> memref<128x32xf32, #tpu.memory_space<vmem>>
          tpu.enqueue_dma source(%dma_start3A_318 : memref<128x32xf32, #tpu.memory_space<vmem>>) target(%dma_start3A_314 : memref<128x32xf32, #tpu.memory_space<vmem_shared>>) target_semaphore(%run_scoped3A_307 : memref<!tpu.dma_semaphore, #tpu.memory_space<semaphore_mem>>)
          %dma_wait3A_319 = arith.constant 0 : i32
          %dma_wait3A_320 = arith.constant 0 : i32
          %dma_wait3A_321 = tpu.memref_slice %arg9[%run_scoped3A_306, %dma_wait3A_319, %dma_wait3A_320] : memref<10x128x32xf32, #tpu.memory_space<vmem>> -> memref<1x128x32xf32, #tpu.memory_space<vmem>>
          %dma_wait3A_322 = tpu.memref_squeeze %dma_wait3A_321 : memref<1x128x32xf32, #tpu.memory_space<vmem>> -> memref<128x32xf32, #tpu.memory_space<vmem>>
          %dma_wait3A_323 = arith.constant 0 : i32
          %dma_wait3A_324 = tpu.memref_slice %arg11[%mul3A_305, %dma_wait3A_323] : memref<10112x32xf32, #tpu.memory_space<vmem_shared>> -> memref<128x32xf32, #tpu.memory_space<vmem_shared>>
          %dma_wait3A_325 = arith.constant 0 : i32
          %dma_wait3A_326 = tpu.memref_slice %arg11[%mul3A_305, %dma_wait3A_325] : memref<10112x32xf32, #tpu.memory_space<vmem_shared>> -> memref<128x32xf32, #tpu.memory_space<vmem_shared>>
          %dma_wait3A_327 = arith.constant 0 : i32
          %dma_wait3A_328 = arith.constant 0 : i32
          %dma_wait3A_329 = tpu.memref_slice %arg9[%run_scoped3A_306, %dma_wait3A_327, %dma_wait3A_328] : memref<10x128x32xf32, #tpu.memory_space<vmem>> -> memref<1x128x32xf32, #tpu.memory_space<vmem>>
          %dma_wait3A_330 = tpu.memref_squeeze %dma_wait3A_329 : memref<1x128x32xf32, #tpu.memory_space<vmem>> -> memref<128x32xf32, #tpu.memory_space<vmem>>
          tpu.wait_dma2 semaphore(%run_scoped3A_307 : memref<!tpu.dma_semaphore, #tpu.memory_space<semaphore_mem>>) src(%dma_wait3A_330 : memref<128x32xf32, #tpu.memory_space<vmem>>) dst(%dma_wait3A_326 : memref<128x32xf32, #tpu.memory_space<vmem_shared>>)
          tpu.yield
        }) : () -> ()
      } else {
      }
    }
    %scan3A_162 = arith.constant 5 : i32
    %barrier3A_163 = arith.constant 0 : index
    tpu.barrier barrier_id(%barrier3A_163)
    %scan3A_164 = arith.constant 0 : i32
    %scan3A_165 = arith.constant 0 : i32
    %scan3A_166 = arith.constant 16 : i32
    %scan3A_167 = arith.addi %scan3A_165, %scan3A_166 : i32
    %scan3A_168 = arith.constant 1 : i32
    scf.for %scan3A_298 = %scan3A_165 to %scan3A_167 step %scan3A_168  : i32 {
      %mul3A_299 = arith.constant 10 : i32
      %mul3A_300 = arith.muli %scan3A_298, %mul3A_299 : i32
      %gt3A = arith.constant 0 : i32
      %gt3A_301 = arith.cmpi sgt, %scan3A_298, %gt3A : i32
      %convert_element_type3A = arith.extui %gt3A_301 : i1 to i32
      %cond3A = arith.constant 0 : i32
      %cond3A_302 = arith.cmpi ne, %convert_element_type3A, %cond3A : i32
      scf.if %cond3A_302 {
        %sub3A = arith.constant 10 : i32
        %sub3A_737 = arith.subi %mul3A_300, %sub3A : i32
        %add3A_738 = arith.constant 0 : i32
        %add3A_739 = arith.addi %sub3A_737, %add3A_738 : i32
        %dma_wait3A_740 = arith.constant 0 : i32
        %dma_wait3A_741 = arith.constant 0 : i32
        %dma_wait3A_742 = arith.constant 0 : i32
        %dma_wait3A_743 = tpu.memref_slice %arg9[%dma_wait3A_740, %dma_wait3A_741, %dma_wait3A_742] : memref<10x128x32xf32, #tpu.memory_space<vmem>> -> memref<1x128x32xf32, #tpu.memory_space<vmem>>
        %dma_wait3A_744 = tpu.memref_squeeze %dma_wait3A_743 : memref<1x128x32xf32, #tpu.memory_space<vmem>> -> memref<128x32xf32, #tpu.memory_space<vmem>>
        %dma_wait3A_745 = arith.constant 0 : i32
        %dma_wait3A_746 = tpu.memref_slice %arg8[%add3A_739, %dma_wait3A_745] : memref<160x128xi32, #tpu.memory_space<vmem>> -> memref<1x128xi32, #tpu.memory_space<vmem>>
        %dma_wait3A_747 = tpu.memref_squeeze %dma_wait3A_746 : memref<1x128xi32, #tpu.memory_space<vmem>> -> memref<128xi32, #tpu.memory_space<vmem>>
        %dma_wait3A_748 = arith.constant 0 : i32
        %dma_wait3A_749 = arith.constant 0 : i32
        %dma_wait3A_750 = tpu.memref_slice %arg11[%dma_wait3A_748, %dma_wait3A_749] : memref<10112x32xf32, #tpu.memory_space<vmem_shared>> -> memref<10112x32xf32, #tpu.memory_space<vmem_shared>>
        tpu.wait_indirect_dma semaphore(%arg22 : memref<!tpu.dma_semaphore, #tpu.memory_space<semaphore_mem>>) src(%dma_wait3A_744 : memref<128x32xf32, #tpu.memory_space<vmem>>) dst(%dma_wait3A_750 : memref<10112x32xf32, #tpu.memory_space<vmem_shared>>)
      } else {
      }
      %add3A_303 = arith.constant 0 : i32
      %add3A_304 = arith.addi %mul3A_300, %add3A_303 : i32
      %dma_start3A = arith.constant 0 : i32
      %dma_start3A_305 = arith.constant 0 : i32
      %dma_start3A_306 = arith.constant 0 : i32
      %dma_start3A_307 = tpu.memref_slice %arg9[%dma_start3A, %dma_start3A_305, %dma_start3A_306] : memref<10x128x32xf32, #tpu.memory_space<vmem>> -> memref<1x128x32xf32, #tpu.memory_space<vmem>>
      %dma_start3A_308 = tpu.memref_squeeze %dma_start3A_307 : memref<1x128x32xf32, #tpu.memory_space<vmem>> -> memref<128x32xf32, #tpu.memory_space<vmem>>
      %dma_start3A_309 = arith.constant 0 : i32
      %dma_start3A_310 = tpu.memref_slice %arg7[%add3A_304, %dma_start3A_309] : memref<160x128xi32, #tpu.memory_space<vmem>> -> memref<1x128xi32, #tpu.memory_space<vmem>>
      %dma_start3A_311 = tpu.memref_squeeze %dma_start3A_310 : memref<1x128xi32, #tpu.memory_space<vmem>> -> memref<128xi32, #tpu.memory_space<vmem>>
      %dma_start3A_312 = arith.constant 0 : i32
      %dma_start3A_313 = arith.constant 0 : i32
      %dma_start3A_314 = tpu.memref_slice %arg10[%dma_start3A_312, %dma_start3A_313] : memref<10112x32xf32, #tpu.memory_space<vmem_shared>> -> memref<10112x32xf32, #tpu.memory_space<vmem_shared>>
      tpu.enqueue_indirect_dma source(%dma_start3A_314 : memref<10112x32xf32, #tpu.memory_space<vmem_shared>>) target(%dma_start3A_308 : memref<128x32xf32, #tpu.memory_space<vmem>>) offsets(%dma_start3A_311 : memref<128xi32, #tpu.memory_space<vmem>>) semaphore(%arg12 : memref<!tpu.dma_semaphore, #tpu.memory_space<semaphore_mem>>)
      %gt3A_315 = arith.constant 0 : i32
      %gt3A_316 = arith.cmpi sgt, %scan3A_298, %gt3A_315 : i32
      %convert_element_type3A_317 = arith.extui %gt3A_316 : i1 to i32
      %cond3A_318 = arith.constant 0 : i32
      %cond3A_319 = arith.cmpi ne, %convert_element_type3A_317, %cond3A_318 : i32
      scf.if %cond3A_319 {
        %sub3A = arith.constant 10 : i32
        %sub3A_737 = arith.subi %mul3A_300, %sub3A : i32
        %add3A_738 = arith.constant 1 : i32
        %add3A_739 = arith.addi %sub3A_737, %add3A_738 : i32
        %dma_wait3A_740 = arith.constant 1 : i32
        %dma_wait3A_741 = arith.constant 0 : i32
        %dma_wait3A_742 = arith.constant 0 : i32
        %dma_wait3A_743 = tpu.memref_slice %arg9[%dma_wait3A_740, %dma_wait3A_741, %dma_wait3A_742] : memref<10x128x32xf32, #tpu.memory_space<vmem>> -> memref<1x128x32xf32, #tpu.memory_space<vmem>>
        %dma_wait3A_744 = tpu.memref_squeeze %dma_wait3A_743 : memref<1x128x32xf32, #tpu.memory_space<vmem>> -> memref<128x32xf32, #tpu.memory_space<vmem>>
        %dma_wait3A_745 = arith.constant 0 : i32
        %dma_wait3A_746 = tpu.memref_slice %arg8[%add3A_739, %dma_wait3A_745] : memref<160x128xi32, #tpu.memory_space<vmem>> -> memref<1x128xi32, #tpu.memory_space<vmem>>
        %dma_wait3A_747 = tpu.memref_squeeze %dma_wait3A_746 : memref<1x128xi32, #tpu.memory_space<vmem>> -> memref<128xi32, #tpu.memory_space<vmem>>
        %dma_wait3A_748 = arith.constant 0 : i32
        %dma_wait3A_749 = arith.constant 0 : i32
        %dma_wait3A_750 = tpu.memref_slice %arg11[%dma_wait3A_748, %dma_wait3A_749] : memref<10112x32xf32, #tpu.memory_space<vmem_shared>> -> memref<10112x32xf32, #tpu.memory_space<vmem_shared>>
        tpu.wait_indirect_dma semaphore(%arg23 : memref<!tpu.dma_semaphore, #tpu.memory_space<semaphore_mem>>) src(%dma_wait3A_744 : memref<128x32xf32, #tpu.memory_space<vmem>>) dst(%dma_wait3A_750 : memref<10112x32xf32, #tpu.memory_space<vmem_shared>>)
      } else {
      }
      %add3A_320 = arith.constant 1 : i32
      %add3A_321 = arith.addi %mul3A_300, %add3A_320 : i32
      %dma_start3A_322 = arith.constant 1 : i32
      %dma_start3A_323 = arith.constant 0 : i32
      %dma_start3A_324 = arith.constant 0 : i32
      %dma_start3A_325 = tpu.memref_slice %arg9[%dma_start3A_322, %dma_start3A_323, %dma_start3A_324] : memref<10x128x32xf32, #tpu.memory_space<vmem>> -> memref<1x128x32xf32, #tpu.memory_space<vmem>>
      %dma_start3A_326 = tpu.memref_squeeze %dma_start3A_325 : memref<1x128x32xf32, #tpu.memory_space<vmem>> -> memref<128x32xf32, #tpu.memory_space<vmem>>
      %dma_start3A_327 = arith.constant 0 : i32
      %dma_start3A_328 = tpu.memref_slice %arg7[%add3A_321, %dma_start3A_327] : memref<160x128xi32, #tpu.memory_space<vmem>> -> memref<1x128xi32, #tpu.memory_space<vmem>>
      %dma_start3A_329 = tpu.memref_squeeze %dma_start3A_328 : memref<1x128xi32, #tpu.memory_space<vmem>> -> memref<128xi32, #tpu.memory_space<vmem>>
      %dma_start3A_330 = arith.constant 0 : i32
      %dma_start3A_331 = arith.constant 0 : i32
      %dma_start3A_332 = tpu.memref_slice %arg10[%dma_start3A_330, %dma_start3A_331] : memref<10112x32xf32, #tpu.memory_space<vmem_shared>> -> memref<10112x32xf32, #tpu.memory_space<vmem_shared>>
      tpu.enqueue_indirect_dma source(%dma_start3A_332 : memref<10112x32xf32, #tpu.memory_space<vmem_shared>>) target(%dma_start3A_326 : memref<128x32xf32, #tpu.memory_space<vmem>>) offsets(%dma_start3A_329 : memref<128xi32, #tpu.memory_space<vmem>>) semaphore(%arg13 : memref<!tpu.dma_semaphore, #tpu.memory_space<semaphore_mem>>)
      %gt3A_333 = arith.constant 0 : i32
      %gt3A_334 = arith.cmpi sgt, %scan3A_298, %gt3A_333 : i32
      %convert_element_type3A_335 = arith.extui %gt3A_334 : i1 to i32
      %cond3A_336 = arith.constant 0 : i32
      %cond3A_337 = arith.cmpi ne, %convert_element_type3A_335, %cond3A_336 : i32
      scf.if %cond3A_337 {
        %sub3A = arith.constant 10 : i32
        %sub3A_737 = arith.subi %mul3A_300, %sub3A : i32
        %add3A_738 = arith.constant 2 : i32
        %add3A_739 = arith.addi %sub3A_737, %add3A_738 : i32
        %dma_wait3A_740 = arith.constant 2 : i32
        %dma_wait3A_741 = arith.constant 0 : i32
        %dma_wait3A_742 = arith.constant 0 : i32
        %dma_wait3A_743 = tpu.memref_slice %arg9[%dma_wait3A_740, %dma_wait3A_741, %dma_wait3A_742] : memref<10x128x32xf32, #tpu.memory_space<vmem>> -> memref<1x128x32xf32, #tpu.memory_space<vmem>>
        %dma_wait3A_744 = tpu.memref_squeeze %dma_wait3A_743 : memref<1x128x32xf32, #tpu.memory_space<vmem>> -> memref<128x32xf32, #tpu.memory_space<vmem>>
        %dma_wait3A_745 = arith.constant 0 : i32
        %dma_wait3A_746 = tpu.memref_slice %arg8[%add3A_739, %dma_wait3A_745] : memref<160x128xi32, #tpu.memory_space<vmem>> -> memref<1x128xi32, #tpu.memory_space<vmem>>
        %dma_wait3A_747 = tpu.memref_squeeze %dma_wait3A_746 : memref<1x128xi32, #tpu.memory_space<vmem>> -> memref<128xi32, #tpu.memory_space<vmem>>
        %dma_wait3A_748 = arith.constant 0 : i32
        %dma_wait3A_749 = arith.constant 0 : i32
        %dma_wait3A_750 = tpu.memref_slice %arg11[%dma_wait3A_748, %dma_wait3A_749] : memref<10112x32xf32, #tpu.memory_space<vmem_shared>> -> memref<10112x32xf32, #tpu.memory_space<vmem_shared>>
        tpu.wait_indirect_dma semaphore(%arg24 : memref<!tpu.dma_semaphore, #tpu.memory_space<semaphore_mem>>) src(%dma_wait3A_744 : memref<128x32xf32, #tpu.memory_space<vmem>>) dst(%dma_wait3A_750 : memref<10112x32xf32, #tpu.memory_space<vmem_shared>>)
      } else {
      }
      %add3A_338 = arith.constant 2 : i32
      %add3A_339 = arith.addi %mul3A_300, %add3A_338 : i32
      %dma_start3A_340 = arith.constant 2 : i32
      %dma_start3A_341 = arith.constant 0 : i32
      %dma_start3A_342 = arith.constant 0 : i32
      %dma_start3A_343 = tpu.memref_slice %arg9[%dma_start3A_340, %dma_start3A_341, %dma_start3A_342] : memref<10x128x32xf32, #tpu.memory_space<vmem>> -> memref<1x128x32xf32, #tpu.memory_space<vmem>>
      %dma_start3A_344 = tpu.memref_squeeze %dma_start3A_343 : memref<1x128x32xf32, #tpu.memory_space<vmem>> -> memref<128x32xf32, #tpu.memory_space<vmem>>
      %dma_start3A_345 = arith.constant 0 : i32
      %dma_start3A_346 = tpu.memref_slice %arg7[%add3A_339, %dma_start3A_345] : memref<160x128xi32, #tpu.memory_space<vmem>> -> memref<1x128xi32, #tpu.memory_space<vmem>>
      %dma_start3A_347 = tpu.memref_squeeze %dma_start3A_346 : memref<1x128xi32, #tpu.memory_space<vmem>> -> memref<128xi32, #tpu.memory_space<vmem>>
      %dma_start3A_348 = arith.constant 0 : i32
      %dma_start3A_349 = arith.constant 0 : i32
      %dma_start3A_350 = tpu.memref_slice %arg10[%dma_start3A_348, %dma_start3A_349] : memref<10112x32xf32, #tpu.memory_space<vmem_shared>> -> memref<10112x32xf32, #tpu.memory_space<vmem_shared>>
      tpu.enqueue_indirect_dma source(%dma_start3A_350 : memref<10112x32xf32, #tpu.memory_space<vmem_shared>>) target(%dma_start3A_344 : memref<128x32xf32, #tpu.memory_space<vmem>>) offsets(%dma_start3A_347 : memref<128xi32, #tpu.memory_space<vmem>>) semaphore(%arg14 : memref<!tpu.dma_semaphore, #tpu.memory_space<semaphore_mem>>)
      %gt3A_351 = arith.constant 0 : i32
      %gt3A_352 = arith.cmpi sgt, %scan3A_298, %gt3A_351 : i32
      %convert_element_type3A_353 = arith.extui %gt3A_352 : i1 to i32
      %cond3A_354 = arith.constant 0 : i32
      %cond3A_355 = arith.cmpi ne, %convert_element_type3A_353, %cond3A_354 : i32
      scf.if %cond3A_355 {
        %sub3A = arith.constant 10 : i32
        %sub3A_737 = arith.subi %mul3A_300, %sub3A : i32
        %add3A_738 = arith.constant 3 : i32
        %add3A_739 = arith.addi %sub3A_737, %add3A_738 : i32
        %dma_wait3A_740 = arith.constant 3 : i32
        %dma_wait3A_741 = arith.constant 0 : i32
        %dma_wait3A_742 = arith.constant 0 : i32
        %dma_wait3A_743 = tpu.memref_slice %arg9[%dma_wait3A_740, %dma_wait3A_741, %dma_wait3A_742] : memref<10x128x32xf32, #tpu.memory_space<vmem>> -> memref<1x128x32xf32, #tpu.memory_space<vmem>>
        %dma_wait3A_744 = tpu.memref_squeeze %dma_wait3A_743 : memref<1x128x32xf32, #tpu.memory_space<vmem>> -> memref<128x32xf32, #tpu.memory_space<vmem>>
        %dma_wait3A_745 = arith.constant 0 : i32
        %dma_wait3A_746 = tpu.memref_slice %arg8[%add3A_739, %dma_wait3A_745] : memref<160x128xi32, #tpu.memory_space<vmem>> -> memref<1x128xi32, #tpu.memory_space<vmem>>
        %dma_wait3A_747 = tpu.memref_squeeze %dma_wait3A_746 : memref<1x128xi32, #tpu.memory_space<vmem>> -> memref<128xi32, #tpu.memory_space<vmem>>
        %dma_wait3A_748 = arith.constant 0 : i32
        %dma_wait3A_749 = arith.constant 0 : i32
        %dma_wait3A_750 = tpu.memref_slice %arg11[%dma_wait3A_748, %dma_wait3A_749] : memref<10112x32xf32, #tpu.memory_space<vmem_shared>> -> memref<10112x32xf32, #tpu.memory_space<vmem_shared>>
        tpu.wait_indirect_dma semaphore(%arg25 : memref<!tpu.dma_semaphore, #tpu.memory_space<semaphore_mem>>) src(%dma_wait3A_744 : memref<128x32xf32, #tpu.memory_space<vmem>>) dst(%dma_wait3A_750 : memref<10112x32xf32, #tpu.memory_space<vmem_shared>>)
      } else {
      }
      %add3A_356 = arith.constant 3 : i32
      %add3A_357 = arith.addi %mul3A_300, %add3A_356 : i32
      %dma_start3A_358 = arith.constant 3 : i32
      %dma_start3A_359 = arith.constant 0 : i32
      %dma_start3A_360 = arith.constant 0 : i32
      %dma_start3A_361 = tpu.memref_slice %arg9[%dma_start3A_358, %dma_start3A_359, %dma_start3A_360] : memref<10x128x32xf32, #tpu.memory_space<vmem>> -> memref<1x128x32xf32, #tpu.memory_space<vmem>>
      %dma_start3A_362 = tpu.memref_squeeze %dma_start3A_361 : memref<1x128x32xf32, #tpu.memory_space<vmem>> -> memref<128x32xf32, #tpu.memory_space<vmem>>
      %dma_start3A_363 = arith.constant 0 : i32
      %dma_start3A_364 = tpu.memref_slice %arg7[%add3A_357, %dma_start3A_363] : memref<160x128xi32, #tpu.memory_space<vmem>> -> memref<1x128xi32, #tpu.memory_space<vmem>>
      %dma_start3A_365 = tpu.memref_squeeze %dma_start3A_364 : memref<1x128xi32, #tpu.memory_space<vmem>> -> memref<128xi32, #tpu.memory_space<vmem>>
      %dma_start3A_366 = arith.constant 0 : i32
      %dma_start3A_367 = arith.constant 0 : i32
      %dma_start3A_368 = tpu.memref_slice %arg10[%dma_start3A_366, %dma_start3A_367] : memref<10112x32xf32, #tpu.memory_space<vmem_shared>> -> memref<10112x32xf32, #tpu.memory_space<vmem_shared>>
      tpu.enqueue_indirect_dma source(%dma_start3A_368 : memref<10112x32xf32, #tpu.memory_space<vmem_shared>>) target(%dma_start3A_362 : memref<128x32xf32, #tpu.memory_space<vmem>>) offsets(%dma_start3A_365 : memref<128xi32, #tpu.memory_space<vmem>>) semaphore(%arg15 : memref<!tpu.dma_semaphore, #tpu.memory_space<semaphore_mem>>)
      %gt3A_369 = arith.constant 0 : i32
      %gt3A_370 = arith.cmpi sgt, %scan3A_298, %gt3A_369 : i32
      %convert_element_type3A_371 = arith.extui %gt3A_370 : i1 to i32
      %cond3A_372 = arith.constant 0 : i32
      %cond3A_373 = arith.cmpi ne, %convert_element_type3A_371, %cond3A_372 : i32
      scf.if %cond3A_373 {
        %sub3A = arith.constant 10 : i32
        %sub3A_737 = arith.subi %mul3A_300, %sub3A : i32
        %add3A_738 = arith.constant 4 : i32
        %add3A_739 = arith.addi %sub3A_737, %add3A_738 : i32
        %dma_wait3A_740 = arith.constant 4 : i32
        %dma_wait3A_741 = arith.constant 0 : i32
        %dma_wait3A_742 = arith.constant 0 : i32
        %dma_wait3A_743 = tpu.memref_slice %arg9[%dma_wait3A_740, %dma_wait3A_741, %dma_wait3A_742] : memref<10x128x32xf32, #tpu.memory_space<vmem>> -> memref<1x128x32xf32, #tpu.memory_space<vmem>>
        %dma_wait3A_744 = tpu.memref_squeeze %dma_wait3A_743 : memref<1x128x32xf32, #tpu.memory_space<vmem>> -> memref<128x32xf32, #tpu.memory_space<vmem>>
        %dma_wait3A_745 = arith.constant 0 : i32
        %dma_wait3A_746 = tpu.memref_slice %arg8[%add3A_739, %dma_wait3A_745] : memref<160x128xi32, #tpu.memory_space<vmem>> -> memref<1x128xi32, #tpu.memory_space<vmem>>
        %dma_wait3A_747 = tpu.memref_squeeze %dma_wait3A_746 : memref<1x128xi32, #tpu.memory_space<vmem>> -> memref<128xi32, #tpu.memory_space<vmem>>
        %dma_wait3A_748 = arith.constant 0 : i32
        %dma_wait3A_749 = arith.constant 0 : i32
        %dma_wait3A_750 = tpu.memref_slice %arg11[%dma_wait3A_748, %dma_wait3A_749] : memref<10112x32xf32, #tpu.memory_space<vmem_shared>> -> memref<10112x32xf32, #tpu.memory_space<vmem_shared>>
        tpu.wait_indirect_dma semaphore(%arg26 : memref<!tpu.dma_semaphore, #tpu.memory_space<semaphore_mem>>) src(%dma_wait3A_744 : memref<128x32xf32, #tpu.memory_space<vmem>>) dst(%dma_wait3A_750 : memref<10112x32xf32, #tpu.memory_space<vmem_shared>>)
      } else {
      }
      %add3A_374 = arith.constant 4 : i32
      %add3A_375 = arith.addi %mul3A_300, %add3A_374 : i32
      %dma_start3A_376 = arith.constant 4 : i32
      %dma_start3A_377 = arith.constant 0 : i32
      %dma_start3A_378 = arith.constant 0 : i32
      %dma_start3A_379 = tpu.memref_slice %arg9[%dma_start3A_376, %dma_start3A_377, %dma_start3A_378] : memref<10x128x32xf32, #tpu.memory_space<vmem>> -> memref<1x128x32xf32, #tpu.memory_space<vmem>>
      %dma_start3A_380 = tpu.memref_squeeze %dma_start3A_379 : memref<1x128x32xf32, #tpu.memory_space<vmem>> -> memref<128x32xf32, #tpu.memory_space<vmem>>
      %dma_start3A_381 = arith.constant 0 : i32
      %dma_start3A_382 = tpu.memref_slice %arg7[%add3A_375, %dma_start3A_381] : memref<160x128xi32, #tpu.memory_space<vmem>> -> memref<1x128xi32, #tpu.memory_space<vmem>>
      %dma_start3A_383 = tpu.memref_squeeze %dma_start3A_382 : memref<1x128xi32, #tpu.memory_space<vmem>> -> memref<128xi32, #tpu.memory_space<vmem>>
      %dma_start3A_384 = arith.constant 0 : i32
      %dma_start3A_385 = arith.constant 0 : i32
      %dma_start3A_386 = tpu.memref_slice %arg10[%dma_start3A_384, %dma_start3A_385] : memref<10112x32xf32, #tpu.memory_space<vmem_shared>> -> memref<10112x32xf32, #tpu.memory_space<vmem_shared>>
      tpu.enqueue_indirect_dma source(%dma_start3A_386 : memref<10112x32xf32, #tpu.memory_space<vmem_shared>>) target(%dma_start3A_380 : memref<128x32xf32, #tpu.memory_space<vmem>>) offsets(%dma_start3A_383 : memref<128xi32, #tpu.memory_space<vmem>>) semaphore(%arg16 : memref<!tpu.dma_semaphore, #tpu.memory_space<semaphore_mem>>)
      %gt3A_387 = arith.constant 0 : i32
      %gt3A_388 = arith.cmpi sgt, %scan3A_298, %gt3A_387 : i32
      %convert_element_type3A_389 = arith.extui %gt3A_388 : i1 to i32
      %cond3A_390 = arith.constant 0 : i32
      %cond3A_391 = arith.cmpi ne, %convert_element_type3A_389, %cond3A_390 : i32
      scf.if %cond3A_391 {
        %sub3A = arith.constant 10 : i32
        %sub3A_737 = arith.subi %mul3A_300, %sub3A : i32
        %add3A_738 = arith.constant 5 : i32
        %add3A_739 = arith.addi %sub3A_737, %add3A_738 : i32
        %dma_wait3A_740 = arith.constant 5 : i32
        %dma_wait3A_741 = arith.constant 0 : i32
        %dma_wait3A_742 = arith.constant 0 : i32
        %dma_wait3A_743 = tpu.memref_slice %arg9[%dma_wait3A_740, %dma_wait3A_741, %dma_wait3A_742] : memref<10x128x32xf32, #tpu.memory_space<vmem>> -> memref<1x128x32xf32, #tpu.memory_space<vmem>>
        %dma_wait3A_744 = tpu.memref_squeeze %dma_wait3A_743 : memref<1x128x32xf32, #tpu.memory_space<vmem>> -> memref<128x32xf32, #tpu.memory_space<vmem>>
        %dma_wait3A_745 = arith.constant 0 : i32
        %dma_wait3A_746 = tpu.memref_slice %arg8[%add3A_739, %dma_wait3A_745] : memref<160x128xi32, #tpu.memory_space<vmem>> -> memref<1x128xi32, #tpu.memory_space<vmem>>
        %dma_wait3A_747 = tpu.memref_squeeze %dma_wait3A_746 : memref<1x128xi32, #tpu.memory_space<vmem>> -> memref<128xi32, #tpu.memory_space<vmem>>
        %dma_wait3A_748 = arith.constant 0 : i32
        %dma_wait3A_749 = arith.constant 0 : i32
        %dma_wait3A_750 = tpu.memref_slice %arg11[%dma_wait3A_748, %dma_wait3A_749] : memref<10112x32xf32, #tpu.memory_space<vmem_shared>> -> memref<10112x32xf32, #tpu.memory_space<vmem_shared>>
        tpu.wait_indirect_dma semaphore(%arg27 : memref<!tpu.dma_semaphore, #tpu.memory_space<semaphore_mem>>) src(%dma_wait3A_744 : memref<128x32xf32, #tpu.memory_space<vmem>>) dst(%dma_wait3A_750 : memref<10112x32xf32, #tpu.memory_space<vmem_shared>>)
      } else {
      }
      %add3A_392 = arith.constant 5 : i32
      %add3A_393 = arith.addi %mul3A_300, %add3A_392 : i32
      %dma_start3A_394 = arith.constant 5 : i32
      %dma_start3A_395 = arith.constant 0 : i32
      %dma_start3A_396 = arith.constant 0 : i32
      %dma_start3A_397 = tpu.memref_slice %arg9[%dma_start3A_394, %dma_start3A_395, %dma_start3A_396] : memref<10x128x32xf32, #tpu.memory_space<vmem>> -> memref<1x128x32xf32, #tpu.memory_space<vmem>>
      %dma_start3A_398 = tpu.memref_squeeze %dma_start3A_397 : memref<1x128x32xf32, #tpu.memory_space<vmem>> -> memref<128x32xf32, #tpu.memory_space<vmem>>
      %dma_start3A_399 = arith.constant 0 : i32
      %dma_start3A_400 = tpu.memref_slice %arg7[%add3A_393, %dma_start3A_399] : memref<160x128xi32, #tpu.memory_space<vmem>> -> memref<1x128xi32, #tpu.memory_space<vmem>>
      %dma_start3A_401 = tpu.memref_squeeze %dma_start3A_400 : memref<1x128xi32, #tpu.memory_space<vmem>> -> memref<128xi32, #tpu.memory_space<vmem>>
      %dma_start3A_402 = arith.constant 0 : i32
      %dma_start3A_403 = arith.constant 0 : i32
      %dma_start3A_404 = tpu.memref_slice %arg10[%dma_start3A_402, %dma_start3A_403] : memref<10112x32xf32, #tpu.memory_space<vmem_shared>> -> memref<10112x32xf32, #tpu.memory_space<vmem_shared>>
      tpu.enqueue_indirect_dma source(%dma_start3A_404 : memref<10112x32xf32, #tpu.memory_space<vmem_shared>>) target(%dma_start3A_398 : memref<128x32xf32, #tpu.memory_space<vmem>>) offsets(%dma_start3A_401 : memref<128xi32, #tpu.memory_space<vmem>>) semaphore(%arg17 : memref<!tpu.dma_semaphore, #tpu.memory_space<semaphore_mem>>)
      %gt3A_405 = arith.constant 0 : i32
      %gt3A_406 = arith.cmpi sgt, %scan3A_298, %gt3A_405 : i32
      %convert_element_type3A_407 = arith.extui %gt3A_406 : i1 to i32
      %cond3A_408 = arith.constant 0 : i32
      %cond3A_409 = arith.cmpi ne, %convert_element_type3A_407, %cond3A_408 : i32
      scf.if %cond3A_409 {
        %sub3A = arith.constant 10 : i32
        %sub3A_737 = arith.subi %mul3A_300, %sub3A : i32
        %add3A_738 = arith.constant 6 : i32
        %add3A_739 = arith.addi %sub3A_737, %add3A_738 : i32
        %dma_wait3A_740 = arith.constant 6 : i32
        %dma_wait3A_741 = arith.constant 0 : i32
        %dma_wait3A_742 = arith.constant 0 : i32
        %dma_wait3A_743 = tpu.memref_slice %arg9[%dma_wait3A_740, %dma_wait3A_741, %dma_wait3A_742] : memref<10x128x32xf32, #tpu.memory_space<vmem>> -> memref<1x128x32xf32, #tpu.memory_space<vmem>>
        %dma_wait3A_744 = tpu.memref_squeeze %dma_wait3A_743 : memref<1x128x32xf32, #tpu.memory_space<vmem>> -> memref<128x32xf32, #tpu.memory_space<vmem>>
        %dma_wait3A_745 = arith.constant 0 : i32
        %dma_wait3A_746 = tpu.memref_slice %arg8[%add3A_739, %dma_wait3A_745] : memref<160x128xi32, #tpu.memory_space<vmem>> -> memref<1x128xi32, #tpu.memory_space<vmem>>
        %dma_wait3A_747 = tpu.memref_squeeze %dma_wait3A_746 : memref<1x128xi32, #tpu.memory_space<vmem>> -> memref<128xi32, #tpu.memory_space<vmem>>
        %dma_wait3A_748 = arith.constant 0 : i32
        %dma_wait3A_749 = arith.constant 0 : i32
        %dma_wait3A_750 = tpu.memref_slice %arg11[%dma_wait3A_748, %dma_wait3A_749] : memref<10112x32xf32, #tpu.memory_space<vmem_shared>> -> memref<10112x32xf32, #tpu.memory_space<vmem_shared>>
        tpu.wait_indirect_dma semaphore(%arg28 : memref<!tpu.dma_semaphore, #tpu.memory_space<semaphore_mem>>) src(%dma_wait3A_744 : memref<128x32xf32, #tpu.memory_space<vmem>>) dst(%dma_wait3A_750 : memref<10112x32xf32, #tpu.memory_space<vmem_shared>>)
      } else {
      }
      %add3A_410 = arith.constant 6 : i32
      %add3A_411 = arith.addi %mul3A_300, %add3A_410 : i32
      %dma_start3A_412 = arith.constant 6 : i32
      %dma_start3A_413 = arith.constant 0 : i32
      %dma_start3A_414 = arith.constant 0 : i32
      %dma_start3A_415 = tpu.memref_slice %arg9[%dma_start3A_412, %dma_start3A_413, %dma_start3A_414] : memref<10x128x32xf32, #tpu.memory_space<vmem>> -> memref<1x128x32xf32, #tpu.memory_space<vmem>>
      %dma_start3A_416 = tpu.memref_squeeze %dma_start3A_415 : memref<1x128x32xf32, #tpu.memory_space<vmem>> -> memref<128x32xf32, #tpu.memory_space<vmem>>
      %dma_start3A_417 = arith.constant 0 : i32
      %dma_start3A_418 = tpu.memref_slice %arg7[%add3A_411, %dma_start3A_417] : memref<160x128xi32, #tpu.memory_space<vmem>> -> memref<1x128xi32, #tpu.memory_space<vmem>>
      %dma_start3A_419 = tpu.memref_squeeze %dma_start3A_418 : memref<1x128xi32, #tpu.memory_space<vmem>> -> memref<128xi32, #tpu.memory_space<vmem>>
      %dma_start3A_420 = arith.constant 0 : i32
      %dma_start3A_421 = arith.constant 0 : i32
      %dma_start3A_422 = tpu.memref_slice %arg10[%dma_start3A_420, %dma_start3A_421] : memref<10112x32xf32, #tpu.memory_space<vmem_shared>> -> memref<10112x32xf32, #tpu.memory_space<vmem_shared>>
      tpu.enqueue_indirect_dma source(%dma_start3A_422 : memref<10112x32xf32, #tpu.memory_space<vmem_shared>>) target(%dma_start3A_416 : memref<128x32xf32, #tpu.memory_space<vmem>>) offsets(%dma_start3A_419 : memref<128xi32, #tpu.memory_space<vmem>>) semaphore(%arg18 : memref<!tpu.dma_semaphore, #tpu.memory_space<semaphore_mem>>)
      %gt3A_423 = arith.constant 0 : i32
      %gt3A_424 = arith.cmpi sgt, %scan3A_298, %gt3A_423 : i32
      %convert_element_type3A_425 = arith.extui %gt3A_424 : i1 to i32
      %cond3A_426 = arith.constant 0 : i32
      %cond3A_427 = arith.cmpi ne, %convert_element_type3A_425, %cond3A_426 : i32
      scf.if %cond3A_427 {
        %sub3A = arith.constant 10 : i32
        %sub3A_737 = arith.subi %mul3A_300, %sub3A : i32
        %add3A_738 = arith.constant 7 : i32
        %add3A_739 = arith.addi %sub3A_737, %add3A_738 : i32
        %dma_wait3A_740 = arith.constant 7 : i32
        %dma_wait3A_741 = arith.constant 0 : i32
        %dma_wait3A_742 = arith.constant 0 : i32
        %dma_wait3A_743 = tpu.memref_slice %arg9[%dma_wait3A_740, %dma_wait3A_741, %dma_wait3A_742] : memref<10x128x32xf32, #tpu.memory_space<vmem>> -> memref<1x128x32xf32, #tpu.memory_space<vmem>>
        %dma_wait3A_744 = tpu.memref_squeeze %dma_wait3A_743 : memref<1x128x32xf32, #tpu.memory_space<vmem>> -> memref<128x32xf32, #tpu.memory_space<vmem>>
        %dma_wait3A_745 = arith.constant 0 : i32
        %dma_wait3A_746 = tpu.memref_slice %arg8[%add3A_739, %dma_wait3A_745] : memref<160x128xi32, #tpu.memory_space<vmem>> -> memref<1x128xi32, #tpu.memory_space<vmem>>
        %dma_wait3A_747 = tpu.memref_squeeze %dma_wait3A_746 : memref<1x128xi32, #tpu.memory_space<vmem>> -> memref<128xi32, #tpu.memory_space<vmem>>
        %dma_wait3A_748 = arith.constant 0 : i32
        %dma_wait3A_749 = arith.constant 0 : i32
        %dma_wait3A_750 = tpu.memref_slice %arg11[%dma_wait3A_748, %dma_wait3A_749] : memref<10112x32xf32, #tpu.memory_space<vmem_shared>> -> memref<10112x32xf32, #tpu.memory_space<vmem_shared>>
        tpu.wait_indirect_dma semaphore(%arg29 : memref<!tpu.dma_semaphore, #tpu.memory_space<semaphore_mem>>) src(%dma_wait3A_744 : memref<128x32xf32, #tpu.memory_space<vmem>>) dst(%dma_wait3A_750 : memref<10112x32xf32, #tpu.memory_space<vmem_shared>>)
      } else {
      }
      %add3A_428 = arith.constant 7 : i32
      %add3A_429 = arith.addi %mul3A_300, %add3A_428 : i32
      %dma_start3A_430 = arith.constant 7 : i32
      %dma_start3A_431 = arith.constant 0 : i32
      %dma_start3A_432 = arith.constant 0 : i32
      %dma_start3A_433 = tpu.memref_slice %arg9[%dma_start3A_430, %dma_start3A_431, %dma_start3A_432] : memref<10x128x32xf32, #tpu.memory_space<vmem>> -> memref<1x128x32xf32, #tpu.memory_space<vmem>>
      %dma_start3A_434 = tpu.memref_squeeze %dma_start3A_433 : memref<1x128x32xf32, #tpu.memory_space<vmem>> -> memref<128x32xf32, #tpu.memory_space<vmem>>
      %dma_start3A_435 = arith.constant 0 : i32
      %dma_start3A_436 = tpu.memref_slice %arg7[%add3A_429, %dma_start3A_435] : memref<160x128xi32, #tpu.memory_space<vmem>> -> memref<1x128xi32, #tpu.memory_space<vmem>>
      %dma_start3A_437 = tpu.memref_squeeze %dma_start3A_436 : memref<1x128xi32, #tpu.memory_space<vmem>> -> memref<128xi32, #tpu.memory_space<vmem>>
      %dma_start3A_438 = arith.constant 0 : i32
      %dma_start3A_439 = arith.constant 0 : i32
      %dma_start3A_440 = tpu.memref_slice %arg10[%dma_start3A_438, %dma_start3A_439] : memref<10112x32xf32, #tpu.memory_space<vmem_shared>> -> memref<10112x32xf32, #tpu.memory_space<vmem_shared>>
      tpu.enqueue_indirect_dma source(%dma_start3A_440 : memref<10112x32xf32, #tpu.memory_space<vmem_shared>>) target(%dma_start3A_434 : memref<128x32xf32, #tpu.memory_space<vmem>>) offsets(%dma_start3A_437 : memref<128xi32, #tpu.memory_space<vmem>>) semaphore(%arg19 : memref<!tpu.dma_semaphore, #tpu.memory_space<semaphore_mem>>)
      %gt3A_441 = arith.constant 0 : i32
      %gt3A_442 = arith.cmpi sgt, %scan3A_298, %gt3A_441 : i32
      %convert_element_type3A_443 = arith.extui %gt3A_442 : i1 to i32
      %cond3A_444 = arith.constant 0 : i32
      %cond3A_445 = arith.cmpi ne, %convert_element_type3A_443, %cond3A_444 : i32
      scf.if %cond3A_445 {
        %sub3A = arith.constant 10 : i32
        %sub3A_737 = arith.subi %mul3A_300, %sub3A : i32
        %add3A_738 = arith.constant 8 : i32
        %add3A_739 = arith.addi %sub3A_737, %add3A_738 : i32
        %dma_wait3A_740 = arith.constant 8 : i32
        %dma_wait3A_741 = arith.constant 0 : i32
        %dma_wait3A_742 = arith.constant 0 : i32
        %dma_wait3A_743 = tpu.memref_slice %arg9[%dma_wait3A_740, %dma_wait3A_741, %dma_wait3A_742] : memref<10x128x32xf32, #tpu.memory_space<vmem>> -> memref<1x128x32xf32, #tpu.memory_space<vmem>>
        %dma_wait3A_744 = tpu.memref_squeeze %dma_wait3A_743 : memref<1x128x32xf32, #tpu.memory_space<vmem>> -> memref<128x32xf32, #tpu.memory_space<vmem>>
        %dma_wait3A_745 = arith.constant 0 : i32
        %dma_wait3A_746 = tpu.memref_slice %arg8[%add3A_739, %dma_wait3A_745] : memref<160x128xi32, #tpu.memory_space<vmem>> -> memref<1x128xi32, #tpu.memory_space<vmem>>
        %dma_wait3A_747 = tpu.memref_squeeze %dma_wait3A_746 : memref<1x128xi32, #tpu.memory_space<vmem>> -> memref<128xi32, #tpu.memory_space<vmem>>
        %dma_wait3A_748 = arith.constant 0 : i32
        %dma_wait3A_749 = arith.constant 0 : i32
        %dma_wait3A_750 = tpu.memref_slice %arg11[%dma_wait3A_748, %dma_wait3A_749] : memref<10112x32xf32, #tpu.memory_space<vmem_shared>> -> memref<10112x32xf32, #tpu.memory_space<vmem_shared>>
        tpu.wait_indirect_dma semaphore(%arg30 : memref<!tpu.dma_semaphore, #tpu.memory_space<semaphore_mem>>) src(%dma_wait3A_744 : memref<128x32xf32, #tpu.memory_space<vmem>>) dst(%dma_wait3A_750 : memref<10112x32xf32, #tpu.memory_space<vmem_shared>>)
      } else {
      }
      %add3A_446 = arith.constant 8 : i32
      %add3A_447 = arith.addi %mul3A_300, %add3A_446 : i32
      %dma_start3A_448 = arith.constant 8 : i32
      %dma_start3A_449 = arith.constant 0 : i32
      %dma_start3A_450 = arith.constant 0 : i32
      %dma_start3A_451 = tpu.memref_slice %arg9[%dma_start3A_448, %dma_start3A_449, %dma_start3A_450] : memref<10x128x32xf32, #tpu.memory_space<vmem>> -> memref<1x128x32xf32, #tpu.memory_space<vmem>>
      %dma_start3A_452 = tpu.memref_squeeze %dma_start3A_451 : memref<1x128x32xf32, #tpu.memory_space<vmem>> -> memref<128x32xf32, #tpu.memory_space<vmem>>
      %dma_start3A_453 = arith.constant 0 : i32
      %dma_start3A_454 = tpu.memref_slice %arg7[%add3A_447, %dma_start3A_453] : memref<160x128xi32, #tpu.memory_space<vmem>> -> memref<1x128xi32, #tpu.memory_space<vmem>>
      %dma_start3A_455 = tpu.memref_squeeze %dma_start3A_454 : memref<1x128xi32, #tpu.memory_space<vmem>> -> memref<128xi32, #tpu.memory_space<vmem>>
      %dma_start3A_456 = arith.constant 0 : i32
      %dma_start3A_457 = arith.constant 0 : i32
      %dma_start3A_458 = tpu.memref_slice %arg10[%dma_start3A_456, %dma_start3A_457] : memref<10112x32xf32, #tpu.memory_space<vmem_shared>> -> memref<10112x32xf32, #tpu.memory_space<vmem_shared>>
      tpu.enqueue_indirect_dma source(%dma_start3A_458 : memref<10112x32xf32, #tpu.memory_space<vmem_shared>>) target(%dma_start3A_452 : memref<128x32xf32, #tpu.memory_space<vmem>>) offsets(%dma_start3A_455 : memref<128xi32, #tpu.memory_space<vmem>>) semaphore(%arg20 : memref<!tpu.dma_semaphore, #tpu.memory_space<semaphore_mem>>)
      %gt3A_459 = arith.constant 0 : i32
      %gt3A_460 = arith.cmpi sgt, %scan3A_298, %gt3A_459 : i32
      %convert_element_type3A_461 = arith.extui %gt3A_460 : i1 to i32
      %cond3A_462 = arith.constant 0 : i32
      %cond3A_463 = arith.cmpi ne, %convert_element_type3A_461, %cond3A_462 : i32
      scf.if %cond3A_463 {
        %sub3A = arith.constant 10 : i32
        %sub3A_737 = arith.subi %mul3A_300, %sub3A : i32
        %add3A_738 = arith.constant 9 : i32
        %add3A_739 = arith.addi %sub3A_737, %add3A_738 : i32
        %dma_wait3A_740 = arith.constant 9 : i32
        %dma_wait3A_741 = arith.constant 0 : i32
        %dma_wait3A_742 = arith.constant 0 : i32
        %dma_wait3A_743 = tpu.memref_slice %arg9[%dma_wait3A_740, %dma_wait3A_741, %dma_wait3A_742] : memref<10x128x32xf32, #tpu.memory_space<vmem>> -> memref<1x128x32xf32, #tpu.memory_space<vmem>>
        %dma_wait3A_744 = tpu.memref_squeeze %dma_wait3A_743 : memref<1x128x32xf32, #tpu.memory_space<vmem>> -> memref<128x32xf32, #tpu.memory_space<vmem>>
        %dma_wait3A_745 = arith.constant 0 : i32
        %dma_wait3A_746 = tpu.memref_slice %arg8[%add3A_739, %dma_wait3A_745] : memref<160x128xi32, #tpu.memory_space<vmem>> -> memref<1x128xi32, #tpu.memory_space<vmem>>
        %dma_wait3A_747 = tpu.memref_squeeze %dma_wait3A_746 : memref<1x128xi32, #tpu.memory_space<vmem>> -> memref<128xi32, #tpu.memory_space<vmem>>
        %dma_wait3A_748 = arith.constant 0 : i32
        %dma_wait3A_749 = arith.constant 0 : i32
        %dma_wait3A_750 = tpu.memref_slice %arg11[%dma_wait3A_748, %dma_wait3A_749] : memref<10112x32xf32, #tpu.memory_space<vmem_shared>> -> memref<10112x32xf32, #tpu.memory_space<vmem_shared>>
        tpu.wait_indirect_dma semaphore(%arg31 : memref<!tpu.dma_semaphore, #tpu.memory_space<semaphore_mem>>) src(%dma_wait3A_744 : memref<128x32xf32, #tpu.memory_space<vmem>>) dst(%dma_wait3A_750 : memref<10112x32xf32, #tpu.memory_space<vmem_shared>>)
      } else {
      }
      %add3A_464 = arith.constant 9 : i32
      %add3A_465 = arith.addi %mul3A_300, %add3A_464 : i32
      %dma_start3A_466 = arith.constant 9 : i32
      %dma_start3A_467 = arith.constant 0 : i32
      %dma_start3A_468 = arith.constant 0 : i32
      %dma_start3A_469 = tpu.memref_slice %arg9[%dma_start3A_466, %dma_start3A_467, %dma_start3A_468] : memref<10x128x32xf32, #tpu.memory_space<vmem>> -> memref<1x128x32xf32, #tpu.memory_space<vmem>>
      %dma_start3A_470 = tpu.memref_squeeze %dma_start3A_469 : memref<1x128x32xf32, #tpu.memory_space<vmem>> -> memref<128x32xf32, #tpu.memory_space<vmem>>
      %dma_start3A_471 = arith.constant 0 : i32
      %dma_start3A_472 = tpu.memref_slice %arg7[%add3A_465, %dma_start3A_471] : memref<160x128xi32, #tpu.memory_space<vmem>> -> memref<1x128xi32, #tpu.memory_space<vmem>>
      %dma_start3A_473 = tpu.memref_squeeze %dma_start3A_472 : memref<1x128xi32, #tpu.memory_space<vmem>> -> memref<128xi32, #tpu.memory_space<vmem>>
      %dma_start3A_474 = arith.constant 0 : i32
      %dma_start3A_475 = arith.constant 0 : i32
      %dma_start3A_476 = tpu.memref_slice %arg10[%dma_start3A_474, %dma_start3A_475] : memref<10112x32xf32, #tpu.memory_space<vmem_shared>> -> memref<10112x32xf32, #tpu.memory_space<vmem_shared>>
      tpu.enqueue_indirect_dma source(%dma_start3A_476 : memref<10112x32xf32, #tpu.memory_space<vmem_shared>>) target(%dma_start3A_470 : memref<128x32xf32, #tpu.memory_space<vmem>>) offsets(%dma_start3A_473 : memref<128xi32, #tpu.memory_space<vmem>>) semaphore(%arg21 : memref<!tpu.dma_semaphore, #tpu.memory_space<semaphore_mem>>)
      %add3A_477 = arith.constant 0 : i32
      %add3A_478 = arith.addi %mul3A_300, %add3A_477 : i32
      %dma_wait3A_479 = arith.constant 0 : i32
      %dma_wait3A_480 = arith.constant 0 : i32
      %dma_wait3A_481 = arith.constant 0 : i32
      %dma_wait3A_482 = tpu.memref_slice %arg9[%dma_wait3A_479, %dma_wait3A_480, %dma_wait3A_481] : memref<10x128x32xf32, #tpu.memory_space<vmem>> -> memref<1x128x32xf32, #tpu.memory_space<vmem>>
      %dma_wait3A_483 = tpu.memref_squeeze %dma_wait3A_482 : memref<1x128x32xf32, #tpu.memory_space<vmem>> -> memref<128x32xf32, #tpu.memory_space<vmem>>
      %dma_wait3A_484 = arith.constant 0 : i32
      %dma_wait3A_485 = tpu.memref_slice %arg7[%add3A_478, %dma_wait3A_484] : memref<160x128xi32, #tpu.memory_space<vmem>> -> memref<1x128xi32, #tpu.memory_space<vmem>>
      %dma_wait3A_486 = tpu.memref_squeeze %dma_wait3A_485 : memref<1x128xi32, #tpu.memory_space<vmem>> -> memref<128xi32, #tpu.memory_space<vmem>>
      %dma_wait3A_487 = arith.constant 0 : i32
      %dma_wait3A_488 = arith.constant 0 : i32
      %dma_wait3A_489 = tpu.memref_slice %arg10[%dma_wait3A_487, %dma_wait3A_488] : memref<10112x32xf32, #tpu.memory_space<vmem_shared>> -> memref<10112x32xf32, #tpu.memory_space<vmem_shared>>
      tpu.wait_indirect_dma semaphore(%arg12 : memref<!tpu.dma_semaphore, #tpu.memory_space<semaphore_mem>>) src(%dma_wait3A_489 : memref<10112x32xf32, #tpu.memory_space<vmem_shared>>) dst(%dma_wait3A_483 : memref<128x32xf32, #tpu.memory_space<vmem>>)
      %add3A_490 = arith.constant 0 : i32
      %add3A_491 = arith.addi %mul3A_300, %add3A_490 : i32
      %dma_start3A_492 = arith.constant 0 : i32
      %dma_start3A_493 = arith.constant 0 : i32
      %dma_start3A_494 = arith.constant 0 : i32
      %dma_start3A_495 = tpu.memref_slice %arg9[%dma_start3A_492, %dma_start3A_493, %dma_start3A_494] : memref<10x128x32xf32, #tpu.memory_space<vmem>> -> memref<1x128x32xf32, #tpu.memory_space<vmem>>
      %dma_start3A_496 = tpu.memref_squeeze %dma_start3A_495 : memref<1x128x32xf32, #tpu.memory_space<vmem>> -> memref<128x32xf32, #tpu.memory_space<vmem>>
      %dma_start3A_497 = arith.constant 0 : i32
      %dma_start3A_498 = tpu.memref_slice %arg8[%add3A_491, %dma_start3A_497] : memref<160x128xi32, #tpu.memory_space<vmem>> -> memref<1x128xi32, #tpu.memory_space<vmem>>
      %dma_start3A_499 = tpu.memref_squeeze %dma_start3A_498 : memref<1x128xi32, #tpu.memory_space<vmem>> -> memref<128xi32, #tpu.memory_space<vmem>>
      %dma_start3A_500 = arith.constant 0 : i32
      %dma_start3A_501 = arith.constant 0 : i32
      %dma_start3A_502 = tpu.memref_slice %arg11[%dma_start3A_500, %dma_start3A_501] : memref<10112x32xf32, #tpu.memory_space<vmem_shared>> -> memref<10112x32xf32, #tpu.memory_space<vmem_shared>>
      tpu.enqueue_indirect_dma source(%dma_start3A_496 : memref<128x32xf32, #tpu.memory_space<vmem>>) target(%dma_start3A_502 : memref<10112x32xf32, #tpu.memory_space<vmem_shared>>) offsets(%dma_start3A_499 : memref<128xi32, #tpu.memory_space<vmem>>) semaphore(%arg22 : memref<!tpu.dma_semaphore, #tpu.memory_space<semaphore_mem>>) {add = true}
      %add3A_503 = arith.constant 1 : i32
      %add3A_504 = arith.addi %mul3A_300, %add3A_503 : i32
      %dma_wait3A_505 = arith.constant 1 : i32
      %dma_wait3A_506 = arith.constant 0 : i32
      %dma_wait3A_507 = arith.constant 0 : i32
      %dma_wait3A_508 = tpu.memref_slice %arg9[%dma_wait3A_505, %dma_wait3A_506, %dma_wait3A_507] : memref<10x128x32xf32, #tpu.memory_space<vmem>> -> memref<1x128x32xf32, #tpu.memory_space<vmem>>
      %dma_wait3A_509 = tpu.memref_squeeze %dma_wait3A_508 : memref<1x128x32xf32, #tpu.memory_space<vmem>> -> memref<128x32xf32, #tpu.memory_space<vmem>>
      %dma_wait3A_510 = arith.constant 0 : i32
      %dma_wait3A_511 = tpu.memref_slice %arg7[%add3A_504, %dma_wait3A_510] : memref<160x128xi32, #tpu.memory_space<vmem>> -> memref<1x128xi32, #tpu.memory_space<vmem>>
      %dma_wait3A_512 = tpu.memref_squeeze %dma_wait3A_511 : memref<1x128xi32, #tpu.memory_space<vmem>> -> memref<128xi32, #tpu.memory_space<vmem>>
      %dma_wait3A_513 = arith.constant 0 : i32
      %dma_wait3A_514 = arith.constant 0 : i32
      %dma_wait3A_515 = tpu.memref_slice %arg10[%dma_wait3A_513, %dma_wait3A_514] : memref<10112x32xf32, #tpu.memory_space<vmem_shared>> -> memref<10112x32xf32, #tpu.memory_space<vmem_shared>>
      tpu.wait_indirect_dma semaphore(%arg13 : memref<!tpu.dma_semaphore, #tpu.memory_space<semaphore_mem>>) src(%dma_wait3A_515 : memref<10112x32xf32, #tpu.memory_space<vmem_shared>>) dst(%dma_wait3A_509 : memref<128x32xf32, #tpu.memory_space<vmem>>)
      %add3A_516 = arith.constant 1 : i32
      %add3A_517 = arith.addi %mul3A_300, %add3A_516 : i32
      %dma_start3A_518 = arith.constant 1 : i32
      %dma_start3A_519 = arith.constant 0 : i32
      %dma_start3A_520 = arith.constant 0 : i32
      %dma_start3A_521 = tpu.memref_slice %arg9[%dma_start3A_518, %dma_start3A_519, %dma_start3A_520] : memref<10x128x32xf32, #tpu.memory_space<vmem>> -> memref<1x128x32xf32, #tpu.memory_space<vmem>>
      %dma_start3A_522 = tpu.memref_squeeze %dma_start3A_521 : memref<1x128x32xf32, #tpu.memory_space<vmem>> -> memref<128x32xf32, #tpu.memory_space<vmem>>
      %dma_start3A_523 = arith.constant 0 : i32
      %dma_start3A_524 = tpu.memref_slice %arg8[%add3A_517, %dma_start3A_523] : memref<160x128xi32, #tpu.memory_space<vmem>> -> memref<1x128xi32, #tpu.memory_space<vmem>>
      %dma_start3A_525 = tpu.memref_squeeze %dma_start3A_524 : memref<1x128xi32, #tpu.memory_space<vmem>> -> memref<128xi32, #tpu.memory_space<vmem>>
      %dma_start3A_526 = arith.constant 0 : i32
      %dma_start3A_527 = arith.constant 0 : i32
      %dma_start3A_528 = tpu.memref_slice %arg11[%dma_start3A_526, %dma_start3A_527] : memref<10112x32xf32, #tpu.memory_space<vmem_shared>> -> memref<10112x32xf32, #tpu.memory_space<vmem_shared>>
      tpu.enqueue_indirect_dma source(%dma_start3A_522 : memref<128x32xf32, #tpu.memory_space<vmem>>) target(%dma_start3A_528 : memref<10112x32xf32, #tpu.memory_space<vmem_shared>>) offsets(%dma_start3A_525 : memref<128xi32, #tpu.memory_space<vmem>>) semaphore(%arg23 : memref<!tpu.dma_semaphore, #tpu.memory_space<semaphore_mem>>) {add = true}
      %add3A_529 = arith.constant 2 : i32
      %add3A_530 = arith.addi %mul3A_300, %add3A_529 : i32
      %dma_wait3A_531 = arith.constant 2 : i32
      %dma_wait3A_532 = arith.constant 0 : i32
      %dma_wait3A_533 = arith.constant 0 : i32
      %dma_wait3A_534 = tpu.memref_slice %arg9[%dma_wait3A_531, %dma_wait3A_532, %dma_wait3A_533] : memref<10x128x32xf32, #tpu.memory_space<vmem>> -> memref<1x128x32xf32, #tpu.memory_space<vmem>>
      %dma_wait3A_535 = tpu.memref_squeeze %dma_wait3A_534 : memref<1x128x32xf32, #tpu.memory_space<vmem>> -> memref<128x32xf32, #tpu.memory_space<vmem>>
      %dma_wait3A_536 = arith.constant 0 : i32
      %dma_wait3A_537 = tpu.memref_slice %arg7[%add3A_530, %dma_wait3A_536] : memref<160x128xi32, #tpu.memory_space<vmem>> -> memref<1x128xi32, #tpu.memory_space<vmem>>
      %dma_wait3A_538 = tpu.memref_squeeze %dma_wait3A_537 : memref<1x128xi32, #tpu.memory_space<vmem>> -> memref<128xi32, #tpu.memory_space<vmem>>
      %dma_wait3A_539 = arith.constant 0 : i32
      %dma_wait3A_540 = arith.constant 0 : i32
      %dma_wait3A_541 = tpu.memref_slice %arg10[%dma_wait3A_539, %dma_wait3A_540] : memref<10112x32xf32, #tpu.memory_space<vmem_shared>> -> memref<10112x32xf32, #tpu.memory_space<vmem_shared>>
      tpu.wait_indirect_dma semaphore(%arg14 : memref<!tpu.dma_semaphore, #tpu.memory_space<semaphore_mem>>) src(%dma_wait3A_541 : memref<10112x32xf32, #tpu.memory_space<vmem_shared>>) dst(%dma_wait3A_535 : memref<128x32xf32, #tpu.memory_space<vmem>>)
      %add3A_542 = arith.constant 2 : i32
      %add3A_543 = arith.addi %mul3A_300, %add3A_542 : i32
      %dma_start3A_544 = arith.constant 2 : i32
      %dma_start3A_545 = arith.constant 0 : i32
      %dma_start3A_546 = arith.constant 0 : i32
      %dma_start3A_547 = tpu.memref_slice %arg9[%dma_start3A_544, %dma_start3A_545, %dma_start3A_546] : memref<10x128x32xf32, #tpu.memory_space<vmem>> -> memref<1x128x32xf32, #tpu.memory_space<vmem>>
      %dma_start3A_548 = tpu.memref_squeeze %dma_start3A_547 : memref<1x128x32xf32, #tpu.memory_space<vmem>> -> memref<128x32xf32, #tpu.memory_space<vmem>>
      %dma_start3A_549 = arith.constant 0 : i32
      %dma_start3A_550 = tpu.memref_slice %arg8[%add3A_543, %dma_start3A_549] : memref<160x128xi32, #tpu.memory_space<vmem>> -> memref<1x128xi32, #tpu.memory_space<vmem>>
      %dma_start3A_551 = tpu.memref_squeeze %dma_start3A_550 : memref<1x128xi32, #tpu.memory_space<vmem>> -> memref<128xi32, #tpu.memory_space<vmem>>
      %dma_start3A_552 = arith.constant 0 : i32
      %dma_start3A_553 = arith.constant 0 : i32
      %dma_start3A_554 = tpu.memref_slice %arg11[%dma_start3A_552, %dma_start3A_553] : memref<10112x32xf32, #tpu.memory_space<vmem_shared>> -> memref<10112x32xf32, #tpu.memory_space<vmem_shared>>
      tpu.enqueue_indirect_dma source(%dma_start3A_548 : memref<128x32xf32, #tpu.memory_space<vmem>>) target(%dma_start3A_554 : memref<10112x32xf32, #tpu.memory_space<vmem_shared>>) offsets(%dma_start3A_551 : memref<128xi32, #tpu.memory_space<vmem>>) semaphore(%arg24 : memref<!tpu.dma_semaphore, #tpu.memory_space<semaphore_mem>>) {add = true}
      %add3A_555 = arith.constant 3 : i32
      %add3A_556 = arith.addi %mul3A_300, %add3A_555 : i32
      %dma_wait3A_557 = arith.constant 3 : i32
      %dma_wait3A_558 = arith.constant 0 : i32
      %dma_wait3A_559 = arith.constant 0 : i32
      %dma_wait3A_560 = tpu.memref_slice %arg9[%dma_wait3A_557, %dma_wait3A_558, %dma_wait3A_559] : memref<10x128x32xf32, #tpu.memory_space<vmem>> -> memref<1x128x32xf32, #tpu.memory_space<vmem>>
      %dma_wait3A_561 = tpu.memref_squeeze %dma_wait3A_560 : memref<1x128x32xf32, #tpu.memory_space<vmem>> -> memref<128x32xf32, #tpu.memory_space<vmem>>
      %dma_wait3A_562 = arith.constant 0 : i32
      %dma_wait3A_563 = tpu.memref_slice %arg7[%add3A_556, %dma_wait3A_562] : memref<160x128xi32, #tpu.memory_space<vmem>> -> memref<1x128xi32, #tpu.memory_space<vmem>>
      %dma_wait3A_564 = tpu.memref_squeeze %dma_wait3A_563 : memref<1x128xi32, #tpu.memory_space<vmem>> -> memref<128xi32, #tpu.memory_space<vmem>>
      %dma_wait3A_565 = arith.constant 0 : i32
      %dma_wait3A_566 = arith.constant 0 : i32
      %dma_wait3A_567 = tpu.memref_slice %arg10[%dma_wait3A_565, %dma_wait3A_566] : memref<10112x32xf32, #tpu.memory_space<vmem_shared>> -> memref<10112x32xf32, #tpu.memory_space<vmem_shared>>
      tpu.wait_indirect_dma semaphore(%arg15 : memref<!tpu.dma_semaphore, #tpu.memory_space<semaphore_mem>>) src(%dma_wait3A_567 : memref<10112x32xf32, #tpu.memory_space<vmem_shared>>) dst(%dma_wait3A_561 : memref<128x32xf32, #tpu.memory_space<vmem>>)
      %add3A_568 = arith.constant 3 : i32
      %add3A_569 = arith.addi %mul3A_300, %add3A_568 : i32
      %dma_start3A_570 = arith.constant 3 : i32
      %dma_start3A_571 = arith.constant 0 : i32
      %dma_start3A_572 = arith.constant 0 : i32
      %dma_start3A_573 = tpu.memref_slice %arg9[%dma_start3A_570, %dma_start3A_571, %dma_start3A_572] : memref<10x128x32xf32, #tpu.memory_space<vmem>> -> memref<1x128x32xf32, #tpu.memory_space<vmem>>
      %dma_start3A_574 = tpu.memref_squeeze %dma_start3A_573 : memref<1x128x32xf32, #tpu.memory_space<vmem>> -> memref<128x32xf32, #tpu.memory_space<vmem>>
      %dma_start3A_575 = arith.constant 0 : i32
      %dma_start3A_576 = tpu.memref_slice %arg8[%add3A_569, %dma_start3A_575] : memref<160x128xi32, #tpu.memory_space<vmem>> -> memref<1x128xi32, #tpu.memory_space<vmem>>
      %dma_start3A_577 = tpu.memref_squeeze %dma_start3A_576 : memref<1x128xi32, #tpu.memory_space<vmem>> -> memref<128xi32, #tpu.memory_space<vmem>>
      %dma_start3A_578 = arith.constant 0 : i32
      %dma_start3A_579 = arith.constant 0 : i32
      %dma_start3A_580 = tpu.memref_slice %arg11[%dma_start3A_578, %dma_start3A_579] : memref<10112x32xf32, #tpu.memory_space<vmem_shared>> -> memref<10112x32xf32, #tpu.memory_space<vmem_shared>>
      tpu.enqueue_indirect_dma source(%dma_start3A_574 : memref<128x32xf32, #tpu.memory_space<vmem>>) target(%dma_start3A_580 : memref<10112x32xf32, #tpu.memory_space<vmem_shared>>) offsets(%dma_start3A_577 : memref<128xi32, #tpu.memory_space<vmem>>) semaphore(%arg25 : memref<!tpu.dma_semaphore, #tpu.memory_space<semaphore_mem>>) {add = true}
      %add3A_581 = arith.constant 4 : i32
      %add3A_582 = arith.addi %mul3A_300, %add3A_581 : i32
      %dma_wait3A_583 = arith.constant 4 : i32
      %dma_wait3A_584 = arith.constant 0 : i32
      %dma_wait3A_585 = arith.constant 0 : i32
      %dma_wait3A_586 = tpu.memref_slice %arg9[%dma_wait3A_583, %dma_wait3A_584, %dma_wait3A_585] : memref<10x128x32xf32, #tpu.memory_space<vmem>> -> memref<1x128x32xf32, #tpu.memory_space<vmem>>
      %dma_wait3A_587 = tpu.memref_squeeze %dma_wait3A_586 : memref<1x128x32xf32, #tpu.memory_space<vmem>> -> memref<128x32xf32, #tpu.memory_space<vmem>>
      %dma_wait3A_588 = arith.constant 0 : i32
      %dma_wait3A_589 = tpu.memref_slice %arg7[%add3A_582, %dma_wait3A_588] : memref<160x128xi32, #tpu.memory_space<vmem>> -> memref<1x128xi32, #tpu.memory_space<vmem>>
      %dma_wait3A_590 = tpu.memref_squeeze %dma_wait3A_589 : memref<1x128xi32, #tpu.memory_space<vmem>> -> memref<128xi32, #tpu.memory_space<vmem>>
      %dma_wait3A_591 = arith.constant 0 : i32
      %dma_wait3A_592 = arith.constant 0 : i32
      %dma_wait3A_593 = tpu.memref_slice %arg10[%dma_wait3A_591, %dma_wait3A_592] : memref<10112x32xf32, #tpu.memory_space<vmem_shared>> -> memref<10112x32xf32, #tpu.memory_space<vmem_shared>>
      tpu.wait_indirect_dma semaphore(%arg16 : memref<!tpu.dma_semaphore, #tpu.memory_space<semaphore_mem>>) src(%dma_wait3A_593 : memref<10112x32xf32, #tpu.memory_space<vmem_shared>>) dst(%dma_wait3A_587 : memref<128x32xf32, #tpu.memory_space<vmem>>)
      %add3A_594 = arith.constant 4 : i32
      %add3A_595 = arith.addi %mul3A_300, %add3A_594 : i32
      %dma_start3A_596 = arith.constant 4 : i32
      %dma_start3A_597 = arith.constant 0 : i32
      %dma_start3A_598 = arith.constant 0 : i32
      %dma_start3A_599 = tpu.memref_slice %arg9[%dma_start3A_596, %dma_start3A_597, %dma_start3A_598] : memref<10x128x32xf32, #tpu.memory_space<vmem>> -> memref<1x128x32xf32, #tpu.memory_space<vmem>>
      %dma_start3A_600 = tpu.memref_squeeze %dma_start3A_599 : memref<1x128x32xf32, #tpu.memory_space<vmem>> -> memref<128x32xf32, #tpu.memory_space<vmem>>
      %dma_start3A_601 = arith.constant 0 : i32
      %dma_start3A_602 = tpu.memref_slice %arg8[%add3A_595, %dma_start3A_601] : memref<160x128xi32, #tpu.memory_space<vmem>> -> memref<1x128xi32, #tpu.memory_space<vmem>>
      %dma_start3A_603 = tpu.memref_squeeze %dma_start3A_602 : memref<1x128xi32, #tpu.memory_space<vmem>> -> memref<128xi32, #tpu.memory_space<vmem>>
      %dma_start3A_604 = arith.constant 0 : i32
      %dma_start3A_605 = arith.constant 0 : i32
      %dma_start3A_606 = tpu.memref_slice %arg11[%dma_start3A_604, %dma_start3A_605] : memref<10112x32xf32, #tpu.memory_space<vmem_shared>> -> memref<10112x32xf32, #tpu.memory_space<vmem_shared>>
      tpu.enqueue_indirect_dma source(%dma_start3A_600 : memref<128x32xf32, #tpu.memory_space<vmem>>) target(%dma_start3A_606 : memref<10112x32xf32, #tpu.memory_space<vmem_shared>>) offsets(%dma_start3A_603 : memref<128xi32, #tpu.memory_space<vmem>>) semaphore(%arg26 : memref<!tpu.dma_semaphore, #tpu.memory_space<semaphore_mem>>) {add = true}
      %add3A_607 = arith.constant 5 : i32
      %add3A_608 = arith.addi %mul3A_300, %add3A_607 : i32
      %dma_wait3A_609 = arith.constant 5 : i32
      %dma_wait3A_610 = arith.constant 0 : i32
      %dma_wait3A_611 = arith.constant 0 : i32
      %dma_wait3A_612 = tpu.memref_slice %arg9[%dma_wait3A_609, %dma_wait3A_610, %dma_wait3A_611] : memref<10x128x32xf32, #tpu.memory_space<vmem>> -> memref<1x128x32xf32, #tpu.memory_space<vmem>>
      %dma_wait3A_613 = tpu.memref_squeeze %dma_wait3A_612 : memref<1x128x32xf32, #tpu.memory_space<vmem>> -> memref<128x32xf32, #tpu.memory_space<vmem>>
      %dma_wait3A_614 = arith.constant 0 : i32
      %dma_wait3A_615 = tpu.memref_slice %arg7[%add3A_608, %dma_wait3A_614] : memref<160x128xi32, #tpu.memory_space<vmem>> -> memref<1x128xi32, #tpu.memory_space<vmem>>
      %dma_wait3A_616 = tpu.memref_squeeze %dma_wait3A_615 : memref<1x128xi32, #tpu.memory_space<vmem>> -> memref<128xi32, #tpu.memory_space<vmem>>
      %dma_wait3A_617 = arith.constant 0 : i32
      %dma_wait3A_618 = arith.constant 0 : i32
      %dma_wait3A_619 = tpu.memref_slice %arg10[%dma_wait3A_617, %dma_wait3A_618] : memref<10112x32xf32, #tpu.memory_space<vmem_shared>> -> memref<10112x32xf32, #tpu.memory_space<vmem_shared>>
      tpu.wait_indirect_dma semaphore(%arg17 : memref<!tpu.dma_semaphore, #tpu.memory_space<semaphore_mem>>) src(%dma_wait3A_619 : memref<10112x32xf32, #tpu.memory_space<vmem_shared>>) dst(%dma_wait3A_613 : memref<128x32xf32, #tpu.memory_space<vmem>>)
      %add3A_620 = arith.constant 5 : i32
      %add3A_621 = arith.addi %mul3A_300, %add3A_620 : i32
      %dma_start3A_622 = arith.constant 5 : i32
      %dma_start3A_623 = arith.constant 0 : i32
      %dma_start3A_624 = arith.constant 0 : i32
      %dma_start3A_625 = tpu.memref_slice %arg9[%dma_start3A_622, %dma_start3A_623, %dma_start3A_624] : memref<10x128x32xf32, #tpu.memory_space<vmem>> -> memref<1x128x32xf32, #tpu.memory_space<vmem>>
      %dma_start3A_626 = tpu.memref_squeeze %dma_start3A_625 : memref<1x128x32xf32, #tpu.memory_space<vmem>> -> memref<128x32xf32, #tpu.memory_space<vmem>>
      %dma_start3A_627 = arith.constant 0 : i32
      %dma_start3A_628 = tpu.memref_slice %arg8[%add3A_621, %dma_start3A_627] : memref<160x128xi32, #tpu.memory_space<vmem>> -> memref<1x128xi32, #tpu.memory_space<vmem>>
      %dma_start3A_629 = tpu.memref_squeeze %dma_start3A_628 : memref<1x128xi32, #tpu.memory_space<vmem>> -> memref<128xi32, #tpu.memory_space<vmem>>
      %dma_start3A_630 = arith.constant 0 : i32
      %dma_start3A_631 = arith.constant 0 : i32
      %dma_start3A_632 = tpu.memref_slice %arg11[%dma_start3A_630, %dma_start3A_631] : memref<10112x32xf32, #tpu.memory_space<vmem_shared>> -> memref<10112x32xf32, #tpu.memory_space<vmem_shared>>
      tpu.enqueue_indirect_dma source(%dma_start3A_626 : memref<128x32xf32, #tpu.memory_space<vmem>>) target(%dma_start3A_632 : memref<10112x32xf32, #tpu.memory_space<vmem_shared>>) offsets(%dma_start3A_629 : memref<128xi32, #tpu.memory_space<vmem>>) semaphore(%arg27 : memref<!tpu.dma_semaphore, #tpu.memory_space<semaphore_mem>>) {add = true}
      %add3A_633 = arith.constant 6 : i32
      %add3A_634 = arith.addi %mul3A_300, %add3A_633 : i32
      %dma_wait3A_635 = arith.constant 6 : i32
      %dma_wait3A_636 = arith.constant 0 : i32
      %dma_wait3A_637 = arith.constant 0 : i32
      %dma_wait3A_638 = tpu.memref_slice %arg9[%dma_wait3A_635, %dma_wait3A_636, %dma_wait3A_637] : memref<10x128x32xf32, #tpu.memory_space<vmem>> -> memref<1x128x32xf32, #tpu.memory_space<vmem>>
      %dma_wait3A_639 = tpu.memref_squeeze %dma_wait3A_638 : memref<1x128x32xf32, #tpu.memory_space<vmem>> -> memref<128x32xf32, #tpu.memory_space<vmem>>
      %dma_wait3A_640 = arith.constant 0 : i32
      %dma_wait3A_641 = tpu.memref_slice %arg7[%add3A_634, %dma_wait3A_640] : memref<160x128xi32, #tpu.memory_space<vmem>> -> memref<1x128xi32, #tpu.memory_space<vmem>>
      %dma_wait3A_642 = tpu.memref_squeeze %dma_wait3A_641 : memref<1x128xi32, #tpu.memory_space<vmem>> -> memref<128xi32, #tpu.memory_space<vmem>>
      %dma_wait3A_643 = arith.constant 0 : i32
      %dma_wait3A_644 = arith.constant 0 : i32
      %dma_wait3A_645 = tpu.memref_slice %arg10[%dma_wait3A_643, %dma_wait3A_644] : memref<10112x32xf32, #tpu.memory_space<vmem_shared>> -> memref<10112x32xf32, #tpu.memory_space<vmem_shared>>
      tpu.wait_indirect_dma semaphore(%arg18 : memref<!tpu.dma_semaphore, #tpu.memory_space<semaphore_mem>>) src(%dma_wait3A_645 : memref<10112x32xf32, #tpu.memory_space<vmem_shared>>) dst(%dma_wait3A_639 : memref<128x32xf32, #tpu.memory_space<vmem>>)
      %add3A_646 = arith.constant 6 : i32
      %add3A_647 = arith.addi %mul3A_300, %add3A_646 : i32
      %dma_start3A_648 = arith.constant 6 : i32
      %dma_start3A_649 = arith.constant 0 : i32
      %dma_start3A_650 = arith.constant 0 : i32
      %dma_start3A_651 = tpu.memref_slice %arg9[%dma_start3A_648, %dma_start3A_649, %dma_start3A_650] : memref<10x128x32xf32, #tpu.memory_space<vmem>> -> memref<1x128x32xf32, #tpu.memory_space<vmem>>
      %dma_start3A_652 = tpu.memref_squeeze %dma_start3A_651 : memref<1x128x32xf32, #tpu.memory_space<vmem>> -> memref<128x32xf32, #tpu.memory_space<vmem>>
      %dma_start3A_653 = arith.constant 0 : i32
      %dma_start3A_654 = tpu.memref_slice %arg8[%add3A_647, %dma_start3A_653] : memref<160x128xi32, #tpu.memory_space<vmem>> -> memref<1x128xi32, #tpu.memory_space<vmem>>
      %dma_start3A_655 = tpu.memref_squeeze %dma_start3A_654 : memref<1x128xi32, #tpu.memory_space<vmem>> -> memref<128xi32, #tpu.memory_space<vmem>>
      %dma_start3A_656 = arith.constant 0 : i32
      %dma_start3A_657 = arith.constant 0 : i32
      %dma_start3A_658 = tpu.memref_slice %arg11[%dma_start3A_656, %dma_start3A_657] : memref<10112x32xf32, #tpu.memory_space<vmem_shared>> -> memref<10112x32xf32, #tpu.memory_space<vmem_shared>>
      tpu.enqueue_indirect_dma source(%dma_start3A_652 : memref<128x32xf32, #tpu.memory_space<vmem>>) target(%dma_start3A_658 : memref<10112x32xf32, #tpu.memory_space<vmem_shared>>) offsets(%dma_start3A_655 : memref<128xi32, #tpu.memory_space<vmem>>) semaphore(%arg28 : memref<!tpu.dma_semaphore, #tpu.memory_space<semaphore_mem>>) {add = true}
      %add3A_659 = arith.constant 7 : i32
      %add3A_660 = arith.addi %mul3A_300, %add3A_659 : i32
      %dma_wait3A_661 = arith.constant 7 : i32
      %dma_wait3A_662 = arith.constant 0 : i32
      %dma_wait3A_663 = arith.constant 0 : i32
      %dma_wait3A_664 = tpu.memref_slice %arg9[%dma_wait3A_661, %dma_wait3A_662, %dma_wait3A_663] : memref<10x128x32xf32, #tpu.memory_space<vmem>> -> memref<1x128x32xf32, #tpu.memory_space<vmem>>
      %dma_wait3A_665 = tpu.memref_squeeze %dma_wait3A_664 : memref<1x128x32xf32, #tpu.memory_space<vmem>> -> memref<128x32xf32, #tpu.memory_space<vmem>>
      %dma_wait3A_666 = arith.constant 0 : i32
      %dma_wait3A_667 = tpu.memref_slice %arg7[%add3A_660, %dma_wait3A_666] : memref<160x128xi32, #tpu.memory_space<vmem>> -> memref<1x128xi32, #tpu.memory_space<vmem>>
      %dma_wait3A_668 = tpu.memref_squeeze %dma_wait3A_667 : memref<1x128xi32, #tpu.memory_space<vmem>> -> memref<128xi32, #tpu.memory_space<vmem>>
      %dma_wait3A_669 = arith.constant 0 : i32
      %dma_wait3A_670 = arith.constant 0 : i32
      %dma_wait3A_671 = tpu.memref_slice %arg10[%dma_wait3A_669, %dma_wait3A_670] : memref<10112x32xf32, #tpu.memory_space<vmem_shared>> -> memref<10112x32xf32, #tpu.memory_space<vmem_shared>>
      tpu.wait_indirect_dma semaphore(%arg19 : memref<!tpu.dma_semaphore, #tpu.memory_space<semaphore_mem>>) src(%dma_wait3A_671 : memref<10112x32xf32, #tpu.memory_space<vmem_shared>>) dst(%dma_wait3A_665 : memref<128x32xf32, #tpu.memory_space<vmem>>)
      %add3A_672 = arith.constant 7 : i32
      %add3A_673 = arith.addi %mul3A_300, %add3A_672 : i32
      %dma_start3A_674 = arith.constant 7 : i32
      %dma_start3A_675 = arith.constant 0 : i32
      %dma_start3A_676 = arith.constant 0 : i32
      %dma_start3A_677 = tpu.memref_slice %arg9[%dma_start3A_674, %dma_start3A_675, %dma_start3A_676] : memref<10x128x32xf32, #tpu.memory_space<vmem>> -> memref<1x128x32xf32, #tpu.memory_space<vmem>>
      %dma_start3A_678 = tpu.memref_squeeze %dma_start3A_677 : memref<1x128x32xf32, #tpu.memory_space<vmem>> -> memref<128x32xf32, #tpu.memory_space<vmem>>
      %dma_start3A_679 = arith.constant 0 : i32
      %dma_start3A_680 = tpu.memref_slice %arg8[%add3A_673, %dma_start3A_679] : memref<160x128xi32, #tpu.memory_space<vmem>> -> memref<1x128xi32, #tpu.memory_space<vmem>>
      %dma_start3A_681 = tpu.memref_squeeze %dma_start3A_680 : memref<1x128xi32, #tpu.memory_space<vmem>> -> memref<128xi32, #tpu.memory_space<vmem>>
      %dma_start3A_682 = arith.constant 0 : i32
      %dma_start3A_683 = arith.constant 0 : i32
      %dma_start3A_684 = tpu.memref_slice %arg11[%dma_start3A_682, %dma_start3A_683] : memref<10112x32xf32, #tpu.memory_space<vmem_shared>> -> memref<10112x32xf32, #tpu.memory_space<vmem_shared>>
      tpu.enqueue_indirect_dma source(%dma_start3A_678 : memref<128x32xf32, #tpu.memory_space<vmem>>) target(%dma_start3A_684 : memref<10112x32xf32, #tpu.memory_space<vmem_shared>>) offsets(%dma_start3A_681 : memref<128xi32, #tpu.memory_space<vmem>>) semaphore(%arg29 : memref<!tpu.dma_semaphore, #tpu.memory_space<semaphore_mem>>) {add = true}
      %add3A_685 = arith.constant 8 : i32
      %add3A_686 = arith.addi %mul3A_300, %add3A_685 : i32
      %dma_wait3A_687 = arith.constant 8 : i32
      %dma_wait3A_688 = arith.constant 0 : i32
      %dma_wait3A_689 = arith.constant 0 : i32
      %dma_wait3A_690 = tpu.memref_slice %arg9[%dma_wait3A_687, %dma_wait3A_688, %dma_wait3A_689] : memref<10x128x32xf32, #tpu.memory_space<vmem>> -> memref<1x128x32xf32, #tpu.memory_space<vmem>>
      %dma_wait3A_691 = tpu.memref_squeeze %dma_wait3A_690 : memref<1x128x32xf32, #tpu.memory_space<vmem>> -> memref<128x32xf32, #tpu.memory_space<vmem>>
      %dma_wait3A_692 = arith.constant 0 : i32
      %dma_wait3A_693 = tpu.memref_slice %arg7[%add3A_686, %dma_wait3A_692] : memref<160x128xi32, #tpu.memory_space<vmem>> -> memref<1x128xi32, #tpu.memory_space<vmem>>
      %dma_wait3A_694 = tpu.memref_squeeze %dma_wait3A_693 : memref<1x128xi32, #tpu.memory_space<vmem>> -> memref<128xi32, #tpu.memory_space<vmem>>
      %dma_wait3A_695 = arith.constant 0 : i32
      %dma_wait3A_696 = arith.constant 0 : i32
      %dma_wait3A_697 = tpu.memref_slice %arg10[%dma_wait3A_695, %dma_wait3A_696] : memref<10112x32xf32, #tpu.memory_space<vmem_shared>> -> memref<10112x32xf32, #tpu.memory_space<vmem_shared>>
      tpu.wait_indirect_dma semaphore(%arg20 : memref<!tpu.dma_semaphore, #tpu.memory_space<semaphore_mem>>) src(%dma_wait3A_697 : memref<10112x32xf32, #tpu.memory_space<vmem_shared>>) dst(%dma_wait3A_691 : memref<128x32xf32, #tpu.memory_space<vmem>>)
      %add3A_698 = arith.constant 8 : i32
      %add3A_699 = arith.addi %mul3A_300, %add3A_698 : i32
      %dma_start3A_700 = arith.constant 8 : i32
      %dma_start3A_701 = arith.constant 0 : i32
      %dma_start3A_702 = arith.constant 0 : i32
      %dma_start3A_703 = tpu.memref_slice %arg9[%dma_start3A_700, %dma_start3A_701, %dma_start3A_702] : memref<10x128x32xf32, #tpu.memory_space<vmem>> -> memref<1x128x32xf32, #tpu.memory_space<vmem>>
      %dma_start3A_704 = tpu.memref_squeeze %dma_start3A_703 : memref<1x128x32xf32, #tpu.memory_space<vmem>> -> memref<128x32xf32, #tpu.memory_space<vmem>>
      %dma_start3A_705 = arith.constant 0 : i32
      %dma_start3A_706 = tpu.memref_slice %arg8[%add3A_699, %dma_start3A_705] : memref<160x128xi32, #tpu.memory_space<vmem>> -> memref<1x128xi32, #tpu.memory_space<vmem>>
      %dma_start3A_707 = tpu.memref_squeeze %dma_start3A_706 : memref<1x128xi32, #tpu.memory_space<vmem>> -> memref<128xi32, #tpu.memory_space<vmem>>
      %dma_start3A_708 = arith.constant 0 : i32
      %dma_start3A_709 = arith.constant 0 : i32
      %dma_start3A_710 = tpu.memref_slice %arg11[%dma_start3A_708, %dma_start3A_709] : memref<10112x32xf32, #tpu.memory_space<vmem_shared>> -> memref<10112x32xf32, #tpu.memory_space<vmem_shared>>
      tpu.enqueue_indirect_dma source(%dma_start3A_704 : memref<128x32xf32, #tpu.memory_space<vmem>>) target(%dma_start3A_710 : memref<10112x32xf32, #tpu.memory_space<vmem_shared>>) offsets(%dma_start3A_707 : memref<128xi32, #tpu.memory_space<vmem>>) semaphore(%arg30 : memref<!tpu.dma_semaphore, #tpu.memory_space<semaphore_mem>>) {add = true}
      %add3A_711 = arith.constant 9 : i32
      %add3A_712 = arith.addi %mul3A_300, %add3A_711 : i32
      %dma_wait3A_713 = arith.constant 9 : i32
      %dma_wait3A_714 = arith.constant 0 : i32
      %dma_wait3A_715 = arith.constant 0 : i32
      %dma_wait3A_716 = tpu.memref_slice %arg9[%dma_wait3A_713, %dma_wait3A_714, %dma_wait3A_715] : memref<10x128x32xf32, #tpu.memory_space<vmem>> -> memref<1x128x32xf32, #tpu.memory_space<vmem>>
      %dma_wait3A_717 = tpu.memref_squeeze %dma_wait3A_716 : memref<1x128x32xf32, #tpu.memory_space<vmem>> -> memref<128x32xf32, #tpu.memory_space<vmem>>
      %dma_wait3A_718 = arith.constant 0 : i32
      %dma_wait3A_719 = tpu.memref_slice %arg7[%add3A_712, %dma_wait3A_718] : memref<160x128xi32, #tpu.memory_space<vmem>> -> memref<1x128xi32, #tpu.memory_space<vmem>>
      %dma_wait3A_720 = tpu.memref_squeeze %dma_wait3A_719 : memref<1x128xi32, #tpu.memory_space<vmem>> -> memref<128xi32, #tpu.memory_space<vmem>>
      %dma_wait3A_721 = arith.constant 0 : i32
      %dma_wait3A_722 = arith.constant 0 : i32
      %dma_wait3A_723 = tpu.memref_slice %arg10[%dma_wait3A_721, %dma_wait3A_722] : memref<10112x32xf32, #tpu.memory_space<vmem_shared>> -> memref<10112x32xf32, #tpu.memory_space<vmem_shared>>
      tpu.wait_indirect_dma semaphore(%arg21 : memref<!tpu.dma_semaphore, #tpu.memory_space<semaphore_mem>>) src(%dma_wait3A_723 : memref<10112x32xf32, #tpu.memory_space<vmem_shared>>) dst(%dma_wait3A_717 : memref<128x32xf32, #tpu.memory_space<vmem>>)
      %add3A_724 = arith.constant 9 : i32
      %add3A_725 = arith.addi %mul3A_300, %add3A_724 : i32
      %dma_start3A_726 = arith.constant 9 : i32
      %dma_start3A_727 = arith.constant 0 : i32
      %dma_start3A_728 = arith.constant 0 : i32
      %dma_start3A_729 = tpu.memref_slice %arg9[%dma_start3A_726, %dma_start3A_727, %dma_start3A_728] : memref<10x128x32xf32, #tpu.memory_space<vmem>> -> memref<1x128x32xf32, #tpu.memory_space<vmem>>
      %dma_start3A_730 = tpu.memref_squeeze %dma_start3A_729 : memref<1x128x32xf32, #tpu.memory_space<vmem>> -> memref<128x32xf32, #tpu.memory_space<vmem>>
      %dma_start3A_731 = arith.constant 0 : i32
      %dma_start3A_732 = tpu.memref_slice %arg8[%add3A_725, %dma_start3A_731] : memref<160x128xi32, #tpu.memory_space<vmem>> -> memref<1x128xi32, #tpu.memory_space<vmem>>
      %dma_start3A_733 = tpu.memref_squeeze %dma_start3A_732 : memref<1x128xi32, #tpu.memory_space<vmem>> -> memref<128xi32, #tpu.memory_space<vmem>>
      %dma_start3A_734 = arith.constant 0 : i32
      %dma_start3A_735 = arith.constant 0 : i32
      %dma_start3A_736 = tpu.memref_slice %arg11[%dma_start3A_734, %dma_start3A_735] : memref<10112x32xf32, #tpu.memory_space<vmem_shared>> -> memref<10112x32xf32, #tpu.memory_space<vmem_shared>>
      tpu.enqueue_indirect_dma source(%dma_start3A_730 : memref<128x32xf32, #tpu.memory_space<vmem>>) target(%dma_start3A_736 : memref<10112x32xf32, #tpu.memory_space<vmem_shared>>) offsets(%dma_start3A_733 : memref<128xi32, #tpu.memory_space<vmem>>) semaphore(%arg31 : memref<!tpu.dma_semaphore, #tpu.memory_space<semaphore_mem>>) {add = true}
    }
    %scan3A_169 = arith.constant 16 : i32
    %dma_wait3A_170 = arith.constant 0 : i32
    %dma_wait3A_171 = arith.constant 150 : i32
    %dma_wait3A_172 = arith.constant 0 : i32
    %dma_wait3A_173 = arith.constant 0 : i32
    %dma_wait3A_174 = tpu.memref_slice %arg9[%dma_wait3A_170, %dma_wait3A_172, %dma_wait3A_173] : memref<10x128x32xf32, #tpu.memory_space<vmem>> -> memref<1x128x32xf32, #tpu.memory_space<vmem>>
    %dma_wait3A_175 = tpu.memref_squeeze %dma_wait3A_174 : memref<1x128x32xf32, #tpu.memory_space<vmem>> -> memref<128x32xf32, #tpu.memory_space<vmem>>
    %dma_wait3A_176 = arith.constant 0 : i32
    %dma_wait3A_177 = tpu.memref_slice %arg8[%dma_wait3A_171, %dma_wait3A_176] : memref<160x128xi32, #tpu.memory_space<vmem>> -> memref<1x128xi32, #tpu.memory_space<vmem>>
    %dma_wait3A_178 = tpu.memref_squeeze %dma_wait3A_177 : memref<1x128xi32, #tpu.memory_space<vmem>> -> memref<128xi32, #tpu.memory_space<vmem>>
    %dma_wait3A_179 = arith.constant 0 : i32
    %dma_wait3A_180 = arith.constant 0 : i32
    %dma_wait3A_181 = tpu.memref_slice %arg11[%dma_wait3A_179, %dma_wait3A_180] : memref<10112x32xf32, #tpu.memory_space<vmem_shared>> -> memref<10112x32xf32, #tpu.memory_space<vmem_shared>>
    tpu.wait_indirect_dma semaphore(%arg22 : memref<!tpu.dma_semaphore, #tpu.memory_space<semaphore_mem>>) src(%dma_wait3A_175 : memref<128x32xf32, #tpu.memory_space<vmem>>) dst(%dma_wait3A_181 : memref<10112x32xf32, #tpu.memory_space<vmem_shared>>)
    %dma_wait3A_182 = arith.constant 1 : i32
    %dma_wait3A_183 = arith.constant 151 : i32
    %dma_wait3A_184 = arith.constant 0 : i32
    %dma_wait3A_185 = arith.constant 0 : i32
    %dma_wait3A_186 = tpu.memref_slice %arg9[%dma_wait3A_182, %dma_wait3A_184, %dma_wait3A_185] : memref<10x128x32xf32, #tpu.memory_space<vmem>> -> memref<1x128x32xf32, #tpu.memory_space<vmem>>
    %dma_wait3A_187 = tpu.memref_squeeze %dma_wait3A_186 : memref<1x128x32xf32, #tpu.memory_space<vmem>> -> memref<128x32xf32, #tpu.memory_space<vmem>>
    %dma_wait3A_188 = arith.constant 0 : i32
    %dma_wait3A_189 = tpu.memref_slice %arg8[%dma_wait3A_183, %dma_wait3A_188] : memref<160x128xi32, #tpu.memory_space<vmem>> -> memref<1x128xi32, #tpu.memory_space<vmem>>
    %dma_wait3A_190 = tpu.memref_squeeze %dma_wait3A_189 : memref<1x128xi32, #tpu.memory_space<vmem>> -> memref<128xi32, #tpu.memory_space<vmem>>
    %dma_wait3A_191 = arith.constant 0 : i32
    %dma_wait3A_192 = arith.constant 0 : i32
    %dma_wait3A_193 = tpu.memref_slice %arg11[%dma_wait3A_191, %dma_wait3A_192] : memref<10112x32xf32, #tpu.memory_space<vmem_shared>> -> memref<10112x32xf32, #tpu.memory_space<vmem_shared>>
    tpu.wait_indirect_dma semaphore(%arg23 : memref<!tpu.dma_semaphore, #tpu.memory_space<semaphore_mem>>) src(%dma_wait3A_187 : memref<128x32xf32, #tpu.memory_space<vmem>>) dst(%dma_wait3A_193 : memref<10112x32xf32, #tpu.memory_space<vmem_shared>>)
    %dma_wait3A_194 = arith.constant 2 : i32
    %dma_wait3A_195 = arith.constant 152 : i32
    %dma_wait3A_196 = arith.constant 0 : i32
    %dma_wait3A_197 = arith.constant 0 : i32
    %dma_wait3A_198 = tpu.memref_slice %arg9[%dma_wait3A_194, %dma_wait3A_196, %dma_wait3A_197] : memref<10x128x32xf32, #tpu.memory_space<vmem>> -> memref<1x128x32xf32, #tpu.memory_space<vmem>>
    %dma_wait3A_199 = tpu.memref_squeeze %dma_wait3A_198 : memref<1x128x32xf32, #tpu.memory_space<vmem>> -> memref<128x32xf32, #tpu.memory_space<vmem>>
    %dma_wait3A_200 = arith.constant 0 : i32
    %dma_wait3A_201 = tpu.memref_slice %arg8[%dma_wait3A_195, %dma_wait3A_200] : memref<160x128xi32, #tpu.memory_space<vmem>> -> memref<1x128xi32, #tpu.memory_space<vmem>>
    %dma_wait3A_202 = tpu.memref_squeeze %dma_wait3A_201 : memref<1x128xi32, #tpu.memory_space<vmem>> -> memref<128xi32, #tpu.memory_space<vmem>>
    %dma_wait3A_203 = arith.constant 0 : i32
    %dma_wait3A_204 = arith.constant 0 : i32
    %dma_wait3A_205 = tpu.memref_slice %arg11[%dma_wait3A_203, %dma_wait3A_204] : memref<10112x32xf32, #tpu.memory_space<vmem_shared>> -> memref<10112x32xf32, #tpu.memory_space<vmem_shared>>
    tpu.wait_indirect_dma semaphore(%arg24 : memref<!tpu.dma_semaphore, #tpu.memory_space<semaphore_mem>>) src(%dma_wait3A_199 : memref<128x32xf32, #tpu.memory_space<vmem>>) dst(%dma_wait3A_205 : memref<10112x32xf32, #tpu.memory_space<vmem_shared>>)
    %dma_wait3A_206 = arith.constant 3 : i32
    %dma_wait3A_207 = arith.constant 153 : i32
    %dma_wait3A_208 = arith.constant 0 : i32
    %dma_wait3A_209 = arith.constant 0 : i32
    %dma_wait3A_210 = tpu.memref_slice %arg9[%dma_wait3A_206, %dma_wait3A_208, %dma_wait3A_209] : memref<10x128x32xf32, #tpu.memory_space<vmem>> -> memref<1x128x32xf32, #tpu.memory_space<vmem>>
    %dma_wait3A_211 = tpu.memref_squeeze %dma_wait3A_210 : memref<1x128x32xf32, #tpu.memory_space<vmem>> -> memref<128x32xf32, #tpu.memory_space<vmem>>
    %dma_wait3A_212 = arith.constant 0 : i32
    %dma_wait3A_213 = tpu.memref_slice %arg8[%dma_wait3A_207, %dma_wait3A_212] : memref<160x128xi32, #tpu.memory_space<vmem>> -> memref<1x128xi32, #tpu.memory_space<vmem>>
    %dma_wait3A_214 = tpu.memref_squeeze %dma_wait3A_213 : memref<1x128xi32, #tpu.memory_space<vmem>> -> memref<128xi32, #tpu.memory_space<vmem>>
    %dma_wait3A_215 = arith.constant 0 : i32
    %dma_wait3A_216 = arith.constant 0 : i32
    %dma_wait3A_217 = tpu.memref_slice %arg11[%dma_wait3A_215, %dma_wait3A_216] : memref<10112x32xf32, #tpu.memory_space<vmem_shared>> -> memref<10112x32xf32, #tpu.memory_space<vmem_shared>>
    tpu.wait_indirect_dma semaphore(%arg25 : memref<!tpu.dma_semaphore, #tpu.memory_space<semaphore_mem>>) src(%dma_wait3A_211 : memref<128x32xf32, #tpu.memory_space<vmem>>) dst(%dma_wait3A_217 : memref<10112x32xf32, #tpu.memory_space<vmem_shared>>)
    %dma_wait3A_218 = arith.constant 4 : i32
    %dma_wait3A_219 = arith.constant 154 : i32
    %dma_wait3A_220 = arith.constant 0 : i32
    %dma_wait3A_221 = arith.constant 0 : i32
    %dma_wait3A_222 = tpu.memref_slice %arg9[%dma_wait3A_218, %dma_wait3A_220, %dma_wait3A_221] : memref<10x128x32xf32, #tpu.memory_space<vmem>> -> memref<1x128x32xf32, #tpu.memory_space<vmem>>
    %dma_wait3A_223 = tpu.memref_squeeze %dma_wait3A_222 : memref<1x128x32xf32, #tpu.memory_space<vmem>> -> memref<128x32xf32, #tpu.memory_space<vmem>>
    %dma_wait3A_224 = arith.constant 0 : i32
    %dma_wait3A_225 = tpu.memref_slice %arg8[%dma_wait3A_219, %dma_wait3A_224] : memref<160x128xi32, #tpu.memory_space<vmem>> -> memref<1x128xi32, #tpu.memory_space<vmem>>
    %dma_wait3A_226 = tpu.memref_squeeze %dma_wait3A_225 : memref<1x128xi32, #tpu.memory_space<vmem>> -> memref<128xi32, #tpu.memory_space<vmem>>
    %dma_wait3A_227 = arith.constant 0 : i32
    %dma_wait3A_228 = arith.constant 0 : i32
    %dma_wait3A_229 = tpu.memref_slice %arg11[%dma_wait3A_227, %dma_wait3A_228] : memref<10112x32xf32, #tpu.memory_space<vmem_shared>> -> memref<10112x32xf32, #tpu.memory_space<vmem_shared>>
    tpu.wait_indirect_dma semaphore(%arg26 : memref<!tpu.dma_semaphore, #tpu.memory_space<semaphore_mem>>) src(%dma_wait3A_223 : memref<128x32xf32, #tpu.memory_space<vmem>>) dst(%dma_wait3A_229 : memref<10112x32xf32, #tpu.memory_space<vmem_shared>>)
    %dma_wait3A_230 = arith.constant 5 : i32
    %dma_wait3A_231 = arith.constant 155 : i32
    %dma_wait3A_232 = arith.constant 0 : i32
    %dma_wait3A_233 = arith.constant 0 : i32
    %dma_wait3A_234 = tpu.memref_slice %arg9[%dma_wait3A_230, %dma_wait3A_232, %dma_wait3A_233] : memref<10x128x32xf32, #tpu.memory_space<vmem>> -> memref<1x128x32xf32, #tpu.memory_space<vmem>>
    %dma_wait3A_235 = tpu.memref_squeeze %dma_wait3A_234 : memref<1x128x32xf32, #tpu.memory_space<vmem>> -> memref<128x32xf32, #tpu.memory_space<vmem>>
    %dma_wait3A_236 = arith.constant 0 : i32
    %dma_wait3A_237 = tpu.memref_slice %arg8[%dma_wait3A_231, %dma_wait3A_236] : memref<160x128xi32, #tpu.memory_space<vmem>> -> memref<1x128xi32, #tpu.memory_space<vmem>>
    %dma_wait3A_238 = tpu.memref_squeeze %dma_wait3A_237 : memref<1x128xi32, #tpu.memory_space<vmem>> -> memref<128xi32, #tpu.memory_space<vmem>>
    %dma_wait3A_239 = arith.constant 0 : i32
    %dma_wait3A_240 = arith.constant 0 : i32
    %dma_wait3A_241 = tpu.memref_slice %arg11[%dma_wait3A_239, %dma_wait3A_240] : memref<10112x32xf32, #tpu.memory_space<vmem_shared>> -> memref<10112x32xf32, #tpu.memory_space<vmem_shared>>
    tpu.wait_indirect_dma semaphore(%arg27 : memref<!tpu.dma_semaphore, #tpu.memory_space<semaphore_mem>>) src(%dma_wait3A_235 : memref<128x32xf32, #tpu.memory_space<vmem>>) dst(%dma_wait3A_241 : memref<10112x32xf32, #tpu.memory_space<vmem_shared>>)
    %dma_wait3A_242 = arith.constant 6 : i32
    %dma_wait3A_243 = arith.constant 156 : i32
    %dma_wait3A_244 = arith.constant 0 : i32
    %dma_wait3A_245 = arith.constant 0 : i32
    %dma_wait3A_246 = tpu.memref_slice %arg9[%dma_wait3A_242, %dma_wait3A_244, %dma_wait3A_245] : memref<10x128x32xf32, #tpu.memory_space<vmem>> -> memref<1x128x32xf32, #tpu.memory_space<vmem>>
    %dma_wait3A_247 = tpu.memref_squeeze %dma_wait3A_246 : memref<1x128x32xf32, #tpu.memory_space<vmem>> -> memref<128x32xf32, #tpu.memory_space<vmem>>
    %dma_wait3A_248 = arith.constant 0 : i32
    %dma_wait3A_249 = tpu.memref_slice %arg8[%dma_wait3A_243, %dma_wait3A_248] : memref<160x128xi32, #tpu.memory_space<vmem>> -> memref<1x128xi32, #tpu.memory_space<vmem>>
    %dma_wait3A_250 = tpu.memref_squeeze %dma_wait3A_249 : memref<1x128xi32, #tpu.memory_space<vmem>> -> memref<128xi32, #tpu.memory_space<vmem>>
    %dma_wait3A_251 = arith.constant 0 : i32
    %dma_wait3A_252 = arith.constant 0 : i32
    %dma_wait3A_253 = tpu.memref_slice %arg11[%dma_wait3A_251, %dma_wait3A_252] : memref<10112x32xf32, #tpu.memory_space<vmem_shared>> -> memref<10112x32xf32, #tpu.memory_space<vmem_shared>>
    tpu.wait_indirect_dma semaphore(%arg28 : memref<!tpu.dma_semaphore, #tpu.memory_space<semaphore_mem>>) src(%dma_wait3A_247 : memref<128x32xf32, #tpu.memory_space<vmem>>) dst(%dma_wait3A_253 : memref<10112x32xf32, #tpu.memory_space<vmem_shared>>)
    %dma_wait3A_254 = arith.constant 7 : i32
    %dma_wait3A_255 = arith.constant 157 : i32
    %dma_wait3A_256 = arith.constant 0 : i32
    %dma_wait3A_257 = arith.constant 0 : i32
    %dma_wait3A_258 = tpu.memref_slice %arg9[%dma_wait3A_254, %dma_wait3A_256, %dma_wait3A_257] : memref<10x128x32xf32, #tpu.memory_space<vmem>> -> memref<1x128x32xf32, #tpu.memory_space<vmem>>
    %dma_wait3A_259 = tpu.memref_squeeze %dma_wait3A_258 : memref<1x128x32xf32, #tpu.memory_space<vmem>> -> memref<128x32xf32, #tpu.memory_space<vmem>>
    %dma_wait3A_260 = arith.constant 0 : i32
    %dma_wait3A_261 = tpu.memref_slice %arg8[%dma_wait3A_255, %dma_wait3A_260] : memref<160x128xi32, #tpu.memory_space<vmem>> -> memref<1x128xi32, #tpu.memory_space<vmem>>
    %dma_wait3A_262 = tpu.memref_squeeze %dma_wait3A_261 : memref<1x128xi32, #tpu.memory_space<vmem>> -> memref<128xi32, #tpu.memory_space<vmem>>
    %dma_wait3A_263 = arith.constant 0 : i32
    %dma_wait3A_264 = arith.constant 0 : i32
    %dma_wait3A_265 = tpu.memref_slice %arg11[%dma_wait3A_263, %dma_wait3A_264] : memref<10112x32xf32, #tpu.memory_space<vmem_shared>> -> memref<10112x32xf32, #tpu.memory_space<vmem_shared>>
    tpu.wait_indirect_dma semaphore(%arg29 : memref<!tpu.dma_semaphore, #tpu.memory_space<semaphore_mem>>) src(%dma_wait3A_259 : memref<128x32xf32, #tpu.memory_space<vmem>>) dst(%dma_wait3A_265 : memref<10112x32xf32, #tpu.memory_space<vmem_shared>>)
    %dma_wait3A_266 = arith.constant 8 : i32
    %dma_wait3A_267 = arith.constant 158 : i32
    %dma_wait3A_268 = arith.constant 0 : i32
    %dma_wait3A_269 = arith.constant 0 : i32
    %dma_wait3A_270 = tpu.memref_slice %arg9[%dma_wait3A_266, %dma_wait3A_268, %dma_wait3A_269] : memref<10x128x32xf32, #tpu.memory_space<vmem>> -> memref<1x128x32xf32, #tpu.memory_space<vmem>>
    %dma_wait3A_271 = tpu.memref_squeeze %dma_wait3A_270 : memref<1x128x32xf32, #tpu.memory_space<vmem>> -> memref<128x32xf32, #tpu.memory_space<vmem>>
    %dma_wait3A_272 = arith.constant 0 : i32
    %dma_wait3A_273 = tpu.memref_slice %arg8[%dma_wait3A_267, %dma_wait3A_272] : memref<160x128xi32, #tpu.memory_space<vmem>> -> memref<1x128xi32, #tpu.memory_space<vmem>>
    %dma_wait3A_274 = tpu.memref_squeeze %dma_wait3A_273 : memref<1x128xi32, #tpu.memory_space<vmem>> -> memref<128xi32, #tpu.memory_space<vmem>>
    %dma_wait3A_275 = arith.constant 0 : i32
    %dma_wait3A_276 = arith.constant 0 : i32
    %dma_wait3A_277 = tpu.memref_slice %arg11[%dma_wait3A_275, %dma_wait3A_276] : memref<10112x32xf32, #tpu.memory_space<vmem_shared>> -> memref<10112x32xf32, #tpu.memory_space<vmem_shared>>
    tpu.wait_indirect_dma semaphore(%arg30 : memref<!tpu.dma_semaphore, #tpu.memory_space<semaphore_mem>>) src(%dma_wait3A_271 : memref<128x32xf32, #tpu.memory_space<vmem>>) dst(%dma_wait3A_277 : memref<10112x32xf32, #tpu.memory_space<vmem_shared>>)
    %dma_wait3A_278 = arith.constant 9 : i32
    %dma_wait3A_279 = arith.constant 159 : i32
    %dma_wait3A_280 = arith.constant 0 : i32
    %dma_wait3A_281 = arith.constant 0 : i32
    %dma_wait3A_282 = tpu.memref_slice %arg9[%dma_wait3A_278, %dma_wait3A_280, %dma_wait3A_281] : memref<10x128x32xf32, #tpu.memory_space<vmem>> -> memref<1x128x32xf32, #tpu.memory_space<vmem>>
    %dma_wait3A_283 = tpu.memref_squeeze %dma_wait3A_282 : memref<1x128x32xf32, #tpu.memory_space<vmem>> -> memref<128x32xf32, #tpu.memory_space<vmem>>
    %dma_wait3A_284 = arith.constant 0 : i32
    %dma_wait3A_285 = tpu.memref_slice %arg8[%dma_wait3A_279, %dma_wait3A_284] : memref<160x128xi32, #tpu.memory_space<vmem>> -> memref<1x128xi32, #tpu.memory_space<vmem>>
    %dma_wait3A_286 = tpu.memref_squeeze %dma_wait3A_285 : memref<1x128xi32, #tpu.memory_space<vmem>> -> memref<128xi32, #tpu.memory_space<vmem>>
    %dma_wait3A_287 = arith.constant 0 : i32
    %dma_wait3A_288 = arith.constant 0 : i32
    %dma_wait3A_289 = tpu.memref_slice %arg11[%dma_wait3A_287, %dma_wait3A_288] : memref<10112x32xf32, #tpu.memory_space<vmem_shared>> -> memref<10112x32xf32, #tpu.memory_space<vmem_shared>>
    tpu.wait_indirect_dma semaphore(%arg31 : memref<!tpu.dma_semaphore, #tpu.memory_space<semaphore_mem>>) src(%dma_wait3A_283 : memref<128x32xf32, #tpu.memory_space<vmem>>) dst(%dma_wait3A_289 : memref<10112x32xf32, #tpu.memory_space<vmem_shared>>)
    %barrier3A_290 = arith.constant 0 : index
    tpu.barrier barrier_id(%barrier3A_290)
    %mul3A_291 = arith.constant 632 : i32
    %mul3A_292 = arith.muli %arg1, %mul3A_291 : i32
    %mul3A_293 = arith.constant 632 : i32
    %mul3A_294 = arith.muli %arg1, %mul3A_293 : i32
    %mul3A_295 = arith.constant 32 : i32
    %mul3A_296 = arith.muli %add3A_149, %mul3A_295 : i32
    "tpu.region"() ({
      %run_scoped3A_298 = tpu.sem_alloc : memref<!tpu.dma_semaphore, #tpu.memory_space<semaphore_mem>>
      %dma_start3A = tpu.memref_slice %arg6[%mul3A_294, %mul3A_296] : memref<10112x128xf32, #tpu.memory_space<hbm>> -> memref<632x32xf32, #tpu.memory_space<hbm>>
      %dma_start3A_299 = arith.constant 0 : i32
      %dma_start3A_300 = tpu.memref_slice %arg11[%mul3A_292, %dma_start3A_299] : memref<10112x32xf32, #tpu.memory_space<vmem_shared>> -> memref<632x32xf32, #tpu.memory_space<vmem_shared>>
      tpu.enqueue_dma source(%dma_start3A_300 : memref<632x32xf32, #tpu.memory_space<vmem_shared>>) target(%dma_start3A : memref<632x32xf32, #tpu.memory_space<hbm>>) target_semaphore(%run_scoped3A_298 : memref<!tpu.dma_semaphore, #tpu.memory_space<semaphore_mem>>)
      %dma_wait3A_301 = tpu.memref_slice %arg6[%mul3A_294, %mul3A_296] : memref<10112x128xf32, #tpu.memory_space<hbm>> -> memref<632x32xf32, #tpu.memory_space<hbm>>
      %dma_wait3A_302 = arith.constant 0 : i32
      %dma_wait3A_303 = tpu.memref_slice %arg11[%mul3A_292, %dma_wait3A_302] : memref<10112x32xf32, #tpu.memory_space<vmem_shared>> -> memref<632x32xf32, #tpu.memory_space<vmem_shared>>
      tpu.wait_dma2 semaphore(%run_scoped3A_298 : memref<!tpu.dma_semaphore, #tpu.memory_space<semaphore_mem>>) src(%dma_wait3A_303 : memref<632x32xf32, #tpu.memory_space<vmem_shared>>) dst(%dma_wait3A_301 : memref<632x32xf32, #tpu.memory_space<hbm>>)
      tpu.yield
    }) : () -> ()
    %barrier3A_297 = arith.constant 0 : index
    tpu.barrier barrier_id(%barrier3A_297)
    return
  }
}

module attributes {stable_mosaic.version = 14 : i64} {
  func.func @_mm_scale_body(%arg0: i32, %arg1: memref<1264x128xf32, #tpu.memory_space<vmem>>, %arg2: memref<128x128xf32, #tpu.memory_space<vmem>>, %arg3: memref<2x1264x16xf32, #tpu.memory_space<vmem>>, %arg4: memref<1264x128xf32, #tpu.memory_space<vmem>>) attributes {dimension_semantics = [#tpu.dimension_semantics<arbitrary>], iteration_bounds = array<i64: 8>, scalar_prefetch = 0 : i64, scratch_operands = 0 : i64, tpu.core_type = #tpu.core_type<tc>, window_params = [{transform_indices = @transform_0, window_bounds = array<i64: 1264, 128>}, {pipeline_mode = #tpu.pipeline_mode<synchronous>, transform_indices = @transform_1, window_bounds = array<i64: 128, 128>}, {transform_indices = @transform_2, window_bounds = array<i64: 2, 1264, 16>}, {transform_indices = @transform_3, window_bounds = array<i64: 1264, 128>}]} {
    %get3A = arith.constant 0 : index
    %get3A_0 = arith.constant 0 : index
    %get3A_1 = arith.constant 0 : index
    %get3A_2 = vector.load %arg3[%get3A, %get3A_0, %get3A_1] : memref<2x1264x16xf32, #tpu.memory_space<vmem>>, vector<1x1264x1xf32>
    %get3A_3 = vector.shape_cast %get3A_2 : vector<1x1264x1xf32> to vector<1264x1xf32>
    %get3A_4 = arith.constant 1 : index
    %get3A_5 = arith.constant 0 : index
    %get3A_6 = arith.constant 0 : index
    %get3A_7 = vector.load %arg3[%get3A_4, %get3A_5, %get3A_6] : memref<2x1264x16xf32, #tpu.memory_space<vmem>>, vector<1x1264x1xf32>
    %get3A_8 = vector.shape_cast %get3A_7 : vector<1x1264x1xf32> to vector<1264x1xf32>
    %add3A = arith.addf %get3A_3, %get3A_8 : vector<1264x1xf32>
    %add3A_9 = arith.constant 1.000000e+00 : f32
    %add3A_10 = vector.broadcast %add3A_9 : f32 to vector<1264x1xf32>
    %add3A_11 = arith.addf %add3A, %add3A_10 : vector<1264x1xf32>
    %rsqrt3A = math.rsqrt %add3A_11 : vector<1264x1xf32>
    %get3A_12 = arith.constant 0 : index
    %get3A_13 = arith.constant 0 : index
    %get3A_14 = vector.load %arg1[%get3A_12, %get3A_13] : memref<1264x128xf32, #tpu.memory_space<vmem>>, vector<1264x128xf32>
    %get3A_15 = arith.constant 0 : index
    %get3A_16 = arith.constant 0 : index
    %get3A_17 = vector.load %arg2[%get3A_15, %get3A_16] : memref<128x128xf32, #tpu.memory_space<vmem>>, vector<128x128xf32>
    %dot_general3A = arith.constant dense<0.000000e+00> : vector<1264x128xf32>
    %dot_general3A_18 = tpu.matmul %get3A_14, %get3A_17, %dot_general3A {dimension_numbers = #tpu.dot_dimension_numbers<[1], [0], [0], [1], [0, 0, 1, 1], [], []>, transpose_lhs_hint = false} : vector<1264x128xf32>, vector<128x128xf32>, vector<1264x128xf32> -> vector<1264x128xf32>
    %mul3A = vector.broadcast %rsqrt3A : vector<1264x1xf32> to vector<1264x128xf32>
    %mul3A_19 = arith.mulf %dot_general3A_18, %mul3A : vector<1264x128xf32>
    %swap3A = arith.constant 0 : index
    %swap3A_20 = arith.constant 0 : index
    %swap3A_21 = vector.load %arg4[%swap3A, %swap3A_20] : memref<1264x128xf32, #tpu.memory_space<vmem>>, vector<1264x128xf32>
    tpu.vector_store %arg4[%swap3A, %swap3A_20], %mul3A_19 {strides = array<i32>} : memref<1264x128xf32, #tpu.memory_space<vmem>>, vector<1264x128xf32>,
    return
  }
  func.func @transform_0(%arg0: i32) -> (i32, i32) {
    %c0_i32 = arith.constant 0 : i32
    %c0_i32_0 = arith.constant 0 : i32
    return %arg0, %c0_i32 : i32, i32
  }
  func.func @transform_1(%arg0: i32) -> (i32, i32) {
    %c0_i32 = arith.constant 0 : i32
    %c0_i32_0 = arith.constant 0 : i32
    %c0_i32_1 = arith.constant 0 : i32
    return %c0_i32, %c0_i32_0 : i32, i32
  }
  func.func @transform_2(%arg0: i32) -> (i32, i32, i32) {
    %c0_i32 = arith.constant 0 : i32
    %c0_i32_0 = arith.constant 0 : i32
    %c0_i32_1 = arith.constant 0 : i32
    return %c0_i32, %arg0, %c0_i32_0 : i32, i32, i32
  }
  func.func @transform_3(%arg0: i32) -> (i32, i32) {
    %c0_i32 = arith.constant 0 : i32
    %c0_i32_0 = arith.constant 0 : i32
    return %arg0, %c0_i32 : i32, i32
  }
}

module attributes {stable_mosaic.version = 14 : i64} {
  func.func @_mid_body(%arg0: i32, %arg1: memref<1264x128xf32, #tpu.memory_space<vmem>>, %arg2: memref<1264x128xf32, #tpu.memory_space<vmem>>, %arg3: memref<2x1264x16xf32, #tpu.memory_space<vmem>>, %arg4: memref<128x128xf32, #tpu.memory_space<vmem>>, %arg5: memref<1x128xf32, #tpu.memory_space<vmem>>, %arg6: memref<1264x128xf32, #tpu.memory_space<vmem>>) attributes {dimension_semantics = [#tpu.dimension_semantics<arbitrary>], iteration_bounds = array<i64: 8>, scalar_prefetch = 0 : i64, scratch_operands = 0 : i64, tpu.core_type = #tpu.core_type<tc>, window_params = [{transform_indices = @transform_0, window_bounds = array<i64: 1264, 128>}, {transform_indices = @transform_1, window_bounds = array<i64: 1264, 128>}, {transform_indices = @transform_2, window_bounds = array<i64: 2, 1264, 16>}, {pipeline_mode = #tpu.pipeline_mode<synchronous>, transform_indices = @transform_3, window_bounds = array<i64: 128, 128>}, {pipeline_mode = #tpu.pipeline_mode<synchronous>, transform_indices = @transform_4, window_bounds = array<i64: 1, 128>}, {transform_indices = @transform_5, window_bounds = array<i64: 1264, 128>}]} {
    %get3A = arith.constant 0 : index
    %get3A_0 = arith.constant 0 : index
    %get3A_1 = arith.constant 0 : index
    %get3A_2 = vector.load %arg3[%get3A, %get3A_0, %get3A_1] : memref<2x1264x16xf32, #tpu.memory_space<vmem>>, vector<1x1264x1xf32>
    %get3A_3 = vector.shape_cast %get3A_2 : vector<1x1264x1xf32> to vector<1264x1xf32>
    %get3A_4 = arith.constant 1 : index
    %get3A_5 = arith.constant 0 : index
    %get3A_6 = arith.constant 0 : index
    %get3A_7 = vector.load %arg3[%get3A_4, %get3A_5, %get3A_6] : memref<2x1264x16xf32, #tpu.memory_space<vmem>>, vector<1x1264x1xf32>
    %get3A_8 = vector.shape_cast %get3A_7 : vector<1x1264x1xf32> to vector<1264x1xf32>
    %add3A = arith.addf %get3A_3, %get3A_8 : vector<1264x1xf32>
    %add3A_9 = arith.constant 1.000000e+00 : f32
    %add3A_10 = vector.broadcast %add3A_9 : f32 to vector<1264x1xf32>
    %add3A_11 = arith.addf %add3A, %add3A_10 : vector<1264x1xf32>
    %rsqrt3A = math.rsqrt %add3A_11 : vector<1264x1xf32>
    %get3A_12 = arith.constant 0 : index
    %get3A_13 = arith.constant 0 : index
    %get3A_14 = vector.load %arg1[%get3A_12, %get3A_13] : memref<1264x128xf32, #tpu.memory_space<vmem>>, vector<1264x128xf32>
    %get3A_15 = arith.constant 0 : index
    %get3A_16 = arith.constant 0 : index
    %get3A_17 = vector.load %arg2[%get3A_15, %get3A_16] : memref<1264x128xf32, #tpu.memory_space<vmem>>, vector<1264x128xf32>
    %add3A_18 = arith.addf %get3A_14, %get3A_17 : vector<1264x128xf32>
    %mul3A = vector.broadcast %rsqrt3A : vector<1264x1xf32> to vector<1264x128xf32>
    %mul3A_19 = arith.mulf %mul3A, %add3A_18 : vector<1264x128xf32>
    %get3A_20 = arith.constant 0 : index
    %get3A_21 = arith.constant 0 : index
    %get3A_22 = vector.load %arg5[%get3A_20, %get3A_21] : memref<1x128xf32, #tpu.memory_space<vmem>>, vector<1x128xf32>
    %add3A_23 = vector.broadcast %get3A_22 : vector<1x128xf32> to vector<1264x128xf32>
    %add3A_24 = arith.addf %mul3A_19, %add3A_23 : vector<1264x128xf32>
    %max3A = arith.constant 0.000000e+00 : f32
    %max3A_25 = vector.broadcast %max3A : f32 to vector<1264x128xf32>
    %max3A_26 = arith.maximumf %add3A_24, %max3A_25 : vector<1264x128xf32>
    %get3A_27 = arith.constant 0 : index
    %get3A_28 = arith.constant 0 : index
    %get3A_29 = vector.load %arg4[%get3A_27, %get3A_28] : memref<128x128xf32, #tpu.memory_space<vmem>>, vector<128x128xf32>
    %dot_general3A = arith.constant dense<0.000000e+00> : vector<1264x128xf32>
    %dot_general3A_30 = tpu.matmul %max3A_26, %get3A_29, %dot_general3A {dimension_numbers = #tpu.dot_dimension_numbers<[1], [0], [0], [1], [0, 0, 1, 1], [], []>, transpose_lhs_hint = false} : vector<1264x128xf32>, vector<128x128xf32>, vector<1264x128xf32> -> vector<1264x128xf32>
    %mul3A_31 = vector.broadcast %rsqrt3A : vector<1264x1xf32> to vector<1264x128xf32>
    %mul3A_32 = arith.mulf %dot_general3A_30, %mul3A_31 : vector<1264x128xf32>
    %swap3A = arith.constant 0 : index
    %swap3A_33 = arith.constant 0 : index
    %swap3A_34 = vector.load %arg6[%swap3A, %swap3A_33] : memref<1264x128xf32, #tpu.memory_space<vmem>>, vector<1264x128xf32>
    tpu.vector_store %arg6[%swap3A, %swap3A_33], %mul3A_32 {strides = array<i32>} : memref<1264x128xf32, #tpu.memory_space<vmem>>, vector<1264x128xf32>,
    return
  }
  func.func @transform_0(%arg0: i32) -> (i32, i32) {
    %c0_i32 = arith.constant 0 : i32
    %c0_i32_0 = arith.constant 0 : i32
    return %arg0, %c0_i32 : i32, i32
  }
  func.func @transform_1(%arg0: i32) -> (i32, i32) {
    %c0_i32 = arith.constant 0 : i32
    %c0_i32_0 = arith.constant 0 : i32
    return %arg0, %c0_i32 : i32, i32
  }
  func.func @transform_2(%arg0: i32) -> (i32, i32, i32) {
    %c0_i32 = arith.constant 0 : i32
    %c0_i32_0 = arith.constant 0 : i32
    %c0_i32_1 = arith.constant 0 : i32
    return %c0_i32, %arg0, %c0_i32_0 : i32, i32, i32
  }
  func.func @transform_3(%arg0: i32) -> (i32, i32) {
    %c0_i32 = arith.constant 0 : i32
    %c0_i32_0 = arith.constant 0 : i32
    %c0_i32_1 = arith.constant 0 : i32
    return %c0_i32, %c0_i32_0 : i32, i32
  }
  func.func @transform_4(%arg0: i32) -> (i32, i32) {
    %c0_i32 = arith.constant 0 : i32
    %c0_i32_0 = arith.constant 0 : i32
    %c0_i32_1 = arith.constant 0 : i32
    return %c0_i32, %c0_i32_0 : i32, i32
  }
  func.func @transform_5(%arg0: i32) -> (i32, i32) {
    %c0_i32 = arith.constant 0 : i32
    %c0_i32_0 = arith.constant 0 : i32
    return %arg0, %c0_i32 : i32, i32
  }
}

module attributes {stable_mosaic.version = 14 : i64} {
  func.func @_final_body(%arg0: i32, %arg1: memref<1264x128xf32, #tpu.memory_space<vmem>>, %arg2: memref<1264x128xf32, #tpu.memory_space<vmem>>, %arg3: memref<2x1264x16xf32, #tpu.memory_space<vmem>>, %arg4: memref<1x128xf32, #tpu.memory_space<vmem>>, %arg5: memref<1264x128xf32, #tpu.memory_space<vmem>>) attributes {dimension_semantics = [#tpu.dimension_semantics<arbitrary>], iteration_bounds = array<i64: 8>, scalar_prefetch = 0 : i64, scratch_operands = 0 : i64, tpu.core_type = #tpu.core_type<tc>, window_params = [{transform_indices = @transform_0, window_bounds = array<i64: 1264, 128>}, {transform_indices = @transform_1, window_bounds = array<i64: 1264, 128>}, {transform_indices = @transform_2, window_bounds = array<i64: 2, 1264, 16>}, {pipeline_mode = #tpu.pipeline_mode<synchronous>, transform_indices = @transform_3, window_bounds = array<i64: 1, 128>}, {transform_indices = @transform_4, window_bounds = array<i64: 1264, 128>}]} {
    %get3A = arith.constant 0 : index
    %get3A_0 = arith.constant 0 : index
    %get3A_1 = arith.constant 0 : index
    %get3A_2 = vector.load %arg3[%get3A, %get3A_0, %get3A_1] : memref<2x1264x16xf32, #tpu.memory_space<vmem>>, vector<1x1264x1xf32>
    %get3A_3 = vector.shape_cast %get3A_2 : vector<1x1264x1xf32> to vector<1264x1xf32>
    %get3A_4 = arith.constant 1 : index
    %get3A_5 = arith.constant 0 : index
    %get3A_6 = arith.constant 0 : index
    %get3A_7 = vector.load %arg3[%get3A_4, %get3A_5, %get3A_6] : memref<2x1264x16xf32, #tpu.memory_space<vmem>>, vector<1x1264x1xf32>
    %get3A_8 = vector.shape_cast %get3A_7 : vector<1x1264x1xf32> to vector<1264x1xf32>
    %add3A = arith.addf %get3A_3, %get3A_8 : vector<1264x1xf32>
    %add3A_9 = arith.constant 1.000000e+00 : f32
    %add3A_10 = vector.broadcast %add3A_9 : f32 to vector<1264x1xf32>
    %add3A_11 = arith.addf %add3A, %add3A_10 : vector<1264x1xf32>
    %rsqrt3A = math.rsqrt %add3A_11 : vector<1264x1xf32>
    %get3A_12 = arith.constant 0 : index
    %get3A_13 = arith.constant 0 : index
    %get3A_14 = vector.load %arg1[%get3A_12, %get3A_13] : memref<1264x128xf32, #tpu.memory_space<vmem>>, vector<1264x128xf32>
    %get3A_15 = arith.constant 0 : index
    %get3A_16 = arith.constant 0 : index
    %get3A_17 = vector.load %arg2[%get3A_15, %get3A_16] : memref<1264x128xf32, #tpu.memory_space<vmem>>, vector<1264x128xf32>
    %add3A_18 = arith.addf %get3A_14, %get3A_17 : vector<1264x128xf32>
    %mul3A = vector.broadcast %rsqrt3A : vector<1264x1xf32> to vector<1264x128xf32>
    %mul3A_19 = arith.mulf %mul3A, %add3A_18 : vector<1264x128xf32>
    %get3A_20 = arith.constant 0 : index
    %get3A_21 = arith.constant 0 : index
    %get3A_22 = vector.load %arg4[%get3A_20, %get3A_21] : memref<1x128xf32, #tpu.memory_space<vmem>>, vector<1x128xf32>
    %add3A_23 = vector.broadcast %get3A_22 : vector<1x128xf32> to vector<1264x128xf32>
    %add3A_24 = arith.addf %mul3A_19, %add3A_23 : vector<1264x128xf32>
    %swap3A = arith.constant 0 : index
    %swap3A_25 = arith.constant 0 : index
    %swap3A_26 = vector.load %arg5[%swap3A, %swap3A_25] : memref<1264x128xf32, #tpu.memory_space<vmem>>, vector<1264x128xf32>
    tpu.vector_store %arg5[%swap3A, %swap3A_25], %add3A_24 {strides = array<i32>} : memref<1264x128xf32, #tpu.memory_space<vmem>>, vector<1264x128xf32>,
    return
  }
  func.func @transform_0(%arg0: i32) -> (i32, i32) {
    %c0_i32 = arith.constant 0 : i32
    %c0_i32_0 = arith.constant 0 : i32
    return %arg0, %c0_i32 : i32, i32
  }
  func.func @transform_1(%arg0: i32) -> (i32, i32) {
    %c0_i32 = arith.constant 0 : i32
    %c0_i32_0 = arith.constant 0 : i32
    return %arg0, %c0_i32 : i32, i32
  }
  func.func @transform_2(%arg0: i32) -> (i32, i32, i32) {
    %c0_i32 = arith.constant 0 : i32
    %c0_i32_0 = arith.constant 0 : i32
    %c0_i32_1 = arith.constant 0 : i32
    return %c0_i32, %arg0, %c0_i32_0 : i32, i32, i32
  }
  func.func @transform_3(%arg0: i32) -> (i32, i32) {
    %c0_i32 = arith.constant 0 : i32
    %c0_i32_0 = arith.constant 0 : i32
    %c0_i32_1 = arith.constant 0 : i32
    return %c0_i32, %c0_i32_0 : i32, i32
  }
  func.func @transform_4(%arg0: i32) -> (i32, i32) {
    %c0_i32 = arith.constant 0 : i32
    %c0_i32_0 = arith.constant 0 : i32
    return %arg0, %c0_i32 : i32, i32
  }
}

</mosaic_0001>

<sc_bundles>
// kernel: kernel.11.cloned.1.call-start
scs
__scs_entry_jumppad:
0x0: {  	(pc) =	sbr.rel $0x88, $3  }
0x1: {  	(tag) =	ssettag $0x0;
	lr =	simm.s32 $0x1  }
0x2: {  	[smem:$0x3F9B] =	sst lr;
	_ =	strace $0xD0000000  }
0x3: {  	_ = 	snop  }
0x4: {  	_ = 	snop  }
0x5: {  	_ = 	snop  }
0x6: {  	_ = 	snop  }
0x7: {  	_ = 	snop  }
__scs_overlays_trampoline_lowered:
0x8: {  	[smem:$0x3FAA] =	sst s0  }
0x9: {  	[smem:$0x3FAB] =	sst s1  }
0xa: {  	[smem:$0x3FAC] =	sst s2  }
0xb: {  	[smem:$0x3FAD] =	sst s3  }
0xc: {  	[smem:$0x3FAE] =	sst s4  }
0xd: {  	[smem:$0x3FAF] =	sst s5  }
0xe: {  	[smem:$0x3FB0] =	sst s6  }
0xf: {  	[smem:$0x3FB1] =	sst s7  }
0x10: {  	[smem:$0x3FB2] =	sst s8  }
0x11: {  	[smem:$0x3FB3] =	sst s9;
	s0 =	simm.s32 @!p0 $0x0  }
0x12: {  	s1 =	sld [smem:$0x3F99];
	s0 =	simm.s32 @p0 $0x1  }
0x13: {  	[smem:$0x3FB4] =	sst s0;
	s0 =	simm.s32 @!p1 $0x0  }
0x14: {  	s2 =	sld [smem:$0x3F98];
	s0 =	simm.s32 @p1 $0x1  }
0x15: {  	[smem:$0x3FB5] =	sst s0;
	s0 =	simm.s32 @!p2 $0x0  }
0x16: {  	s3 =	sld [smem:$0x3FDB];
	s0 =	simm.s32 @p2 $0x1  }
0x17: {  	s4 =	simm.s32 $0x1BF5;
	[smem:$0x3FB7] =	sst s0  }
0x18: {  	s0 =	sld [smem:$0x3F9A];
	_ =	swait.ge [sflag:s4], $0x0  }
0x19: {  	s7 =	sld [smem:$0x3F9B]  }
0x1a: {  	s8 =	sadd.s32 $0xFFFFE003, lr  }
0x1b: {  	s9 =	sadd.s32 $0xFFFFFEF7, lr;
	s5 =	simm.s32 $0xFFFFFFFF;
	p2 =	slt.u32 s8, $0xFFFFF086  }
0x1c: {  	p1 =	slt.u32 s9, $0xF7A;
	s5 =	simm.s32 @!p2 $0x0  }
0x1d: {  	s5 =	simm.s32 @p1 $0x1;
	p0 =	seq.s32 s7, s2  }
0x1e: {  	s7 =	smul.u32 @!p0 $0xF7A, s2;
	p2 =	seq.s32 @!p0 s5, $0x0  }
0x1f: {  	s9 =	smul.u32 $0xF7A, s1;
	s8 =	simm.s32 @!p0 $0x1BF5;
	p2 =	por !p2, p0  }
0x20: {  	[sflag:s8] =	ssyncset.s32 @!p0 $0xFFFFF086;
	s6 =	sadd.s32 @!p0 s3, s7;
	s7 =	simm.s32 @!p0 $0x108  }
0x21: {  	s3 =	sadd.s32 s3, s9;
	s6 =	sadd.s32 @!p0 $0x88, s6;
	s7 =	simm.s32 @p2 $0x1082  }
0x22: {  	[simem:s7], [sflag:s8] =	dma.local @!p0 [hbm:s6], $0xF7A  }
0x23: {  	s9 =	sor.u32 $0xD0000000, s2;
	s6 =	simm.s32 $0x108;
	_ =	swait.ge @!p0 [sflag:s8], $0x0  }
0x24: {  	s3 =	sadd.s32 $0x88, s3;
	s6 =	simm.s32 @!p1 $0x1082;
	[sflag:s4] =	ssyncset.s32 $0xFFFFF086  }
0x25: {  	[simem:s6], [sflag:s4] =	dma.local [hbm:s3], $0xF7A  }
0x26: {  	[smem:$0x3F9B] =	sst s1;
	(tag) =	ssettag s2;
	_ =	strace s9  }
0x27: {  	s1 =	sld [smem:$0x3FAB]  }
0x28: {  	s2 =	sld [smem:$0x3FAC]  }
0x29: {  	s4 =	sld [smem:$0x3FAE]  }
0x2a: {  	p0 =	seq.s32 s5, $0x0;
	s5 =	sld [smem:$0x3FAF]  }
0x2b: {  	s6 =	sld [smem:$0x3FB0]  }
0x2c: {  	s7 =	sld [smem:$0x3FB1]  }
0x2d: {  	s3 =	simm.s32 $0x108;
	s8 =	sld [smem:$0x3FB2]  }
0x2e: {  	s3 =	simm.s32 @!p0 $0x1082;
	s9 =	sld [smem:$0x3FB3]  }
0x2f: {  	lr =	sadd.s32 s0, s3;
	s0 =	sld [smem:$0x3FAA]  }
0x30: {  	s3 =	sld [smem:$0x3FAD]  }
0x31: {  	[smem:$0x3FB6] =	sst s10  }
0x32: {  	s10 =	sld [smem:$0x3FB4];
	_ =	sdelay $0x3  }
0x33: {  	p0 =	seq.s32 s10, $0x1;
	s10 =	sld [smem:$0x3FB6];
	_ =	sdelay $0x3  }
0x34: {  	[smem:$0x3FB6] =	sst s10  }
0x35: {  	s10 =	sld [smem:$0x3FB5];
	_ =	sdelay $0x3  }
0x36: {  	p1 =	seq.s32 s10, $0x1;
	s10 =	sld [smem:$0x3FB6];
	_ =	sdelay $0x3  }
0x37: {  	[smem:$0x3FB6] =	sst s10  }
0x38: {  	s10 =	sld [smem:$0x3FB7]  }
0x39: {  	_ = 	snop;
	(pc) =	sbr.ind lr, $3  }
0x3a: {  	_ = 	snop  }
0x3b: {  	_ = 	snop  }
0x3c: {  	p2 =	seq.s32 s10, $0x1;
	s10 =	sld [smem:$0x3FB6]  }
0x3d: {  	_ =	shalt  }
0x3e: {  	_ =	shalt  }
0x3f: {  	_ =	shalt  }
0x40: {  	_ =	shalt  }
0x41: {  	_ =	shalt  }
0x42: {  	_ =	shalt  }
0x43: {  	_ =	shalt  }
0x44: {  	_ =	shalt  }
0x45: {  	_ =	shalt  }
0x46: {  	_ =	shalt  }
0x47: {  	_ =	shalt  }
0x48: {  	_ =	shalt  }
0x49: {  	_ =	shalt  }
0x4a: {  	_ =	shalt  }
0x4b: {  	_ =	shalt  }
0x4c: {  	_ =	shalt  }
0x4d: {  	_ =	shalt  }
0x4e: {  	_ =	shalt  }
0x4f: {  	_ =	shalt  }
0x50: {  	_ =	shalt  }
0x51: {  	_ =	shalt  }
0x52: {  	_ =	shalt  }
0x53: {  	_ =	shalt  }
0x54: {  	_ =	shalt  }
0x55: {  	_ =	shalt  }
0x56: {  	_ =	shalt  }
0x57: {  	_ =	shalt  }
0x58: {  	_ =	shalt  }
0x59: {  	_ =	shalt  }
0x5a: {  	_ =	shalt  }
0x5b: {  	_ =	shalt  }
0x5c: {  	_ =	shalt  }
0x5d: {  	_ =	shalt  }
0x5e: {  	_ =	shalt  }
0x5f: {  	_ =	shalt  }
0x60: {  	_ =	shalt  }
0x61: {  	_ =	shalt  }
0x62: {  	_ =	shalt  }
0x63: {  	_ =	shalt  }
0x64: {  	_ =	shalt  }
0x65: {  	_ =	shalt  }
0x66: {  	_ =	shalt  }
0x67: {  	_ =	shalt  }
0x68: {  	_ =	shalt  }
0x69: {  	_ =	shalt  }
0x6a: {  	_ =	shalt  }
0x6b: {  	_ =	shalt  }
0x6c: {  	_ =	shalt  }
0x6d: {  	_ =	shalt  }
0x6e: {  	_ =	shalt  }
0x6f: {  	_ =	shalt  }
0x70: {  	_ =	shalt  }
0x71: {  	_ =	shalt  }
0x72: {  	_ =	shalt  }
0x73: {  	_ =	shalt  }
0x74: {  	_ =	shalt  }
0x75: {  	_ =	shalt  }
0x76: {  	_ =	shalt  }
0x77: {  	_ =	shalt  }
0x78: {  	_ =	shalt  }
0x79: {  	_ =	shalt  }
0x7a: {  	_ =	shalt  }
0x7b: {  	_ =	shalt  }
0x7c: {  	_ =	shalt  }
0x7d: {  	_ =	shalt  }
0x7e: {  	_ =	shalt  }
0x7f: {  	_ =	shalt  }
0x80: {  	_ =	shalt  }
0x81: {  	_ =	shalt  }
0x82: {  	_ =	shalt  }
0x83: {  	_ =	shalt  }
0x84: {  	_ =	shalt  }
0x85: {  	_ =	shalt  }
0x86: {  	_ =	shalt  }
0x87: {  	_ =	shalt  }
.Lfunc_end0:
.L_simem_size_0:
called_computation.1_lowered:
.L_overlay_start_0:
0x88: {  	s2 =	sld [smem:$0x3FD9]  }
0x89: {  	s3 =	sld [smem:$0x3FFE];
	_ =	sdelay $0x1  }
0x8a: {  	s1 =	srdreg.scid  }
0x8b: {  	s0 =	sand.u32 $0x1, s1  }
0x8c: {  	s17 =	sshll.u32 s0, $0xA;
	s2 =	sadd.s32 s3, s2  }
0x8d: {  	s2 =	sadd.s32 s2, s17  }
0x8e: {  	[smem:$0x3FC2] =	sst s2  }
0x8f: {  	_ = 	snop  }
0x90: {  	s2 =	sld [smem:$0x3FD0];
	(tm) =	ssettm $0x1  }
0x91: {  	s18 =	sld [smem:$0x3FFB];
	_ =	sdelay $0x3  }
0x92: {  	_ =	strace s18  }
0x93: {  	s3 =	sld [smem:$0x3FFC];
	_ =	sdelay $0x3  }
0x94: {  	_ =	strace s3  }
0x95: {  	s3 =	sld [smem:$0x3FFD];
	_ =	sdelay $0x3  }
0x96: {  	_ =	strace s3  }
0x97: {  	_ =	strace $0x8FFFFFFF  }
0x98: {  	s19 =	sld [smem:$0x3FDB];
	_ =	sdelay $0x1  }
0x99: {  	s4 =	simm.s32 $_scs_section_size  }
0x9a: {  	s5 =	simm.s32 $_size__tile_overlayer_lowered;
	s6 =	simm.s32 $_tile_overlayer_lowered  }
0x9b: {  	s22 =	simm.s32 $0x1BFF;
	s21 =	sshll.u32 s6, $0x1;
	s3 =	sadd.s32 s4, s19  }
0x9c: {  	s7 =	simm.s32 $0x0;
	s20 =	sshll.u32 s5, $0x1;
	s5 =	sadd.s32 s21, s3  }
0x9d: {  	[timem:s7], [sflag:s22] =	dma.local [hbm:s5], s20  }
0x9e: {  	_ =	swait.ge [sflag:s22], s20  }
0x9f: {  	s4 =	ssub.s32 $0x0, s20;
	[sflag:s22] =	ssyncset.done $0x0  }
0xa0: {  	[sflag:s22] =	ssyncadd.s32 s4;
	_ =	sdelay $0x1  }
0xa1: {  	s23 =	simm.s32 $0x1B8B  }
0xa2: {  	_ =	swait.ge [sflag:s23], $0x1  }
0xa3: {  	[sflag:s23] =	ssyncset.done $0x0  }
0xa4: {  	s25 =	simm.s32 $0x1B8E;
	s24 =	sld [smem:$0x3FFE];
	[sflag:s23] =	ssyncadd.s32 $0xFFFFFFFF  }
0xa5: {  	s26 =	simm.s32 $execute0_lowered;
	[smem:$0x3FD2] =	sst s25  }
0xa6: {  	s5 =	sshll.u32 s26, $0x1;
	_ =	strace $0x80000049;
	[dreg:$0x1] =	wrdreg $0xFFFFFFFF  }
0xa7: {  	s28 =	simm.s32 $_size_execute0_lowered;
	s3 =	sadd.s32 s3, s5;
	[dreg:$0x0] =	wrdreg $0x0  }
0xa8: {  	s5 =	sshll.u32 s28, $0x1;
	[dreg:$0x2] =	wrdreg s3  }
0xa9: {  	[dreg:$0x3] =	wrdreg s5  }
0xaa: {  	[dreg:$0x4] =	wrdreg $0xC0  }
0xab: {  	_ =	task [dreg:s7], $0x5FFFF  }
0xac: {  	[dreg:$0x1] =	wrdreg $0xFFFFFFFF  }
0xad: {  	[dreg:$0x0] =	wrdreg $0x60  }
0xae: {  	[dreg:$0x2] =	wrdreg s24  }
0xaf: {  	[dreg:$0x3] =	wrdreg s2  }
0xb0: {  	[dreg:$0x4] =	wrdreg $0x140000  }
0xb1: {  	[dreg:$0x5] =	wrdreg $0x18F000  }
0xb2: {  	[dreg:$0x6] =	wrdreg $0x9  }
0xb3: {  	_ =	task.clear_ibuf [dreg:s7], $0x7FFFF;
	_ =	strace $0x90000049  }
0xb4: {  	s29 =	simm.s32 $0x9;
	_ =	strace $0x8000004B  }
0xb5: {  	_ =	swait.ge [sflag:s29], $0x1  }
0xb6: {  	[sflag:s29] =	ssyncadd.s32 $0xFFFFFFFF  }
0xb7: {  	_ =	strace $0x9000004B  }
0xb8: {  	_ =	sfence  }
0xb9: {  	s30 =	sld [smem:$0x0];
	_ =	sdelay $0x2  }
0xba: {  	s31 =	sshll.u32 s1, $0xD;
	s1 =	sshrl.u32 s1, $0x2  }
0xbb: {  	s3 =	sand.u32 $0x4000, s31;
	s1 =	sadd.s32 s1, s30  }
0xbc: {  	s0 =	sor.u32 s3, s0;
	s1 =	sshll.u32 s1, $0x11  }
0xbd: {  	s0 =	sor.u32 s1, s0  }
0xbe: {  	s0 =	sadd.s32 $0x8F2B, s0  }
0xbf: {  	[sflag:s0] =	ssyncadd.remote.s32 $0x1  }
0xc0: {  	_ =	sfence.sel $0xFFFF  }
0xc1: {  	[dreg:$0x0] =	wrdreg $0xFFFFFFFF;
	(pc) =	sbr.abs _section_cstart, $3  }
0xc2: {  	[dreg:$0x1] =	wrdreg $0xFFFFFFFF  }
0xc3: {  	_ =	task.clear_ibuf [dreg:s7], $0x2FFFF;
	_ =	strace $0x9FFFFFFF  }
0xc4: {  	(tm) =	ssettm $0x7FFFFFFF  }
0xc5: {  	_ =	shalt  }
tec
execute0_lowered:
.L_overlay_start_1:
0x0: {  	(tag) =	ssettag $0x1  }
0x1: {  	s0 =	rddreg [dreg:$0x0]  }
0x2: {  	s1 =	rddreg [dreg:$0x1]  }
0x3: {  	s2 =	rddreg [dreg:$0x2]  }
0x4: {  	s3 =	rddreg [dreg:$0x3]  }
0x5: {  	s4 =	simm.s32 $0x0;
	s12 =	stileid.u32;
	s6 =	srdreg.scid  }
0x6: {  	s29 =	simm.s32 $0x4;
	s13 =	simm.s32 $0x8;
	s14 =	simm.s32 $0x9  }
0x7: {  	[smem:$0x7FF] =	sst s4;
	s16 =	smul.u32 $0xA00, s12;
	s5 =	sadd.s32 $0x66000, s0  }
0x8: {  	s8 =	sadd.s32 $0x2E00, s0;
	s6 =	sand.u32 $0x1, s6;
	s9 =	smul.u32 $0x13C00, s12  }
0x9: {  	s11 =	smul.u32 $0x4F00, s12;
	s24 =	sshll.u32 s12, $0xC;
	p0 =	seq.s32 s12, $0xF  }
0xa: {  	s12 =	simm.s32 $0x7;
	s4 =	simm.s32 $0xA;
	_ =	strace $0x8000004A  }
0xb: {  	[dreg:$0x5] =	wrdreg s8;
	s17 =	ssub.s32 $0x2, s6;
	s6 =	sshll.u32 s6, $0x6  }
0xc: {  	s26 =	sadd.s32 s24, s3;
	s24 =	simm.s32 $0xA000;
	s7 =	sadd.s32 s16, s0  }
0xd: {  	s0 =	sadd.s32 $0x8D800, s0;
	s1 =	sadd.s32 s1, s16;
	[dreg:$0xf] =	wrdreg s26  }
0xe: {  	s10 =	sshrl.u32 s17, $0x1;
	s18 =	sadd.s32 s11, s2;
	[dreg:$0x7] =	wrdreg s1  }
0xf: {  	s6 =	sor.u32 s6, s9;
	s22 =	sadd.s32 s11, s3;
	[dreg:$0x8] =	wrdreg s18  }
0x10: {  	s28 =	sadd.s32 $0x10000, s26;
	s30 =	sadd.s32 $0x20000, s26;
	[dreg:$0xb] =	wrdreg s22  }
0x11: {  	s31 =	sadd.s32 $0x30000, s26;
	s16 =	simm.s32 $0x15;
	[dreg:$0x10] =	wrdreg s28  }
0x12: {  	s11 =	simm.s32 $0x6;
	s8 =	ssub.s32 s17, s10;
	[dreg:$0x11] =	wrdreg s30  }
0x13: {  	s7 =	sadd.s32 $0xD000, s7;
	s19 =	sshrl.u32 s6, $0x3;
	[dreg:$0x12] =	wrdreg s31  }
0x14: {  	s22 =	simm.s32 $0x1;
	s6 =	simm.s32 $0x80;
	s10 =	simm.s32 $0x5  }
0x15: {  	[dreg:$0x6] =	wrdreg s7;
	s20 =	sadd.s32 s5, s19;
	s21 =	sadd.s32 s0, s19  }
0x16: {  	s1 =	sor.u32 $0x4, s19;
	s25 =	smax.u32 s8, $0x1;
	s19 =	simm.s32 $0xB000  }
0x17: {  	s7 =	simm.s32 $0x10000;
	s8 =	simm.s32 $0x0;
	[dreg:$0x9] =	wrdreg s20  }
.Ltmp0:
0x18: {  	[dreg:$0xa] =	wrdreg s21;
	s23 =	sadd.s32 s5, s1;
	(pc) =	sbr.rel .LBB2_1-.Ltmp0, $4  }
0x19: {  	s0 =	sadd.s32 s0, s1;
	[dreg:$0xe] =	wrdreg s25;
	s20 =	simm.s32 $0xC000  }
0x1a: {  	s21 =	simm.s32 $0xE000;
	s1 =	simm.s32 $0xF000;
	[dreg:$0xc] =	wrdreg s23  }
0x1b: {  	s25 =	simm.s32 $0x11000;
	[dreg:$0xd] =	wrdreg s0;
	s0 =	sadd.s32 $0x40000, s26  }
0x1c: {  	s23 =	simm.s32 $0x12000;
	[dreg:$0x13] =	wrdreg s0;
	s0 =	simm.s32 $0xD000  }
.LBB2_11:
0x1d: {  	s5 =	simm.s32 $0xB  }
0x1e: {  	_ =	swait.ge [sflag:s5], $0x1000  }
0x1f: {  	[sflag:s5] =	ssyncset.done $0x0  }
0x20: {  	s8 =	simm.s32 $0xC;
	[sflag:s5] =	ssyncadd.s32 $0xFFFFF000  }
0x21: {  	_ =	swait.ge [sflag:s8], $0x1000  }
0x22: {  	[sflag:s8] =	ssyncset.done $0x0  }
0x23: {  	s9 =	simm.s32 $0xD;
	[sflag:s8] =	ssyncadd.s32 $0xFFFFF000  }
0x24: {  	_ =	swait.ge [sflag:s9], $0x1000  }
0x25: {  	[sflag:s9] =	ssyncset.done $0x0  }
0x26: {  	s15 =	simm.s32 $0xE;
	[sflag:s9] =	ssyncadd.s32 $0xFFFFF000  }
0x27: {  	_ =	swait.ge [sflag:s15], $0x1000  }
0x28: {  	[sflag:s15] =	ssyncset.done $0x0  }
0x29: {  	s16 =	simm.s32 $0xF;
	[sflag:s15] =	ssyncadd.s32 $0xFFFFF000  }
0x2a: {  	_ =	swait.ge [sflag:s16], $0x1000  }
0x2b: {  	[sflag:s16] =	ssyncset.done $0x0  }
0x2c: {  	s15 =	simm.s32 $0x10;
	[sflag:s16] =	ssyncadd.s32 $0xFFFFF000  }
0x2d: {  	_ =	swait.ge [sflag:s15], $0x1000  }
0x2e: {  	[sflag:s15] =	ssyncset.done $0x0  }
0x2f: {  	s17 =	simm.s32 $0x11;
	[sflag:s15] =	ssyncadd.s32 $0xFFFFF000  }
0x30: {  	_ =	swait.ge [sflag:s17], $0x1000  }
0x31: {  	[sflag:s17] =	ssyncset.done $0x0  }
0x32: {  	s18 =	simm.s32 $0x12;
	[sflag:s17] =	ssyncadd.s32 $0xFFFFF000  }
0x33: {  	_ =	swait.ge [sflag:s18], $0x1000  }
0x34: {  	[sflag:s18] =	ssyncset.done $0x0  }
0x35: {  	s22 =	simm.s32 $0x13;
	[sflag:s18] =	ssyncadd.s32 $0xFFFFF000  }
0x36: {  	_ =	swait.ge [sflag:s22], $0x1000  }
0x37: {  	[sflag:s22] =	ssyncset.done $0x0  }
0x38: {  	s26 =	simm.s32 $0x14;
	[sflag:s22] =	ssyncadd.s32 $0xFFFFF000  }
0x39: {  	_ =	swait.ge [sflag:s26], $0x1000  }
0x3a: {  	[sflag:s26] =	ssyncset.done $0x0  }
0x3b: {  	[sflag:s26] =	ssyncadd.s32 $0xFFFFF000  }
0x3c: {  	[bflag:$0x0] =	sbarrier.arrive $0xFFFF  }
0x3d: {  	s28 =	rddreg [dreg:$0xd]  }
0x3e: {  	s8 =	rddreg [dreg:$0x15]  }
0x3f: {  	s16 =	simm.s32 $0x15;
	s22 =	simm.s32 $0x1;
	s9 =	rddreg [dreg:$0x17]  }
0x40: {  	[hbm:s28@s15], [sflag:s8] =	dma.strided [spmem:s9@s29], $0x9E0, s22, $0x4   }
0x41: {  	_ =	swait.ge [sflag:s16], $0x9E0  }
0x42: {  	s30 =	rddreg [dreg:$0x14]  }
0x43: {  	s31 =	rddreg [dreg:$0xe];
	s8 =	sadd.s32 $0x1, s30  }
0x44: {  	p1 =	sne.s32 s8, s31  }
.Ltmp1:
0x45: {  	_ = 	snop;
	(pc) =	sbr.rel @!p1 .LBB2_12-.Ltmp1, $3  }
0x46: {  	[sflag:s16] =	ssyncset.done $0x0  }
0x47: {  	[sflag:s16] =	ssyncadd.s32 $0xFFFFF620  }
0x48: {  	[bflag:$0x0] =	sbarrier.arrive $0xFFFF;
	_ =	sdelay $0x1  }
.LBB2_1:
0x49: {  	[dreg:$0x14] =	wrdreg s8  }
0x4a: {  	s15 =	simm.s32 $0x0;
	s5 =	rddreg [dreg:$0x6]  }
0x4b: {  	[tilespmem:s15], [sflag:$0x15] =	stream.linear.gather [hbm4b:s5+s15], $0x5000, $0x38;
	[tilespmem:$0x1DE00] =	vst v63  }
0x4c: {  	s30 =	stileid.u32;
	_ =	swait.ge [sflag:s16], $0x5000  }
0x4d: {  	s17 =	simm.s32 $0x5000;
	s5 =	sshll.u32 s30, $0x6;
	[sflag:s16] =	ssyncset.done $0x0  }
0x4e: {  	s31 =	sor.u32 $0x1C15, s5;
	s28 =	rddreg [dreg:$0x7];
	[sflag:s16] =	ssyncadd.s32 $0xFFFFB000  }
0x4f: {  	[tilespmem:s17], [sflag:$0x15] =	stream.linear.gather [hbm4b:s28+s15], $0x5000, $0x38;
	[tilespmem:$0x1DE00] =	vst v63  }
0x50: {  	_ =	swait.ge [sflag:s16], $0x5000;
	[dreg:$0x15] =	wrdreg s31  }
0x51: {  	s9 =	rddreg [dreg:$0x8]  }
0x52: {  	[sflag:s16] =	ssyncset.done $0x0;
	s17 =	rddreg [dreg:$0x9];
	s9 =	sshrl.u32 s9, $0x3  }
0x53: {  	s18 =	simm.s32 $0x10;
	[sflag:s16] =	ssyncadd.s32 $0xFFFFB000;
	[dreg:$0x16] =	wrdreg s9  }
0x54: {  	[spmem:s9@s29], [sflag:s31] =	dma.strided [hbm:s17@s18], $0x9E0, s22, $0x4   }
0x55: {  	_ =	swait.ge [sflag:s16], $0x9E0  }
0x56: {  	[sflag:s16] =	ssyncset.done $0x0  }
0x57: {  	s26 =	rddreg [dreg:$0x5];
	[sflag:s16] =	ssyncadd.s32 $0xFFFFF620  }
0x58: {  	[tilespmem:s24], [sflag:$0x15] =	stream.linear.gather [hbm4b:s26+s15], $0x1000, $0x38;
	[tilespmem:$0x1DE00] =	vst v63  }
0x59: {  	_ =	swait.ge [sflag:s16], $0x1000  }
0x5a: {  	[sflag:s16] =	ssyncset.done $0x0  }
0x5b: {  	s28 =	rddreg [dreg:$0xf];
	[sflag:s16] =	ssyncadd.s32 $0xFFFFF000  }
0x5c: {  	[spmem:s28] =	stream.linear.scatter [tilespmem:s24], [sflag:$0x15], $0x1000, $0x38;
	[tilespmem:$0x1DE00] =	vst v63  }
0x5d: {  	_ =	swait.ge [sflag:s16], $0x1000  }
0x5e: {  	[sflag:s16] =	ssyncset.done $0x0  }
0x5f: {  	s29 =	rddreg [dreg:$0x10];
	[sflag:s16] =	ssyncadd.s32 $0xFFFFF000  }
0x60: {  	[spmem:s29] =	stream.linear.scatter [tilespmem:s24], [sflag:$0x15], $0x1000, $0x38;
	[tilespmem:$0x1DE00] =	vst v63  }
0x61: {  	_ =	swait.ge [sflag:s16], $0x1000  }
0x62: {  	[sflag:s16] =	ssyncset.done $0x0  }
0x63: {  	s30 =	rddreg [dreg:$0x11];
	[sflag:s16] =	ssyncadd.s32 $0xFFFFF000  }
0x64: {  	[spmem:s30] =	stream.linear.scatter [tilespmem:s24], [sflag:$0x15], $0x1000, $0x38;
	[tilespmem:$0x1DE00] =	vst v63  }
0x65: {  	_ =	swait.ge [sflag:s16], $0x1000  }
0x66: {  	[sflag:s16] =	ssyncset.done $0x0  }
0x67: {  	s31 =	rddreg [dreg:$0x12];
	[sflag:s16] =	ssyncadd.s32 $0xFFFFF000  }
0x68: {  	[spmem:s31] =	stream.linear.scatter [tilespmem:s24], [sflag:$0x15], $0x1000, $0x38;
	[tilespmem:$0x1DE00] =	vst v63  }
0x69: {  	_ =	swait.ge [sflag:s16], $0x1000  }
0x6a: {  	[sflag:s16] =	ssyncset.done $0x0  }
0x6b: {  	s5 =	simm.s32 @!p0 $0xA000;
	s15 =	rddreg [dreg:$0x13];
	[sflag:s16] =	ssyncadd.s32 $0xFFFFF000  }
0x6c: {  	[spmem:s15] =	stream.linear.scatter @!p0 [tilespmem:s5], [sflag:$0x15], $0x1000, $0x38;
	[tilespmem:$0x1DE00] =	vst v63  }
0x6d: {  	s5 =	simm.s32 @!p0 $0x15  }
.Ltmp2:
0x6e: {  	_ =	swait.ge @!p0 [sflag:s5], $0x1000;
	(pc) =	sbr.rel .LBB2_2-.Ltmp2, $4  }
0x6f: {  	[sflag:s5] =	ssyncset.done @!p0 $0x0  }
0x70: {  	[sflag:s5] =	ssyncadd.s32 @!p0 $0xFFFFF000  }
0x71: {  	[bflag:$0x0] =	sbarrier.arrive $0xFFFF  }
0x72: {  	s17 =	simm.s32 $0x400;
	s16 =	simm.s32 $0x400  }
.LBB2_4:
0x73: {  	s5 =	simm.s32 $0xB  }
0x74: {  	_ =	swait.ge [sflag:s5], $0x1000  }
0x75: {  	[sflag:s5] =	ssyncset.done $0x0  }
0x76: {  	s15 =	sadd.s32 $0xFFFFFC00, s17;
	s18 =	simm.s32 $0xC;
	[sflag:s5] =	ssyncadd.s32 $0xFFFFF000  }
0x77: {  	[tilespmem:s24], [sflag:$0x1] =	stream.indirect.gather [spmem:s2], $0x20, s15, s6, $0xb8;
	[tilespmem:$0x1DE00] =	vst v63  }
0x78: {  	_ =	swait.ge [sflag:s18], $0x1000  }
0x79: {  	[sflag:s18] =	ssyncset.done $0x0  }
0x7a: {  	s22 =	sadd.s32 $0xFFFFFC80, s17;
	s24 =	simm.s32 $0xD;
	[sflag:s18] =	ssyncadd.s32 $0xFFFFF000  }
0x7b: {  	[tilespmem:s19], [sflag:$0x2] =	stream.indirect.gather [spmem:s2], $0x20, s22, s6, $0xb8;
	[tilespmem:$0x1DE00] =	vst v63  }
0x7c: {  	_ =	swait.ge [sflag:s24], $0x1000  }
0x7d: {  	[sflag:s24] =	ssyncset.done $0x0  }
0x7e: {  	s26 =	sadd.s32 $0xFFFFFD00, s17;
	s30 =	simm.s32 $0xE;
	[sflag:s24] =	ssyncadd.s32 $0xFFFFF000  }
0x7f: {  	[tilespmem:s20], [sflag:$0x3] =	stream.indirect.gather [spmem:s2], $0x20, s26, s6, $0xb8;
	[tilespmem:$0x1DE00] =	vst v63  }
0x80: {  	_ =	swait.ge [sflag:s30], $0x1000  }
0x81: {  	[sflag:s30] =	ssyncset.done $0x0  }
0x82: {  	s8 =	sadd.s32 $0xFFFFFD80, s17;
	s9 =	simm.s32 $0xF;
	[sflag:s30] =	ssyncadd.s32 $0xFFFFF000  }
0x83: {  	[tilespmem:s0], [sflag:$0x4] =	stream.indirect.gather [spmem:s2], $0x20, s8, s6, $0xb8;
	[tilespmem:$0x1DE00] =	vst v63  }
0x84: {  	_ =	swait.ge [sflag:s9], $0x1000  }
0x85: {  	[sflag:s9] =	ssyncset.done $0x0  }
0x86: {  	s15 =	sadd.s32 $0xFFFFFE00, s17;
	s18 =	simm.s32 $0x10;
	[sflag:s9] =	ssyncadd.s32 $0xFFFFF000  }
0x87: {  	[tilespmem:s21], [sflag:$0x5] =	stream.indirect.gather [spmem:s2], $0x20, s15, s6, $0xb8;
	[tilespmem:$0x1DE00] =	vst v63  }
0x88: {  	_ =	swait.ge [sflag:s18], $0x1000  }
0x89: {  	[sflag:s18] =	ssyncset.done $0x0  }
0x8a: {  	s19 =	sadd.s32 $0xFFFFFE80, s17;
	s20 =	simm.s32 $0x11;
	[sflag:s18] =	ssyncadd.s32 $0xFFFFF000  }
0x8b: {  	[tilespmem:s1], [sflag:$0x6] =	stream.indirect.gather [spmem:s2], $0x20, s19, s6, $0xb8;
	[tilespmem:$0x1DE00] =	vst v63  }
0x8c: {  	_ =	swait.ge [sflag:s20], $0x1000  }
0x8d: {  	[sflag:s20] =	ssyncset.done $0x0  }
0x8e: {  	s22 =	simm.s32 $0x12;
	s21 =	sadd.s32 $0xFFFFFF00, s17;
	[sflag:s20] =	ssyncadd.s32 $0xFFFFF000  }
0x8f: {  	[tilespmem:s7], [sflag:$0x7] =	stream.indirect.gather [spmem:s2], $0x20, s21, s6, $0xb8;
	[tilespmem:$0x1DE00] =	vst v63  }
0x90: {  	s29 =	sadd.s32 $0xFFFFFD00, s16;
	s28 =	sadd.s32 $0xFFFFFD80, s16;
	_ =	swait.ge [sflag:s22], $0x1000  }
0x91: {  	s31 =	simm.s32 $0xB000;
	s5 =	sadd.s32 $0xFFFFFE00, s16;
	[sflag:s22] =	ssyncset.done $0x0  }
0x92: {  	s24 =	sadd.s32 $0xFFFFFF80, s17;
	s26 =	sadd.s32 $0xFFFFFC80, s16;
	[sflag:s22] =	ssyncadd.s32 $0xFFFFF000  }
0x93: {  	[tilespmem:s25], [sflag:$0x8] =	stream.indirect.gather [spmem:s2], $0x20, s24, s6, $0xb8;
	[tilespmem:$0x1DE00] =	vst v63  }
0x94: {  	s30 =	simm.s32 $0x14;
	s8 =	simm.s32 $0x12000;
	s25 =	simm.s32 $0x13  }
0x95: {  	s0 =	simm.s32 $0xC000;
	s15 =	sadd.s32 $0xFFFFFF80, s16;
	_ =	swait.ge [sflag:s25], $0x1000  }
0x96: {  	s18 =	sadd.s32 $0xFFFFFC00, s16;
	s19 =	smov.u32 s16;
	[sflag:s25] =	ssyncset.done $0x0  }
0x97: {  	s1 =	simm.s32 $0xE000;
	s20 =	sadd.s32 $0xFFFFFF00, s16;
	[sflag:s25] =	ssyncadd.s32 $0xFFFFF000  }
0x98: {  	[tilespmem:s23], [sflag:$0x9] =	stream.indirect.gather [spmem:s2], $0x20, s17, s6, $0xb8;
	[tilespmem:$0x1DE00] =	vst v63  }
0x99: {  	s7 =	simm.s32 $0xF000;
	s21 =	simm.s32 $0xD000;
	_ =	swait.ge [sflag:s30], $0x1000  }
0x9a: {  	s22 =	simm.s32 $0xA000;
	s24 =	sadd.s32 $0xFFFFFE80, s16;
	[sflag:s30] =	ssyncset.done $0x0  }
0x9b: {  	s25 =	simm.s32 $0x10000;
	s23 =	simm.s32 $0x11000;
	[sflag:s30] =	ssyncadd.s32 $0xFFFFF000  }
.LBB2_5:
0x9c: {  	s30 =	sadd.s32 $0x480, s18;
	s9 =	simm.s32 $0x13000  }
0x9d: {  	[tilespmem:s9], [sflag:$0xA] =	stream.indirect.gather [spmem:s2], $0x20, s30, s6, $0xb8;
	[tilespmem:$0x1DE00] =	vst v63  }
0x9e: {  	s30 =	simm.s32 $0x1  }
0x9f: {  	_ =	swait.ge [sflag:s30], $0x1000  }
0xa0: {  	[sflag:s30] =	ssyncset.done $0x0  }
0xa1: {  	[sflag:s30] =	ssyncadd.s32 $0xFFFFF000;
	s30 =	sadd.s32 $0x5000, s18  }
0xa2: {  	[spmem:s3] =	stream.indirect.scatter.add.f32 [tilespmem:s22], [sflag:$0xB], $0x20, s30, s6, $0xb8;
	[tilespmem:$0x1DE00] =	vst v63  }
0xa3: {  	s30 =	simm.s32 $0x2  }
0xa4: {  	_ =	swait.ge [sflag:s30], $0x1000  }
0xa5: {  	[sflag:s30] =	ssyncset.done $0x0  }
0xa6: {  	s26 =	sadd.s32 $0x5000, s26;
	[sflag:s30] =	ssyncadd.s32 $0xFFFFF000;
	s30 =	simm.s32 $0x3  }
0xa7: {  	[spmem:s3] =	stream.indirect.scatter.add.f32 [tilespmem:s31], [sflag:$0xC], $0x20, s26, s6, $0xb8;
	[tilespmem:$0x1DE00] =	vst v63  }
0xa8: {  	_ =	swait.ge [sflag:s30], $0x1000  }
0xa9: {  	[sflag:s30] =	ssyncset.done $0x0  }
0xaa: {  	s22 =	simm.s32 $0x4;
	s31 =	sadd.s32 $0x5000, s29;
	[sflag:s30] =	ssyncadd.s32 $0xFFFFF000  }
0xab: {  	[spmem:s3] =	stream.indirect.scatter.add.f32 [tilespmem:s0], [sflag:$0xD], $0x20, s31, s6, $0xb8;
	[tilespmem:$0x1DE00] =	vst v63  }
0xac: {  	_ =	swait.ge [sflag:s22], $0x1000  }
0xad: {  	[sflag:s22] =	ssyncset.done $0x0  }
0xae: {  	s0 =	sadd.s32 $0x5000, s28;
	[sflag:s22] =	ssyncadd.s32 $0xFFFFF000  }
0xaf: {  	[spmem:s3] =	stream.indirect.scatter.add.f32 [tilespmem:s21], [sflag:$0xE], $0x20, s0, s6, $0xb8;
	[tilespmem:$0x1DE00] =	vst v63  }
0xb0: {  	_ =	swait.ge [sflag:s10], $0x1000  }
0xb1: {  	[sflag:s10] =	ssyncset.done $0x0  }
0xb2: {  	s5 =	sadd.s32 $0x5000, s5;
	[sflag:s10] =	ssyncadd.s32 $0xFFFFF000  }
0xb3: {  	[spmem:s3] =	stream.indirect.scatter.add.f32 [tilespmem:s1], [sflag:$0xF], $0x20, s5, s6, $0xb8;
	[tilespmem:$0x1DE00] =	vst v63  }
0xb4: {  	_ =	swait.ge [sflag:s11], $0x1000  }
0xb5: {  	[sflag:s11] =	ssyncset.done $0x0  }
0xb6: {  	s26 =	sadd.s32 $0x5000, s24;
	[sflag:s11] =	ssyncadd.s32 $0xFFFFF000  }
0xb7: {  	[spmem:s3] =	stream.indirect.scatter.add.f32 [tilespmem:s7], [sflag:$0x10], $0x20, s26, s6, $0xb8;
	[tilespmem:$0x1DE00] =	vst v63  }
0xb8: {  	_ =	swait.ge [sflag:s12], $0x1000  }
0xb9: {  	[sflag:s12] =	ssyncset.done $0x0  }
0xba: {  	s28 =	sadd.s32 $0x5000, s20;
	[sflag:s12] =	ssyncadd.s32 $0xFFFFF000  }
0xbb: {  	[spmem:s3] =	stream.indirect.scatter.add.f32 [tilespmem:s25], [sflag:$0x11], $0x20, s28, s6, $0xb8;
	[tilespmem:$0x1DE00] =	vst v63  }
0xbc: {  	_ =	swait.ge [sflag:s13], $0x1000  }
0xbd: {  	[sflag:s13] =	ssyncset.done $0x0  }
0xbe: {  	s29 =	sadd.s32 $0x5000, s15;
	[sflag:s13] =	ssyncadd.s32 $0xFFFFF000  }
0xbf: {  	[spmem:s3] =	stream.indirect.scatter.add.f32 [tilespmem:s23], [sflag:$0x12], $0x20, s29, s6, $0xb8;
	[tilespmem:$0x1DE00] =	vst v63  }
0xc0: {  	s16 =	sadd.s32 $0x500, s16;
	s17 =	sadd.s32 $0x500, s17;
	_ =	swait.ge [sflag:s14], $0x1000  }
0xc1: {  	p1 =	sne.s32 s16, $0x5400;
	s24 =	simm.s32 $0xA000;
	[sflag:s14] =	ssyncset.done $0x0  }
0xc2: {  	s30 =	sadd.s32 $0x5000, s19;
	s19 =	simm.s32 $0xB000;
	[sflag:s14] =	ssyncadd.s32 $0xFFFFF000  }
0xc3: {  	[spmem:s3] =	stream.indirect.scatter.add.f32 [tilespmem:s8], [sflag:$0x13], $0x20, s30, s6, $0xb8;
	[tilespmem:$0x1DE00] =	vst v63  }
.Ltmp3:
0xc4: {  	s31 =	sadd.s32 $0x5480, s18;
	s20 =	simm.s32 $0xC000;
	(pc) =	sbr.rel @!p1 .LBB2_6-.Ltmp3, $4  }
0xc5: {  	s0 =	simm.s32 $0xD000;
	s21 =	simm.s32 $0xE000;
	_ =	swait.ge [sflag:s4], $0x1000  }
0xc6: {  	s1 =	simm.s32 $0xF000;
	s7 =	simm.s32 $0x10000;
	[sflag:s4] =	ssyncset.done $0x0  }
0xc7: {  	s25 =	simm.s32 $0x11000;
	s23 =	simm.s32 $0x12000;
	[sflag:s4] =	ssyncadd.s32 $0xFFFFF000  }
0xc8: {  	[spmem:s3] =	stream.indirect.scatter.add.f32 [tilespmem:s9], [sflag:$0x14], $0x20, s31, s6, $0xb8;
	[tilespmem:$0x1DE00] =	vst v63  }
.LBB2_2:
0xc9: {  	p1 =	sne.s32 s16, $0x400  }
.Ltmp4:
0xca: {  	_ = 	snop;
	(pc) =	sbr.rel @p1 .LBB2_4-.Ltmp4, $1  }
0xcb: {  	_ =	sdelay $0x3  }
0xcc: {  	s26 =	simm.s32 $0x80;
	s18 =	simm.s32 $0x0  }
0xcd: {  	[tilespmem:s24], [sflag:$0x1] =	stream.indirect.gather [spmem:s2], $0x20, s18, s26, $0xb8;
	[tilespmem:$0x1DE00] =	vst v63  }
0xce: {  	_ = 	snop  }
0xcf: {  	[tilespmem:s19], [sflag:$0x2] =	stream.indirect.gather [spmem:s2], $0x20, s26, s26, $0xb8;
	[tilespmem:$0x1DE00] =	vst v63  }
0xd0: {  	s29 =	simm.s32 $0x100  }
0xd1: {  	[tilespmem:s20], [sflag:$0x3] =	stream.indirect.gather [spmem:s2], $0x20, s29, s26, $0xb8;
	[tilespmem:$0x1DE00] =	vst v63  }
0xd2: {  	s28 =	simm.s32 $0x180  }
0xd3: {  	[tilespmem:s0], [sflag:$0x4] =	stream.indirect.gather [spmem:s2], $0x20, s28, s26, $0xb8;
	[tilespmem:$0x1DE00] =	vst v63  }
0xd4: {  	s5 =	simm.s32 $0x200  }
0xd5: {  	[tilespmem:s21], [sflag:$0x5] =	stream.indirect.gather [spmem:s2], $0x20, s5, s26, $0xb8;
	[tilespmem:$0x1DE00] =	vst v63  }
0xd6: {  	s15 =	simm.s32 $0x380;
	s24 =	simm.s32 $0x280  }
0xd7: {  	[tilespmem:s1], [sflag:$0x6] =	stream.indirect.gather [spmem:s2], $0x20, s24, s26, $0xb8;
	[tilespmem:$0x1DE00] =	vst v63  }
0xd8: {  	s31 =	simm.s32 $0xB000;
	s8 =	simm.s32 $0x12000;
	s20 =	simm.s32 $0x300  }
0xd9: {  	[tilespmem:s7], [sflag:$0x7] =	stream.indirect.gather [spmem:s2], $0x20, s20, s26, $0xb8;
	[tilespmem:$0x1DE00] =	vst v63  }
.Ltmp5:
0xda: {  	s22 =	simm.s32 $0xA000;
	s19 =	simm.s32 $0x400;
	(pc) =	sbr.rel .LBB2_5-.Ltmp5, $4  }
0xdb: {  	[tilespmem:s25], [sflag:$0x8] =	stream.indirect.gather [spmem:s2], $0x20, s15, s26, $0xb8;
	[tilespmem:$0x1DE00] =	vst v63  }
0xdc: {  	s0 =	simm.s32 $0xC000;
	s21 =	simm.s32 $0xD000;
	s1 =	simm.s32 $0xE000  }
0xdd: {  	[tilespmem:s23], [sflag:$0x9] =	stream.indirect.gather [spmem:s2], $0x20, s19, s26, $0xb8;
	[tilespmem:$0x1DE00] =	vst v63  }
0xde: {  	s7 =	simm.s32 $0xF000;
	s25 =	simm.s32 $0x10000;
	s23 =	simm.s32 $0x11000  }
.LBB2_6:
0xdf: {  	s5 =	simm.s32 $0xB  }
0xe0: {  	_ =	swait.ge [sflag:s5], $0x1000  }
0xe1: {  	[sflag:s5] =	ssyncset.done $0x0  }
0xe2: {  	s9 =	simm.s32 $0xC;
	[sflag:s5] =	ssyncadd.s32 $0xFFFFF000  }
0xe3: {  	_ =	swait.ge [sflag:s9], $0x1000  }
0xe4: {  	[sflag:s9] =	ssyncset.done $0x0  }
0xe5: {  	s15 =	simm.s32 $0xD;
	[sflag:s9] =	ssyncadd.s32 $0xFFFFF000  }
0xe6: {  	_ =	swait.ge [sflag:s15], $0x1000  }
0xe7: {  	[sflag:s15] =	ssyncset.done $0x0  }
0xe8: {  	s16 =	simm.s32 $0xE;
	[sflag:s15] =	ssyncadd.s32 $0xFFFFF000  }
0xe9: {  	_ =	swait.ge [sflag:s16], $0x1000  }
0xea: {  	[sflag:s16] =	ssyncset.done $0x0  }
0xeb: {  	s17 =	simm.s32 $0xF;
	[sflag:s16] =	ssyncadd.s32 $0xFFFFF000  }
0xec: {  	_ =	swait.ge [sflag:s17], $0x1000  }
0xed: {  	[sflag:s17] =	ssyncset.done $0x0  }
0xee: {  	s15 =	simm.s32 $0x10;
	[sflag:s17] =	ssyncadd.s32 $0xFFFFF000  }
0xef: {  	_ =	swait.ge [sflag:s15], $0x1000  }
0xf0: {  	[sflag:s15] =	ssyncset.done $0x0  }
0xf1: {  	s18 =	simm.s32 $0x11;
	[sflag:s15] =	ssyncadd.s32 $0xFFFFF000  }
0xf2: {  	_ =	swait.ge [sflag:s18], $0x1000  }
0xf3: {  	[sflag:s18] =	ssyncset.done $0x0  }
0xf4: {  	s26 =	simm.s32 $0x12;
	[sflag:s18] =	ssyncadd.s32 $0xFFFFF000  }
0xf5: {  	_ =	swait.ge [sflag:s26], $0x1000  }
0xf6: {  	[sflag:s26] =	ssyncset.done $0x0  }
0xf7: {  	s28 =	simm.s32 $0x13;
	[sflag:s26] =	ssyncadd.s32 $0xFFFFF000  }
0xf8: {  	_ =	swait.ge [sflag:s28], $0x1000  }
0xf9: {  	[sflag:s28] =	ssyncset.done $0x0  }
0xfa: {  	s29 =	simm.s32 $0x14;
	[sflag:s28] =	ssyncadd.s32 $0xFFFFF000  }
0xfb: {  	_ =	swait.ge [sflag:s29], $0x1000  }
0xfc: {  	[sflag:s29] =	ssyncset.done $0x0  }
0xfd: {  	[sflag:s29] =	ssyncadd.s32 $0xFFFFF000  }
0xfe: {  	[bflag:$0x0] =	sbarrier.arrive $0xFFFF  }
0xff: {  	s30 =	rddreg [dreg:$0xb]  }
0x100: {  	s31 =	rddreg [dreg:$0xa]  }
0x101: {  	s8 =	rddreg [dreg:$0x15];
	s9 =	sshrl.u32 s30, $0x3  }
0x102: {  	s16 =	simm.s32 $0x15;
	s17 =	simm.s32 $0x1;
	[dreg:$0x17] =	wrdreg s9  }
0x103: {  	[hbm:s31@s15], [sflag:s8] =	dma.strided [spmem:s9@s22], $0x9E0, s17, $0x4   }
0x104: {  	_ =	swait.ge [sflag:s16], $0x9E0  }
0x105: {  	[sflag:s16] =	ssyncset.done $0x0  }
0x106: {  	[sflag:s16] =	ssyncadd.s32 $0xFFFFF620  }
0x107: {  	[bflag:$0x0] =	sbarrier.arrive $0xFFFF  }
0x108: {  	s9 =	rddreg [dreg:$0xc]  }
0x109: {  	s18 =	rddreg [dreg:$0x16]  }
0x10a: {  	[spmem:s18@s22], [sflag:s8] =	dma.strided [hbm:s9@s15], $0x9E0, s17, $0x4   }
0x10b: {  	_ =	swait.ge [sflag:s16], $0x9E0  }
0x10c: {  	[sflag:s16] =	ssyncset.done $0x0  }
0x10d: {  	s22 =	simm.s32 $0x0;
	s26 =	rddreg [dreg:$0x5];
	[sflag:s16] =	ssyncadd.s32 $0xFFFFF620  }
0x10e: {  	[tilespmem:s24], [sflag:$0x15] =	stream.linear.gather [hbm4b:s26+s22], $0x1000, $0x38;
	[tilespmem:$0x1DE00] =	vst v63  }
0x10f: {  	_ =	swait.ge [sflag:s16], $0x1000  }
0x110: {  	[sflag:s16] =	ssyncset.done $0x0  }
0x111: {  	s28 =	rddreg [dreg:$0xf];
	[sflag:s16] =	ssyncadd.s32 $0xFFFFF000  }
0x112: {  	[spmem:s28] =	stream.linear.scatter [tilespmem:s24], [sflag:$0x15], $0x1000, $0x38;
	[tilespmem:$0x1DE00] =	vst v63  }
0x113: {  	_ =	swait.ge [sflag:s16], $0x1000  }
0x114: {  	[sflag:s16] =	ssyncset.done $0x0  }
0x115: {  	s29 =	rddreg [dreg:$0x10];
	[sflag:s16] =	ssyncadd.s32 $0xFFFFF000  }
0x116: {  	[spmem:s29] =	stream.linear.scatter [tilespmem:s24], [sflag:$0x15], $0x1000, $0x38;
	[tilespmem:$0x1DE00] =	vst v63  }
0x117: {  	_ =	swait.ge [sflag:s16], $0x1000  }
0x118: {  	[sflag:s16] =	ssyncset.done $0x0  }
0x119: {  	s30 =	rddreg [dreg:$0x11];
	[sflag:s16] =	ssyncadd.s32 $0xFFFFF000  }
0x11a: {  	[spmem:s30] =	stream.linear.scatter [tilespmem:s24], [sflag:$0x15], $0x1000, $0x38;
	[tilespmem:$0x1DE00] =	vst v63  }
0x11b: {  	_ =	swait.ge [sflag:s16], $0x1000  }
0x11c: {  	[sflag:s16] =	ssyncset.done $0x0  }
0x11d: {  	s31 =	rddreg [dreg:$0x12];
	[sflag:s16] =	ssyncadd.s32 $0xFFFFF000  }
0x11e: {  	[spmem:s31] =	stream.linear.scatter [tilespmem:s24], [sflag:$0x15], $0x1000, $0x38;
	[tilespmem:$0x1DE00] =	vst v63  }
0x11f: {  	_ =	swait.ge [sflag:s16], $0x1000  }
0x120: {  	[sflag:s16] =	ssyncset.done $0x0  }
0x121: {  	s5 =	simm.s32 @!p0 $0xA000;
	s15 =	rddreg [dreg:$0x13];
	[sflag:s16] =	ssyncadd.s32 $0xFFFFF000  }
0x122: {  	[spmem:s15] =	stream.linear.scatter @!p0 [tilespmem:s5], [sflag:$0x15], $0x1000, $0x38;
	[tilespmem:$0x1DE00] =	vst v63  }
0x123: {  	s5 =	simm.s32 @!p0 $0x15  }
.Ltmp6:
0x124: {  	_ =	swait.ge @!p0 [sflag:s5], $0x1000;
	(pc) =	sbr.rel .LBB2_7-.Ltmp6, $4  }
0x125: {  	[sflag:s5] =	ssyncset.done @!p0 $0x0  }
0x126: {  	[sflag:s5] =	ssyncadd.s32 @!p0 $0xFFFFF000  }
0x127: {  	[bflag:$0x0] =	sbarrier.arrive $0xFFFF  }
0x128: {  	s17 =	simm.s32 $0x400;
	s16 =	simm.s32 $0x400  }
.LBB2_9:
0x129: {  	s5 =	simm.s32 $0xB  }
0x12a: {  	_ =	swait.ge [sflag:s5], $0x1000  }
0x12b: {  	[sflag:s5] =	ssyncset.done $0x0  }
0x12c: {  	s15 =	sadd.s32 $0xFFFFFC00, s17;
	s18 =	simm.s32 $0xC;
	[sflag:s5] =	ssyncadd.s32 $0xFFFFF000  }
0x12d: {  	[tilespmem:s24], [sflag:$0x1] =	stream.indirect.gather [spmem:s2], $0x20, s15, s6, $0xb8;
	[tilespmem:$0x1DE00] =	vst v63  }
0x12e: {  	_ =	swait.ge [sflag:s18], $0x1000  }
0x12f: {  	[sflag:s18] =	ssyncset.done $0x0  }
0x130: {  	s22 =	sadd.s32 $0xFFFFFC80, s17;
	s24 =	simm.s32 $0xD;
	[sflag:s18] =	ssyncadd.s32 $0xFFFFF000  }
0x131: {  	[tilespmem:s19], [sflag:$0x2] =	stream.indirect.gather [spmem:s2], $0x20, s22, s6, $0xb8;
	[tilespmem:$0x1DE00] =	vst v63  }
0x132: {  	_ =	swait.ge [sflag:s24], $0x1000  }
0x133: {  	[sflag:s24] =	ssyncset.done $0x0  }
0x134: {  	s26 =	sadd.s32 $0xFFFFFD00, s17;
	s30 =	simm.s32 $0xE;
	[sflag:s24] =	ssyncadd.s32 $0xFFFFF000  }
0x135: {  	[tilespmem:s20], [sflag:$0x3] =	stream.indirect.gather [spmem:s2], $0x20, s26, s6, $0xb8;
	[tilespmem:$0x1DE00] =	vst v63  }
0x136: {  	_ =	swait.ge [sflag:s30], $0x1000  }
0x137: {  	[sflag:s30] =	ssyncset.done $0x0  }
0x138: {  	s8 =	sadd.s32 $0xFFFFFD80, s17;
	s9 =	simm.s32 $0xF;
	[sflag:s30] =	ssyncadd.s32 $0xFFFFF000  }
0x139: {  	[tilespmem:s0], [sflag:$0x4] =	stream.indirect.gather [spmem:s2], $0x20, s8, s6, $0xb8;
	[tilespmem:$0x1DE00] =	vst v63  }
0x13a: {  	_ =	swait.ge [sflag:s9], $0x1000  }
0x13b: {  	[sflag:s9] =	ssyncset.done $0x0  }
0x13c: {  	s15 =	sadd.s32 $0xFFFFFE00, s17;
	s18 =	simm.s32 $0x10;
	[sflag:s9] =	ssyncadd.s32 $0xFFFFF000  }
0x13d: {  	[tilespmem:s21], [sflag:$0x5] =	stream.indirect.gather [spmem:s2], $0x20, s15, s6, $0xb8;
	[tilespmem:$0x1DE00] =	vst v63  }
0x13e: {  	_ =	swait.ge [sflag:s18], $0x1000  }
0x13f: {  	[sflag:s18] =	ssyncset.done $0x0  }
0x140: {  	s19 =	sadd.s32 $0xFFFFFE80, s17;
	s20 =	simm.s32 $0x11;
	[sflag:s18] =	ssyncadd.s32 $0xFFFFF000  }
0x141: {  	[tilespmem:s1], [sflag:$0x6] =	stream.indirect.gather [spmem:s2], $0x20, s19, s6, $0xb8;
	[tilespmem:$0x1DE00] =	vst v63  }
0x142: {  	_ =	swait.ge [sflag:s20], $0x1000  }
0x143: {  	[sflag:s20] =	ssyncset.done $0x0  }
0x144: {  	s22 =	simm.s32 $0x12;
	s21 =	sadd.s32 $0xFFFFFF00, s17;
	[sflag:s20] =	ssyncadd.s32 $0xFFFFF000  }
0x145: {  	[tilespmem:s7], [sflag:$0x7] =	stream.indirect.gather [spmem:s2], $0x20, s21, s6, $0xb8;
	[tilespmem:$0x1DE00] =	vst v63  }
0x146: {  	s29 =	sadd.s32 $0xFFFFFD00, s16;
	s28 =	sadd.s32 $0xFFFFFD80, s16;
	_ =	swait.ge [sflag:s22], $0x1000  }
0x147: {  	s31 =	simm.s32 $0xB000;
	s5 =	sadd.s32 $0xFFFFFE00, s16;
	[sflag:s22] =	ssyncset.done $0x0  }
0x148: {  	s24 =	sadd.s32 $0xFFFFFF80, s17;
	s26 =	sadd.s32 $0xFFFFFC80, s16;
	[sflag:s22] =	ssyncadd.s32 $0xFFFFF000  }
0x149: {  	[tilespmem:s25], [sflag:$0x8] =	stream.indirect.gather [spmem:s2], $0x20, s24, s6, $0xb8;
	[tilespmem:$0x1DE00] =	vst v63  }
0x14a: {  	s30 =	simm.s32 $0x14;
	s8 =	simm.s32 $0x12000;
	s25 =	simm.s32 $0x13  }
0x14b: {  	s0 =	simm.s32 $0xC000;
	s15 =	sadd.s32 $0xFFFFFF80, s16;
	_ =	swait.ge [sflag:s25], $0x1000  }
0x14c: {  	s18 =	sadd.s32 $0xFFFFFC00, s16;
	s19 =	smov.u32 s16;
	[sflag:s25] =	ssyncset.done $0x0  }
0x14d: {  	s1 =	simm.s32 $0xE000;
	s20 =	sadd.s32 $0xFFFFFF00, s16;
	[sflag:s25] =	ssyncadd.s32 $0xFFFFF000  }
0x14e: {  	[tilespmem:s23], [sflag:$0x9] =	stream.indirect.gather [spmem:s2], $0x20, s17, s6, $0xb8;
	[tilespmem:$0x1DE00] =	vst v63  }
0x14f: {  	s7 =	simm.s32 $0xF000;
	s21 =	simm.s32 $0xD000;
	_ =	swait.ge [sflag:s30], $0x1000  }
0x150: {  	s22 =	simm.s32 $0xA000;
	s24 =	sadd.s32 $0xFFFFFE80, s16;
	[sflag:s30] =	ssyncset.done $0x0  }
0x151: {  	s25 =	simm.s32 $0x10000;
	s23 =	simm.s32 $0x11000;
	[sflag:s30] =	ssyncadd.s32 $0xFFFFF000  }
.LBB2_10:
0x152: {  	s30 =	sadd.s32 $0x480, s18;
	s9 =	simm.s32 $0x13000  }
0x153: {  	[tilespmem:s9], [sflag:$0xA] =	stream.indirect.gather [spmem:s2], $0x20, s30, s6, $0xb8;
	[tilespmem:$0x1DE00] =	vst v63  }
0x154: {  	s30 =	simm.s32 $0x1  }
0x155: {  	_ =	swait.ge [sflag:s30], $0x1000  }
0x156: {  	[sflag:s30] =	ssyncset.done $0x0  }
0x157: {  	[sflag:s30] =	ssyncadd.s32 $0xFFFFF000;
	s30 =	sadd.s32 $0x5000, s18  }
0x158: {  	[spmem:s3] =	stream.indirect.scatter.add.f32 [tilespmem:s22], [sflag:$0xB], $0x20, s30, s6, $0xb8;
	[tilespmem:$0x1DE00] =	vst v63  }
0x159: {  	s30 =	simm.s32 $0x2  }
0x15a: {  	_ =	swait.ge [sflag:s30], $0x1000  }
0x15b: {  	[sflag:s30] =	ssyncset.done $0x0  }
0x15c: {  	s26 =	sadd.s32 $0x5000, s26;
	[sflag:s30] =	ssyncadd.s32 $0xFFFFF000;
	s30 =	simm.s32 $0x3  }
0x15d: {  	[spmem:s3] =	stream.indirect.scatter.add.f32 [tilespmem:s31], [sflag:$0xC], $0x20, s26, s6, $0xb8;
	[tilespmem:$0x1DE00] =	vst v63  }
0x15e: {  	_ =	swait.ge [sflag:s30], $0x1000  }
0x15f: {  	[sflag:s30] =	ssyncset.done $0x0  }
0x160: {  	s31 =	sadd.s32 $0x5000, s29;
	s29 =	simm.s32 $0x4;
	[sflag:s30] =	ssyncadd.s32 $0xFFFFF000  }
0x161: {  	[spmem:s3] =	stream.indirect.scatter.add.f32 [tilespmem:s0], [sflag:$0xD], $0x20, s31, s6, $0xb8;
	[tilespmem:$0x1DE00] =	vst v63  }
0x162: {  	_ =	swait.ge [sflag:s29], $0x1000  }
0x163: {  	[sflag:s29] =	ssyncset.done $0x0  }
0x164: {  	s22 =	sadd.s32 $0x5000, s28;
	[sflag:s29] =	ssyncadd.s32 $0xFFFFF000  }
0x165: {  	[spmem:s3] =	stream.indirect.scatter.add.f32 [tilespmem:s21], [sflag:$0xE], $0x20, s22, s6, $0xb8;
	[tilespmem:$0x1DE00] =	vst v63  }
0x166: {  	_ =	swait.ge [sflag:s10], $0x1000  }
0x167: {  	[sflag:s10] =	ssyncset.done $0x0  }
0x168: {  	s5 =	sadd.s32 $0x5000, s5;
	[sflag:s10] =	ssyncadd.s32 $0xFFFFF000  }
0x169: {  	[spmem:s3] =	stream.indirect.scatter.add.f32 [tilespmem:s1], [sflag:$0xF], $0x20, s5, s6, $0xb8;
	[tilespmem:$0x1DE00] =	vst v63  }
0x16a: {  	_ =	swait.ge [sflag:s11], $0x1000  }
0x16b: {  	[sflag:s11] =	ssyncset.done $0x0  }
0x16c: {  	s24 =	sadd.s32 $0x5000, s24;
	[sflag:s11] =	ssyncadd.s32 $0xFFFFF000  }
0x16d: {  	[spmem:s3] =	stream.indirect.scatter.add.f32 [tilespmem:s7], [sflag:$0x10], $0x20, s24, s6, $0xb8;
	[tilespmem:$0x1DE00] =	vst v63  }
0x16e: {  	_ =	swait.ge [sflag:s12], $0x1000  }
0x16f: {  	[sflag:s12] =	ssyncset.done $0x0  }
0x170: {  	s26 =	sadd.s32 $0x5000, s20;
	[sflag:s12] =	ssyncadd.s32 $0xFFFFF000  }
0x171: {  	[spmem:s3] =	stream.indirect.scatter.add.f32 [tilespmem:s25], [sflag:$0x11], $0x20, s26, s6, $0xb8;
	[tilespmem:$0x1DE00] =	vst v63  }
0x172: {  	_ =	swait.ge [sflag:s13], $0x1000  }
0x173: {  	[sflag:s13] =	ssyncset.done $0x0  }
0x174: {  	s28 =	sadd.s32 $0x5000, s15;
	[sflag:s13] =	ssyncadd.s32 $0xFFFFF000  }
0x175: {  	[spmem:s3] =	stream.indirect.scatter.add.f32 [tilespmem:s23], [sflag:$0x12], $0x20, s28, s6, $0xb8;
	[tilespmem:$0x1DE00] =	vst v63  }
0x176: {  	s16 =	sadd.s32 $0x500, s16;
	s17 =	sadd.s32 $0x500, s17;
	_ =	swait.ge [sflag:s14], $0x1000  }
0x177: {  	p1 =	sne.s32 s16, $0x5400;
	s20 =	simm.s32 $0xC000;
	[sflag:s14] =	ssyncset.done $0x0  }
0x178: {  	s30 =	sadd.s32 $0x5000, s19;
	s19 =	simm.s32 $0xB000;
	[sflag:s14] =	ssyncadd.s32 $0xFFFFF000  }
0x179: {  	[spmem:s3] =	stream.indirect.scatter.add.f32 [tilespmem:s8], [sflag:$0x13], $0x20, s30, s6, $0xb8;
	[tilespmem:$0x1DE00] =	vst v63  }
.Ltmp7:
0x17a: {  	s31 =	sadd.s32 $0x5480, s18;
	s0 =	simm.s32 $0xD000;
	(pc) =	sbr.rel @!p1 .LBB2_11-.Ltmp7, $4  }
0x17b: {  	s21 =	simm.s32 $0xE000;
	s1 =	simm.s32 $0xF000;
	_ =	swait.ge [sflag:s4], $0x1000  }
0x17c: {  	s7 =	simm.s32 $0x10000;
	s24 =	simm.s32 $0xA000;
	[sflag:s4] =	ssyncset.done $0x0  }
0x17d: {  	s25 =	simm.s32 $0x11000;
	s23 =	simm.s32 $0x12000;
	[sflag:s4] =	ssyncadd.s32 $0xFFFFF000  }
0x17e: {  	[spmem:s3] =	stream.indirect.scatter.add.f32 [tilespmem:s9], [sflag:$0x14], $0x20, s31, s6, $0xb8;
	[tilespmem:$0x1DE00] =	vst v63  }
.LBB2_7:
0x17f: {  	p1 =	sne.s32 s16, $0x400  }
.Ltmp8:
0x180: {  	_ = 	snop;
	(pc) =	sbr.rel @p1 .LBB2_9-.Ltmp8, $1  }
0x181: {  	_ =	sdelay $0x3  }
0x182: {  	s26 =	simm.s32 $0x80;
	s18 =	simm.s32 $0x0  }
0x183: {  	[tilespmem:s24], [sflag:$0x1] =	stream.indirect.gather [spmem:s2], $0x20, s18, s26, $0xb8;
	[tilespmem:$0x1DE00] =	vst v63  }
0x184: {  	_ = 	snop  }
0x185: {  	[tilespmem:s19], [sflag:$0x2] =	stream.indirect.gather [spmem:s2], $0x20, s26, s26, $0xb8;
	[tilespmem:$0x1DE00] =	vst v63  }
0x186: {  	s29 =	simm.s32 $0x100  }
0x187: {  	[tilespmem:s20], [sflag:$0x3] =	stream.indirect.gather [spmem:s2], $0x20, s29, s26, $0xb8;
	[tilespmem:$0x1DE00] =	vst v63  }
0x188: {  	s28 =	simm.s32 $0x180  }
0x189: {  	[tilespmem:s0], [sflag:$0x4] =	stream.indirect.gather [spmem:s2], $0x20, s28, s26, $0xb8;
	[tilespmem:$0x1DE00] =	vst v63  }
0x18a: {  	s5 =	simm.s32 $0x200  }
0x18b: {  	[tilespmem:s21], [sflag:$0x5] =	stream.indirect.gather [spmem:s2], $0x20, s5, s26, $0xb8;
	[tilespmem:$0x1DE00] =	vst v63  }
0x18c: {  	s15 =	simm.s32 $0x380;
	s24 =	simm.s32 $0x280  }
0x18d: {  	[tilespmem:s1], [sflag:$0x6] =	stream.indirect.gather [spmem:s2], $0x20, s24, s26, $0xb8;
	[tilespmem:$0x1DE00] =	vst v63  }
0x18e: {  	s31 =	simm.s32 $0xB000;
	s8 =	simm.s32 $0x12000;
	s20 =	simm.s32 $0x300  }
0x18f: {  	[tilespmem:s7], [sflag:$0x7] =	stream.indirect.gather [spmem:s2], $0x20, s20, s26, $0xb8;
	[tilespmem:$0x1DE00] =	vst v63  }
.Ltmp9:
0x190: {  	s22 =	simm.s32 $0xA000;
	s19 =	simm.s32 $0x400;
	(pc) =	sbr.rel .LBB2_10-.Ltmp9, $4  }
0x191: {  	[tilespmem:s25], [sflag:$0x8] =	stream.indirect.gather [spmem:s2], $0x20, s15, s26, $0xb8;
	[tilespmem:$0x1DE00] =	vst v63  }
0x192: {  	s0 =	simm.s32 $0xC000;
	s21 =	simm.s32 $0xD000;
	s1 =	simm.s32 $0xE000  }
0x193: {  	[tilespmem:s23], [sflag:$0x9] =	stream.indirect.gather [spmem:s2], $0x20, s19, s26, $0xb8;
	[tilespmem:$0x1DE00] =	vst v63  }
0x194: {  	s7 =	simm.s32 $0xF000;
	s25 =	simm.s32 $0x10000;
	s23 =	simm.s32 $0x11000  }
.LBB2_12:
0x195: {  	_ =	sfence.sel $0x180000  }
0x196: {  	[bflag:$0x0] =	sbarrier.arrive $0xFFFF  }
0x197: {  	_ =	strace $0x9000004A  }
0x198: {  	s0 =	stileid.u32;
	[bflag:$0x2] =	sbarrier.arrive $0xFFFF  }
0x199: {  	p0 =	sne.s32 s0, $0x0;
	s0 =	rddreg [dreg:$0x4]  }
0x19a: {  	s0 =	sadd.s32 @!p0 $0x100000, s0  }
0x19b: {  	[sflag:s0] =	ssyncadd.tile.s32 @!p0 $0x1;
	_ =	shalt  }
.Lfunc_end2:
_tile_overlayer_lowered:
.L_overlay_start_2:
0x19c: {  	(tag) =	ssettag $0x2  }
0x19d: {  	s0 =	rddreg [dreg:$0x0];
	s2 =	stileid.u32  }
0x19e: {  	s1 =	rddreg [dreg:$0x1];
	p0 =	sne.s32 s2, $0x0  }
0x19f: {  	s3 =	rddreg [dreg:$0x2];
	[bflag:$0x3] =	sbarrier.arrive $0xFFFF;
	s2 =	simm.s32 @!p0 $0x1C15  }
0x1a0: {  	[timem:s3], [sflag:s2] =	dma.local @!p0 [hbm:s0], s1  }
0x1a1: {  	s0 =	simm.s32 @!p0 $0x15  }
0x1a2: {  	_ =	swait.ge @!p0 [sflag:s0], s1  }
0x1a3: {  	s1 =	ssub.s32 @!p0 $0x0, s1;
	[sflag:s0] =	ssyncset.done @!p0 $0x0  }
0x1a4: {  	[sflag:s0] =	ssyncadd.s32 @!p0 s1  }
0x1a5: {  	[bflag:$0x3] =	sbarrier.arrive $0xFFFF  }
0x1a6: {  	_ =	shalt  }

// kernel: kernel.14.cloned.1.call-start
scs
__scs_entry_jumppad:
0x0: {  	(pc) =	sbr.rel $0x88, $3  }
0x1: {  	(tag) =	ssettag $0x0;
	lr =	simm.s32 $0x1  }
0x2: {  	[smem:$0x3F9B] =	sst lr;
	_ =	strace $0xD0000000  }
0x3: {  	_ = 	snop  }
0x4: {  	_ = 	snop  }
0x5: {  	_ = 	snop  }
0x6: {  	_ = 	snop  }
0x7: {  	_ = 	snop  }
__scs_overlays_trampoline_lowered:
0x8: {  	[smem:$0x3FAA] =	sst s0  }
0x9: {  	[smem:$0x3FAB] =	sst s1  }
0xa: {  	[smem:$0x3FAC] =	sst s2  }
0xb: {  	[smem:$0x3FAD] =	sst s3  }
0xc: {  	[smem:$0x3FAE] =	sst s4  }
0xd: {  	[smem:$0x3FAF] =	sst s5  }
0xe: {  	[smem:$0x3FB0] =	sst s6  }
0xf: {  	[smem:$0x3FB1] =	sst s7  }
0x10: {  	[smem:$0x3FB2] =	sst s8  }
0x11: {  	[smem:$0x3FB3] =	sst s9;
	s0 =	simm.s32 @!p0 $0x0  }
0x12: {  	s1 =	sld [smem:$0x3F99];
	s0 =	simm.s32 @p0 $0x1  }
0x13: {  	[smem:$0x3FB4] =	sst s0;
	s0 =	simm.s32 @!p1 $0x0  }
0x14: {  	s2 =	sld [smem:$0x3F98];
	s0 =	simm.s32 @p1 $0x1  }
0x15: {  	[smem:$0x3FB5] =	sst s0;
	s0 =	simm.s32 @!p2 $0x0  }
0x16: {  	s3 =	sld [smem:$0x3FDB];
	s0 =	simm.s32 @p2 $0x1  }
0x17: {  	s4 =	simm.s32 $0x1BF5;
	[smem:$0x3FB7] =	sst s0  }
0x18: {  	s0 =	sld [smem:$0x3F9A];
	_ =	swait.ge [sflag:s4], $0x0  }
0x19: {  	s7 =	sld [smem:$0x3F9B]  }
0x1a: {  	s8 =	sadd.s32 $0xFFFFE003, lr  }
0x1b: {  	s9 =	sadd.s32 $0xFFFFFEF7, lr;
	s5 =	simm.s32 $0xFFFFFFFF;
	p2 =	slt.u32 s8, $0xFFFFF086  }
0x1c: {  	p1 =	slt.u32 s9, $0xF7A;
	s5 =	simm.s32 @!p2 $0x0  }
0x1d: {  	s5 =	simm.s32 @p1 $0x1;
	p0 =	seq.s32 s7, s2  }
0x1e: {  	s7 =	smul.u32 @!p0 $0xF7A, s2;
	p2 =	seq.s32 @!p0 s5, $0x0  }
0x1f: {  	s9 =	smul.u32 $0xF7A, s1;
	s8 =	simm.s32 @!p0 $0x1BF5;
	p2 =	por !p2, p0  }
0x20: {  	[sflag:s8] =	ssyncset.s32 @!p0 $0xFFFFF086;
	s6 =	sadd.s32 @!p0 s3, s7;
	s7 =	simm.s32 @!p0 $0x108  }
0x21: {  	s3 =	sadd.s32 s3, s9;
	s6 =	sadd.s32 @!p0 $0x88, s6;
	s7 =	simm.s32 @p2 $0x1082  }
0x22: {  	[simem:s7], [sflag:s8] =	dma.local @!p0 [hbm:s6], $0xF7A  }
0x23: {  	s9 =	sor.u32 $0xD0000000, s2;
	s6 =	simm.s32 $0x108;
	_ =	swait.ge @!p0 [sflag:s8], $0x0  }
0x24: {  	s3 =	sadd.s32 $0x88, s3;
	s6 =	simm.s32 @!p1 $0x1082;
	[sflag:s4] =	ssyncset.s32 $0xFFFFF086  }
0x25: {  	[simem:s6], [sflag:s4] =	dma.local [hbm:s3], $0xF7A  }
0x26: {  	[smem:$0x3F9B] =	sst s1;
	(tag) =	ssettag s2;
	_ =	strace s9  }
0x27: {  	s1 =	sld [smem:$0x3FAB]  }
0x28: {  	s2 =	sld [smem:$0x3FAC]  }
0x29: {  	s4 =	sld [smem:$0x3FAE]  }
0x2a: {  	p0 =	seq.s32 s5, $0x0;
	s5 =	sld [smem:$0x3FAF]  }
0x2b: {  	s6 =	sld [smem:$0x3FB0]  }
0x2c: {  	s7 =	sld [smem:$0x3FB1]  }
0x2d: {  	s3 =	simm.s32 $0x108;
	s8 =	sld [smem:$0x3FB2]  }
0x2e: {  	s3 =	simm.s32 @!p0 $0x1082;
	s9 =	sld [smem:$0x3FB3]  }
0x2f: {  	lr =	sadd.s32 s0, s3;
	s0 =	sld [smem:$0x3FAA]  }
0x30: {  	s3 =	sld [smem:$0x3FAD]  }
0x31: {  	[smem:$0x3FB6] =	sst s10  }
0x32: {  	s10 =	sld [smem:$0x3FB4];
	_ =	sdelay $0x3  }
0x33: {  	p0 =	seq.s32 s10, $0x1;
	s10 =	sld [smem:$0x3FB6];
	_ =	sdelay $0x3  }
0x34: {  	[smem:$0x3FB6] =	sst s10  }
0x35: {  	s10 =	sld [smem:$0x3FB5];
	_ =	sdelay $0x3  }
0x36: {  	p1 =	seq.s32 s10, $0x1;
	s10 =	sld [smem:$0x3FB6];
	_ =	sdelay $0x3  }
0x37: {  	[smem:$0x3FB6] =	sst s10  }
0x38: {  	s10 =	sld [smem:$0x3FB7]  }
0x39: {  	_ = 	snop;
	(pc) =	sbr.ind lr, $3  }
0x3a: {  	_ = 	snop  }
0x3b: {  	_ = 	snop  }
0x3c: {  	p2 =	seq.s32 s10, $0x1;
	s10 =	sld [smem:$0x3FB6]  }
0x3d: {  	_ =	shalt  }
0x3e: {  	_ =	shalt  }
0x3f: {  	_ =	shalt  }
0x40: {  	_ =	shalt  }
0x41: {  	_ =	shalt  }
0x42: {  	_ =	shalt  }
0x43: {  	_ =	shalt  }
0x44: {  	_ =	shalt  }
0x45: {  	_ =	shalt  }
0x46: {  	_ =	shalt  }
0x47: {  	_ =	shalt  }
0x48: {  	_ =	shalt  }
0x49: {  	_ =	shalt  }
0x4a: {  	_ =	shalt  }
0x4b: {  	_ =	shalt  }
0x4c: {  	_ =	shalt  }
0x4d: {  	_ =	shalt  }
0x4e: {  	_ =	shalt  }
0x4f: {  	_ =	shalt  }
0x50: {  	_ =	shalt  }
0x51: {  	_ =	shalt  }
0x52: {  	_ =	shalt  }
0x53: {  	_ =	shalt  }
0x54: {  	_ =	shalt  }
0x55: {  	_ =	shalt  }
0x56: {  	_ =	shalt  }
0x57: {  	_ =	shalt  }
0x58: {  	_ =	shalt  }
0x59: {  	_ =	shalt  }
0x5a: {  	_ =	shalt  }
0x5b: {  	_ =	shalt  }
0x5c: {  	_ =	shalt  }
0x5d: {  	_ =	shalt  }
0x5e: {  	_ =	shalt  }
0x5f: {  	_ =	shalt  }
0x60: {  	_ =	shalt  }
0x61: {  	_ =	shalt  }
0x62: {  	_ =	shalt  }
0x63: {  	_ =	shalt  }
0x64: {  	_ =	shalt  }
0x65: {  	_ =	shalt  }
0x66: {  	_ =	shalt  }
0x67: {  	_ =	shalt  }
0x68: {  	_ =	shalt  }
0x69: {  	_ =	shalt  }
0x6a: {  	_ =	shalt  }
0x6b: {  	_ =	shalt  }
0x6c: {  	_ =	shalt  }
0x6d: {  	_ =	shalt  }
0x6e: {  	_ =	shalt  }
0x6f: {  	_ =	shalt  }
0x70: {  	_ =	shalt  }
0x71: {  	_ =	shalt  }
0x72: {  	_ =	shalt  }
0x73: {  	_ =	shalt  }
0x74: {  	_ =	shalt  }
0x75: {  	_ =	shalt  }
0x76: {  	_ =	shalt  }
0x77: {  	_ =	shalt  }
0x78: {  	_ =	shalt  }
0x79: {  	_ =	shalt  }
0x7a: {  	_ =	shalt  }
0x7b: {  	_ =	shalt  }
0x7c: {  	_ =	shalt  }
0x7d: {  	_ =	shalt  }
0x7e: {  	_ =	shalt  }
0x7f: {  	_ =	shalt  }
0x80: {  	_ =	shalt  }
0x81: {  	_ =	shalt  }
0x82: {  	_ =	shalt  }
0x83: {  	_ =	shalt  }
0x84: {  	_ =	shalt  }
0x85: {  	_ =	shalt  }
0x86: {  	_ =	shalt  }
0x87: {  	_ =	shalt  }
.Lfunc_end0:
.L_simem_size_0:
called_computation.2_lowered:
.L_overlay_start_0:
0x88: {  	s2 =	sld [smem:$0x3FD9]  }
0x89: {  	s3 =	sld [smem:$0x3FFE];
	_ =	sdelay $0x1  }
0x8a: {  	s1 =	srdreg.scid  }
0x8b: {  	s0 =	sand.u32 $0x1, s1  }
0x8c: {  	s17 =	sshll.u32 s0, $0xA;
	s2 =	sadd.s32 s3, s2  }
0x8d: {  	s2 =	sadd.s32 s2, s17  }
0x8e: {  	[smem:$0x3FC2] =	sst s2  }
0x8f: {  	_ = 	snop  }
0x90: {  	s2 =	sld [smem:$0x3FD0];
	(tm) =	ssettm $0x1  }
0x91: {  	s18 =	sld [smem:$0x3FFB];
	_ =	sdelay $0x3  }
0x92: {  	_ =	strace s18  }
0x93: {  	s3 =	sld [smem:$0x3FFC];
	_ =	sdelay $0x3  }
0x94: {  	_ =	strace s3  }
0x95: {  	s3 =	sld [smem:$0x3FFD];
	_ =	sdelay $0x3  }
0x96: {  	_ =	strace s3  }
0x97: {  	_ =	strace $0x8FFFFFFF  }
0x98: {  	s19 =	sld [smem:$0x3FDB];
	_ =	sdelay $0x1  }
0x99: {  	s4 =	simm.s32 $_scs_section_size  }
0x9a: {  	s5 =	simm.s32 $_size__tile_overlayer_lowered;
	s6 =	simm.s32 $_tile_overlayer_lowered  }
0x9b: {  	s22 =	simm.s32 $0x1BFF;
	s21 =	sshll.u32 s6, $0x1;
	s3 =	sadd.s32 s4, s19  }
0x9c: {  	s7 =	simm.s32 $0x0;
	s20 =	sshll.u32 s5, $0x1;
	s5 =	sadd.s32 s21, s3  }
0x9d: {  	[timem:s7], [sflag:s22] =	dma.local [hbm:s5], s20  }
0x9e: {  	_ =	swait.ge [sflag:s22], s20  }
0x9f: {  	s4 =	ssub.s32 $0x0, s20;
	[sflag:s22] =	ssyncset.done $0x0  }
0xa0: {  	[sflag:s22] =	ssyncadd.s32 s4;
	_ =	sdelay $0x1  }
0xa1: {  	s23 =	simm.s32 $0x1B8B  }
0xa2: {  	_ =	swait.ge [sflag:s23], $0x1  }
0xa3: {  	[sflag:s23] =	ssyncset.done $0x0  }
0xa4: {  	s25 =	simm.s32 $0x1B8E;
	s24 =	sld [smem:$0x3FFE];
	[sflag:s23] =	ssyncadd.s32 $0xFFFFFFFF  }
0xa5: {  	s26 =	simm.s32 $execute0_lowered;
	[smem:$0x3FD2] =	sst s25  }
0xa6: {  	s5 =	sshll.u32 s26, $0x1;
	_ =	strace $0x8000004C;
	[dreg:$0x1] =	wrdreg $0xFFFFFFFF  }
0xa7: {  	s28 =	simm.s32 $_size_execute0_lowered;
	s3 =	sadd.s32 s3, s5;
	[dreg:$0x0] =	wrdreg $0x0  }
0xa8: {  	s5 =	sshll.u32 s28, $0x1;
	[dreg:$0x2] =	wrdreg s3  }
0xa9: {  	[dreg:$0x3] =	wrdreg s5  }
0xaa: {  	[dreg:$0x4] =	wrdreg $0xC0  }
0xab: {  	_ =	task [dreg:s7], $0x5FFFF  }
0xac: {  	[dreg:$0x1] =	wrdreg $0xFFFFFFFF  }
0xad: {  	[dreg:$0x0] =	wrdreg $0x60  }
0xae: {  	[dreg:$0x2] =	wrdreg s24  }
0xaf: {  	[dreg:$0x3] =	wrdreg s2  }
0xb0: {  	[dreg:$0x4] =	wrdreg $0x140000  }
0xb1: {  	[dreg:$0x5] =	wrdreg $0x18F000  }
0xb2: {  	[dreg:$0x6] =	wrdreg $0x9  }
0xb3: {  	_ =	task.clear_ibuf [dreg:s7], $0x7FFFF;
	_ =	strace $0x9000004C  }
0xb4: {  	s29 =	simm.s32 $0x9;
	_ =	strace $0x8000004E  }
0xb5: {  	_ =	swait.ge [sflag:s29], $0x1  }
0xb6: {  	[sflag:s29] =	ssyncadd.s32 $0xFFFFFFFF  }
0xb7: {  	_ =	strace $0x9000004E  }
0xb8: {  	_ =	sfence  }
0xb9: {  	s30 =	sld [smem:$0x0];
	_ =	sdelay $0x2  }
0xba: {  	s31 =	sshll.u32 s1, $0xD;
	s1 =	sshrl.u32 s1, $0x2  }
0xbb: {  	s3 =	sand.u32 $0x4000, s31;
	s1 =	sadd.s32 s1, s30  }
0xbc: {  	s0 =	sor.u32 s3, s0;
	s1 =	sshll.u32 s1, $0x11  }
0xbd: {  	s0 =	sor.u32 s1, s0  }
0xbe: {  	s0 =	sadd.s32 $0x8F2B, s0  }
0xbf: {  	[sflag:s0] =	ssyncadd.remote.s32 $0x1  }
0xc0: {  	_ =	sfence.sel $0xFFFF  }
0xc1: {  	[dreg:$0x0] =	wrdreg $0xFFFFFFFF;
	(pc) =	sbr.abs _section_cstart, $3  }
0xc2: {  	[dreg:$0x1] =	wrdreg $0xFFFFFFFF  }
0xc3: {  	_ =	task.clear_ibuf [dreg:s7], $0x2FFFF;
	_ =	strace $0x9FFFFFFF  }
0xc4: {  	(tm) =	ssettm $0x7FFFFFFF  }
0xc5: {  	_ =	shalt  }
tec
execute0_lowered:
.L_overlay_start_1:
0x0: {  	(tag) =	ssettag $0x1  }
0x1: {  	s0 =	rddreg [dreg:$0x0]  }
0x2: {  	s1 =	rddreg [dreg:$0x1]  }
0x3: {  	s2 =	rddreg [dreg:$0x2]  }
0x4: {  	s3 =	rddreg [dreg:$0x3]  }
0x5: {  	s4 =	simm.s32 $0x0;
	s12 =	stileid.u32;
	s6 =	srdreg.scid  }
0x6: {  	s29 =	simm.s32 $0x4;
	s13 =	simm.s32 $0x8;
	s14 =	simm.s32 $0x9  }
0x7: {  	[smem:$0x7FF] =	sst s4;
	s16 =	smul.u32 $0xA00, s12;
	s5 =	sadd.s32 $0x66000, s0  }
0x8: {  	s8 =	sadd.s32 $0x2E00, s0;
	s6 =	sand.u32 $0x1, s6;
	s9 =	smul.u32 $0x13C00, s12  }
0x9: {  	s11 =	smul.u32 $0x4F00, s12;
	s24 =	sshll.u32 s12, $0xC;
	p0 =	seq.s32 s12, $0xF  }
0xa: {  	s12 =	simm.s32 $0x7;
	s4 =	simm.s32 $0xA;
	_ =	strace $0x8000004D  }
0xb: {  	[dreg:$0x5] =	wrdreg s8;
	s17 =	ssub.s32 $0x2, s6;
	s6 =	sshll.u32 s6, $0x6  }
0xc: {  	s26 =	sadd.s32 s24, s3;
	s24 =	simm.s32 $0xA000;
	s7 =	sadd.s32 s16, s0  }
0xd: {  	s0 =	sadd.s32 $0x8D800, s0;
	s1 =	sadd.s32 s1, s16;
	[dreg:$0xf] =	wrdreg s26  }
0xe: {  	s10 =	sshrl.u32 s17, $0x1;
	s18 =	sadd.s32 s11, s2;
	[dreg:$0x7] =	wrdreg s1  }
0xf: {  	s6 =	sor.u32 s6, s9;
	s22 =	sadd.s32 s11, s3;
	[dreg:$0x8] =	wrdreg s18  }
0x10: {  	s28 =	sadd.s32 $0x10000, s26;
	s30 =	sadd.s32 $0x20000, s26;
	[dreg:$0xb] =	wrdreg s22  }
0x11: {  	s31 =	sadd.s32 $0x30000, s26;
	s16 =	simm.s32 $0x15;
	[dreg:$0x10] =	wrdreg s28  }
0x12: {  	s11 =	simm.s32 $0x6;
	s8 =	ssub.s32 s17, s10;
	[dreg:$0x11] =	wrdreg s30  }
0x13: {  	s7 =	sadd.s32 $0xD000, s7;
	s19 =	sshrl.u32 s6, $0x3;
	[dreg:$0x12] =	wrdreg s31  }
0x14: {  	s22 =	simm.s32 $0x1;
	s6 =	simm.s32 $0x80;
	s10 =	simm.s32 $0x5  }
0x15: {  	[dreg:$0x6] =	wrdreg s7;
	s20 =	sadd.s32 s5, s19;
	s21 =	sadd.s32 s0, s19  }
0x16: {  	s1 =	sor.u32 $0x4, s19;
	s25 =	smax.u32 s8, $0x1;
	s19 =	simm.s32 $0xB000  }
0x17: {  	s7 =	simm.s32 $0x10000;
	s8 =	simm.s32 $0x0;
	[dreg:$0x9] =	wrdreg s20  }
.Ltmp0:
0x18: {  	[dreg:$0xa] =	wrdreg s21;
	s23 =	sadd.s32 s5, s1;
	(pc) =	sbr.rel .LBB2_1-.Ltmp0, $4  }
0x19: {  	s0 =	sadd.s32 s0, s1;
	[dreg:$0xe] =	wrdreg s25;
	s20 =	simm.s32 $0xC000  }
0x1a: {  	s21 =	simm.s32 $0xE000;
	s1 =	simm.s32 $0xF000;
	[dreg:$0xc] =	wrdreg s23  }
0x1b: {  	s25 =	simm.s32 $0x11000;
	[dreg:$0xd] =	wrdreg s0;
	s0 =	sadd.s32 $0x40000, s26  }
0x1c: {  	s23 =	simm.s32 $0x12000;
	[dreg:$0x13] =	wrdreg s0;
	s0 =	simm.s32 $0xD000  }
.LBB2_11:
0x1d: {  	s5 =	simm.s32 $0xB  }
0x1e: {  	_ =	swait.ge [sflag:s5], $0x1000  }
0x1f: {  	[sflag:s5] =	ssyncset.done $0x0  }
0x20: {  	s8 =	simm.s32 $0xC;
	[sflag:s5] =	ssyncadd.s32 $0xFFFFF000  }
0x21: {  	_ =	swait.ge [sflag:s8], $0x1000  }
0x22: {  	[sflag:s8] =	ssyncset.done $0x0  }
0x23: {  	s9 =	simm.s32 $0xD;
	[sflag:s8] =	ssyncadd.s32 $0xFFFFF000  }
0x24: {  	_ =	swait.ge [sflag:s9], $0x1000  }
0x25: {  	[sflag:s9] =	ssyncset.done $0x0  }
0x26: {  	s15 =	simm.s32 $0xE;
	[sflag:s9] =	ssyncadd.s32 $0xFFFFF000  }
0x27: {  	_ =	swait.ge [sflag:s15], $0x1000  }
0x28: {  	[sflag:s15] =	ssyncset.done $0x0  }
0x29: {  	s16 =	simm.s32 $0xF;
	[sflag:s15] =	ssyncadd.s32 $0xFFFFF000  }
0x2a: {  	_ =	swait.ge [sflag:s16], $0x1000  }
0x2b: {  	[sflag:s16] =	ssyncset.done $0x0  }
0x2c: {  	s15 =	simm.s32 $0x10;
	[sflag:s16] =	ssyncadd.s32 $0xFFFFF000  }
0x2d: {  	_ =	swait.ge [sflag:s15], $0x1000  }
0x2e: {  	[sflag:s15] =	ssyncset.done $0x0  }
0x2f: {  	s17 =	simm.s32 $0x11;
	[sflag:s15] =	ssyncadd.s32 $0xFFFFF000  }
0x30: {  	_ =	swait.ge [sflag:s17], $0x1000  }
0x31: {  	[sflag:s17] =	ssyncset.done $0x0  }
0x32: {  	s18 =	simm.s32 $0x12;
	[sflag:s17] =	ssyncadd.s32 $0xFFFFF000  }
0x33: {  	_ =	swait.ge [sflag:s18], $0x1000  }
0x34: {  	[sflag:s18] =	ssyncset.done $0x0  }
0x35: {  	s22 =	simm.s32 $0x13;
	[sflag:s18] =	ssyncadd.s32 $0xFFFFF000  }
0x36: {  	_ =	swait.ge [sflag:s22], $0x1000  }
0x37: {  	[sflag:s22] =	ssyncset.done $0x0  }
0x38: {  	s26 =	simm.s32 $0x14;
	[sflag:s22] =	ssyncadd.s32 $0xFFFFF000  }
0x39: {  	_ =	swait.ge [sflag:s26], $0x1000  }
0x3a: {  	[sflag:s26] =	ssyncset.done $0x0  }
0x3b: {  	[sflag:s26] =	ssyncadd.s32 $0xFFFFF000  }
0x3c: {  	[bflag:$0x0] =	sbarrier.arrive $0xFFFF  }
0x3d: {  	s28 =	rddreg [dreg:$0xd]  }
0x3e: {  	s8 =	rddreg [dreg:$0x15]  }
0x3f: {  	s16 =	simm.s32 $0x15;
	s22 =	simm.s32 $0x1;
	s9 =	rddreg [dreg:$0x17]  }
0x40: {  	[hbm:s28@s15], [sflag:s8] =	dma.strided [spmem:s9@s29], $0x9E0, s22, $0x4   }
0x41: {  	_ =	swait.ge [sflag:s16], $0x9E0  }
0x42: {  	s30 =	rddreg [dreg:$0x14]  }
0x43: {  	s31 =	rddreg [dreg:$0xe];
	s8 =	sadd.s32 $0x1, s30  }
0x44: {  	p1 =	sne.s32 s8, s31  }
.Ltmp1:
0x45: {  	_ = 	snop;
	(pc) =	sbr.rel @!p1 .LBB2_12-.Ltmp1, $3  }
0x46: {  	[sflag:s16] =	ssyncset.done $0x0  }
0x47: {  	[sflag:s16] =	ssyncadd.s32 $0xFFFFF620  }
0x48: {  	[bflag:$0x0] =	sbarrier.arrive $0xFFFF;
	_ =	sdelay $0x1  }
.LBB2_1:
0x49: {  	[dreg:$0x14] =	wrdreg s8  }
0x4a: {  	s15 =	simm.s32 $0x0;
	s5 =	rddreg [dreg:$0x6]  }
0x4b: {  	[tilespmem:s15], [sflag:$0x15] =	stream.linear.gather [hbm4b:s5+s15], $0x5000, $0x38;
	[tilespmem:$0x1DE00] =	vst v63  }
0x4c: {  	s30 =	stileid.u32;
	_ =	swait.ge [sflag:s16], $0x5000  }
0x4d: {  	s17 =	simm.s32 $0x5000;
	s5 =	sshll.u32 s30, $0x6;
	[sflag:s16] =	ssyncset.done $0x0  }
0x4e: {  	s31 =	sor.u32 $0x1C15, s5;
	s28 =	rddreg [dreg:$0x7];
	[sflag:s16] =	ssyncadd.s32 $0xFFFFB000  }
0x4f: {  	[tilespmem:s17], [sflag:$0x15] =	stream.linear.gather [hbm4b:s28+s15], $0x5000, $0x38;
	[tilespmem:$0x1DE00] =	vst v63  }
0x50: {  	_ =	swait.ge [sflag:s16], $0x5000;
	[dreg:$0x15] =	wrdreg s31  }
0x51: {  	s9 =	rddreg [dreg:$0x8]  }
0x52: {  	[sflag:s16] =	ssyncset.done $0x0;
	s17 =	rddreg [dreg:$0x9];
	s9 =	sshrl.u32 s9, $0x3  }
0x53: {  	s18 =	simm.s32 $0x10;
	[sflag:s16] =	ssyncadd.s32 $0xFFFFB000;
	[dreg:$0x16] =	wrdreg s9  }
0x54: {  	[spmem:s9@s29], [sflag:s31] =	dma.strided [hbm:s17@s18], $0x9E0, s22, $0x4   }
0x55: {  	_ =	swait.ge [sflag:s16], $0x9E0  }
0x56: {  	[sflag:s16] =	ssyncset.done $0x0  }
0x57: {  	s26 =	rddreg [dreg:$0x5];
	[sflag:s16] =	ssyncadd.s32 $0xFFFFF620  }
0x58: {  	[tilespmem:s24], [sflag:$0x15] =	stream.linear.gather [hbm4b:s26+s15], $0x1000, $0x38;
	[tilespmem:$0x1DE00] =	vst v63  }
0x59: {  	_ =	swait.ge [sflag:s16], $0x1000  }
0x5a: {  	[sflag:s16] =	ssyncset.done $0x0  }
0x5b: {  	s28 =	rddreg [dreg:$0xf];
	[sflag:s16] =	ssyncadd.s32 $0xFFFFF000  }
0x5c: {  	[spmem:s28] =	stream.linear.scatter [tilespmem:s24], [sflag:$0x15], $0x1000, $0x38;
	[tilespmem:$0x1DE00] =	vst v63  }
0x5d: {  	_ =	swait.ge [sflag:s16], $0x1000  }
0x5e: {  	[sflag:s16] =	ssyncset.done $0x0  }
0x5f: {  	s29 =	rddreg [dreg:$0x10];
	[sflag:s16] =	ssyncadd.s32 $0xFFFFF000  }
0x60: {  	[spmem:s29] =	stream.linear.scatter [tilespmem:s24], [sflag:$0x15], $0x1000, $0x38;
	[tilespmem:$0x1DE00] =	vst v63  }
0x61: {  	_ =	swait.ge [sflag:s16], $0x1000  }
0x62: {  	[sflag:s16] =	ssyncset.done $0x0  }
0x63: {  	s30 =	rddreg [dreg:$0x11];
	[sflag:s16] =	ssyncadd.s32 $0xFFFFF000  }
0x64: {  	[spmem:s30] =	stream.linear.scatter [tilespmem:s24], [sflag:$0x15], $0x1000, $0x38;
	[tilespmem:$0x1DE00] =	vst v63  }
0x65: {  	_ =	swait.ge [sflag:s16], $0x1000  }
0x66: {  	[sflag:s16] =	ssyncset.done $0x0  }
0x67: {  	s31 =	rddreg [dreg:$0x12];
	[sflag:s16] =	ssyncadd.s32 $0xFFFFF000  }
0x68: {  	[spmem:s31] =	stream.linear.scatter [tilespmem:s24], [sflag:$0x15], $0x1000, $0x38;
	[tilespmem:$0x1DE00] =	vst v63  }
0x69: {  	_ =	swait.ge [sflag:s16], $0x1000  }
0x6a: {  	[sflag:s16] =	ssyncset.done $0x0  }
0x6b: {  	s5 =	simm.s32 @!p0 $0xA000;
	s15 =	rddreg [dreg:$0x13];
	[sflag:s16] =	ssyncadd.s32 $0xFFFFF000  }
0x6c: {  	[spmem:s15] =	stream.linear.scatter @!p0 [tilespmem:s5], [sflag:$0x15], $0x1000, $0x38;
	[tilespmem:$0x1DE00] =	vst v63  }
0x6d: {  	s5 =	simm.s32 @!p0 $0x15  }
.Ltmp2:
0x6e: {  	_ =	swait.ge @!p0 [sflag:s5], $0x1000;
	(pc) =	sbr.rel .LBB2_2-.Ltmp2, $4  }
0x6f: {  	[sflag:s5] =	ssyncset.done @!p0 $0x0  }
0x70: {  	[sflag:s5] =	ssyncadd.s32 @!p0 $0xFFFFF000  }
0x71: {  	[bflag:$0x0] =	sbarrier.arrive $0xFFFF  }
0x72: {  	s17 =	simm.s32 $0x400;
	s16 =	simm.s32 $0x400  }
.LBB2_4:
0x73: {  	s5 =	simm.s32 $0xB  }
0x74: {  	_ =	swait.ge [sflag:s5], $0x1000  }
0x75: {  	[sflag:s5] =	ssyncset.done $0x0  }
0x76: {  	s15 =	sadd.s32 $0xFFFFFC00, s17;
	s18 =	simm.s32 $0xC;
	[sflag:s5] =	ssyncadd.s32 $0xFFFFF000  }
0x77: {  	[tilespmem:s24], [sflag:$0x1] =	stream.indirect.gather [spmem:s2], $0x20, s15, s6, $0xb8;
	[tilespmem:$0x1DE00] =	vst v63  }
0x78: {  	_ =	swait.ge [sflag:s18], $0x1000  }
0x79: {  	[sflag:s18] =	ssyncset.done $0x0  }
0x7a: {  	s22 =	sadd.s32 $0xFFFFFC80, s17;
	s24 =	simm.s32 $0xD;
	[sflag:s18] =	ssyncadd.s32 $0xFFFFF000  }
0x7b: {  	[tilespmem:s19], [sflag:$0x2] =	stream.indirect.gather [spmem:s2], $0x20, s22, s6, $0xb8;
	[tilespmem:$0x1DE00] =	vst v63  }
0x7c: {  	_ =	swait.ge [sflag:s24], $0x1000  }
0x7d: {  	[sflag:s24] =	ssyncset.done $0x0  }
0x7e: {  	s26 =	sadd.s32 $0xFFFFFD00, s17;
	s30 =	simm.s32 $0xE;
	[sflag:s24] =	ssyncadd.s32 $0xFFFFF000  }
0x7f: {  	[tilespmem:s20], [sflag:$0x3] =	stream.indirect.gather [spmem:s2], $0x20, s26, s6, $0xb8;
	[tilespmem:$0x1DE00] =	vst v63  }
0x80: {  	_ =	swait.ge [sflag:s30], $0x1000  }
0x81: {  	[sflag:s30] =	ssyncset.done $0x0  }
0x82: {  	s8 =	sadd.s32 $0xFFFFFD80, s17;
	s9 =	simm.s32 $0xF;
	[sflag:s30] =	ssyncadd.s32 $0xFFFFF000  }
0x83: {  	[tilespmem:s0], [sflag:$0x4] =	stream.indirect.gather [spmem:s2], $0x20, s8, s6, $0xb8;
	[tilespmem:$0x1DE00] =	vst v63  }
0x84: {  	_ =	swait.ge [sflag:s9], $0x1000  }
0x85: {  	[sflag:s9] =	ssyncset.done $0x0  }
0x86: {  	s15 =	sadd.s32 $0xFFFFFE00, s17;
	s18 =	simm.s32 $0x10;
	[sflag:s9] =	ssyncadd.s32 $0xFFFFF000  }
0x87: {  	[tilespmem:s21], [sflag:$0x5] =	stream.indirect.gather [spmem:s2], $0x20, s15, s6, $0xb8;
	[tilespmem:$0x1DE00] =	vst v63  }
0x88: {  	_ =	swait.ge [sflag:s18], $0x1000  }
0x89: {  	[sflag:s18] =	ssyncset.done $0x0  }
0x8a: {  	s19 =	sadd.s32 $0xFFFFFE80, s17;
	s20 =	simm.s32 $0x11;
	[sflag:s18] =	ssyncadd.s32 $0xFFFFF000  }
0x8b: {  	[tilespmem:s1], [sflag:$0x6] =	stream.indirect.gather [spmem:s2], $0x20, s19, s6, $0xb8;
	[tilespmem:$0x1DE00] =	vst v63  }
0x8c: {  	_ =	swait.ge [sflag:s20], $0x1000  }
0x8d: {  	[sflag:s20] =	ssyncset.done $0x0  }
0x8e: {  	s22 =	simm.s32 $0x12;
	s21 =	sadd.s32 $0xFFFFFF00, s17;
	[sflag:s20] =	ssyncadd.s32 $0xFFFFF000  }
0x8f: {  	[tilespmem:s7], [sflag:$0x7] =	stream.indirect.gather [spmem:s2], $0x20, s21, s6, $0xb8;
	[tilespmem:$0x1DE00] =	vst v63  }
0x90: {  	s29 =	sadd.s32 $0xFFFFFD00, s16;
	s28 =	sadd.s32 $0xFFFFFD80, s16;
	_ =	swait.ge [sflag:s22], $0x1000  }
0x91: {  	s31 =	simm.s32 $0xB000;
	s5 =	sadd.s32 $0xFFFFFE00, s16;
	[sflag:s22] =	ssyncset.done $0x0  }
0x92: {  	s24 =	sadd.s32 $0xFFFFFF80, s17;
	s26 =	sadd.s32 $0xFFFFFC80, s16;
	[sflag:s22] =	ssyncadd.s32 $0xFFFFF000  }
0x93: {  	[tilespmem:s25], [sflag:$0x8] =	stream.indirect.gather [spmem:s2], $0x20, s24, s6, $0xb8;
	[tilespmem:$0x1DE00] =	vst v63  }
0x94: {  	s30 =	simm.s32 $0x14;
	s8 =	simm.s32 $0x12000;
	s25 =	simm.s32 $0x13  }
0x95: {  	s0 =	simm.s32 $0xC000;
	s15 =	sadd.s32 $0xFFFFFF80, s16;
	_ =	swait.ge [sflag:s25], $0x1000  }
0x96: {  	s18 =	sadd.s32 $0xFFFFFC00, s16;
	s19 =	smov.u32 s16;
	[sflag:s25] =	ssyncset.done $0x0  }
0x97: {  	s1 =	simm.s32 $0xE000;
	s20 =	sadd.s32 $0xFFFFFF00, s16;
	[sflag:s25] =	ssyncadd.s32 $0xFFFFF000  }
0x98: {  	[tilespmem:s23], [sflag:$0x9] =	stream.indirect.gather [spmem:s2], $0x20, s17, s6, $0xb8;
	[tilespmem:$0x1DE00] =	vst v63  }
0x99: {  	s7 =	simm.s32 $0xF000;
	s21 =	simm.s32 $0xD000;
	_ =	swait.ge [sflag:s30], $0x1000  }
0x9a: {  	s22 =	simm.s32 $0xA000;
	s24 =	sadd.s32 $0xFFFFFE80, s16;
	[sflag:s30] =	ssyncset.done $0x0  }
0x9b: {  	s25 =	simm.s32 $0x10000;
	s23 =	simm.s32 $0x11000;
	[sflag:s30] =	ssyncadd.s32 $0xFFFFF000  }
.LBB2_5:
0x9c: {  	s30 =	sadd.s32 $0x480, s18;
	s9 =	simm.s32 $0x13000  }
0x9d: {  	[tilespmem:s9], [sflag:$0xA] =	stream.indirect.gather [spmem:s2], $0x20, s30, s6, $0xb8;
	[tilespmem:$0x1DE00] =	vst v63  }
0x9e: {  	s30 =	simm.s32 $0x1  }
0x9f: {  	_ =	swait.ge [sflag:s30], $0x1000  }
0xa0: {  	[sflag:s30] =	ssyncset.done $0x0  }
0xa1: {  	[sflag:s30] =	ssyncadd.s32 $0xFFFFF000;
	s30 =	sadd.s32 $0x5000, s18  }
0xa2: {  	[spmem:s3] =	stream.indirect.scatter.add.f32 [tilespmem:s22], [sflag:$0xB], $0x20, s30, s6, $0xb8;
	[tilespmem:$0x1DE00] =	vst v63  }
0xa3: {  	s30 =	simm.s32 $0x2  }
0xa4: {  	_ =	swait.ge [sflag:s30], $0x1000  }
0xa5: {  	[sflag:s30] =	ssyncset.done $0x0  }
0xa6: {  	s26 =	sadd.s32 $0x5000, s26;
	[sflag:s30] =	ssyncadd.s32 $0xFFFFF000;
	s30 =	simm.s32 $0x3  }
0xa7: {  	[spmem:s3] =	stream.indirect.scatter.add.f32 [tilespmem:s31], [sflag:$0xC], $0x20, s26, s6, $0xb8;
	[tilespmem:$0x1DE00] =	vst v63  }
0xa8: {  	_ =	swait.ge [sflag:s30], $0x1000  }
0xa9: {  	[sflag:s30] =	ssyncset.done $0x0  }
0xaa: {  	s22 =	simm.s32 $0x4;
	s31 =	sadd.s32 $0x5000, s29;
	[sflag:s30] =	ssyncadd.s32 $0xFFFFF000  }
0xab: {  	[spmem:s3] =	stream.indirect.scatter.add.f32 [tilespmem:s0], [sflag:$0xD], $0x20, s31, s6, $0xb8;
	[tilespmem:$0x1DE00] =	vst v63  }
0xac: {  	_ =	swait.ge [sflag:s22], $0x1000  }
0xad: {  	[sflag:s22] =	ssyncset.done $0x0  }
0xae: {  	s0 =	sadd.s32 $0x5000, s28;
	[sflag:s22] =	ssyncadd.s32 $0xFFFFF000  }
0xaf: {  	[spmem:s3] =	stream.indirect.scatter.add.f32 [tilespmem:s21], [sflag:$0xE], $0x20, s0, s6, $0xb8;
	[tilespmem:$0x1DE00] =	vst v63  }
0xb0: {  	_ =	swait.ge [sflag:s10], $0x1000  }
0xb1: {  	[sflag:s10] =	ssyncset.done $0x0  }
0xb2: {  	s5 =	sadd.s32 $0x5000, s5;
	[sflag:s10] =	ssyncadd.s32 $0xFFFFF000  }
0xb3: {  	[spmem:s3] =	stream.indirect.scatter.add.f32 [tilespmem:s1], [sflag:$0xF], $0x20, s5, s6, $0xb8;
	[tilespmem:$0x1DE00] =	vst v63  }
0xb4: {  	_ =	swait.ge [sflag:s11], $0x1000  }
0xb5: {  	[sflag:s11] =	ssyncset.done $0x0  }
0xb6: {  	s26 =	sadd.s32 $0x5000, s24;
	[sflag:s11] =	ssyncadd.s32 $0xFFFFF000  }
0xb7: {  	[spmem:s3] =	stream.indirect.scatter.add.f32 [tilespmem:s7], [sflag:$0x10], $0x20, s26, s6, $0xb8;
	[tilespmem:$0x1DE00] =	vst v63  }
0xb8: {  	_ =	swait.ge [sflag:s12], $0x1000  }
0xb9: {  	[sflag:s12] =	ssyncset.done $0x0  }
0xba: {  	s28 =	sadd.s32 $0x5000, s20;
	[sflag:s12] =	ssyncadd.s32 $0xFFFFF000  }
0xbb: {  	[spmem:s3] =	stream.indirect.scatter.add.f32 [tilespmem:s25], [sflag:$0x11], $0x20, s28, s6, $0xb8;
	[tilespmem:$0x1DE00] =	vst v63  }
0xbc: {  	_ =	swait.ge [sflag:s13], $0x1000  }
0xbd: {  	[sflag:s13] =	ssyncset.done $0x0  }
0xbe: {  	s29 =	sadd.s32 $0x5000, s15;
	[sflag:s13] =	ssyncadd.s32 $0xFFFFF000  }
0xbf: {  	[spmem:s3] =	stream.indirect.scatter.add.f32 [tilespmem:s23], [sflag:$0x12], $0x20, s29, s6, $0xb8;
	[tilespmem:$0x1DE00] =	vst v63  }
0xc0: {  	s16 =	sadd.s32 $0x500, s16;
	s17 =	sadd.s32 $0x500, s17;
	_ =	swait.ge [sflag:s14], $0x1000  }
0xc1: {  	p1 =	sne.s32 s16, $0x5400;
	s24 =	simm.s32 $0xA000;
	[sflag:s14] =	ssyncset.done $0x0  }
0xc2: {  	s30 =	sadd.s32 $0x5000, s19;
	s19 =	simm.s32 $0xB000;
	[sflag:s14] =	ssyncadd.s32 $0xFFFFF000  }
0xc3: {  	[spmem:s3] =	stream.indirect.scatter.add.f32 [tilespmem:s8], [sflag:$0x13], $0x20, s30, s6, $0xb8;
	[tilespmem:$0x1DE00] =	vst v63  }
.Ltmp3:
0xc4: {  	s31 =	sadd.s32 $0x5480, s18;
	s20 =	simm.s32 $0xC000;
	(pc) =	sbr.rel @!p1 .LBB2_6-.Ltmp3, $4  }
0xc5: {  	s0 =	simm.s32 $0xD000;
	s21 =	simm.s32 $0xE000;
	_ =	swait.ge [sflag:s4], $0x1000  }
0xc6: {  	s1 =	simm.s32 $0xF000;
	s7 =	simm.s32 $0x10000;
	[sflag:s4] =	ssyncset.done $0x0  }
0xc7: {  	s25 =	simm.s32 $0x11000;
	s23 =	simm.s32 $0x12000;
	[sflag:s4] =	ssyncadd.s32 $0xFFFFF000  }
0xc8: {  	[spmem:s3] =	stream.indirect.scatter.add.f32 [tilespmem:s9], [sflag:$0x14], $0x20, s31, s6, $0xb8;
	[tilespmem:$0x1DE00] =	vst v63  }
.LBB2_2:
0xc9: {  	p1 =	sne.s32 s16, $0x400  }
.Ltmp4:
0xca: {  	_ = 	snop;
	(pc) =	sbr.rel @p1 .LBB2_4-.Ltmp4, $1  }
0xcb: {  	_ =	sdelay $0x3  }
0xcc: {  	s26 =	simm.s32 $0x80;
	s18 =	simm.s32 $0x0  }
0xcd: {  	[tilespmem:s24], [sflag:$0x1] =	stream.indirect.gather [spmem:s2], $0x20, s18, s26, $0xb8;
	[tilespmem:$0x1DE00] =	vst v63  }
0xce: {  	_ = 	snop  }
0xcf: {  	[tilespmem:s19], [sflag:$0x2] =	stream.indirect.gather [spmem:s2], $0x20, s26, s26, $0xb8;
	[tilespmem:$0x1DE00] =	vst v63  }
0xd0: {  	s29 =	simm.s32 $0x100  }
0xd1: {  	[tilespmem:s20], [sflag:$0x3] =	stream.indirect.gather [spmem:s2], $0x20, s29, s26, $0xb8;
	[tilespmem:$0x1DE00] =	vst v63  }
0xd2: {  	s28 =	simm.s32 $0x180  }
0xd3: {  	[tilespmem:s0], [sflag:$0x4] =	stream.indirect.gather [spmem:s2], $0x20, s28, s26, $0xb8;
	[tilespmem:$0x1DE00] =	vst v63  }
0xd4: {  	s5 =	simm.s32 $0x200  }
0xd5: {  	[tilespmem:s21], [sflag:$0x5] =	stream.indirect.gather [spmem:s2], $0x20, s5, s26, $0xb8;
	[tilespmem:$0x1DE00] =	vst v63  }
0xd6: {  	s15 =	simm.s32 $0x380;
	s24 =	simm.s32 $0x280  }
0xd7: {  	[tilespmem:s1], [sflag:$0x6] =	stream.indirect.gather [spmem:s2], $0x20, s24, s26, $0xb8;
	[tilespmem:$0x1DE00] =	vst v63  }
0xd8: {  	s31 =	simm.s32 $0xB000;
	s8 =	simm.s32 $0x12000;
	s20 =	simm.s32 $0x300  }
0xd9: {  	[tilespmem:s7], [sflag:$0x7] =	stream.indirect.gather [spmem:s2], $0x20, s20, s26, $0xb8;
	[tilespmem:$0x1DE00] =	vst v63  }
.Ltmp5:
0xda: {  	s22 =	simm.s32 $0xA000;
	s19 =	simm.s32 $0x400;
	(pc) =	sbr.rel .LBB2_5-.Ltmp5, $4  }
0xdb: {  	[tilespmem:s25], [sflag:$0x8] =	stream.indirect.gather [spmem:s2], $0x20, s15, s26, $0xb8;
	[tilespmem:$0x1DE00] =	vst v63  }
0xdc: {  	s0 =	simm.s32 $0xC000;
	s21 =	simm.s32 $0xD000;
	s1 =	simm.s32 $0xE000  }
0xdd: {  	[tilespmem:s23], [sflag:$0x9] =	stream.indirect.gather [spmem:s2], $0x20, s19, s26, $0xb8;
	[tilespmem:$0x1DE00] =	vst v63  }
0xde: {  	s7 =	simm.s32 $0xF000;
	s25 =	simm.s32 $0x10000;
	s23 =	simm.s32 $0x11000  }
.LBB2_6:
0xdf: {  	s5 =	simm.s32 $0xB  }
0xe0: {  	_ =	swait.ge [sflag:s5], $0x1000  }
0xe1: {  	[sflag:s5] =	ssyncset.done $0x0  }
0xe2: {  	s9 =	simm.s32 $0xC;
	[sflag:s5] =	ssyncadd.s32 $0xFFFFF000  }
0xe3: {  	_ =	swait.ge [sflag:s9], $0x1000  }
0xe4: {  	[sflag:s9] =	ssyncset.done $0x0  }
0xe5: {  	s15 =	simm.s32 $0xD;
	[sflag:s9] =	ssyncadd.s32 $0xFFFFF000  }
0xe6: {  	_ =	swait.ge [sflag:s15], $0x1000  }
0xe7: {  	[sflag:s15] =	ssyncset.done $0x0  }
0xe8: {  	s16 =	simm.s32 $0xE;
	[sflag:s15] =	ssyncadd.s32 $0xFFFFF000  }
0xe9: {  	_ =	swait.ge [sflag:s16], $0x1000  }
0xea: {  	[sflag:s16] =	ssyncset.done $0x0  }
0xeb: {  	s17 =	simm.s32 $0xF;
	[sflag:s16] =	ssyncadd.s32 $0xFFFFF000  }
0xec: {  	_ =	swait.ge [sflag:s17], $0x1000  }
0xed: {  	[sflag:s17] =	ssyncset.done $0x0  }
0xee: {  	s15 =	simm.s32 $0x10;
	[sflag:s17] =	ssyncadd.s32 $0xFFFFF000  }
0xef: {  	_ =	swait.ge [sflag:s15], $0x1000  }
0xf0: {  	[sflag:s15] =	ssyncset.done $0x0  }
0xf1: {  	s18 =	simm.s32 $0x11;
	[sflag:s15] =	ssyncadd.s32 $0xFFFFF000  }
0xf2: {  	_ =	swait.ge [sflag:s18], $0x1000  }
0xf3: {  	[sflag:s18] =	ssyncset.done $0x0  }
0xf4: {  	s26 =	simm.s32 $0x12;
	[sflag:s18] =	ssyncadd.s32 $0xFFFFF000  }
0xf5: {  	_ =	swait.ge [sflag:s26], $0x1000  }
0xf6: {  	[sflag:s26] =	ssyncset.done $0x0  }
0xf7: {  	s28 =	simm.s32 $0x13;
	[sflag:s26] =	ssyncadd.s32 $0xFFFFF000  }
0xf8: {  	_ =	swait.ge [sflag:s28], $0x1000  }
0xf9: {  	[sflag:s28] =	ssyncset.done $0x0  }
0xfa: {  	s29 =	simm.s32 $0x14;
	[sflag:s28] =	ssyncadd.s32 $0xFFFFF000  }
0xfb: {  	_ =	swait.ge [sflag:s29], $0x1000  }
0xfc: {  	[sflag:s29] =	ssyncset.done $0x0  }
0xfd: {  	[sflag:s29] =	ssyncadd.s32 $0xFFFFF000  }
0xfe: {  	[bflag:$0x0] =	sbarrier.arrive $0xFFFF  }
0xff: {  	s30 =	rddreg [dreg:$0xb]  }
0x100: {  	s31 =	rddreg [dreg:$0xa]  }
0x101: {  	s8 =	rddreg [dreg:$0x15];
	s9 =	sshrl.u32 s30, $0x3  }
0x102: {  	s16 =	simm.s32 $0x15;
	s17 =	simm.s32 $0x1;
	[dreg:$0x17] =	wrdreg s9  }
0x103: {  	[hbm:s31@s15], [sflag:s8] =	dma.strided [spmem:s9@s22], $0x9E0, s17, $0x4   }
0x104: {  	_ =	swait.ge [sflag:s16], $0x9E0  }
0x105: {  	[sflag:s16] =	ssyncset.done $0x0  }
0x106: {  	[sflag:s16] =	ssyncadd.s32 $0xFFFFF620  }
0x107: {  	[bflag:$0x0] =	sbarrier.arrive $0xFFFF  }
0x108: {  	s9 =	rddreg [dreg:$0xc]  }
0x109: {  	s18 =	rddreg [dreg:$0x16]  }
0x10a: {  	[spmem:s18@s22], [sflag:s8] =	dma.strided [hbm:s9@s15], $0x9E0, s17, $0x4   }
0x10b: {  	_ =	swait.ge [sflag:s16], $0x9E0  }
0x10c: {  	[sflag:s16] =	ssyncset.done $0x0  }
0x10d: {  	s22 =	simm.s32 $0x0;
	s26 =	rddreg [dreg:$0x5];
	[sflag:s16] =	ssyncadd.s32 $0xFFFFF620  }
0x10e: {  	[tilespmem:s24], [sflag:$0x15] =	stream.linear.gather [hbm4b:s26+s22], $0x1000, $0x38;
	[tilespmem:$0x1DE00] =	vst v63  }
0x10f: {  	_ =	swait.ge [sflag:s16], $0x1000  }
0x110: {  	[sflag:s16] =	ssyncset.done $0x0  }
0x111: {  	s28 =	rddreg [dreg:$0xf];
	[sflag:s16] =	ssyncadd.s32 $0xFFFFF000  }
0x112: {  	[spmem:s28] =	stream.linear.scatter [tilespmem:s24], [sflag:$0x15], $0x1000, $0x38;
	[tilespmem:$0x1DE00] =	vst v63  }
0x113: {  	_ =	swait.ge [sflag:s16], $0x1000  }
0x114: {  	[sflag:s16] =	ssyncset.done $0x0  }
0x115: {  	s29 =	rddreg [dreg:$0x10];
	[sflag:s16] =	ssyncadd.s32 $0xFFFFF000  }
0x116: {  	[spmem:s29] =	stream.linear.scatter [tilespmem:s24], [sflag:$0x15], $0x1000, $0x38;
	[tilespmem:$0x1DE00] =	vst v63  }
0x117: {  	_ =	swait.ge [sflag:s16], $0x1000  }
0x118: {  	[sflag:s16] =	ssyncset.done $0x0  }
0x119: {  	s30 =	rddreg [dreg:$0x11];
	[sflag:s16] =	ssyncadd.s32 $0xFFFFF000  }
0x11a: {  	[spmem:s30] =	stream.linear.scatter [tilespmem:s24], [sflag:$0x15], $0x1000, $0x38;
	[tilespmem:$0x1DE00] =	vst v63  }
0x11b: {  	_ =	swait.ge [sflag:s16], $0x1000  }
0x11c: {  	[sflag:s16] =	ssyncset.done $0x0  }
0x11d: {  	s31 =	rddreg [dreg:$0x12];
	[sflag:s16] =	ssyncadd.s32 $0xFFFFF000  }
0x11e: {  	[spmem:s31] =	stream.linear.scatter [tilespmem:s24], [sflag:$0x15], $0x1000, $0x38;
	[tilespmem:$0x1DE00] =	vst v63  }
0x11f: {  	_ =	swait.ge [sflag:s16], $0x1000  }
0x120: {  	[sflag:s16] =	ssyncset.done $0x0  }
0x121: {  	s5 =	simm.s32 @!p0 $0xA000;
	s15 =	rddreg [dreg:$0x13];
	[sflag:s16] =	ssyncadd.s32 $0xFFFFF000  }
0x122: {  	[spmem:s15] =	stream.linear.scatter @!p0 [tilespmem:s5], [sflag:$0x15], $0x1000, $0x38;
	[tilespmem:$0x1DE00] =	vst v63  }
0x123: {  	s5 =	simm.s32 @!p0 $0x15  }
.Ltmp6:
0x124: {  	_ =	swait.ge @!p0 [sflag:s5], $0x1000;
	(pc) =	sbr.rel .LBB2_7-.Ltmp6, $4  }
0x125: {  	[sflag:s5] =	ssyncset.done @!p0 $0x0  }
0x126: {  	[sflag:s5] =	ssyncadd.s32 @!p0 $0xFFFFF000  }
0x127: {  	[bflag:$0x0] =	sbarrier.arrive $0xFFFF  }
0x128: {  	s17 =	simm.s32 $0x400;
	s16 =	simm.s32 $0x400  }
.LBB2_9:
0x129: {  	s5 =	simm.s32 $0xB  }
0x12a: {  	_ =	swait.ge [sflag:s5], $0x1000  }
0x12b: {  	[sflag:s5] =	ssyncset.done $0x0  }
0x12c: {  	s15 =	sadd.s32 $0xFFFFFC00, s17;
	s18 =	simm.s32 $0xC;
	[sflag:s5] =	ssyncadd.s32 $0xFFFFF000  }
0x12d: {  	[tilespmem:s24], [sflag:$0x1] =	stream.indirect.gather [spmem:s2], $0x20, s15, s6, $0xb8;
	[tilespmem:$0x1DE00] =	vst v63  }
0x12e: {  	_ =	swait.ge [sflag:s18], $0x1000  }
0x12f: {  	[sflag:s18] =	ssyncset.done $0x0  }
0x130: {  	s22 =	sadd.s32 $0xFFFFFC80, s17;
	s24 =	simm.s32 $0xD;
	[sflag:s18] =	ssyncadd.s32 $0xFFFFF000  }
0x131: {  	[tilespmem:s19], [sflag:$0x2] =	stream.indirect.gather [spmem:s2], $0x20, s22, s6, $0xb8;
	[tilespmem:$0x1DE00] =	vst v63  }
0x132: {  	_ =	swait.ge [sflag:s24], $0x1000  }
0x133: {  	[sflag:s24] =	ssyncset.done $0x0  }
0x134: {  	s26 =	sadd.s32 $0xFFFFFD00, s17;
	s30 =	simm.s32 $0xE;
	[sflag:s24] =	ssyncadd.s32 $0xFFFFF000  }
0x135: {  	[tilespmem:s20], [sflag:$0x3] =	stream.indirect.gather [spmem:s2], $0x20, s26, s6, $0xb8;
	[tilespmem:$0x1DE00] =	vst v63  }
0x136: {  	_ =	swait.ge [sflag:s30], $0x1000  }
0x137: {  	[sflag:s30] =	ssyncset.done $0x0  }
0x138: {  	s8 =	sadd.s32 $0xFFFFFD80, s17;
	s9 =	simm.s32 $0xF;
	[sflag:s30] =	ssyncadd.s32 $0xFFFFF000  }
0x139: {  	[tilespmem:s0], [sflag:$0x4] =	stream.indirect.gather [spmem:s2], $0x20, s8, s6, $0xb8;
	[tilespmem:$0x1DE00] =	vst v63  }
0x13a: {  	_ =	swait.ge [sflag:s9], $0x1000  }
0x13b: {  	[sflag:s9] =	ssyncset.done $0x0  }
0x13c: {  	s15 =	sadd.s32 $0xFFFFFE00, s17;
	s18 =	simm.s32 $0x10;
	[sflag:s9] =	ssyncadd.s32 $0xFFFFF000  }
0x13d: {  	[tilespmem:s21], [sflag:$0x5] =	stream.indirect.gather [spmem:s2], $0x20, s15, s6, $0xb8;
	[tilespmem:$0x1DE00] =	vst v63  }
0x13e: {  	_ =	swait.ge [sflag:s18], $0x1000  }
0x13f: {  	[sflag:s18] =	ssyncset.done $0x0  }
0x140: {  	s19 =	sadd.s32 $0xFFFFFE80, s17;
	s20 =	simm.s32 $0x11;
	[sflag:s18] =	ssyncadd.s32 $0xFFFFF000  }
0x141: {  	[tilespmem:s1], [sflag:$0x6] =	stream.indirect.gather [spmem:s2], $0x20, s19, s6, $0xb8;
	[tilespmem:$0x1DE00] =	vst v63  }
0x142: {  	_ =	swait.ge [sflag:s20], $0x1000  }
0x143: {  	[sflag:s20] =	ssyncset.done $0x0  }
0x144: {  	s22 =	simm.s32 $0x12;
	s21 =	sadd.s32 $0xFFFFFF00, s17;
	[sflag:s20] =	ssyncadd.s32 $0xFFFFF000  }
0x145: {  	[tilespmem:s7], [sflag:$0x7] =	stream.indirect.gather [spmem:s2], $0x20, s21, s6, $0xb8;
	[tilespmem:$0x1DE00] =	vst v63  }
0x146: {  	s29 =	sadd.s32 $0xFFFFFD00, s16;
	s28 =	sadd.s32 $0xFFFFFD80, s16;
	_ =	swait.ge [sflag:s22], $0x1000  }
0x147: {  	s31 =	simm.s32 $0xB000;
	s5 =	sadd.s32 $0xFFFFFE00, s16;
	[sflag:s22] =	ssyncset.done $0x0  }
0x148: {  	s24 =	sadd.s32 $0xFFFFFF80, s17;
	s26 =	sadd.s32 $0xFFFFFC80, s16;
	[sflag:s22] =	ssyncadd.s32 $0xFFFFF000  }
0x149: {  	[tilespmem:s25], [sflag:$0x8] =	stream.indirect.gather [spmem:s2], $0x20, s24, s6, $0xb8;
	[tilespmem:$0x1DE00] =	vst v63  }
0x14a: {  	s30 =	simm.s32 $0x14;
	s8 =	simm.s32 $0x12000;
	s25 =	simm.s32 $0x13  }
0x14b: {  	s0 =	simm.s32 $0xC000;
	s15 =	sadd.s32 $0xFFFFFF80, s16;
	_ =	swait.ge [sflag:s25], $0x1000  }
0x14c: {  	s18 =	sadd.s32 $0xFFFFFC00, s16;
	s19 =	smov.u32 s16;
	[sflag:s25] =	ssyncset.done $0x0  }
0x14d: {  	s1 =	simm.s32 $0xE000;
	s20 =	sadd.s32 $0xFFFFFF00, s16;
	[sflag:s25] =	ssyncadd.s32 $0xFFFFF000  }
0x14e: {  	[tilespmem:s23], [sflag:$0x9] =	stream.indirect.gather [spmem:s2], $0x20, s17, s6, $0xb8;
	[tilespmem:$0x1DE00] =	vst v63  }
0x14f: {  	s7 =	simm.s32 $0xF000;
	s21 =	simm.s32 $0xD000;
	_ =	swait.ge [sflag:s30], $0x1000  }
0x150: {  	s22 =	simm.s32 $0xA000;
	s24 =	sadd.s32 $0xFFFFFE80, s16;
	[sflag:s30] =	ssyncset.done $0x0  }
0x151: {  	s25 =	simm.s32 $0x10000;
	s23 =	simm.s32 $0x11000;
	[sflag:s30] =	ssyncadd.s32 $0xFFFFF000  }
.LBB2_10:
0x152: {  	s30 =	sadd.s32 $0x480, s18;
	s9 =	simm.s32 $0x13000  }
0x153: {  	[tilespmem:s9], [sflag:$0xA] =	stream.indirect.gather [spmem:s2], $0x20, s30, s6, $0xb8;
	[tilespmem:$0x1DE00] =	vst v63  }
0x154: {  	s30 =	simm.s32 $0x1  }
0x155: {  	_ =	swait.ge [sflag:s30], $0x1000  }
0x156: {  	[sflag:s30] =	ssyncset.done $0x0  }
0x157: {  	[sflag:s30] =	ssyncadd.s32 $0xFFFFF000;
	s30 =	sadd.s32 $0x5000, s18  }
0x158: {  	[spmem:s3] =	stream.indirect.scatter.add.f32 [tilespmem:s22], [sflag:$0xB], $0x20, s30, s6, $0xb8;
	[tilespmem:$0x1DE00] =	vst v63  }
0x159: {  	s30 =	simm.s32 $0x2  }
0x15a: {  	_ =	swait.ge [sflag:s30], $0x1000  }
0x15b: {  	[sflag:s30] =	ssyncset.done $0x0  }
0x15c: {  	s26 =	sadd.s32 $0x5000, s26;
	[sflag:s30] =	ssyncadd.s32 $0xFFFFF000;
	s30 =	simm.s32 $0x3  }
0x15d: {  	[spmem:s3] =	stream.indirect.scatter.add.f32 [tilespmem:s31], [sflag:$0xC], $0x20, s26, s6, $0xb8;
	[tilespmem:$0x1DE00] =	vst v63  }
0x15e: {  	_ =	swait.ge [sflag:s30], $0x1000  }
0x15f: {  	[sflag:s30] =	ssyncset.done $0x0  }
0x160: {  	s31 =	sadd.s32 $0x5000, s29;
	s29 =	simm.s32 $0x4;
	[sflag:s30] =	ssyncadd.s32 $0xFFFFF000  }
0x161: {  	[spmem:s3] =	stream.indirect.scatter.add.f32 [tilespmem:s0], [sflag:$0xD], $0x20, s31, s6, $0xb8;
	[tilespmem:$0x1DE00] =	vst v63  }
0x162: {  	_ =	swait.ge [sflag:s29], $0x1000  }
0x163: {  	[sflag:s29] =	ssyncset.done $0x0  }
0x164: {  	s22 =	sadd.s32 $0x5000, s28;
	[sflag:s29] =	ssyncadd.s32 $0xFFFFF000  }
0x165: {  	[spmem:s3] =	stream.indirect.scatter.add.f32 [tilespmem:s21], [sflag:$0xE], $0x20, s22, s6, $0xb8;
	[tilespmem:$0x1DE00] =	vst v63  }
0x166: {  	_ =	swait.ge [sflag:s10], $0x1000  }
0x167: {  	[sflag:s10] =	ssyncset.done $0x0  }
0x168: {  	s5 =	sadd.s32 $0x5000, s5;
	[sflag:s10] =	ssyncadd.s32 $0xFFFFF000  }
0x169: {  	[spmem:s3] =	stream.indirect.scatter.add.f32 [tilespmem:s1], [sflag:$0xF], $0x20, s5, s6, $0xb8;
	[tilespmem:$0x1DE00] =	vst v63  }
0x16a: {  	_ =	swait.ge [sflag:s11], $0x1000  }
0x16b: {  	[sflag:s11] =	ssyncset.done $0x0  }
0x16c: {  	s24 =	sadd.s32 $0x5000, s24;
	[sflag:s11] =	ssyncadd.s32 $0xFFFFF000  }
0x16d: {  	[spmem:s3] =	stream.indirect.scatter.add.f32 [tilespmem:s7], [sflag:$0x10], $0x20, s24, s6, $0xb8;
	[tilespmem:$0x1DE00] =	vst v63  }
0x16e: {  	_ =	swait.ge [sflag:s12], $0x1000  }
0x16f: {  	[sflag:s12] =	ssyncset.done $0x0  }
0x170: {  	s26 =	sadd.s32 $0x5000, s20;
	[sflag:s12] =	ssyncadd.s32 $0xFFFFF000  }
0x171: {  	[spmem:s3] =	stream.indirect.scatter.add.f32 [tilespmem:s25], [sflag:$0x11], $0x20, s26, s6, $0xb8;
	[tilespmem:$0x1DE00] =	vst v63  }
0x172: {  	_ =	swait.ge [sflag:s13], $0x1000  }
0x173: {  	[sflag:s13] =	ssyncset.done $0x0  }
0x174: {  	s28 =	sadd.s32 $0x5000, s15;
	[sflag:s13] =	ssyncadd.s32 $0xFFFFF000  }
0x175: {  	[spmem:s3] =	stream.indirect.scatter.add.f32 [tilespmem:s23], [sflag:$0x12], $0x20, s28, s6, $0xb8;
	[tilespmem:$0x1DE00] =	vst v63  }
0x176: {  	s16 =	sadd.s32 $0x500, s16;
	s17 =	sadd.s32 $0x500, s17;
	_ =	swait.ge [sflag:s14], $0x1000  }
0x177: {  	p1 =	sne.s32 s16, $0x5400;
	s20 =	simm.s32 $0xC000;
	[sflag:s14] =	ssyncset.done $0x0  }
0x178: {  	s30 =	sadd.s32 $0x5000, s19;
	s19 =	simm.s32 $0xB000;
	[sflag:s14] =	ssyncadd.s32 $0xFFFFF000  }
0x179: {  	[spmem:s3] =	stream.indirect.scatter.add.f32 [tilespmem:s8], [sflag:$0x13], $0x20, s30, s6, $0xb8;
	[tilespmem:$0x1DE00] =	vst v63  }
.Ltmp7:
0x17a: {  	s31 =	sadd.s32 $0x5480, s18;
	s0 =	simm.s32 $0xD000;
	(pc) =	sbr.rel @!p1 .LBB2_11-.Ltmp7, $4  }
0x17b: {  	s21 =	simm.s32 $0xE000;
	s1 =	simm.s32 $0xF000;
	_ =	swait.ge [sflag:s4], $0x1000  }
0x17c: {  	s7 =	simm.s32 $0x10000;
	s24 =	simm.s32 $0xA000;
	[sflag:s4] =	ssyncset.done $0x0  }
0x17d: {  	s25 =	simm.s32 $0x11000;
	s23 =	simm.s32 $0x12000;
	[sflag:s4] =	ssyncadd.s32 $0xFFFFF000  }
0x17e: {  	[spmem:s3] =	stream.indirect.scatter.add.f32 [tilespmem:s9], [sflag:$0x14], $0x20, s31, s6, $0xb8;
	[tilespmem:$0x1DE00] =	vst v63  }
.LBB2_7:
0x17f: {  	p1 =	sne.s32 s16, $0x400  }
.Ltmp8:
0x180: {  	_ = 	snop;
	(pc) =	sbr.rel @p1 .LBB2_9-.Ltmp8, $1  }
0x181: {  	_ =	sdelay $0x3  }
0x182: {  	s26 =	simm.s32 $0x80;
	s18 =	simm.s32 $0x0  }
0x183: {  	[tilespmem:s24], [sflag:$0x1] =	stream.indirect.gather [spmem:s2], $0x20, s18, s26, $0xb8;
	[tilespmem:$0x1DE00] =	vst v63  }
0x184: {  	_ = 	snop  }
0x185: {  	[tilespmem:s19], [sflag:$0x2] =	stream.indirect.gather [spmem:s2], $0x20, s26, s26, $0xb8;
	[tilespmem:$0x1DE00] =	vst v63  }
0x186: {  	s29 =	simm.s32 $0x100  }
0x187: {  	[tilespmem:s20], [sflag:$0x3] =	stream.indirect.gather [spmem:s2], $0x20, s29, s26, $0xb8;
	[tilespmem:$0x1DE00] =	vst v63  }
0x188: {  	s28 =	simm.s32 $0x180  }
0x189: {  	[tilespmem:s0], [sflag:$0x4] =	stream.indirect.gather [spmem:s2], $0x20, s28, s26, $0xb8;
	[tilespmem:$0x1DE00] =	vst v63  }
0x18a: {  	s5 =	simm.s32 $0x200  }
0x18b: {  	[tilespmem:s21], [sflag:$0x5] =	stream.indirect.gather [spmem:s2], $0x20, s5, s26, $0xb8;
	[tilespmem:$0x1DE00] =	vst v63  }
0x18c: {  	s15 =	simm.s32 $0x380;
	s24 =	simm.s32 $0x280  }
0x18d: {  	[tilespmem:s1], [sflag:$0x6] =	stream.indirect.gather [spmem:s2], $0x20, s24, s26, $0xb8;
	[tilespmem:$0x1DE00] =	vst v63  }
0x18e: {  	s31 =	simm.s32 $0xB000;
	s8 =	simm.s32 $0x12000;
	s20 =	simm.s32 $0x300  }
0x18f: {  	[tilespmem:s7], [sflag:$0x7] =	stream.indirect.gather [spmem:s2], $0x20, s20, s26, $0xb8;
	[tilespmem:$0x1DE00] =	vst v63  }
.Ltmp9:
0x190: {  	s22 =	simm.s32 $0xA000;
	s19 =	simm.s32 $0x400;
	(pc) =	sbr.rel .LBB2_10-.Ltmp9, $4  }
0x191: {  	[tilespmem:s25], [sflag:$0x8] =	stream.indirect.gather [spmem:s2], $0x20, s15, s26, $0xb8;
	[tilespmem:$0x1DE00] =	vst v63  }
0x192: {  	s0 =	simm.s32 $0xC000;
	s21 =	simm.s32 $0xD000;
	s1 =	simm.s32 $0xE000  }
0x193: {  	[tilespmem:s23], [sflag:$0x9] =	stream.indirect.gather [spmem:s2], $0x20, s19, s26, $0xb8;
	[tilespmem:$0x1DE00] =	vst v63  }
0x194: {  	s7 =	simm.s32 $0xF000;
	s25 =	simm.s32 $0x10000;
	s23 =	simm.s32 $0x11000  }
.LBB2_12:
0x195: {  	_ =	sfence.sel $0x180000  }
0x196: {  	[bflag:$0x0] =	sbarrier.arrive $0xFFFF  }
0x197: {  	_ =	strace $0x9000004D  }
0x198: {  	s0 =	stileid.u32;
	[bflag:$0x2] =	sbarrier.arrive $0xFFFF  }
0x199: {  	p0 =	sne.s32 s0, $0x0;
	s0 =	rddreg [dreg:$0x4]  }
0x19a: {  	s0 =	sadd.s32 @!p0 $0x100000, s0  }
0x19b: {  	[sflag:s0] =	ssyncadd.tile.s32 @!p0 $0x1;
	_ =	shalt  }
.Lfunc_end2:
_tile_overlayer_lowered:
.L_overlay_start_2:
0x19c: {  	(tag) =	ssettag $0x2  }
0x19d: {  	s0 =	rddreg [dreg:$0x0];
	s2 =	stileid.u32  }
0x19e: {  	s1 =	rddreg [dreg:$0x1];
	p0 =	sne.s32 s2, $0x0  }
0x19f: {  	s3 =	rddreg [dreg:$0x2];
	[bflag:$0x3] =	sbarrier.arrive $0xFFFF;
	s2 =	simm.s32 @!p0 $0x1C15  }
0x1a0: {  	[timem:s3], [sflag:s2] =	dma.local @!p0 [hbm:s0], s1  }
0x1a1: {  	s0 =	simm.s32 @!p0 $0x15  }
0x1a2: {  	_ =	swait.ge @!p0 [sflag:s0], s1  }
0x1a3: {  	s1 =	ssub.s32 @!p0 $0x0, s1;
	[sflag:s0] =	ssyncset.done @!p0 $0x0  }
0x1a4: {  	[sflag:s0] =	ssyncadd.s32 @!p0 s1  }
0x1a5: {  	[bflag:$0x3] =	sbarrier.arrive $0xFFFF  }
0x1a6: {  	_ =	shalt  }

// kernel: kernel.8.cloned.1.call-start
scs
__scs_entry_jumppad:
0x0: {  	(pc) =	sbr.rel $0x88, $3  }
0x1: {  	(tag) =	ssettag $0x0;
	lr =	simm.s32 $0x1  }
0x2: {  	[smem:$0x3F9B] =	sst lr;
	_ =	strace $0xD0000000  }
0x3: {  	_ = 	snop  }
0x4: {  	_ = 	snop  }
0x5: {  	_ = 	snop  }
0x6: {  	_ = 	snop  }
0x7: {  	_ = 	snop  }
__scs_overlays_trampoline_lowered:
0x8: {  	[smem:$0x3FAA] =	sst s0  }
0x9: {  	[smem:$0x3FAB] =	sst s1  }
0xa: {  	[smem:$0x3FAC] =	sst s2  }
0xb: {  	[smem:$0x3FAD] =	sst s3  }
0xc: {  	[smem:$0x3FAE] =	sst s4  }
0xd: {  	[smem:$0x3FAF] =	sst s5  }
0xe: {  	[smem:$0x3FB0] =	sst s6  }
0xf: {  	[smem:$0x3FB1] =	sst s7  }
0x10: {  	[smem:$0x3FB2] =	sst s8  }
0x11: {  	[smem:$0x3FB3] =	sst s9;
	s0 =	simm.s32 @!p0 $0x0  }
0x12: {  	s1 =	sld [smem:$0x3F99];
	s0 =	simm.s32 @p0 $0x1  }
0x13: {  	[smem:$0x3FB4] =	sst s0;
	s0 =	simm.s32 @!p1 $0x0  }
0x14: {  	s2 =	sld [smem:$0x3F98];
	s0 =	simm.s32 @p1 $0x1  }
0x15: {  	[smem:$0x3FB5] =	sst s0;
	s0 =	simm.s32 @!p2 $0x0  }
0x16: {  	s3 =	sld [smem:$0x3FDB];
	s0 =	simm.s32 @p2 $0x1  }
0x17: {  	s4 =	simm.s32 $0x1BF5;
	[smem:$0x3FB7] =	sst s0  }
0x18: {  	s0 =	sld [smem:$0x3F9A];
	_ =	swait.ge [sflag:s4], $0x0  }
0x19: {  	s7 =	sld [smem:$0x3F9B]  }
0x1a: {  	s8 =	sadd.s32 $0xFFFFE003, lr  }
0x1b: {  	s9 =	sadd.s32 $0xFFFFFEF7, lr;
	s5 =	simm.s32 $0xFFFFFFFF;
	p2 =	slt.u32 s8, $0xFFFFF086  }
0x1c: {  	p1 =	slt.u32 s9, $0xF7A;
	s5 =	simm.s32 @!p2 $0x0  }
0x1d: {  	s5 =	simm.s32 @p1 $0x1;
	p0 =	seq.s32 s7, s2  }
0x1e: {  	s7 =	smul.u32 @!p0 $0xF7A, s2;
	p2 =	seq.s32 @!p0 s5, $0x0  }
0x1f: {  	s9 =	smul.u32 $0xF7A, s1;
	s8 =	simm.s32 @!p0 $0x1BF5;
	p2 =	por !p2, p0  }
0x20: {  	[sflag:s8] =	ssyncset.s32 @!p0 $0xFFFFF086;
	s6 =	sadd.s32 @!p0 s3, s7;
	s7 =	simm.s32 @!p0 $0x108  }
0x21: {  	s3 =	sadd.s32 s3, s9;
	s6 =	sadd.s32 @!p0 $0x88, s6;
	s7 =	simm.s32 @p2 $0x1082  }
0x22: {  	[simem:s7], [sflag:s8] =	dma.local @!p0 [hbm:s6], $0xF7A  }
0x23: {  	s9 =	sor.u32 $0xD0000000, s2;
	s6 =	simm.s32 $0x108;
	_ =	swait.ge @!p0 [sflag:s8], $0x0  }
0x24: {  	s3 =	sadd.s32 $0x88, s3;
	s6 =	simm.s32 @!p1 $0x1082;
	[sflag:s4] =	ssyncset.s32 $0xFFFFF086  }
0x25: {  	[simem:s6], [sflag:s4] =	dma.local [hbm:s3], $0xF7A  }
0x26: {  	[smem:$0x3F9B] =	sst s1;
	(tag) =	ssettag s2;
	_ =	strace s9  }
0x27: {  	s1 =	sld [smem:$0x3FAB]  }
0x28: {  	s2 =	sld [smem:$0x3FAC]  }
0x29: {  	s4 =	sld [smem:$0x3FAE]  }
0x2a: {  	p0 =	seq.s32 s5, $0x0;
	s5 =	sld [smem:$0x3FAF]  }
0x2b: {  	s6 =	sld [smem:$0x3FB0]  }
0x2c: {  	s7 =	sld [smem:$0x3FB1]  }
0x2d: {  	s3 =	simm.s32 $0x108;
	s8 =	sld [smem:$0x3FB2]  }
0x2e: {  	s3 =	simm.s32 @!p0 $0x1082;
	s9 =	sld [smem:$0x3FB3]  }
0x2f: {  	lr =	sadd.s32 s0, s3;
	s0 =	sld [smem:$0x3FAA]  }
0x30: {  	s3 =	sld [smem:$0x3FAD]  }
0x31: {  	[smem:$0x3FB6] =	sst s10  }
0x32: {  	s10 =	sld [smem:$0x3FB4];
	_ =	sdelay $0x3  }
0x33: {  	p0 =	seq.s32 s10, $0x1;
	s10 =	sld [smem:$0x3FB6];
	_ =	sdelay $0x3  }
0x34: {  	[smem:$0x3FB6] =	sst s10  }
0x35: {  	s10 =	sld [smem:$0x3FB5];
	_ =	sdelay $0x3  }
0x36: {  	p1 =	seq.s32 s10, $0x1;
	s10 =	sld [smem:$0x3FB6];
	_ =	sdelay $0x3  }
0x37: {  	[smem:$0x3FB6] =	sst s10  }
0x38: {  	s10 =	sld [smem:$0x3FB7]  }
0x39: {  	_ = 	snop;
	(pc) =	sbr.ind lr, $3  }
0x3a: {  	_ = 	snop  }
0x3b: {  	_ = 	snop  }
0x3c: {  	p2 =	seq.s32 s10, $0x1;
	s10 =	sld [smem:$0x3FB6]  }
0x3d: {  	_ =	shalt  }
0x3e: {  	_ =	shalt  }
0x3f: {  	_ =	shalt  }
0x40: {  	_ =	shalt  }
0x41: {  	_ =	shalt  }
0x42: {  	_ =	shalt  }
0x43: {  	_ =	shalt  }
0x44: {  	_ =	shalt  }
0x45: {  	_ =	shalt  }
0x46: {  	_ =	shalt  }
0x47: {  	_ =	shalt  }
0x48: {  	_ =	shalt  }
0x49: {  	_ =	shalt  }
0x4a: {  	_ =	shalt  }
0x4b: {  	_ =	shalt  }
0x4c: {  	_ =	shalt  }
0x4d: {  	_ =	shalt  }
0x4e: {  	_ =	shalt  }
0x4f: {  	_ =	shalt  }
0x50: {  	_ =	shalt  }
0x51: {  	_ =	shalt  }
0x52: {  	_ =	shalt  }
0x53: {  	_ =	shalt  }
0x54: {  	_ =	shalt  }
0x55: {  	_ =	shalt  }
0x56: {  	_ =	shalt  }
0x57: {  	_ =	shalt  }
0x58: {  	_ =	shalt  }
0x59: {  	_ =	shalt  }
0x5a: {  	_ =	shalt  }
0x5b: {  	_ =	shalt  }
0x5c: {  	_ =	shalt  }
0x5d: {  	_ =	shalt  }
0x5e: {  	_ =	shalt  }
0x5f: {  	_ =	shalt  }
0x60: {  	_ =	shalt  }
0x61: {  	_ =	shalt  }
0x62: {  	_ =	shalt  }
0x63: {  	_ =	shalt  }
0x64: {  	_ =	shalt  }
0x65: {  	_ =	shalt  }
0x66: {  	_ =	shalt  }
0x67: {  	_ =	shalt  }
0x68: {  	_ =	shalt  }
0x69: {  	_ =	shalt  }
0x6a: {  	_ =	shalt  }
0x6b: {  	_ =	shalt  }
0x6c: {  	_ =	shalt  }
0x6d: {  	_ =	shalt  }
0x6e: {  	_ =	shalt  }
0x6f: {  	_ =	shalt  }
0x70: {  	_ =	shalt  }
0x71: {  	_ =	shalt  }
0x72: {  	_ =	shalt  }
0x73: {  	_ =	shalt  }
0x74: {  	_ =	shalt  }
0x75: {  	_ =	shalt  }
0x76: {  	_ =	shalt  }
0x77: {  	_ =	shalt  }
0x78: {  	_ =	shalt  }
0x79: {  	_ =	shalt  }
0x7a: {  	_ =	shalt  }
0x7b: {  	_ =	shalt  }
0x7c: {  	_ =	shalt  }
0x7d: {  	_ =	shalt  }
0x7e: {  	_ =	shalt  }
0x7f: {  	_ =	shalt  }
0x80: {  	_ =	shalt  }
0x81: {  	_ =	shalt  }
0x82: {  	_ =	shalt  }
0x83: {  	_ =	shalt  }
0x84: {  	_ =	shalt  }
0x85: {  	_ =	shalt  }
0x86: {  	_ =	shalt  }
0x87: {  	_ =	shalt  }
.Lfunc_end0:
.L_simem_size_0:
called_computation_lowered:
.L_overlay_start_0:
0x88: {  	s2 =	sld [smem:$0x3FD9]  }
0x89: {  	s3 =	sld [smem:$0x3FFE];
	_ =	sdelay $0x1  }
0x8a: {  	s1 =	srdreg.scid  }
0x8b: {  	s0 =	sand.u32 $0x1, s1  }
0x8c: {  	s17 =	sshll.u32 s0, $0xA;
	s2 =	sadd.s32 s3, s2  }
0x8d: {  	s2 =	sadd.s32 s2, s17  }
0x8e: {  	[smem:$0x3FC2] =	sst s2  }
0x8f: {  	_ = 	snop  }
0x90: {  	s2 =	sld [smem:$0x3FD0];
	(tm) =	ssettm $0x1  }
0x91: {  	s18 =	sld [smem:$0x3FFB];
	_ =	sdelay $0x3  }
0x92: {  	_ =	strace s18  }
0x93: {  	s3 =	sld [smem:$0x3FFC];
	_ =	sdelay $0x3  }
0x94: {  	_ =	strace s3  }
0x95: {  	s3 =	sld [smem:$0x3FFD];
	_ =	sdelay $0x3  }
0x96: {  	_ =	strace s3  }
0x97: {  	_ =	strace $0x8FFFFFFF  }
0x98: {  	s19 =	sld [smem:$0x3FDB];
	_ =	sdelay $0x1  }
0x99: {  	s4 =	simm.s32 $_scs_section_size  }
0x9a: {  	s5 =	simm.s32 $_size__tile_overlayer_lowered;
	s6 =	simm.s32 $_tile_overlayer_lowered  }
0x9b: {  	s22 =	simm.s32 $0x1BFF;
	s21 =	sshll.u32 s6, $0x1;
	s3 =	sadd.s32 s4, s19  }
0x9c: {  	s7 =	simm.s32 $0x0;
	s20 =	sshll.u32 s5, $0x1;
	s5 =	sadd.s32 s21, s3  }
0x9d: {  	[timem:s7], [sflag:s22] =	dma.local [hbm:s5], s20  }
0x9e: {  	_ =	swait.ge [sflag:s22], s20  }
0x9f: {  	s4 =	ssub.s32 $0x0, s20;
	[sflag:s22] =	ssyncset.done $0x0  }
0xa0: {  	[sflag:s22] =	ssyncadd.s32 s4;
	_ =	sdelay $0x1  }
0xa1: {  	s23 =	simm.s32 $0x1B8B  }
0xa2: {  	_ =	swait.ge [sflag:s23], $0x1  }
0xa3: {  	[sflag:s23] =	ssyncset.done $0x0  }
0xa4: {  	s25 =	simm.s32 $0x1B8E;
	s24 =	sld [smem:$0x3FFE];
	[sflag:s23] =	ssyncadd.s32 $0xFFFFFFFF  }
0xa5: {  	s26 =	simm.s32 $execute0_lowered;
	[smem:$0x3FD2] =	sst s25  }
0xa6: {  	s5 =	sshll.u32 s26, $0x1;
	_ =	strace $0x80000046;
	[dreg:$0x1] =	wrdreg $0xFFFFFFFF  }
0xa7: {  	s28 =	simm.s32 $_size_execute0_lowered;
	s3 =	sadd.s32 s3, s5;
	[dreg:$0x0] =	wrdreg $0x0  }
0xa8: {  	s5 =	sshll.u32 s28, $0x1;
	[dreg:$0x2] =	wrdreg s3  }
0xa9: {  	[dreg:$0x3] =	wrdreg s5  }
0xaa: {  	[dreg:$0x4] =	wrdreg $0xC0  }
0xab: {  	_ =	task [dreg:s7], $0x5FFFF  }
0xac: {  	[dreg:$0x1] =	wrdreg $0xFFFFFFFF  }
0xad: {  	[dreg:$0x0] =	wrdreg $0x60  }
0xae: {  	[dreg:$0x2] =	wrdreg s2  }
0xaf: {  	[dreg:$0x3] =	wrdreg s24  }
0xb0: {  	[dreg:$0x4] =	wrdreg $0x60000  }
0xb1: {  	[dreg:$0x5] =	wrdreg $0x9  }
0xb2: {  	_ =	task.clear_ibuf [dreg:s7], $0x6FFFF;
	_ =	strace $0x90000046  }
0xb3: {  	s29 =	simm.s32 $0x9;
	_ =	strace $0x80000048  }
0xb4: {  	_ =	swait.ge [sflag:s29], $0x1  }
0xb5: {  	[sflag:s29] =	ssyncadd.s32 $0xFFFFFFFF  }
0xb6: {  	_ =	strace $0x90000048  }
0xb7: {  	_ =	sfence  }
0xb8: {  	s30 =	sld [smem:$0x0];
	_ =	sdelay $0x2  }
0xb9: {  	s31 =	sshll.u32 s1, $0xD;
	s1 =	sshrl.u32 s1, $0x2  }
0xba: {  	s3 =	sand.u32 $0x4000, s31;
	s1 =	sadd.s32 s1, s30  }
0xbb: {  	s0 =	sor.u32 s3, s0;
	s1 =	sshll.u32 s1, $0x11  }
0xbc: {  	s0 =	sor.u32 s1, s0  }
0xbd: {  	s0 =	sadd.s32 $0x8F2B, s0  }
0xbe: {  	[sflag:s0] =	ssyncadd.remote.s32 $0x1  }
0xbf: {  	_ =	sfence.sel $0xFFFF  }
0xc0: {  	[dreg:$0x0] =	wrdreg $0xFFFFFFFF;
	(pc) =	sbr.abs _section_cstart, $3  }
0xc1: {  	[dreg:$0x1] =	wrdreg $0xFFFFFFFF  }
0xc2: {  	_ =	task.clear_ibuf [dreg:s7], $0x2FFFF;
	_ =	strace $0x9FFFFFFF  }
0xc3: {  	(tm) =	ssettm $0x7FFFFFFF  }
tec
execute0_lowered:
.L_overlay_start_1:
0x0: {  	(tag) =	ssettag $0x1  }
0x1: {  	s6 =	rddreg [dreg:$0x0]  }
0x2: {  	s7 =	rddreg [dreg:$0x1]  }
0x3: {  	s1 =	rddreg [dreg:$0x2];
	s2 =	srdreg.scid  }
0x4: {  	s0 =	rddreg [dreg:$0x3];
	s3 =	simm.s32 $0x0;
	s15 =	simm.s32 $0x5000  }
0x5: {  	s16 =	simm.s32 $0x2;
	s17 =	simm.s32 $0x5800;
	s18 =	simm.s32 $0x80  }
0x6: {  	s19 =	simm.s32 $0x1;
	s10 =	sand.u32 $0x1, s2;
	s2 =	stileid.u32  }
0x7: {  	s22 =	simm.s32 $0x0;
	[smem:$0x7FF] =	sst s3;
	s5 =	smul.u32 $0x27800, s10  }
0x8: {  	s4 =	sadd.s32 $0x2E00, s7;
	s8 =	smul.u32 $0x2780, s2;
	_ =	strace $0x80000047  }
0x9: {  	s11 =	ssub.s32 $0x2, s10;
	s12 =	smul.u32 $0xA00, s2;
	s31 =	sshll.u32 s2, $0xB  }
0xa: {  	s14 =	smul.u32 $0xA000, s10;
	p0 =	seq.s32 s2, $0xF;
	s20 =	sshll.u32 s2, $0x6  }
0xb: {  	s13 =	sshrl.u32 s11, $0x1;
	s20 =	sor.u32 $0x1C02, s20;
	s9 =	sadd.s32 s8, s5  }
0xc: {  	s5 =	sadd.s32 $0x3000, s7;
	s30 =	ssub.s32 s11, s13;
	s6 =	sadd.s32 s6, s12  }
0xd: {  	s21 =	sadd.s32 s8, s1;
	s14 =	sshrl.u32 s14, $0x2;
	s9 =	sshrl.u32 s9, $0x3  }
0xe: {  	s8 =	smax.u32 s30, $0x1;
	s7 =	sadd.s32 s9, s7;
	s9 =	sadd.s32 s31, s1  }
0xf: {  	s21 =	sshrl.u32 s21, $0x3;
	s7 =	sadd.s32 $0x3200, s7;
	s10 =	sadd.s32 $0x8000, s9  }
0x10: {  	s11 =	sadd.s32 $0x10000, s9;
	s12 =	sadd.s32 $0x18000, s9;
	s13 =	sadd.s32 $0x20000, s9  }
.LBB2_1:
0x11: {  	[tilespmem:s15], [sflag:$0x2] =	stream.linear.gather [hbm4b:s4+s3], $0x800, $0x38;
	[tilespmem:$0x8780] =	vst v63  }
0x12: {  	_ =	swait.ge [sflag:s16], $0x800  }
0x13: {  	[sflag:s16] =	ssyncset.done $0x0  }
0x14: {  	[sflag:s16] =	ssyncadd.s32 $0xFFFFF800  }
0x15: {  	[tilespmem:s17], [sflag:$0x2] =	stream.linear.gather [hbm4b:s5+s3], $0x800, $0x38;
	[tilespmem:$0x8780] =	vst v63  }
0x16: {  	_ =	swait.ge [sflag:s16], $0x800  }
0x17: {  	[sflag:s16] =	ssyncset.done $0x0  }
0x18: {  	[sflag:s16] =	ssyncadd.s32 $0xFFFFF800  }
0x19: {  	[tilespmem:s3], [sflag:$0x2] =	stream.linear.gather [hbm4b:s6+s3], $0x5000, $0x38;
	[tilespmem:$0x8780] =	vst v63  }
0x1a: {  	_ =	swait.ge [sflag:s16], $0x5000  }
0x1b: {  	[sflag:s16] =	ssyncset.done $0x0  }
0x1c: {  	[sflag:s16] =	ssyncadd.s32 $0xFFFFB000  }
0x1d: {  	[spmem:s9] =	stream.linear.scatter [tilespmem:s17], [sflag:$0x2], $0x800, $0x38;
	[tilespmem:$0x8780] =	vst v63  }
0x1e: {  	_ =	swait.ge [sflag:s16], $0x800  }
0x1f: {  	[sflag:s16] =	ssyncset.done $0x0  }
0x20: {  	[sflag:s16] =	ssyncadd.s32 $0xFFFFF800  }
0x21: {  	[spmem:s10] =	stream.linear.scatter [tilespmem:s17], [sflag:$0x2], $0x800, $0x38;
	[tilespmem:$0x8780] =	vst v63  }
0x22: {  	_ =	swait.ge [sflag:s16], $0x800  }
0x23: {  	[sflag:s16] =	ssyncset.done $0x0  }
0x24: {  	[sflag:s16] =	ssyncadd.s32 $0xFFFFF800  }
0x25: {  	[spmem:s11] =	stream.linear.scatter [tilespmem:s17], [sflag:$0x2], $0x800, $0x38;
	[tilespmem:$0x8780] =	vst v63  }
0x26: {  	_ =	swait.ge [sflag:s16], $0x800  }
0x27: {  	[sflag:s16] =	ssyncset.done $0x0  }
0x28: {  	[sflag:s16] =	ssyncadd.s32 $0xFFFFF800  }
0x29: {  	[spmem:s12] =	stream.linear.scatter [tilespmem:s17], [sflag:$0x2], $0x800, $0x38;
	[tilespmem:$0x8780] =	vst v63  }
0x2a: {  	_ =	swait.ge [sflag:s16], $0x800  }
0x2b: {  	[sflag:s16] =	ssyncset.done $0x0  }
0x2c: {  	s23 =	simm.s32 @!p0 $0x5800;
	[sflag:s16] =	ssyncadd.s32 $0xFFFFF800  }
0x2d: {  	[spmem:s13] =	stream.linear.scatter @!p0 [tilespmem:s23], [sflag:$0x2], $0x800, $0x38;
	[tilespmem:$0x8780] =	vst v63  }
0x2e: {  	s23 =	simm.s32 @!p0 $0x2  }
0x2f: {  	_ =	swait.ge @!p0 [sflag:s23], $0x800  }
0x30: {  	[sflag:s23] =	ssyncset.done @!p0 $0x0  }
0x31: {  	[sflag:s23] =	ssyncadd.s32 @!p0 $0xFFFFF800  }
0x32: {  	s23 =	simm.s32 $0x0;
	[bflag:$0x0] =	sbarrier.arrive $0xFFFF  }
.LBB2_2:
0x33: {  	p1 =	sne.s32 s23, $0x9E00  }
.Ltmp0:
0x34: {  	_ = 	snop;
	(pc) =	sbr.rel @p1 .LBB2_2-.Ltmp0, $4  }
0x35: {  	_ = 	snop  }
0x36: {  	s24 =	sshra.s32 s23, $0x2  }
0x37: {  	s23 =	sadd.s32 $0x200, s23;
	s24 =	sadd.s32 s24, s14  }
0x38: {  	[spmem:s1] =	stream.indirect.scatter.add.f32 [tilespmem:s15], [sflag:$0x1], $0x10, s24, s18, $0xb8;
	[tilespmem:$0x8780] =	vst v63  }
0x39: {  	_ =	swait.ge [sflag:s19], $0x800  }
0x3a: {  	s23 =	simm.s32 $0x4F;
	[sflag:s19] =	ssyncset.done $0x0  }
.LBB2_4:
0x3b: {  	p1 =	sne.s32 s23, $0x1;
	s23 =	sadd.s32 $0xFFFFFFFF, s23;
	[sflag:s19] =	ssyncadd.s32 $0xFFFFF800  }
.Ltmp1:
0x3c: {  	(pc) =	sbr.rel @p1 .LBB2_4-.Ltmp1, $3  }
0x3d: {  	_ =	sdelay $0x1  }
0x3e: {  	_ =	swait.ge [sflag:s19], $0x800  }
0x3f: {  	[sflag:s19] =	ssyncset.done $0x0  }
0x40: {  	s22 =	sadd.s32 $0x1, s22  }
0x41: {  	[sflag:s19] =	ssyncadd.s32 $0xFFFFF800;
	p1 =	sne.s32 s22, s8  }
.Ltmp2:
0x42: {  	[bflag:$0x0] =	sbarrier.arrive $0xFFFF;
	(pc) =	sbr.rel @p1 .LBB2_1-.Ltmp2, $4  }
0x43: {  	[hbm:s7], [sflag:s20] =	dma.local [spmem:s21], $0x4F0  }
0x44: {  	_ =	swait.ge [sflag:s16], $0x4F0  }
0x45: {  	[sflag:s16] =	ssyncset.done $0x0  }
0x46: {  	[sflag:s16] =	ssyncadd.s32 $0xFFFFFB10  }
0x47: {  	_ =	sfence.sel $0x180000  }
0x48: {  	[bflag:$0x0] =	sbarrier.arrive $0xFFFF  }
0x49: {  	p0 =	sne.s32 s2, $0x0;
	_ =	strace $0x90000047  }
0x4a: {  	s0 =	sadd.s32 @!p0 $0x100000, s0;
	[bflag:$0x2] =	sbarrier.arrive $0xFFFF  }
0x4b: {  	[sflag:s0] =	ssyncadd.tile.s32 @!p0 $0x1;
	_ =	shalt  }
.Lfunc_end2:
_tile_overlayer_lowered:
.L_overlay_start_2:
0x4c: {  	(tag) =	ssettag $0x2  }
0x4d: {  	s0 =	rddreg [dreg:$0x0];
	s2 =	stileid.u32  }
0x4e: {  	s1 =	rddreg [dreg:$0x1];
	p0 =	sne.s32 s2, $0x0  }
0x4f: {  	s3 =	rddreg [dreg:$0x2];
	[bflag:$0x3] =	sbarrier.arrive $0xFFFF;
	s2 =	simm.s32 @!p0 $0x1C02  }
0x50: {  	[timem:s3], [sflag:s2] =	dma.local @!p0 [hbm:s0], s1  }
0x51: {  	s0 =	simm.s32 @!p0 $0x2  }
0x52: {  	_ =	swait.ge @!p0 [sflag:s0], s1  }
0x53: {  	s1 =	ssub.s32 @!p0 $0x0, s1;
	[sflag:s0] =	ssyncset.done @!p0 $0x0  }
0x54: {  	[sflag:s0] =	ssyncadd.s32 @!p0 s1  }
0x55: {  	[bflag:$0x3] =	sbarrier.arrive $0xFFFF  }
0x56: {  	_ =	shalt  }

</sc_bundles>
